<compile_context>
chip_gen: v7x
topology: tpu7x:2x2x1
jax: 0.10.2.dev20260603
libtpu: 0.0.44.dev20260713+nightly
codegen_flags: <defaults>
</compile_context>

<pallas_src>
import functools

import jax
import jax.numpy as jnp
from jax import lax
from jax.experimental import pallas as pl
from jax.experimental.pallas import tpu as pltpu
from jax.experimental.pallas import tpu_sc as plsc

_B = 2
_H = 256
_W = 256
_C = 96
_HW = _H * _W
_HOWO = 4 * _HW
_NCOL = _B * _C
_NWORK = 32
_COLS_PER_W = _NCOL // _NWORK
_A = 87424
_LAST = _HOWO - 2 * _A
_NCHUNK = 3
_WIN = 8192
_NWIN = _HW // _WIN
_U = 8
_INV3 = 0.3333333432674408


def _sc_body(val_hbm, mask_hbm, out_hbm,
             idx0, val0, idx1, val1, acc, sem0, sem1):
    wid = lax.axis_index("s") * 2 + lax.axis_index("c")
    col0 = wid * _COLS_PER_W
    bufs = ((idx0, val0), (idx1, val1))
    sems = (sem0, sem1)

    def start_window(src_base, w, parity):
        base = src_base + w * _WIN
        bi, bv = bufs[parity]
        hi = pltpu.async_copy(mask_hbm.at[pl.ds(base, _WIN)], bi, sems[parity])
        hv = pltpu.async_copy(val_hbm.at[pl.ds(base, _WIN)], bv, sems[parity])
        return hi, hv

    def column(i, _):
        col = col0 + i
        src_base = col * _HW

        def chunk_body(ch, _):
            lo = ch * _A

            handles = [None, None]
            handles[0] = start_window(src_base, 0, 0)

            def zero(k, _):
                zbase = k * (16 * _U)
                for u in range(_U):
                    acc[pl.ds(zbase + u * 16, 16)] = jnp.zeros(
                        (16,), jnp.float32)
                return 0

            lax.fori_loop(0, _A // (16 * _U), zero, 0)

            for w in range(_NWIN):
                cur = w % 2
                if w + 1 < _NWIN:
                    handles[(w + 1) % 2] = start_window(
                        src_base, w + 1, (w + 1) % 2)
                hi, hv = handles[cur]
                hi.wait()
                hv.wait()
                bi, bv = bufs[cur]

                def vec_block(r, _, bi=bi, bv=bv):
                    vbase = r * (16 * _U)
                    for u in range(_U):
                        m = bi[pl.ds(vbase + u * 16, 16)]
                        v = bv[pl.ds(vbase + u * 16, 16)]
                        x = lax.shift_right_logical(m, 5)
                        t = (x.astype(jnp.float32) * _INV3).astype(jnp.int32)
                        off = t - lo
                        ok = off.astype(jnp.uint32) < _A
                        offc = jnp.where(ok, off, 0)
                        plsc.addupdate_scatter(acc, [offc], v, mask=ok)
                    return 0

                lax.fori_loop(0, _WIN // (16 * _U), vec_block, 0)

            dst = col * _HOWO + ch * _A

            @pl.when(ch < 2)
            def _():
                pltpu.sync_copy(acc.at[pl.ds(0, _A)],
                                out_hbm.at[pl.ds(dst, _A)])

            @pl.when(ch == 2)
            def _():
                pltpu.sync_copy(acc.at[pl.ds(0, _LAST)],
                                out_hbm.at[pl.ds(dst, _LAST)])

            return 0

        lax.fori_loop(0, _NCHUNK, chunk_body, 0)
        return 0

    lax.fori_loop(0, _COLS_PER_W, column, 0)


@jax.jit
def kernel(input_pool, pool_mask):
    B, H, W, C = input_pool.shape
    Ho, Wo = 2 * H, 2 * W
    vals_t = input_pool.reshape(B, H * W, C).transpose(0, 2, 1).reshape(-1)
    mask_t = pool_mask.reshape(B, H * W, C).transpose(0, 2, 1).reshape(-1)

    mesh = plsc.VectorSubcoreMesh(core_axis_name="c", subcore_axis_name="s")
    out_t = pl.kernel(
        _sc_body,
        out_type=jax.ShapeDtypeStruct((_NCOL * _HOWO,), jnp.float32),
        mesh=mesh,
        scratch_types=[
            pltpu.VMEM((_WIN,), jnp.int32),
            pltpu.VMEM((_WIN,), jnp.float32),
            pltpu.VMEM((_WIN,), jnp.int32),
            pltpu.VMEM((_WIN,), jnp.float32),
            pltpu.VMEM((_A,), jnp.float32),
            pltpu.SemaphoreType.DMA,
            pltpu.SemaphoreType.DMA,
        ],
        compiler_params=pltpu.CompilerParams(needs_layout_passes=False),
    )(vals_t, mask_t)

    return (
        out_t.reshape(B, C, Ho * Wo)
        .transpose(0, 2, 1)
        .reshape(B, Ho, Wo, C)
    )

# --- scband reference (transcript-rebuilt; emitter-appended) ---
"""Pipeline reference for scband-max-unpool2-d-58033598104126 (READ-ONLY COPY).

The authoritative reference and input builder live on the scoring server;
editing this copy changes nothing except your own understanding.
"""

import jax, jax.numpy as jnp
import numpy as np

KERNEL_SIZE = [1, 2, 2, 1]


def setup_inputs(seed: int = 0) -> dict:
    key = jax.random.key(seed)
    k1, k2 = jax.random.split(key)
    B, H, W, C = 2, 256, 256, 96
    Ho, Wo = H * KERNEL_SIZE[1], W * KERNEL_SIZE[2]
    input_pool = jax.random.normal(k1, (B, H, W, C), dtype=jnp.float32)
    # pool_mask mimics tf.nn.max_pool_with_argmax flattened indices: ((h*Wo + w)*C + c), per batch
    pool_mask = jax.random.randint(k2, (B, H, W, C), 0, Ho * Wo * C, dtype=jnp.int32)
    return {"input_pool": input_pool, "pool_mask": pool_mask}


def reference(input_pool, pool_mask):
    B, H, W, C = input_pool.shape
    Ho = H * KERNEL_SIZE[1]
    Wo = W * KERNEL_SIZE[2]
    shape_output = (B, Ho, Wo, C)
    ones_mask = jnp.ones_like(pool_mask, dtype=jnp.int32)
    batch_range = jnp.reshape(jnp.arange(B, dtype=jnp.int32), (B, 1, 1, 1))
    batch_idx = ones_mask * batch_range
    # decode flattened argmax index into (h, w); channel comes from position (as in original layer)
    h_idx = (pool_mask // (Wo * C)).astype(jnp.int32)
    w_idx = ((pool_mask // C) % Wo).astype(jnp.int32)
    feature_mask = jnp.arange(C, dtype=jnp.int32)
    c_idx = ones_mask * feature_mask
    n = input_pool.size
    b_f = batch_idx.reshape(n)
    h_f = h_idx.reshape(n)
    w_f = w_idx.reshape(n)
    c_f = c_idx.reshape(n)
    values = input_pool.reshape(n)
    # tf.scatter_nd sums duplicate indices -> .at[...].add
    max_unpool = jnp.zeros(shape_output, dtype=input_pool.dtype).at[b_f, h_f, w_f, c_f].add(values)
    return max_unpool

if __name__ == "__main__":
    import jax
    _d = setup_inputs()
    print(jax.jit(kernel)(*tuple(_d.values())))

</pallas_src>

<mosaic_0001>
#map = affine_map<(d0, d1) -> (0)>
module attributes {stable_mosaic.version = 14 : i64} {
  func.func @_sc_body(%arg0: i32, %arg1: i32, %arg2: memref<12582912xf32, #tpu.memory_space<hbm>>, %arg3: memref<12582912xi32, #tpu.memory_space<hbm>>, %arg4: memref<50331648xf32, #tpu.memory_space<hbm>>, %arg5: memref<8192xi32, #tpu.memory_space<vmem>>, %arg6: memref<8192xf32, #tpu.memory_space<vmem>>, %arg7: memref<8192xi32, #tpu.memory_space<vmem>>, %arg8: memref<8192xf32, #tpu.memory_space<vmem>>, %arg9: memref<87424xf32, #tpu.memory_space<vmem>>, %arg10: memref<!tpu.dma_semaphore, #tpu.memory_space<semaphore_mem>>, %arg11: memref<!tpu.dma_semaphore, #tpu.memory_space<semaphore_mem>>) attributes {dimension_semantics = [#tpu.dimension_semantics<core_parallel>, #tpu.dimension_semantics<subcore_parallel>], iteration_bounds = array<i64: 2, 16>, scalar_prefetch = 0 : i64, scratch_operands = 7 : i64, tpu.core_type = #tpu.core_type<sc_vector_subcore>, window_params = [{transform_indices = #map}, {transform_indices = #map}, {transform_indices = #map}]} {
    %mul3A = arith.constant 2 : i32
    %mul3A_0 = arith.muli %arg1, %mul3A : i32
    %add3A = arith.addi %mul3A_0, %arg0 : i32
    %mul3A_1 = arith.constant 6 : i32
    %mul3A_2 = arith.muli %add3A, %mul3A_1 : i32
    %scan3A = arith.constant 0 : i32
    %scan3A_3 = arith.constant 0 : i32
    %scan3A_4 = arith.constant 6 : i32
    %scan3A_5 = arith.addi %scan3A_3, %scan3A_4 : i32
    %scan3A_6 = arith.constant 1 : i32
    %scan3A_7 = scf.for %scan3A_9 = %scan3A_3 to %scan3A_5 step %scan3A_6 iter_args(%scan3A_10 = %scan3A) -> (i32)  : i32 {
      %add3A_11 = arith.addi %mul3A_2, %scan3A_9 : i32
      %mul3A_12 = arith.constant 65536 : i32
      %mul3A_13 = arith.muli %add3A_11, %mul3A_12 : i32
      %scan3A_14 = arith.constant 0 : i32
      %scan3A_15 = arith.constant 0 : i32
      %scan3A_16 = arith.constant 3 : i32
      %scan3A_17 = arith.addi %scan3A_15, %scan3A_16 : i32
      %scan3A_18 = arith.constant 1 : i32
      %scan3A_19 = scf.for %scan3A_22 = %scan3A_15 to %scan3A_17 step %scan3A_18 iter_args(%scan3A_23 = %scan3A_14) -> (i32)  : i32 {
        %mul3A_24 = arith.constant 87424 : i32
        %mul3A_25 = arith.muli %scan3A_22, %mul3A_24 : i32
        %add3A_26 = arith.constant 0 : i32
        %add3A_27 = arith.addi %mul3A_13, %add3A_26 : i32
        %dma_start3A = tpu.memref_slice %arg3[%add3A_27] : memref<12582912xi32, #tpu.memory_space<hbm>> -> memref<8192xi32, #tpu.memory_space<hbm>>
        %dma_start3A_28 = tpu.memref_slice %arg3[%add3A_27] : memref<12582912xi32, #tpu.memory_space<hbm>> -> memref<8192xi32, #tpu.memory_space<hbm>>
        tpu.enqueue_dma source(%dma_start3A_28 : memref<8192xi32, #tpu.memory_space<hbm>>) target(%arg5 : memref<8192xi32, #tpu.memory_space<vmem>>) target_semaphore(%arg10 : memref<!tpu.dma_semaphore, #tpu.memory_space<semaphore_mem>>)
        %dma_start3A_29 = tpu.memref_slice %arg2[%add3A_27] : memref<12582912xf32, #tpu.memory_space<hbm>> -> memref<8192xf32, #tpu.memory_space<hbm>>
        %dma_start3A_30 = tpu.memref_slice %arg2[%add3A_27] : memref<12582912xf32, #tpu.memory_space<hbm>> -> memref<8192xf32, #tpu.memory_space<hbm>>
        tpu.enqueue_dma source(%dma_start3A_30 : memref<8192xf32, #tpu.memory_space<hbm>>) target(%arg6 : memref<8192xf32, #tpu.memory_space<vmem>>) target_semaphore(%arg10 : memref<!tpu.dma_semaphore, #tpu.memory_space<semaphore_mem>>)
        %scan3A_31 = arith.constant 0 : i32
        %scan3A_32 = arith.constant 0 : i32
        %scan3A_33 = arith.constant 683 : i32
        %scan3A_34 = arith.addi %scan3A_32, %scan3A_33 : i32
        %scan3A_35 = arith.constant 1 : i32
        %scan3A_36 = scf.for %scan3A_179 = %scan3A_32 to %scan3A_34 step %scan3A_35 iter_args(%scan3A_180 = %scan3A_31) -> (i32)  : i32 {
          %mul3A_181 = arith.constant 128 : i32
          %mul3A_182 = arith.muli %scan3A_179, %mul3A_181 : i32
          %broadcast_in_dim3A = arith.constant 0.000000e+00 : f32
          %broadcast_in_dim3A_183 = vector.broadcast %broadcast_in_dim3A : f32 to vector<16xf32>
          %add3A_184 = arith.constant 0 : i32
          %add3A_185 = arith.addi %mul3A_182, %add3A_184 : i32
          %swap3A = arith.index_cast %add3A_185 : i32 to index
          %swap3A_186 = tpu.vector_load %arg9[%swap3A] {strides = array<i32>} : memref<87424xf32, #tpu.memory_space<vmem>>, vector<16xf32>,
          tpu.vector_store %arg9[%swap3A], %broadcast_in_dim3A_183 {strides = array<i32>} : memref<87424xf32, #tpu.memory_space<vmem>>, vector<16xf32>,
          %broadcast_in_dim3A_187 = arith.constant 0.000000e+00 : f32
          %broadcast_in_dim3A_188 = vector.broadcast %broadcast_in_dim3A_187 : f32 to vector<16xf32>
          %add3A_189 = arith.constant 16 : i32
          %add3A_190 = arith.addi %mul3A_182, %add3A_189 : i32
          %swap3A_191 = arith.index_cast %add3A_190 : i32 to index
          %swap3A_192 = tpu.vector_load %arg9[%swap3A_191] {strides = array<i32>} : memref<87424xf32, #tpu.memory_space<vmem>>, vector<16xf32>,
          tpu.vector_store %arg9[%swap3A_191], %broadcast_in_dim3A_188 {strides = array<i32>} : memref<87424xf32, #tpu.memory_space<vmem>>, vector<16xf32>,
          %broadcast_in_dim3A_193 = arith.constant 0.000000e+00 : f32
          %broadcast_in_dim3A_194 = vector.broadcast %broadcast_in_dim3A_193 : f32 to vector<16xf32>
          %add3A_195 = arith.constant 32 : i32
          %add3A_196 = arith.addi %mul3A_182, %add3A_195 : i32
          %swap3A_197 = arith.index_cast %add3A_196 : i32 to index
          %swap3A_198 = tpu.vector_load %arg9[%swap3A_197] {strides = array<i32>} : memref<87424xf32, #tpu.memory_space<vmem>>, vector<16xf32>,
          tpu.vector_store %arg9[%swap3A_197], %broadcast_in_dim3A_194 {strides = array<i32>} : memref<87424xf32, #tpu.memory_space<vmem>>, vector<16xf32>,
          %broadcast_in_dim3A_199 = arith.constant 0.000000e+00 : f32
          %broadcast_in_dim3A_200 = vector.broadcast %broadcast_in_dim3A_199 : f32 to vector<16xf32>
          %add3A_201 = arith.constant 48 : i32
          %add3A_202 = arith.addi %mul3A_182, %add3A_201 : i32
          %swap3A_203 = arith.index_cast %add3A_202 : i32 to index
          %swap3A_204 = tpu.vector_load %arg9[%swap3A_203] {strides = array<i32>} : memref<87424xf32, #tpu.memory_space<vmem>>, vector<16xf32>,
          tpu.vector_store %arg9[%swap3A_203], %broadcast_in_dim3A_200 {strides = array<i32>} : memref<87424xf32, #tpu.memory_space<vmem>>, vector<16xf32>,
          %broadcast_in_dim3A_205 = arith.constant 0.000000e+00 : f32
          %broadcast_in_dim3A_206 = vector.broadcast %broadcast_in_dim3A_205 : f32 to vector<16xf32>
          %add3A_207 = arith.constant 64 : i32
          %add3A_208 = arith.addi %mul3A_182, %add3A_207 : i32
          %swap3A_209 = arith.index_cast %add3A_208 : i32 to index
          %swap3A_210 = tpu.vector_load %arg9[%swap3A_209] {strides = array<i32>} : memref<87424xf32, #tpu.memory_space<vmem>>, vector<16xf32>,
          tpu.vector_store %arg9[%swap3A_209], %broadcast_in_dim3A_206 {strides = array<i32>} : memref<87424xf32, #tpu.memory_space<vmem>>, vector<16xf32>,
          %broadcast_in_dim3A_211 = arith.constant 0.000000e+00 : f32
          %broadcast_in_dim3A_212 = vector.broadcast %broadcast_in_dim3A_211 : f32 to vector<16xf32>
          %add3A_213 = arith.constant 80 : i32
          %add3A_214 = arith.addi %mul3A_182, %add3A_213 : i32
          %swap3A_215 = arith.index_cast %add3A_214 : i32 to index
          %swap3A_216 = tpu.vector_load %arg9[%swap3A_215] {strides = array<i32>} : memref<87424xf32, #tpu.memory_space<vmem>>, vector<16xf32>,
          tpu.vector_store %arg9[%swap3A_215], %broadcast_in_dim3A_212 {strides = array<i32>} : memref<87424xf32, #tpu.memory_space<vmem>>, vector<16xf32>,
          %broadcast_in_dim3A_217 = arith.constant 0.000000e+00 : f32
          %broadcast_in_dim3A_218 = vector.broadcast %broadcast_in_dim3A_217 : f32 to vector<16xf32>
          %add3A_219 = arith.constant 96 : i32
          %add3A_220 = arith.addi %mul3A_182, %add3A_219 : i32
          %swap3A_221 = arith.index_cast %add3A_220 : i32 to index
          %swap3A_222 = tpu.vector_load %arg9[%swap3A_221] {strides = array<i32>} : memref<87424xf32, #tpu.memory_space<vmem>>, vector<16xf32>,
          tpu.vector_store %arg9[%swap3A_221], %broadcast_in_dim3A_218 {strides = array<i32>} : memref<87424xf32, #tpu.memory_space<vmem>>, vector<16xf32>,
          %broadcast_in_dim3A_223 = arith.constant 0.000000e+00 : f32
          %broadcast_in_dim3A_224 = vector.broadcast %broadcast_in_dim3A_223 : f32 to vector<16xf32>
          %add3A_225 = arith.constant 112 : i32
          %add3A_226 = arith.addi %mul3A_182, %add3A_225 : i32
          %swap3A_227 = arith.index_cast %add3A_226 : i32 to index
          %swap3A_228 = tpu.vector_load %arg9[%swap3A_227] {strides = array<i32>} : memref<87424xf32, #tpu.memory_space<vmem>>, vector<16xf32>,
          tpu.vector_store %arg9[%swap3A_227], %broadcast_in_dim3A_224 {strides = array<i32>} : memref<87424xf32, #tpu.memory_space<vmem>>, vector<16xf32>,
          %scan3A_229 = arith.constant 0 : i32
          scf.yield %scan3A_229 : i32
        }
        %scan3A_37 = arith.constant 683 : i32
        %add3A_38 = arith.constant 8192 : i32
        %add3A_39 = arith.addi %mul3A_13, %add3A_38 : i32
        %dma_start3A_40 = tpu.memref_slice %arg3[%add3A_39] : memref<12582912xi32, #tpu.memory_space<hbm>> -> memref<8192xi32, #tpu.memory_space<hbm>>
        %dma_start3A_41 = tpu.memref_slice %arg3[%add3A_39] : memref<12582912xi32, #tpu.memory_space<hbm>> -> memref<8192xi32, #tpu.memory_space<hbm>>
        tpu.enqueue_dma source(%dma_start3A_41 : memref<8192xi32, #tpu.memory_space<hbm>>) target(%arg7 : memref<8192xi32, #tpu.memory_space<vmem>>) target_semaphore(%arg11 : memref<!tpu.dma_semaphore, #tpu.memory_space<semaphore_mem>>)
        %dma_start3A_42 = tpu.memref_slice %arg2[%add3A_39] : memref<12582912xf32, #tpu.memory_space<hbm>> -> memref<8192xf32, #tpu.memory_space<hbm>>
        %dma_start3A_43 = tpu.memref_slice %arg2[%add3A_39] : memref<12582912xf32, #tpu.memory_space<hbm>> -> memref<8192xf32, #tpu.memory_space<hbm>>
        tpu.enqueue_dma source(%dma_start3A_43 : memref<8192xf32, #tpu.memory_space<hbm>>) target(%arg8 : memref<8192xf32, #tpu.memory_space<vmem>>) target_semaphore(%arg11 : memref<!tpu.dma_semaphore, #tpu.memory_space<semaphore_mem>>)
        %dma_wait3A = tpu.memref_slice %arg3[%add3A_27] : memref<12582912xi32, #tpu.memory_space<hbm>> -> memref<8192xi32, #tpu.memory_space<hbm>>
        %dma_wait3A_44 = tpu.memref_slice %arg3[%add3A_27] : memref<12582912xi32, #tpu.memory_space<hbm>> -> memref<8192xi32, #tpu.memory_space<hbm>>
        tpu.wait_dma2 semaphore(%arg10 : memref<!tpu.dma_semaphore, #tpu.memory_space<semaphore_mem>>) src(%dma_wait3A_44 : memref<8192xi32, #tpu.memory_space<hbm>>) dst(%arg5 : memref<8192xi32, #tpu.memory_space<vmem>>)
        %dma_wait3A_45 = tpu.memref_slice %arg2[%add3A_27] : memref<12582912xf32, #tpu.memory_space<hbm>> -> memref<8192xf32, #tpu.memory_space<hbm>>
        %dma_wait3A_46 = tpu.memref_slice %arg2[%add3A_27] : memref<12582912xf32, #tpu.memory_space<hbm>> -> memref<8192xf32, #tpu.memory_space<hbm>>
        tpu.wait_dma2 semaphore(%arg10 : memref<!tpu.dma_semaphore, #tpu.memory_space<semaphore_mem>>) src(%dma_wait3A_46 : memref<8192xf32, #tpu.memory_space<hbm>>) dst(%arg6 : memref<8192xf32, #tpu.memory_space<vmem>>)
        %scan3A_47 = arith.constant 0 : i32
        %scan3A_48 = arith.constant 0 : i32
        %scan3A_49 = arith.constant 64 : i32
        %scan3A_50 = arith.addi %scan3A_48, %scan3A_49 : i32
        %scan3A_51 = arith.constant 1 : i32
        %scan3A_52 = scf.for %scan3A_179 = %scan3A_48 to %scan3A_50 step %scan3A_51 iter_args(%scan3A_180 = %scan3A_47) -> (i32)  : i32 {
          %mul3A_181 = arith.constant 128 : i32
          %mul3A_182 = arith.muli %scan3A_179, %mul3A_181 : i32
          %add3A_183 = arith.constant 0 : i32
          %add3A_184 = arith.addi %mul3A_182, %add3A_183 : i32
          %get3A = arith.index_cast %add3A_184 : i32 to index
          %get3A_185 = tpu.vector_load %arg5[%get3A] {strides = array<i32>} : memref<8192xi32, #tpu.memory_space<vmem>>, vector<16xi32>,
          %add3A_186 = arith.constant 0 : i32
          %add3A_187 = arith.addi %mul3A_182, %add3A_186 : i32
          %get3A_188 = arith.index_cast %add3A_187 : i32 to index
          %get3A_189 = tpu.vector_load %arg6[%get3A_188] {strides = array<i32>} : memref<8192xf32, #tpu.memory_space<vmem>>, vector<16xf32>,
          %shift_right_logical3A = arith.constant 5 : i32
          %shift_right_logical3A_190 = vector.broadcast %shift_right_logical3A : i32 to vector<16xi32>
          %shift_right_logical3A_191 = arith.shrui %get3A_185, %shift_right_logical3A_190 : vector<16xi32>
          %convert_element_type3A_192 = arith.sitofp %shift_right_logical3A_191 : vector<16xi32> to vector<16xf32>
          %mul3A_193 = arith.constant 0.333333343 : f32
          %mul3A_194 = vector.broadcast %mul3A_193 : f32 to vector<16xf32>
          %mul3A_195 = arith.mulf %convert_element_type3A_192, %mul3A_194 : vector<16xf32>
          %convert_element_type3A_196 = arith.fptosi %mul3A_195 : vector<16xf32> to vector<16xi32>
          %sub3A = vector.broadcast %mul3A_25 : i32 to vector<16xi32>
          %sub3A_197 = arith.subi %convert_element_type3A_196, %sub3A : vector<16xi32>
          %lt3A_198 = arith.constant 87424 : i32
          %lt3A_199 = vector.broadcast %lt3A_198 : i32 to vector<16xi32>
          %lt3A_200 = arith.cmpi ult, %sub3A_197, %lt3A_199 : vector<16xi32>
          %jit3A = arith.constant 0 : i32
          %broadcast_in_dim3A = vector.broadcast %jit3A : i32 to vector<16xi32>
          %select_n3A = arith.select %lt3A_200, %sub3A_197, %broadcast_in_dim3A : vector<16xi1>, vector<16xi32>
          tpu.vector_store_idx %arg9[%select_n3A], %get3A_189 masked %lt3A_200 {add = true} : memref<87424xf32, #tpu.memory_space<vmem>>[vector<16xi32>], vector<16xf32>, vector<16xi1>
          %add3A_201 = arith.constant 16 : i32
          %add3A_202 = arith.addi %mul3A_182, %add3A_201 : i32
          %get3A_203 = arith.index_cast %add3A_202 : i32 to index
          %get3A_204 = tpu.vector_load %arg5[%get3A_203] {strides = array<i32>} : memref<8192xi32, #tpu.memory_space<vmem>>, vector<16xi32>,
          %add3A_205 = arith.constant 16 : i32
          %add3A_206 = arith.addi %mul3A_182, %add3A_205 : i32
          %get3A_207 = arith.index_cast %add3A_206 : i32 to index
          %get3A_208 = tpu.vector_load %arg6[%get3A_207] {strides = array<i32>} : memref<8192xf32, #tpu.memory_space<vmem>>, vector<16xf32>,
          %shift_right_logical3A_209 = arith.constant 5 : i32
          %shift_right_logical3A_210 = vector.broadcast %shift_right_logical3A_209 : i32 to vector<16xi32>
          %shift_right_logical3A_211 = arith.shrui %get3A_204, %shift_right_logical3A_210 : vector<16xi32>
          %convert_element_type3A_212 = arith.sitofp %shift_right_logical3A_211 : vector<16xi32> to vector<16xf32>
          %mul3A_213 = arith.constant 0.333333343 : f32
          %mul3A_214 = vector.broadcast %mul3A_213 : f32 to vector<16xf32>
          %mul3A_215 = arith.mulf %convert_element_type3A_212, %mul3A_214 : vector<16xf32>
          %convert_element_type3A_216 = arith.fptosi %mul3A_215 : vector<16xf32> to vector<16xi32>
          %sub3A_217 = vector.broadcast %mul3A_25 : i32 to vector<16xi32>
          %sub3A_218 = arith.subi %convert_element_type3A_216, %sub3A_217 : vector<16xi32>
          %lt3A_219 = arith.constant 87424 : i32
          %lt3A_220 = vector.broadcast %lt3A_219 : i32 to vector<16xi32>
          %lt3A_221 = arith.cmpi ult, %sub3A_218, %lt3A_220 : vector<16xi32>
          %jit3A_222 = arith.constant 0 : i32
          %broadcast_in_dim3A_223 = vector.broadcast %jit3A_222 : i32 to vector<16xi32>
          %select_n3A_224 = arith.select %lt3A_221, %sub3A_218, %broadcast_in_dim3A_223 : vector<16xi1>, vector<16xi32>
          tpu.vector_store_idx %arg9[%select_n3A_224], %get3A_208 masked %lt3A_221 {add = true} : memref<87424xf32, #tpu.memory_space<vmem>>[vector<16xi32>], vector<16xf32>, vector<16xi1>
          %add3A_225 = arith.constant 32 : i32
          %add3A_226 = arith.addi %mul3A_182, %add3A_225 : i32
          %get3A_227 = arith.index_cast %add3A_226 : i32 to index
          %get3A_228 = tpu.vector_load %arg5[%get3A_227] {strides = array<i32>} : memref<8192xi32, #tpu.memory_space<vmem>>, vector<16xi32>,
          %add3A_229 = arith.constant 32 : i32
          %add3A_230 = arith.addi %mul3A_182, %add3A_229 : i32
          %get3A_231 = arith.index_cast %add3A_230 : i32 to index
          %get3A_232 = tpu.vector_load %arg6[%get3A_231] {strides = array<i32>} : memref<8192xf32, #tpu.memory_space<vmem>>, vector<16xf32>,
          %shift_right_logical3A_233 = arith.constant 5 : i32
          %shift_right_logical3A_234 = vector.broadcast %shift_right_logical3A_233 : i32 to vector<16xi32>
          %shift_right_logical3A_235 = arith.shrui %get3A_228, %shift_right_logical3A_234 : vector<16xi32>
          %convert_element_type3A_236 = arith.sitofp %shift_right_logical3A_235 : vector<16xi32> to vector<16xf32>
          %mul3A_237 = arith.constant 0.333333343 : f32
          %mul3A_238 = vector.broadcast %mul3A_237 : f32 to vector<16xf32>
          %mul3A_239 = arith.mulf %convert_element_type3A_236, %mul3A_238 : vector<16xf32>
          %convert_element_type3A_240 = arith.fptosi %mul3A_239 : vector<16xf32> to vector<16xi32>
          %sub3A_241 = vector.broadcast %mul3A_25 : i32 to vector<16xi32>
          %sub3A_242 = arith.subi %convert_element_type3A_240, %sub3A_241 : vector<16xi32>
          %lt3A_243 = arith.constant 87424 : i32
          %lt3A_244 = vector.broadcast %lt3A_243 : i32 to vector<16xi32>
          %lt3A_245 = arith.cmpi ult, %sub3A_242, %lt3A_244 : vector<16xi32>
          %jit3A_246 = arith.constant 0 : i32
          %broadcast_in_dim3A_247 = vector.broadcast %jit3A_246 : i32 to vector<16xi32>
          %select_n3A_248 = arith.select %lt3A_245, %sub3A_242, %broadcast_in_dim3A_247 : vector<16xi1>, vector<16xi32>
          tpu.vector_store_idx %arg9[%select_n3A_248], %get3A_232 masked %lt3A_245 {add = true} : memref<87424xf32, #tpu.memory_space<vmem>>[vector<16xi32>], vector<16xf32>, vector<16xi1>
          %add3A_249 = arith.constant 48 : i32
          %add3A_250 = arith.addi %mul3A_182, %add3A_249 : i32
          %get3A_251 = arith.index_cast %add3A_250 : i32 to index
          %get3A_252 = tpu.vector_load %arg5[%get3A_251] {strides = array<i32>} : memref<8192xi32, #tpu.memory_space<vmem>>, vector<16xi32>,
          %add3A_253 = arith.constant 48 : i32
          %add3A_254 = arith.addi %mul3A_182, %add3A_253 : i32
          %get3A_255 = arith.index_cast %add3A_254 : i32 to index
          %get3A_256 = tpu.vector_load %arg6[%get3A_255] {strides = array<i32>} : memref<8192xf32, #tpu.memory_space<vmem>>, vector<16xf32>,
          %shift_right_logical3A_257 = arith.constant 5 : i32
          %shift_right_logical3A_258 = vector.broadcast %shift_right_logical3A_257 : i32 to vector<16xi32>
          %shift_right_logical3A_259 = arith.shrui %get3A_252, %shift_right_logical3A_258 : vector<16xi32>
          %convert_element_type3A_260 = arith.sitofp %shift_right_logical3A_259 : vector<16xi32> to vector<16xf32>
          %mul3A_261 = arith.constant 0.333333343 : f32
          %mul3A_262 = vector.broadcast %mul3A_261 : f32 to vector<16xf32>
          %mul3A_263 = arith.mulf %convert_element_type3A_260, %mul3A_262 : vector<16xf32>
          %convert_element_type3A_264 = arith.fptosi %mul3A_263 : vector<16xf32> to vector<16xi32>
          %sub3A_265 = vector.broadcast %mul3A_25 : i32 to vector<16xi32>
          %sub3A_266 = arith.subi %convert_element_type3A_264, %sub3A_265 : vector<16xi32>
          %lt3A_267 = arith.constant 87424 : i32
          %lt3A_268 = vector.broadcast %lt3A_267 : i32 to vector<16xi32>
          %lt3A_269 = arith.cmpi ult, %sub3A_266, %lt3A_268 : vector<16xi32>
          %jit3A_270 = arith.constant 0 : i32
          %broadcast_in_dim3A_271 = vector.broadcast %jit3A_270 : i32 to vector<16xi32>
          %select_n3A_272 = arith.select %lt3A_269, %sub3A_266, %broadcast_in_dim3A_271 : vector<16xi1>, vector<16xi32>
          tpu.vector_store_idx %arg9[%select_n3A_272], %get3A_256 masked %lt3A_269 {add = true} : memref<87424xf32, #tpu.memory_space<vmem>>[vector<16xi32>], vector<16xf32>, vector<16xi1>
          %add3A_273 = arith.constant 64 : i32
          %add3A_274 = arith.addi %mul3A_182, %add3A_273 : i32
          %get3A_275 = arith.index_cast %add3A_274 : i32 to index
          %get3A_276 = tpu.vector_load %arg5[%get3A_275] {strides = array<i32>} : memref<8192xi32, #tpu.memory_space<vmem>>, vector<16xi32>,
          %add3A_277 = arith.constant 64 : i32
          %add3A_278 = arith.addi %mul3A_182, %add3A_277 : i32
          %get3A_279 = arith.index_cast %add3A_278 : i32 to index
          %get3A_280 = tpu.vector_load %arg6[%get3A_279] {strides = array<i32>} : memref<8192xf32, #tpu.memory_space<vmem>>, vector<16xf32>,
          %shift_right_logical3A_281 = arith.constant 5 : i32
          %shift_right_logical3A_282 = vector.broadcast %shift_right_logical3A_281 : i32 to vector<16xi32>
          %shift_right_logical3A_283 = arith.shrui %get3A_276, %shift_right_logical3A_282 : vector<16xi32>
          %convert_element_type3A_284 = arith.sitofp %shift_right_logical3A_283 : vector<16xi32> to vector<16xf32>
          %mul3A_285 = arith.constant 0.333333343 : f32
          %mul3A_286 = vector.broadcast %mul3A_285 : f32 to vector<16xf32>
          %mul3A_287 = arith.mulf %convert_element_type3A_284, %mul3A_286 : vector<16xf32>
          %convert_element_type3A_288 = arith.fptosi %mul3A_287 : vector<16xf32> to vector<16xi32>
          %sub3A_289 = vector.broadcast %mul3A_25 : i32 to vector<16xi32>
          %sub3A_290 = arith.subi %convert_element_type3A_288, %sub3A_289 : vector<16xi32>
          %lt3A_291 = arith.constant 87424 : i32
          %lt3A_292 = vector.broadcast %lt3A_291 : i32 to vector<16xi32>
          %lt3A_293 = arith.cmpi ult, %sub3A_290, %lt3A_292 : vector<16xi32>
          %jit3A_294 = arith.constant 0 : i32
          %broadcast_in_dim3A_295 = vector.broadcast %jit3A_294 : i32 to vector<16xi32>
          %select_n3A_296 = arith.select %lt3A_293, %sub3A_290, %broadcast_in_dim3A_295 : vector<16xi1>, vector<16xi32>
          tpu.vector_store_idx %arg9[%select_n3A_296], %get3A_280 masked %lt3A_293 {add = true} : memref<87424xf32, #tpu.memory_space<vmem>>[vector<16xi32>], vector<16xf32>, vector<16xi1>
          %add3A_297 = arith.constant 80 : i32
          %add3A_298 = arith.addi %mul3A_182, %add3A_297 : i32
          %get3A_299 = arith.index_cast %add3A_298 : i32 to index
          %get3A_300 = tpu.vector_load %arg5[%get3A_299] {strides = array<i32>} : memref<8192xi32, #tpu.memory_space<vmem>>, vector<16xi32>,
          %add3A_301 = arith.constant 80 : i32
          %add3A_302 = arith.addi %mul3A_182, %add3A_301 : i32
          %get3A_303 = arith.index_cast %add3A_302 : i32 to index
          %get3A_304 = tpu.vector_load %arg6[%get3A_303] {strides = array<i32>} : memref<8192xf32, #tpu.memory_space<vmem>>, vector<16xf32>,
          %shift_right_logical3A_305 = arith.constant 5 : i32
          %shift_right_logical3A_306 = vector.broadcast %shift_right_logical3A_305 : i32 to vector<16xi32>
          %shift_right_logical3A_307 = arith.shrui %get3A_300, %shift_right_logical3A_306 : vector<16xi32>
          %convert_element_type3A_308 = arith.sitofp %shift_right_logical3A_307 : vector<16xi32> to vector<16xf32>
          %mul3A_309 = arith.constant 0.333333343 : f32
          %mul3A_310 = vector.broadcast %mul3A_309 : f32 to vector<16xf32>
          %mul3A_311 = arith.mulf %convert_element_type3A_308, %mul3A_310 : vector<16xf32>
          %convert_element_type3A_312 = arith.fptosi %mul3A_311 : vector<16xf32> to vector<16xi32>
          %sub3A_313 = vector.broadcast %mul3A_25 : i32 to vector<16xi32>
          %sub3A_314 = arith.subi %convert_element_type3A_312, %sub3A_313 : vector<16xi32>
          %lt3A_315 = arith.constant 87424 : i32
          %lt3A_316 = vector.broadcast %lt3A_315 : i32 to vector<16xi32>
          %lt3A_317 = arith.cmpi ult, %sub3A_314, %lt3A_316 : vector<16xi32>
          %jit3A_318 = arith.constant 0 : i32
          %broadcast_in_dim3A_319 = vector.broadcast %jit3A_318 : i32 to vector<16xi32>
          %select_n3A_320 = arith.select %lt3A_317, %sub3A_314, %broadcast_in_dim3A_319 : vector<16xi1>, vector<16xi32>
          tpu.vector_store_idx %arg9[%select_n3A_320], %get3A_304 masked %lt3A_317 {add = true} : memref<87424xf32, #tpu.memory_space<vmem>>[vector<16xi32>], vector<16xf32>, vector<16xi1>
          %add3A_321 = arith.constant 96 : i32
          %add3A_322 = arith.addi %mul3A_182, %add3A_321 : i32
          %get3A_323 = arith.index_cast %add3A_322 : i32 to index
          %get3A_324 = tpu.vector_load %arg5[%get3A_323] {strides = array<i32>} : memref<8192xi32, #tpu.memory_space<vmem>>, vector<16xi32>,
          %add3A_325 = arith.constant 96 : i32
          %add3A_326 = arith.addi %mul3A_182, %add3A_325 : i32
          %get3A_327 = arith.index_cast %add3A_326 : i32 to index
          %get3A_328 = tpu.vector_load %arg6[%get3A_327] {strides = array<i32>} : memref<8192xf32, #tpu.memory_space<vmem>>, vector<16xf32>,
          %shift_right_logical3A_329 = arith.constant 5 : i32
          %shift_right_logical3A_330 = vector.broadcast %shift_right_logical3A_329 : i32 to vector<16xi32>
          %shift_right_logical3A_331 = arith.shrui %get3A_324, %shift_right_logical3A_330 : vector<16xi32>
          %convert_element_type3A_332 = arith.sitofp %shift_right_logical3A_331 : vector<16xi32> to vector<16xf32>
          %mul3A_333 = arith.constant 0.333333343 : f32
          %mul3A_334 = vector.broadcast %mul3A_333 : f32 to vector<16xf32>
          %mul3A_335 = arith.mulf %convert_element_type3A_332, %mul3A_334 : vector<16xf32>
          %convert_element_type3A_336 = arith.fptosi %mul3A_335 : vector<16xf32> to vector<16xi32>
          %sub3A_337 = vector.broadcast %mul3A_25 : i32 to vector<16xi32>
          %sub3A_338 = arith.subi %convert_element_type3A_336, %sub3A_337 : vector<16xi32>
          %lt3A_339 = arith.constant 87424 : i32
          %lt3A_340 = vector.broadcast %lt3A_339 : i32 to vector<16xi32>
          %lt3A_341 = arith.cmpi ult, %sub3A_338, %lt3A_340 : vector<16xi32>
          %jit3A_342 = arith.constant 0 : i32
          %broadcast_in_dim3A_343 = vector.broadcast %jit3A_342 : i32 to vector<16xi32>
          %select_n3A_344 = arith.select %lt3A_341, %sub3A_338, %broadcast_in_dim3A_343 : vector<16xi1>, vector<16xi32>
          tpu.vector_store_idx %arg9[%select_n3A_344], %get3A_328 masked %lt3A_341 {add = true} : memref<87424xf32, #tpu.memory_space<vmem>>[vector<16xi32>], vector<16xf32>, vector<16xi1>
          %add3A_345 = arith.constant 112 : i32
          %add3A_346 = arith.addi %mul3A_182, %add3A_345 : i32
          %get3A_347 = arith.index_cast %add3A_346 : i32 to index
          %get3A_348 = tpu.vector_load %arg5[%get3A_347] {strides = array<i32>} : memref<8192xi32, #tpu.memory_space<vmem>>, vector<16xi32>,
          %add3A_349 = arith.constant 112 : i32
          %add3A_350 = arith.addi %mul3A_182, %add3A_349 : i32
          %get3A_351 = arith.index_cast %add3A_350 : i32 to index
          %get3A_352 = tpu.vector_load %arg6[%get3A_351] {strides = array<i32>} : memref<8192xf32, #tpu.memory_space<vmem>>, vector<16xf32>,
          %shift_right_logical3A_353 = arith.constant 5 : i32
          %shift_right_logical3A_354 = vector.broadcast %shift_right_logical3A_353 : i32 to vector<16xi32>
          %shift_right_logical3A_355 = arith.shrui %get3A_348, %shift_right_logical3A_354 : vector<16xi32>
          %convert_element_type3A_356 = arith.sitofp %shift_right_logical3A_355 : vector<16xi32> to vector<16xf32>
          %mul3A_357 = arith.constant 0.333333343 : f32
          %mul3A_358 = vector.broadcast %mul3A_357 : f32 to vector<16xf32>
          %mul3A_359 = arith.mulf %convert_element_type3A_356, %mul3A_358 : vector<16xf32>
          %convert_element_type3A_360 = arith.fptosi %mul3A_359 : vector<16xf32> to vector<16xi32>
          %sub3A_361 = vector.broadcast %mul3A_25 : i32 to vector<16xi32>
          %sub3A_362 = arith.subi %convert_element_type3A_360, %sub3A_361 : vector<16xi32>
          %lt3A_363 = arith.constant 87424 : i32
          %lt3A_364 = vector.broadcast %lt3A_363 : i32 to vector<16xi32>
          %lt3A_365 = arith.cmpi ult, %sub3A_362, %lt3A_364 : vector<16xi32>
          %jit3A_366 = arith.constant 0 : i32
          %broadcast_in_dim3A_367 = vector.broadcast %jit3A_366 : i32 to vector<16xi32>
          %select_n3A_368 = arith.select %lt3A_365, %sub3A_362, %broadcast_in_dim3A_367 : vector<16xi1>, vector<16xi32>
          tpu.vector_store_idx %arg9[%select_n3A_368], %get3A_352 masked %lt3A_365 {add = true} : memref<87424xf32, #tpu.memory_space<vmem>>[vector<16xi32>], vector<16xf32>, vector<16xi1>
          %scan3A_369 = arith.constant 0 : i32
          scf.yield %scan3A_369 : i32
        }
        %scan3A_53 = arith.constant 64 : i32
        %add3A_54 = arith.constant 16384 : i32
        %add3A_55 = arith.addi %mul3A_13, %add3A_54 : i32
        %dma_start3A_56 = tpu.memref_slice %arg3[%add3A_55] : memref<12582912xi32, #tpu.memory_space<hbm>> -> memref<8192xi32, #tpu.memory_space<hbm>>
        %dma_start3A_57 = tpu.memref_slice %arg3[%add3A_55] : memref<12582912xi32, #tpu.memory_space<hbm>> -> memref<8192xi32, #tpu.memory_space<hbm>>
        tpu.enqueue_dma source(%dma_start3A_57 : memref<8192xi32, #tpu.memory_space<hbm>>) target(%arg5 : memref<8192xi32, #tpu.memory_space<vmem>>) target_semaphore(%arg10 : memref<!tpu.dma_semaphore, #tpu.memory_space<semaphore_mem>>)
        %dma_start3A_58 = tpu.memref_slice %arg2[%add3A_55] : memref<12582912xf32, #tpu.memory_space<hbm>> -> memref<8192xf32, #tpu.memory_space<hbm>>
        %dma_start3A_59 = tpu.memref_slice %arg2[%add3A_55] : memref<12582912xf32, #tpu.memory_space<hbm>> -> memref<8192xf32, #tpu.memory_space<hbm>>
        tpu.enqueue_dma source(%dma_start3A_59 : memref<8192xf32, #tpu.memory_space<hbm>>) target(%arg6 : memref<8192xf32, #tpu.memory_space<vmem>>) target_semaphore(%arg10 : memref<!tpu.dma_semaphore, #tpu.memory_space<semaphore_mem>>)
        %dma_wait3A_60 = tpu.memref_slice %arg3[%add3A_39] : memref<12582912xi32, #tpu.memory_space<hbm>> -> memref<8192xi32, #tpu.memory_space<hbm>>
        %dma_wait3A_61 = tpu.memref_slice %arg3[%add3A_39] : memref<12582912xi32, #tpu.memory_space<hbm>> -> memref<8192xi32, #tpu.memory_space<hbm>>
        tpu.wait_dma2 semaphore(%arg11 : memref<!tpu.dma_semaphore, #tpu.memory_space<semaphore_mem>>) src(%dma_wait3A_61 : memref<8192xi32, #tpu.memory_space<hbm>>) dst(%arg7 : memref<8192xi32, #tpu.memory_space<vmem>>)
        %dma_wait3A_62 = tpu.memref_slice %arg2[%add3A_39] : memref<12582912xf32, #tpu.memory_space<hbm>> -> memref<8192xf32, #tpu.memory_space<hbm>>
        %dma_wait3A_63 = tpu.memref_slice %arg2[%add3A_39] : memref<12582912xf32, #tpu.memory_space<hbm>> -> memref<8192xf32, #tpu.memory_space<hbm>>
        tpu.wait_dma2 semaphore(%arg11 : memref<!tpu.dma_semaphore, #tpu.memory_space<semaphore_mem>>) src(%dma_wait3A_63 : memref<8192xf32, #tpu.memory_space<hbm>>) dst(%arg8 : memref<8192xf32, #tpu.memory_space<vmem>>)
        %scan3A_64 = arith.constant 0 : i32
        %scan3A_65 = arith.constant 0 : i32
        %scan3A_66 = arith.constant 64 : i32
        %scan3A_67 = arith.addi %scan3A_65, %scan3A_66 : i32
        %scan3A_68 = arith.constant 1 : i32
        %scan3A_69 = scf.for %scan3A_179 = %scan3A_65 to %scan3A_67 step %scan3A_68 iter_args(%scan3A_180 = %scan3A_64) -> (i32)  : i32 {
          %mul3A_181 = arith.constant 128 : i32
          %mul3A_182 = arith.muli %scan3A_179, %mul3A_181 : i32
          %add3A_183 = arith.constant 0 : i32
          %add3A_184 = arith.addi %mul3A_182, %add3A_183 : i32
          %get3A = arith.index_cast %add3A_184 : i32 to index
          %get3A_185 = tpu.vector_load %arg7[%get3A] {strides = array<i32>} : memref<8192xi32, #tpu.memory_space<vmem>>, vector<16xi32>,
          %add3A_186 = arith.constant 0 : i32
          %add3A_187 = arith.addi %mul3A_182, %add3A_186 : i32
          %get3A_188 = arith.index_cast %add3A_187 : i32 to index
          %get3A_189 = tpu.vector_load %arg8[%get3A_188] {strides = array<i32>} : memref<8192xf32, #tpu.memory_space<vmem>>, vector<16xf32>,
          %shift_right_logical3A = arith.constant 5 : i32
          %shift_right_logical3A_190 = vector.broadcast %shift_right_logical3A : i32 to vector<16xi32>
          %shift_right_logical3A_191 = arith.shrui %get3A_185, %shift_right_logical3A_190 : vector<16xi32>
          %convert_element_type3A_192 = arith.sitofp %shift_right_logical3A_191 : vector<16xi32> to vector<16xf32>
          %mul3A_193 = arith.constant 0.333333343 : f32
          %mul3A_194 = vector.broadcast %mul3A_193 : f32 to vector<16xf32>
          %mul3A_195 = arith.mulf %convert_element_type3A_192, %mul3A_194 : vector<16xf32>
          %convert_element_type3A_196 = arith.fptosi %mul3A_195 : vector<16xf32> to vector<16xi32>
          %sub3A = vector.broadcast %mul3A_25 : i32 to vector<16xi32>
          %sub3A_197 = arith.subi %convert_element_type3A_196, %sub3A : vector<16xi32>
          %lt3A_198 = arith.constant 87424 : i32
          %lt3A_199 = vector.broadcast %lt3A_198 : i32 to vector<16xi32>
          %lt3A_200 = arith.cmpi ult, %sub3A_197, %lt3A_199 : vector<16xi32>
          %jit3A = arith.constant 0 : i32
          %broadcast_in_dim3A = vector.broadcast %jit3A : i32 to vector<16xi32>
          %select_n3A = arith.select %lt3A_200, %sub3A_197, %broadcast_in_dim3A : vector<16xi1>, vector<16xi32>
          tpu.vector_store_idx %arg9[%select_n3A], %get3A_189 masked %lt3A_200 {add = true} : memref<87424xf32, #tpu.memory_space<vmem>>[vector<16xi32>], vector<16xf32>, vector<16xi1>
          %add3A_201 = arith.constant 16 : i32
          %add3A_202 = arith.addi %mul3A_182, %add3A_201 : i32
          %get3A_203 = arith.index_cast %add3A_202 : i32 to index
          %get3A_204 = tpu.vector_load %arg7[%get3A_203] {strides = array<i32>} : memref<8192xi32, #tpu.memory_space<vmem>>, vector<16xi32>,
          %add3A_205 = arith.constant 16 : i32
          %add3A_206 = arith.addi %mul3A_182, %add3A_205 : i32
          %get3A_207 = arith.index_cast %add3A_206 : i32 to index
          %get3A_208 = tpu.vector_load %arg8[%get3A_207] {strides = array<i32>} : memref<8192xf32, #tpu.memory_space<vmem>>, vector<16xf32>,
          %shift_right_logical3A_209 = arith.constant 5 : i32
          %shift_right_logical3A_210 = vector.broadcast %shift_right_logical3A_209 : i32 to vector<16xi32>
          %shift_right_logical3A_211 = arith.shrui %get3A_204, %shift_right_logical3A_210 : vector<16xi32>
          %convert_element_type3A_212 = arith.sitofp %shift_right_logical3A_211 : vector<16xi32> to vector<16xf32>
          %mul3A_213 = arith.constant 0.333333343 : f32
          %mul3A_214 = vector.broadcast %mul3A_213 : f32 to vector<16xf32>
          %mul3A_215 = arith.mulf %convert_element_type3A_212, %mul3A_214 : vector<16xf32>
          %convert_element_type3A_216 = arith.fptosi %mul3A_215 : vector<16xf32> to vector<16xi32>
          %sub3A_217 = vector.broadcast %mul3A_25 : i32 to vector<16xi32>
          %sub3A_218 = arith.subi %convert_element_type3A_216, %sub3A_217 : vector<16xi32>
          %lt3A_219 = arith.constant 87424 : i32
          %lt3A_220 = vector.broadcast %lt3A_219 : i32 to vector<16xi32>
          %lt3A_221 = arith.cmpi ult, %sub3A_218, %lt3A_220 : vector<16xi32>
          %jit3A_222 = arith.constant 0 : i32
          %broadcast_in_dim3A_223 = vector.broadcast %jit3A_222 : i32 to vector<16xi32>
          %select_n3A_224 = arith.select %lt3A_221, %sub3A_218, %broadcast_in_dim3A_223 : vector<16xi1>, vector<16xi32>
          tpu.vector_store_idx %arg9[%select_n3A_224], %get3A_208 masked %lt3A_221 {add = true} : memref<87424xf32, #tpu.memory_space<vmem>>[vector<16xi32>], vector<16xf32>, vector<16xi1>
          %add3A_225 = arith.constant 32 : i32
          %add3A_226 = arith.addi %mul3A_182, %add3A_225 : i32
          %get3A_227 = arith.index_cast %add3A_226 : i32 to index
          %get3A_228 = tpu.vector_load %arg7[%get3A_227] {strides = array<i32>} : memref<8192xi32, #tpu.memory_space<vmem>>, vector<16xi32>,
          %add3A_229 = arith.constant 32 : i32
          %add3A_230 = arith.addi %mul3A_182, %add3A_229 : i32
          %get3A_231 = arith.index_cast %add3A_230 : i32 to index
          %get3A_232 = tpu.vector_load %arg8[%get3A_231] {strides = array<i32>} : memref<8192xf32, #tpu.memory_space<vmem>>, vector<16xf32>,
          %shift_right_logical3A_233 = arith.constant 5 : i32
          %shift_right_logical3A_234 = vector.broadcast %shift_right_logical3A_233 : i32 to vector<16xi32>
          %shift_right_logical3A_235 = arith.shrui %get3A_228, %shift_right_logical3A_234 : vector<16xi32>
          %convert_element_type3A_236 = arith.sitofp %shift_right_logical3A_235 : vector<16xi32> to vector<16xf32>
          %mul3A_237 = arith.constant 0.333333343 : f32
          %mul3A_238 = vector.broadcast %mul3A_237 : f32 to vector<16xf32>
          %mul3A_239 = arith.mulf %convert_element_type3A_236, %mul3A_238 : vector<16xf32>
          %convert_element_type3A_240 = arith.fptosi %mul3A_239 : vector<16xf32> to vector<16xi32>
          %sub3A_241 = vector.broadcast %mul3A_25 : i32 to vector<16xi32>
          %sub3A_242 = arith.subi %convert_element_type3A_240, %sub3A_241 : vector<16xi32>
          %lt3A_243 = arith.constant 87424 : i32
          %lt3A_244 = vector.broadcast %lt3A_243 : i32 to vector<16xi32>
          %lt3A_245 = arith.cmpi ult, %sub3A_242, %lt3A_244 : vector<16xi32>
          %jit3A_246 = arith.constant 0 : i32
          %broadcast_in_dim3A_247 = vector.broadcast %jit3A_246 : i32 to vector<16xi32>
          %select_n3A_248 = arith.select %lt3A_245, %sub3A_242, %broadcast_in_dim3A_247 : vector<16xi1>, vector<16xi32>
          tpu.vector_store_idx %arg9[%select_n3A_248], %get3A_232 masked %lt3A_245 {add = true} : memref<87424xf32, #tpu.memory_space<vmem>>[vector<16xi32>], vector<16xf32>, vector<16xi1>
          %add3A_249 = arith.constant 48 : i32
          %add3A_250 = arith.addi %mul3A_182, %add3A_249 : i32
          %get3A_251 = arith.index_cast %add3A_250 : i32 to index
          %get3A_252 = tpu.vector_load %arg7[%get3A_251] {strides = array<i32>} : memref<8192xi32, #tpu.memory_space<vmem>>, vector<16xi32>,
          %add3A_253 = arith.constant 48 : i32
          %add3A_254 = arith.addi %mul3A_182, %add3A_253 : i32
          %get3A_255 = arith.index_cast %add3A_254 : i32 to index
          %get3A_256 = tpu.vector_load %arg8[%get3A_255] {strides = array<i32>} : memref<8192xf32, #tpu.memory_space<vmem>>, vector<16xf32>,
          %shift_right_logical3A_257 = arith.constant 5 : i32
          %shift_right_logical3A_258 = vector.broadcast %shift_right_logical3A_257 : i32 to vector<16xi32>
          %shift_right_logical3A_259 = arith.shrui %get3A_252, %shift_right_logical3A_258 : vector<16xi32>
          %convert_element_type3A_260 = arith.sitofp %shift_right_logical3A_259 : vector<16xi32> to vector<16xf32>
          %mul3A_261 = arith.constant 0.333333343 : f32
          %mul3A_262 = vector.broadcast %mul3A_261 : f32 to vector<16xf32>
          %mul3A_263 = arith.mulf %convert_element_type3A_260, %mul3A_262 : vector<16xf32>
          %convert_element_type3A_264 = arith.fptosi %mul3A_263 : vector<16xf32> to vector<16xi32>
          %sub3A_265 = vector.broadcast %mul3A_25 : i32 to vector<16xi32>
          %sub3A_266 = arith.subi %convert_element_type3A_264, %sub3A_265 : vector<16xi32>
          %lt3A_267 = arith.constant 87424 : i32
          %lt3A_268 = vector.broadcast %lt3A_267 : i32 to vector<16xi32>
          %lt3A_269 = arith.cmpi ult, %sub3A_266, %lt3A_268 : vector<16xi32>
          %jit3A_270 = arith.constant 0 : i32
          %broadcast_in_dim3A_271 = vector.broadcast %jit3A_270 : i32 to vector<16xi32>
          %select_n3A_272 = arith.select %lt3A_269, %sub3A_266, %broadcast_in_dim3A_271 : vector<16xi1>, vector<16xi32>
          tpu.vector_store_idx %arg9[%select_n3A_272], %get3A_256 masked %lt3A_269 {add = true} : memref<87424xf32, #tpu.memory_space<vmem>>[vector<16xi32>], vector<16xf32>, vector<16xi1>
          %add3A_273 = arith.constant 64 : i32
          %add3A_274 = arith.addi %mul3A_182, %add3A_273 : i32
          %get3A_275 = arith.index_cast %add3A_274 : i32 to index
          %get3A_276 = tpu.vector_load %arg7[%get3A_275] {strides = array<i32>} : memref<8192xi32, #tpu.memory_space<vmem>>, vector<16xi32>,
          %add3A_277 = arith.constant 64 : i32
          %add3A_278 = arith.addi %mul3A_182, %add3A_277 : i32
          %get3A_279 = arith.index_cast %add3A_278 : i32 to index
          %get3A_280 = tpu.vector_load %arg8[%get3A_279] {strides = array<i32>} : memref<8192xf32, #tpu.memory_space<vmem>>, vector<16xf32>,
          %shift_right_logical3A_281 = arith.constant 5 : i32
          %shift_right_logical3A_282 = vector.broadcast %shift_right_logical3A_281 : i32 to vector<16xi32>
          %shift_right_logical3A_283 = arith.shrui %get3A_276, %shift_right_logical3A_282 : vector<16xi32>
          %convert_element_type3A_284 = arith.sitofp %shift_right_logical3A_283 : vector<16xi32> to vector<16xf32>
          %mul3A_285 = arith.constant 0.333333343 : f32
          %mul3A_286 = vector.broadcast %mul3A_285 : f32 to vector<16xf32>
          %mul3A_287 = arith.mulf %convert_element_type3A_284, %mul3A_286 : vector<16xf32>
          %convert_element_type3A_288 = arith.fptosi %mul3A_287 : vector<16xf32> to vector<16xi32>
          %sub3A_289 = vector.broadcast %mul3A_25 : i32 to vector<16xi32>
          %sub3A_290 = arith.subi %convert_element_type3A_288, %sub3A_289 : vector<16xi32>
          %lt3A_291 = arith.constant 87424 : i32
          %lt3A_292 = vector.broadcast %lt3A_291 : i32 to vector<16xi32>
          %lt3A_293 = arith.cmpi ult, %sub3A_290, %lt3A_292 : vector<16xi32>
          %jit3A_294 = arith.constant 0 : i32
          %broadcast_in_dim3A_295 = vector.broadcast %jit3A_294 : i32 to vector<16xi32>
          %select_n3A_296 = arith.select %lt3A_293, %sub3A_290, %broadcast_in_dim3A_295 : vector<16xi1>, vector<16xi32>
          tpu.vector_store_idx %arg9[%select_n3A_296], %get3A_280 masked %lt3A_293 {add = true} : memref<87424xf32, #tpu.memory_space<vmem>>[vector<16xi32>], vector<16xf32>, vector<16xi1>
          %add3A_297 = arith.constant 80 : i32
          %add3A_298 = arith.addi %mul3A_182, %add3A_297 : i32
          %get3A_299 = arith.index_cast %add3A_298 : i32 to index
          %get3A_300 = tpu.vector_load %arg7[%get3A_299] {strides = array<i32>} : memref<8192xi32, #tpu.memory_space<vmem>>, vector<16xi32>,
          %add3A_301 = arith.constant 80 : i32
          %add3A_302 = arith.addi %mul3A_182, %add3A_301 : i32
          %get3A_303 = arith.index_cast %add3A_302 : i32 to index
          %get3A_304 = tpu.vector_load %arg8[%get3A_303] {strides = array<i32>} : memref<8192xf32, #tpu.memory_space<vmem>>, vector<16xf32>,
          %shift_right_logical3A_305 = arith.constant 5 : i32
          %shift_right_logical3A_306 = vector.broadcast %shift_right_logical3A_305 : i32 to vector<16xi32>
          %shift_right_logical3A_307 = arith.shrui %get3A_300, %shift_right_logical3A_306 : vector<16xi32>
          %convert_element_type3A_308 = arith.sitofp %shift_right_logical3A_307 : vector<16xi32> to vector<16xf32>
          %mul3A_309 = arith.constant 0.333333343 : f32
          %mul3A_310 = vector.broadcast %mul3A_309 : f32 to vector<16xf32>
          %mul3A_311 = arith.mulf %convert_element_type3A_308, %mul3A_310 : vector<16xf32>
          %convert_element_type3A_312 = arith.fptosi %mul3A_311 : vector<16xf32> to vector<16xi32>
          %sub3A_313 = vector.broadcast %mul3A_25 : i32 to vector<16xi32>
          %sub3A_314 = arith.subi %convert_element_type3A_312, %sub3A_313 : vector<16xi32>
          %lt3A_315 = arith.constant 87424 : i32
          %lt3A_316 = vector.broadcast %lt3A_315 : i32 to vector<16xi32>
          %lt3A_317 = arith.cmpi ult, %sub3A_314, %lt3A_316 : vector<16xi32>
          %jit3A_318 = arith.constant 0 : i32
          %broadcast_in_dim3A_319 = vector.broadcast %jit3A_318 : i32 to vector<16xi32>
          %select_n3A_320 = arith.select %lt3A_317, %sub3A_314, %broadcast_in_dim3A_319 : vector<16xi1>, vector<16xi32>
          tpu.vector_store_idx %arg9[%select_n3A_320], %get3A_304 masked %lt3A_317 {add = true} : memref<87424xf32, #tpu.memory_space<vmem>>[vector<16xi32>], vector<16xf32>, vector<16xi1>
          %add3A_321 = arith.constant 96 : i32
          %add3A_322 = arith.addi %mul3A_182, %add3A_321 : i32
          %get3A_323 = arith.index_cast %add3A_322 : i32 to index
          %get3A_324 = tpu.vector_load %arg7[%get3A_323] {strides = array<i32>} : memref<8192xi32, #tpu.memory_space<vmem>>, vector<16xi32>,
          %add3A_325 = arith.constant 96 : i32
          %add3A_326 = arith.addi %mul3A_182, %add3A_325 : i32
          %get3A_327 = arith.index_cast %add3A_326 : i32 to index
          %get3A_328 = tpu.vector_load %arg8[%get3A_327] {strides = array<i32>} : memref<8192xf32, #tpu.memory_space<vmem>>, vector<16xf32>,
          %shift_right_logical3A_329 = arith.constant 5 : i32
          %shift_right_logical3A_330 = vector.broadcast %shift_right_logical3A_329 : i32 to vector<16xi32>
          %shift_right_logical3A_331 = arith.shrui %get3A_324, %shift_right_logical3A_330 : vector<16xi32>
          %convert_element_type3A_332 = arith.sitofp %shift_right_logical3A_331 : vector<16xi32> to vector<16xf32>
          %mul3A_333 = arith.constant 0.333333343 : f32
          %mul3A_334 = vector.broadcast %mul3A_333 : f32 to vector<16xf32>
          %mul3A_335 = arith.mulf %convert_element_type3A_332, %mul3A_334 : vector<16xf32>
          %convert_element_type3A_336 = arith.fptosi %mul3A_335 : vector<16xf32> to vector<16xi32>
          %sub3A_337 = vector.broadcast %mul3A_25 : i32 to vector<16xi32>
          %sub3A_338 = arith.subi %convert_element_type3A_336, %sub3A_337 : vector<16xi32>
          %lt3A_339 = arith.constant 87424 : i32
          %lt3A_340 = vector.broadcast %lt3A_339 : i32 to vector<16xi32>
          %lt3A_341 = arith.cmpi ult, %sub3A_338, %lt3A_340 : vector<16xi32>
          %jit3A_342 = arith.constant 0 : i32
          %broadcast_in_dim3A_343 = vector.broadcast %jit3A_342 : i32 to vector<16xi32>
          %select_n3A_344 = arith.select %lt3A_341, %sub3A_338, %broadcast_in_dim3A_343 : vector<16xi1>, vector<16xi32>
          tpu.vector_store_idx %arg9[%select_n3A_344], %get3A_328 masked %lt3A_341 {add = true} : memref<87424xf32, #tpu.memory_space<vmem>>[vector<16xi32>], vector<16xf32>, vector<16xi1>
          %add3A_345 = arith.constant 112 : i32
          %add3A_346 = arith.addi %mul3A_182, %add3A_345 : i32
          %get3A_347 = arith.index_cast %add3A_346 : i32 to index
          %get3A_348 = tpu.vector_load %arg7[%get3A_347] {strides = array<i32>} : memref<8192xi32, #tpu.memory_space<vmem>>, vector<16xi32>,
          %add3A_349 = arith.constant 112 : i32
          %add3A_350 = arith.addi %mul3A_182, %add3A_349 : i32
          %get3A_351 = arith.index_cast %add3A_350 : i32 to index
          %get3A_352 = tpu.vector_load %arg8[%get3A_351] {strides = array<i32>} : memref<8192xf32, #tpu.memory_space<vmem>>, vector<16xf32>,
          %shift_right_logical3A_353 = arith.constant 5 : i32
          %shift_right_logical3A_354 = vector.broadcast %shift_right_logical3A_353 : i32 to vector<16xi32>
          %shift_right_logical3A_355 = arith.shrui %get3A_348, %shift_right_logical3A_354 : vector<16xi32>
          %convert_element_type3A_356 = arith.sitofp %shift_right_logical3A_355 : vector<16xi32> to vector<16xf32>
          %mul3A_357 = arith.constant 0.333333343 : f32
          %mul3A_358 = vector.broadcast %mul3A_357 : f32 to vector<16xf32>
          %mul3A_359 = arith.mulf %convert_element_type3A_356, %mul3A_358 : vector<16xf32>
          %convert_element_type3A_360 = arith.fptosi %mul3A_359 : vector<16xf32> to vector<16xi32>
          %sub3A_361 = vector.broadcast %mul3A_25 : i32 to vector<16xi32>
          %sub3A_362 = arith.subi %convert_element_type3A_360, %sub3A_361 : vector<16xi32>
          %lt3A_363 = arith.constant 87424 : i32
          %lt3A_364 = vector.broadcast %lt3A_363 : i32 to vector<16xi32>
          %lt3A_365 = arith.cmpi ult, %sub3A_362, %lt3A_364 : vector<16xi32>
          %jit3A_366 = arith.constant 0 : i32
          %broadcast_in_dim3A_367 = vector.broadcast %jit3A_366 : i32 to vector<16xi32>
          %select_n3A_368 = arith.select %lt3A_365, %sub3A_362, %broadcast_in_dim3A_367 : vector<16xi1>, vector<16xi32>
          tpu.vector_store_idx %arg9[%select_n3A_368], %get3A_352 masked %lt3A_365 {add = true} : memref<87424xf32, #tpu.memory_space<vmem>>[vector<16xi32>], vector<16xf32>, vector<16xi1>
          %scan3A_369 = arith.constant 0 : i32
          scf.yield %scan3A_369 : i32
        }
        %scan3A_70 = arith.constant 64 : i32
        %add3A_71 = arith.constant 24576 : i32
        %add3A_72 = arith.addi %mul3A_13, %add3A_71 : i32
        %dma_start3A_73 = tpu.memref_slice %arg3[%add3A_72] : memref<12582912xi32, #tpu.memory_space<hbm>> -> memref<8192xi32, #tpu.memory_space<hbm>>
        %dma_start3A_74 = tpu.memref_slice %arg3[%add3A_72] : memref<12582912xi32, #tpu.memory_space<hbm>> -> memref<8192xi32, #tpu.memory_space<hbm>>
        tpu.enqueue_dma source(%dma_start3A_74 : memref<8192xi32, #tpu.memory_space<hbm>>) target(%arg7 : memref<8192xi32, #tpu.memory_space<vmem>>) target_semaphore(%arg11 : memref<!tpu.dma_semaphore, #tpu.memory_space<semaphore_mem>>)
        %dma_start3A_75 = tpu.memref_slice %arg2[%add3A_72] : memref<12582912xf32, #tpu.memory_space<hbm>> -> memref<8192xf32, #tpu.memory_space<hbm>>
        %dma_start3A_76 = tpu.memref_slice %arg2[%add3A_72] : memref<12582912xf32, #tpu.memory_space<hbm>> -> memref<8192xf32, #tpu.memory_space<hbm>>
        tpu.enqueue_dma source(%dma_start3A_76 : memref<8192xf32, #tpu.memory_space<hbm>>) target(%arg8 : memref<8192xf32, #tpu.memory_space<vmem>>) target_semaphore(%arg11 : memref<!tpu.dma_semaphore, #tpu.memory_space<semaphore_mem>>)
        %dma_wait3A_77 = tpu.memref_slice %arg3[%add3A_55] : memref<12582912xi32, #tpu.memory_space<hbm>> -> memref<8192xi32, #tpu.memory_space<hbm>>
        %dma_wait3A_78 = tpu.memref_slice %arg3[%add3A_55] : memref<12582912xi32, #tpu.memory_space<hbm>> -> memref<8192xi32, #tpu.memory_space<hbm>>
        tpu.wait_dma2 semaphore(%arg10 : memref<!tpu.dma_semaphore, #tpu.memory_space<semaphore_mem>>) src(%dma_wait3A_78 : memref<8192xi32, #tpu.memory_space<hbm>>) dst(%arg5 : memref<8192xi32, #tpu.memory_space<vmem>>)
        %dma_wait3A_79 = tpu.memref_slice %arg2[%add3A_55] : memref<12582912xf32, #tpu.memory_space<hbm>> -> memref<8192xf32, #tpu.memory_space<hbm>>
        %dma_wait3A_80 = tpu.memref_slice %arg2[%add3A_55] : memref<12582912xf32, #tpu.memory_space<hbm>> -> memref<8192xf32, #tpu.memory_space<hbm>>
        tpu.wait_dma2 semaphore(%arg10 : memref<!tpu.dma_semaphore, #tpu.memory_space<semaphore_mem>>) src(%dma_wait3A_80 : memref<8192xf32, #tpu.memory_space<hbm>>) dst(%arg6 : memref<8192xf32, #tpu.memory_space<vmem>>)
        %scan3A_81 = arith.constant 0 : i32
        %scan3A_82 = arith.constant 0 : i32
        %scan3A_83 = arith.constant 64 : i32
        %scan3A_84 = arith.addi %scan3A_82, %scan3A_83 : i32
        %scan3A_85 = arith.constant 1 : i32
        %scan3A_86 = scf.for %scan3A_179 = %scan3A_82 to %scan3A_84 step %scan3A_85 iter_args(%scan3A_180 = %scan3A_81) -> (i32)  : i32 {
          %mul3A_181 = arith.constant 128 : i32
          %mul3A_182 = arith.muli %scan3A_179, %mul3A_181 : i32
          %add3A_183 = arith.constant 0 : i32
          %add3A_184 = arith.addi %mul3A_182, %add3A_183 : i32
          %get3A = arith.index_cast %add3A_184 : i32 to index
          %get3A_185 = tpu.vector_load %arg5[%get3A] {strides = array<i32>} : memref<8192xi32, #tpu.memory_space<vmem>>, vector<16xi32>,
          %add3A_186 = arith.constant 0 : i32
          %add3A_187 = arith.addi %mul3A_182, %add3A_186 : i32
          %get3A_188 = arith.index_cast %add3A_187 : i32 to index
          %get3A_189 = tpu.vector_load %arg6[%get3A_188] {strides = array<i32>} : memref<8192xf32, #tpu.memory_space<vmem>>, vector<16xf32>,
          %shift_right_logical3A = arith.constant 5 : i32
          %shift_right_logical3A_190 = vector.broadcast %shift_right_logical3A : i32 to vector<16xi32>
          %shift_right_logical3A_191 = arith.shrui %get3A_185, %shift_right_logical3A_190 : vector<16xi32>
          %convert_element_type3A_192 = arith.sitofp %shift_right_logical3A_191 : vector<16xi32> to vector<16xf32>
          %mul3A_193 = arith.constant 0.333333343 : f32
          %mul3A_194 = vector.broadcast %mul3A_193 : f32 to vector<16xf32>
          %mul3A_195 = arith.mulf %convert_element_type3A_192, %mul3A_194 : vector<16xf32>
          %convert_element_type3A_196 = arith.fptosi %mul3A_195 : vector<16xf32> to vector<16xi32>
          %sub3A = vector.broadcast %mul3A_25 : i32 to vector<16xi32>
          %sub3A_197 = arith.subi %convert_element_type3A_196, %sub3A : vector<16xi32>
          %lt3A_198 = arith.constant 87424 : i32
          %lt3A_199 = vector.broadcast %lt3A_198 : i32 to vector<16xi32>
          %lt3A_200 = arith.cmpi ult, %sub3A_197, %lt3A_199 : vector<16xi32>
          %jit3A = arith.constant 0 : i32
          %broadcast_in_dim3A = vector.broadcast %jit3A : i32 to vector<16xi32>
          %select_n3A = arith.select %lt3A_200, %sub3A_197, %broadcast_in_dim3A : vector<16xi1>, vector<16xi32>
          tpu.vector_store_idx %arg9[%select_n3A], %get3A_189 masked %lt3A_200 {add = true} : memref<87424xf32, #tpu.memory_space<vmem>>[vector<16xi32>], vector<16xf32>, vector<16xi1>
          %add3A_201 = arith.constant 16 : i32
          %add3A_202 = arith.addi %mul3A_182, %add3A_201 : i32
          %get3A_203 = arith.index_cast %add3A_202 : i32 to index
          %get3A_204 = tpu.vector_load %arg5[%get3A_203] {strides = array<i32>} : memref<8192xi32, #tpu.memory_space<vmem>>, vector<16xi32>,
          %add3A_205 = arith.constant 16 : i32
          %add3A_206 = arith.addi %mul3A_182, %add3A_205 : i32
          %get3A_207 = arith.index_cast %add3A_206 : i32 to index
          %get3A_208 = tpu.vector_load %arg6[%get3A_207] {strides = array<i32>} : memref<8192xf32, #tpu.memory_space<vmem>>, vector<16xf32>,
          %shift_right_logical3A_209 = arith.constant 5 : i32
          %shift_right_logical3A_210 = vector.broadcast %shift_right_logical3A_209 : i32 to vector<16xi32>
          %shift_right_logical3A_211 = arith.shrui %get3A_204, %shift_right_logical3A_210 : vector<16xi32>
          %convert_element_type3A_212 = arith.sitofp %shift_right_logical3A_211 : vector<16xi32> to vector<16xf32>
          %mul3A_213 = arith.constant 0.333333343 : f32
          %mul3A_214 = vector.broadcast %mul3A_213 : f32 to vector<16xf32>
          %mul3A_215 = arith.mulf %convert_element_type3A_212, %mul3A_214 : vector<16xf32>
          %convert_element_type3A_216 = arith.fptosi %mul3A_215 : vector<16xf32> to vector<16xi32>
          %sub3A_217 = vector.broadcast %mul3A_25 : i32 to vector<16xi32>
          %sub3A_218 = arith.subi %convert_element_type3A_216, %sub3A_217 : vector<16xi32>
          %lt3A_219 = arith.constant 87424 : i32
          %lt3A_220 = vector.broadcast %lt3A_219 : i32 to vector<16xi32>
          %lt3A_221 = arith.cmpi ult, %sub3A_218, %lt3A_220 : vector<16xi32>
          %jit3A_222 = arith.constant 0 : i32
          %broadcast_in_dim3A_223 = vector.broadcast %jit3A_222 : i32 to vector<16xi32>
          %select_n3A_224 = arith.select %lt3A_221, %sub3A_218, %broadcast_in_dim3A_223 : vector<16xi1>, vector<16xi32>
          tpu.vector_store_idx %arg9[%select_n3A_224], %get3A_208 masked %lt3A_221 {add = true} : memref<87424xf32, #tpu.memory_space<vmem>>[vector<16xi32>], vector<16xf32>, vector<16xi1>
          %add3A_225 = arith.constant 32 : i32
          %add3A_226 = arith.addi %mul3A_182, %add3A_225 : i32
          %get3A_227 = arith.index_cast %add3A_226 : i32 to index
          %get3A_228 = tpu.vector_load %arg5[%get3A_227] {strides = array<i32>} : memref<8192xi32, #tpu.memory_space<vmem>>, vector<16xi32>,
          %add3A_229 = arith.constant 32 : i32
          %add3A_230 = arith.addi %mul3A_182, %add3A_229 : i32
          %get3A_231 = arith.index_cast %add3A_230 : i32 to index
          %get3A_232 = tpu.vector_load %arg6[%get3A_231] {strides = array<i32>} : memref<8192xf32, #tpu.memory_space<vmem>>, vector<16xf32>,
          %shift_right_logical3A_233 = arith.constant 5 : i32
          %shift_right_logical3A_234 = vector.broadcast %shift_right_logical3A_233 : i32 to vector<16xi32>
          %shift_right_logical3A_235 = arith.shrui %get3A_228, %shift_right_logical3A_234 : vector<16xi32>
          %convert_element_type3A_236 = arith.sitofp %shift_right_logical3A_235 : vector<16xi32> to vector<16xf32>
          %mul3A_237 = arith.constant 0.333333343 : f32
          %mul3A_238 = vector.broadcast %mul3A_237 : f32 to vector<16xf32>
          %mul3A_239 = arith.mulf %convert_element_type3A_236, %mul3A_238 : vector<16xf32>
          %convert_element_type3A_240 = arith.fptosi %mul3A_239 : vector<16xf32> to vector<16xi32>
          %sub3A_241 = vector.broadcast %mul3A_25 : i32 to vector<16xi32>
          %sub3A_242 = arith.subi %convert_element_type3A_240, %sub3A_241 : vector<16xi32>
          %lt3A_243 = arith.constant 87424 : i32
          %lt3A_244 = vector.broadcast %lt3A_243 : i32 to vector<16xi32>
          %lt3A_245 = arith.cmpi ult, %sub3A_242, %lt3A_244 : vector<16xi32>
          %jit3A_246 = arith.constant 0 : i32
          %broadcast_in_dim3A_247 = vector.broadcast %jit3A_246 : i32 to vector<16xi32>
          %select_n3A_248 = arith.select %lt3A_245, %sub3A_242, %broadcast_in_dim3A_247 : vector<16xi1>, vector<16xi32>
          tpu.vector_store_idx %arg9[%select_n3A_248], %get3A_232 masked %lt3A_245 {add = true} : memref<87424xf32, #tpu.memory_space<vmem>>[vector<16xi32>], vector<16xf32>, vector<16xi1>
          %add3A_249 = arith.constant 48 : i32
          %add3A_250 = arith.addi %mul3A_182, %add3A_249 : i32
          %get3A_251 = arith.index_cast %add3A_250 : i32 to index
          %get3A_252 = tpu.vector_load %arg5[%get3A_251] {strides = array<i32>} : memref<8192xi32, #tpu.memory_space<vmem>>, vector<16xi32>,
          %add3A_253 = arith.constant 48 : i32
          %add3A_254 = arith.addi %mul3A_182, %add3A_253 : i32
          %get3A_255 = arith.index_cast %add3A_254 : i32 to index
          %get3A_256 = tpu.vector_load %arg6[%get3A_255] {strides = array<i32>} : memref<8192xf32, #tpu.memory_space<vmem>>, vector<16xf32>,
          %shift_right_logical3A_257 = arith.constant 5 : i32
          %shift_right_logical3A_258 = vector.broadcast %shift_right_logical3A_257 : i32 to vector<16xi32>
          %shift_right_logical3A_259 = arith.shrui %get3A_252, %shift_right_logical3A_258 : vector<16xi32>
          %convert_element_type3A_260 = arith.sitofp %shift_right_logical3A_259 : vector<16xi32> to vector<16xf32>
          %mul3A_261 = arith.constant 0.333333343 : f32
          %mul3A_262 = vector.broadcast %mul3A_261 : f32 to vector<16xf32>
          %mul3A_263 = arith.mulf %convert_element_type3A_260, %mul3A_262 : vector<16xf32>
          %convert_element_type3A_264 = arith.fptosi %mul3A_263 : vector<16xf32> to vector<16xi32>
          %sub3A_265 = vector.broadcast %mul3A_25 : i32 to vector<16xi32>
          %sub3A_266 = arith.subi %convert_element_type3A_264, %sub3A_265 : vector<16xi32>
          %lt3A_267 = arith.constant 87424 : i32
          %lt3A_268 = vector.broadcast %lt3A_267 : i32 to vector<16xi32>
          %lt3A_269 = arith.cmpi ult, %sub3A_266, %lt3A_268 : vector<16xi32>
          %jit3A_270 = arith.constant 0 : i32
          %broadcast_in_dim3A_271 = vector.broadcast %jit3A_270 : i32 to vector<16xi32>
          %select_n3A_272 = arith.select %lt3A_269, %sub3A_266, %broadcast_in_dim3A_271 : vector<16xi1>, vector<16xi32>
          tpu.vector_store_idx %arg9[%select_n3A_272], %get3A_256 masked %lt3A_269 {add = true} : memref<87424xf32, #tpu.memory_space<vmem>>[vector<16xi32>], vector<16xf32>, vector<16xi1>
          %add3A_273 = arith.constant 64 : i32
          %add3A_274 = arith.addi %mul3A_182, %add3A_273 : i32
          %get3A_275 = arith.index_cast %add3A_274 : i32 to index
          %get3A_276 = tpu.vector_load %arg5[%get3A_275] {strides = array<i32>} : memref<8192xi32, #tpu.memory_space<vmem>>, vector<16xi32>,
          %add3A_277 = arith.constant 64 : i32
          %add3A_278 = arith.addi %mul3A_182, %add3A_277 : i32
          %get3A_279 = arith.index_cast %add3A_278 : i32 to index
          %get3A_280 = tpu.vector_load %arg6[%get3A_279] {strides = array<i32>} : memref<8192xf32, #tpu.memory_space<vmem>>, vector<16xf32>,
          %shift_right_logical3A_281 = arith.constant 5 : i32
          %shift_right_logical3A_282 = vector.broadcast %shift_right_logical3A_281 : i32 to vector<16xi32>
          %shift_right_logical3A_283 = arith.shrui %get3A_276, %shift_right_logical3A_282 : vector<16xi32>
          %convert_element_type3A_284 = arith.sitofp %shift_right_logical3A_283 : vector<16xi32> to vector<16xf32>
          %mul3A_285 = arith.constant 0.333333343 : f32
          %mul3A_286 = vector.broadcast %mul3A_285 : f32 to vector<16xf32>
          %mul3A_287 = arith.mulf %convert_element_type3A_284, %mul3A_286 : vector<16xf32>
          %convert_element_type3A_288 = arith.fptosi %mul3A_287 : vector<16xf32> to vector<16xi32>
          %sub3A_289 = vector.broadcast %mul3A_25 : i32 to vector<16xi32>
          %sub3A_290 = arith.subi %convert_element_type3A_288, %sub3A_289 : vector<16xi32>
          %lt3A_291 = arith.constant 87424 : i32
          %lt3A_292 = vector.broadcast %lt3A_291 : i32 to vector<16xi32>
          %lt3A_293 = arith.cmpi ult, %sub3A_290, %lt3A_292 : vector<16xi32>
          %jit3A_294 = arith.constant 0 : i32
          %broadcast_in_dim3A_295 = vector.broadcast %jit3A_294 : i32 to vector<16xi32>
          %select_n3A_296 = arith.select %lt3A_293, %sub3A_290, %broadcast_in_dim3A_295 : vector<16xi1>, vector<16xi32>
          tpu.vector_store_idx %arg9[%select_n3A_296], %get3A_280 masked %lt3A_293 {add = true} : memref<87424xf32, #tpu.memory_space<vmem>>[vector<16xi32>], vector<16xf32>, vector<16xi1>
          %add3A_297 = arith.constant 80 : i32
          %add3A_298 = arith.addi %mul3A_182, %add3A_297 : i32
          %get3A_299 = arith.index_cast %add3A_298 : i32 to index
          %get3A_300 = tpu.vector_load %arg5[%get3A_299] {strides = array<i32>} : memref<8192xi32, #tpu.memory_space<vmem>>, vector<16xi32>,
          %add3A_301 = arith.constant 80 : i32
          %add3A_302 = arith.addi %mul3A_182, %add3A_301 : i32
          %get3A_303 = arith.index_cast %add3A_302 : i32 to index
          %get3A_304 = tpu.vector_load %arg6[%get3A_303] {strides = array<i32>} : memref<8192xf32, #tpu.memory_space<vmem>>, vector<16xf32>,
          %shift_right_logical3A_305 = arith.constant 5 : i32
          %shift_right_logical3A_306 = vector.broadcast %shift_right_logical3A_305 : i32 to vector<16xi32>
          %shift_right_logical3A_307 = arith.shrui %get3A_300, %shift_right_logical3A_306 : vector<16xi32>
          %convert_element_type3A_308 = arith.sitofp %shift_right_logical3A_307 : vector<16xi32> to vector<16xf32>
          %mul3A_309 = arith.constant 0.333333343 : f32
          %mul3A_310 = vector.broadcast %mul3A_309 : f32 to vector<16xf32>
          %mul3A_311 = arith.mulf %convert_element_type3A_308, %mul3A_310 : vector<16xf32>
          %convert_element_type3A_312 = arith.fptosi %mul3A_311 : vector<16xf32> to vector<16xi32>
          %sub3A_313 = vector.broadcast %mul3A_25 : i32 to vector<16xi32>
          %sub3A_314 = arith.subi %convert_element_type3A_312, %sub3A_313 : vector<16xi32>
          %lt3A_315 = arith.constant 87424 : i32
          %lt3A_316 = vector.broadcast %lt3A_315 : i32 to vector<16xi32>
          %lt3A_317 = arith.cmpi ult, %sub3A_314, %lt3A_316 : vector<16xi32>
          %jit3A_318 = arith.constant 0 : i32
          %broadcast_in_dim3A_319 = vector.broadcast %jit3A_318 : i32 to vector<16xi32>
          %select_n3A_320 = arith.select %lt3A_317, %sub3A_314, %broadcast_in_dim3A_319 : vector<16xi1>, vector<16xi32>
          tpu.vector_store_idx %arg9[%select_n3A_320], %get3A_304 masked %lt3A_317 {add = true} : memref<87424xf32, #tpu.memory_space<vmem>>[vector<16xi32>], vector<16xf32>, vector<16xi1>
          %add3A_321 = arith.constant 96 : i32
          %add3A_322 = arith.addi %mul3A_182, %add3A_321 : i32
          %get3A_323 = arith.index_cast %add3A_322 : i32 to index
          %get3A_324 = tpu.vector_load %arg5[%get3A_323] {strides = array<i32>} : memref<8192xi32, #tpu.memory_space<vmem>>, vector<16xi32>,
          %add3A_325 = arith.constant 96 : i32
          %add3A_326 = arith.addi %mul3A_182, %add3A_325 : i32
          %get3A_327 = arith.index_cast %add3A_326 : i32 to index
          %get3A_328 = tpu.vector_load %arg6[%get3A_327] {strides = array<i32>} : memref<8192xf32, #tpu.memory_space<vmem>>, vector<16xf32>,
          %shift_right_logical3A_329 = arith.constant 5 : i32
          %shift_right_logical3A_330 = vector.broadcast %shift_right_logical3A_329 : i32 to vector<16xi32>
          %shift_right_logical3A_331 = arith.shrui %get3A_324, %shift_right_logical3A_330 : vector<16xi32>
          %convert_element_type3A_332 = arith.sitofp %shift_right_logical3A_331 : vector<16xi32> to vector<16xf32>
          %mul3A_333 = arith.constant 0.333333343 : f32
          %mul3A_334 = vector.broadcast %mul3A_333 : f32 to vector<16xf32>
          %mul3A_335 = arith.mulf %convert_element_type3A_332, %mul3A_334 : vector<16xf32>
          %convert_element_type3A_336 = arith.fptosi %mul3A_335 : vector<16xf32> to vector<16xi32>
          %sub3A_337 = vector.broadcast %mul3A_25 : i32 to vector<16xi32>
          %sub3A_338 = arith.subi %convert_element_type3A_336, %sub3A_337 : vector<16xi32>
          %lt3A_339 = arith.constant 87424 : i32
          %lt3A_340 = vector.broadcast %lt3A_339 : i32 to vector<16xi32>
          %lt3A_341 = arith.cmpi ult, %sub3A_338, %lt3A_340 : vector<16xi32>
          %jit3A_342 = arith.constant 0 : i32
          %broadcast_in_dim3A_343 = vector.broadcast %jit3A_342 : i32 to vector<16xi32>
          %select_n3A_344 = arith.select %lt3A_341, %sub3A_338, %broadcast_in_dim3A_343 : vector<16xi1>, vector<16xi32>
          tpu.vector_store_idx %arg9[%select_n3A_344], %get3A_328 masked %lt3A_341 {add = true} : memref<87424xf32, #tpu.memory_space<vmem>>[vector<16xi32>], vector<16xf32>, vector<16xi1>
          %add3A_345 = arith.constant 112 : i32
          %add3A_346 = arith.addi %mul3A_182, %add3A_345 : i32
          %get3A_347 = arith.index_cast %add3A_346 : i32 to index
          %get3A_348 = tpu.vector_load %arg5[%get3A_347] {strides = array<i32>} : memref<8192xi32, #tpu.memory_space<vmem>>, vector<16xi32>,
          %add3A_349 = arith.constant 112 : i32
          %add3A_350 = arith.addi %mul3A_182, %add3A_349 : i32
          %get3A_351 = arith.index_cast %add3A_350 : i32 to index
          %get3A_352 = tpu.vector_load %arg6[%get3A_351] {strides = array<i32>} : memref<8192xf32, #tpu.memory_space<vmem>>, vector<16xf32>,
          %shift_right_logical3A_353 = arith.constant 5 : i32
          %shift_right_logical3A_354 = vector.broadcast %shift_right_logical3A_353 : i32 to vector<16xi32>
          %shift_right_logical3A_355 = arith.shrui %get3A_348, %shift_right_logical3A_354 : vector<16xi32>
          %convert_element_type3A_356 = arith.sitofp %shift_right_logical3A_355 : vector<16xi32> to vector<16xf32>
          %mul3A_357 = arith.constant 0.333333343 : f32
          %mul3A_358 = vector.broadcast %mul3A_357 : f32 to vector<16xf32>
          %mul3A_359 = arith.mulf %convert_element_type3A_356, %mul3A_358 : vector<16xf32>
          %convert_element_type3A_360 = arith.fptosi %mul3A_359 : vector<16xf32> to vector<16xi32>
          %sub3A_361 = vector.broadcast %mul3A_25 : i32 to vector<16xi32>
          %sub3A_362 = arith.subi %convert_element_type3A_360, %sub3A_361 : vector<16xi32>
          %lt3A_363 = arith.constant 87424 : i32
          %lt3A_364 = vector.broadcast %lt3A_363 : i32 to vector<16xi32>
          %lt3A_365 = arith.cmpi ult, %sub3A_362, %lt3A_364 : vector<16xi32>
          %jit3A_366 = arith.constant 0 : i32
          %broadcast_in_dim3A_367 = vector.broadcast %jit3A_366 : i32 to vector<16xi32>
          %select_n3A_368 = arith.select %lt3A_365, %sub3A_362, %broadcast_in_dim3A_367 : vector<16xi1>, vector<16xi32>
          tpu.vector_store_idx %arg9[%select_n3A_368], %get3A_352 masked %lt3A_365 {add = true} : memref<87424xf32, #tpu.memory_space<vmem>>[vector<16xi32>], vector<16xf32>, vector<16xi1>
          %scan3A_369 = arith.constant 0 : i32
          scf.yield %scan3A_369 : i32
        }
        %scan3A_87 = arith.constant 64 : i32
        %add3A_88 = arith.constant 32768 : i32
        %add3A_89 = arith.addi %mul3A_13, %add3A_88 : i32
        %dma_start3A_90 = tpu.memref_slice %arg3[%add3A_89] : memref<12582912xi32, #tpu.memory_space<hbm>> -> memref<8192xi32, #tpu.memory_space<hbm>>
        %dma_start3A_91 = tpu.memref_slice %arg3[%add3A_89] : memref<12582912xi32, #tpu.memory_space<hbm>> -> memref<8192xi32, #tpu.memory_space<hbm>>
        tpu.enqueue_dma source(%dma_start3A_91 : memref<8192xi32, #tpu.memory_space<hbm>>) target(%arg5 : memref<8192xi32, #tpu.memory_space<vmem>>) target_semaphore(%arg10 : memref<!tpu.dma_semaphore, #tpu.memory_space<semaphore_mem>>)
        %dma_start3A_92 = tpu.memref_slice %arg2[%add3A_89] : memref<12582912xf32, #tpu.memory_space<hbm>> -> memref<8192xf32, #tpu.memory_space<hbm>>
        %dma_start3A_93 = tpu.memref_slice %arg2[%add3A_89] : memref<12582912xf32, #tpu.memory_space<hbm>> -> memref<8192xf32, #tpu.memory_space<hbm>>
        tpu.enqueue_dma source(%dma_start3A_93 : memref<8192xf32, #tpu.memory_space<hbm>>) target(%arg6 : memref<8192xf32, #tpu.memory_space<vmem>>) target_semaphore(%arg10 : memref<!tpu.dma_semaphore, #tpu.memory_space<semaphore_mem>>)
        %dma_wait3A_94 = tpu.memref_slice %arg3[%add3A_72] : memref<12582912xi32, #tpu.memory_space<hbm>> -> memref<8192xi32, #tpu.memory_space<hbm>>
        %dma_wait3A_95 = tpu.memref_slice %arg3[%add3A_72] : memref<12582912xi32, #tpu.memory_space<hbm>> -> memref<8192xi32, #tpu.memory_space<hbm>>
        tpu.wait_dma2 semaphore(%arg11 : memref<!tpu.dma_semaphore, #tpu.memory_space<semaphore_mem>>) src(%dma_wait3A_95 : memref<8192xi32, #tpu.memory_space<hbm>>) dst(%arg7 : memref<8192xi32, #tpu.memory_space<vmem>>)
        %dma_wait3A_96 = tpu.memref_slice %arg2[%add3A_72] : memref<12582912xf32, #tpu.memory_space<hbm>> -> memref<8192xf32, #tpu.memory_space<hbm>>
        %dma_wait3A_97 = tpu.memref_slice %arg2[%add3A_72] : memref<12582912xf32, #tpu.memory_space<hbm>> -> memref<8192xf32, #tpu.memory_space<hbm>>
        tpu.wait_dma2 semaphore(%arg11 : memref<!tpu.dma_semaphore, #tpu.memory_space<semaphore_mem>>) src(%dma_wait3A_97 : memref<8192xf32, #tpu.memory_space<hbm>>) dst(%arg8 : memref<8192xf32, #tpu.memory_space<vmem>>)
        %scan3A_98 = arith.constant 0 : i32
        %scan3A_99 = arith.constant 0 : i32
        %scan3A_100 = arith.constant 64 : i32
        %scan3A_101 = arith.addi %scan3A_99, %scan3A_100 : i32
        %scan3A_102 = arith.constant 1 : i32
        %scan3A_103 = scf.for %scan3A_179 = %scan3A_99 to %scan3A_101 step %scan3A_102 iter_args(%scan3A_180 = %scan3A_98) -> (i32)  : i32 {
          %mul3A_181 = arith.constant 128 : i32
          %mul3A_182 = arith.muli %scan3A_179, %mul3A_181 : i32
          %add3A_183 = arith.constant 0 : i32
          %add3A_184 = arith.addi %mul3A_182, %add3A_183 : i32
          %get3A = arith.index_cast %add3A_184 : i32 to index
          %get3A_185 = tpu.vector_load %arg7[%get3A] {strides = array<i32>} : memref<8192xi32, #tpu.memory_space<vmem>>, vector<16xi32>,
          %add3A_186 = arith.constant 0 : i32
          %add3A_187 = arith.addi %mul3A_182, %add3A_186 : i32
          %get3A_188 = arith.index_cast %add3A_187 : i32 to index
          %get3A_189 = tpu.vector_load %arg8[%get3A_188] {strides = array<i32>} : memref<8192xf32, #tpu.memory_space<vmem>>, vector<16xf32>,
          %shift_right_logical3A = arith.constant 5 : i32
          %shift_right_logical3A_190 = vector.broadcast %shift_right_logical3A : i32 to vector<16xi32>
          %shift_right_logical3A_191 = arith.shrui %get3A_185, %shift_right_logical3A_190 : vector<16xi32>
          %convert_element_type3A_192 = arith.sitofp %shift_right_logical3A_191 : vector<16xi32> to vector<16xf32>
          %mul3A_193 = arith.constant 0.333333343 : f32
          %mul3A_194 = vector.broadcast %mul3A_193 : f32 to vector<16xf32>
          %mul3A_195 = arith.mulf %convert_element_type3A_192, %mul3A_194 : vector<16xf32>
          %convert_element_type3A_196 = arith.fptosi %mul3A_195 : vector<16xf32> to vector<16xi32>
          %sub3A = vector.broadcast %mul3A_25 : i32 to vector<16xi32>
          %sub3A_197 = arith.subi %convert_element_type3A_196, %sub3A : vector<16xi32>
          %lt3A_198 = arith.constant 87424 : i32
          %lt3A_199 = vector.broadcast %lt3A_198 : i32 to vector<16xi32>
          %lt3A_200 = arith.cmpi ult, %sub3A_197, %lt3A_199 : vector<16xi32>
          %jit3A = arith.constant 0 : i32
          %broadcast_in_dim3A = vector.broadcast %jit3A : i32 to vector<16xi32>
          %select_n3A = arith.select %lt3A_200, %sub3A_197, %broadcast_in_dim3A : vector<16xi1>, vector<16xi32>
          tpu.vector_store_idx %arg9[%select_n3A], %get3A_189 masked %lt3A_200 {add = true} : memref<87424xf32, #tpu.memory_space<vmem>>[vector<16xi32>], vector<16xf32>, vector<16xi1>
          %add3A_201 = arith.constant 16 : i32
          %add3A_202 = arith.addi %mul3A_182, %add3A_201 : i32
          %get3A_203 = arith.index_cast %add3A_202 : i32 to index
          %get3A_204 = tpu.vector_load %arg7[%get3A_203] {strides = array<i32>} : memref<8192xi32, #tpu.memory_space<vmem>>, vector<16xi32>,
          %add3A_205 = arith.constant 16 : i32
          %add3A_206 = arith.addi %mul3A_182, %add3A_205 : i32
          %get3A_207 = arith.index_cast %add3A_206 : i32 to index
          %get3A_208 = tpu.vector_load %arg8[%get3A_207] {strides = array<i32>} : memref<8192xf32, #tpu.memory_space<vmem>>, vector<16xf32>,
          %shift_right_logical3A_209 = arith.constant 5 : i32
          %shift_right_logical3A_210 = vector.broadcast %shift_right_logical3A_209 : i32 to vector<16xi32>
          %shift_right_logical3A_211 = arith.shrui %get3A_204, %shift_right_logical3A_210 : vector<16xi32>
          %convert_element_type3A_212 = arith.sitofp %shift_right_logical3A_211 : vector<16xi32> to vector<16xf32>
          %mul3A_213 = arith.constant 0.333333343 : f32
          %mul3A_214 = vector.broadcast %mul3A_213 : f32 to vector<16xf32>
          %mul3A_215 = arith.mulf %convert_element_type3A_212, %mul3A_214 : vector<16xf32>
          %convert_element_type3A_216 = arith.fptosi %mul3A_215 : vector<16xf32> to vector<16xi32>
          %sub3A_217 = vector.broadcast %mul3A_25 : i32 to vector<16xi32>
          %sub3A_218 = arith.subi %convert_element_type3A_216, %sub3A_217 : vector<16xi32>
          %lt3A_219 = arith.constant 87424 : i32
          %lt3A_220 = vector.broadcast %lt3A_219 : i32 to vector<16xi32>
          %lt3A_221 = arith.cmpi ult, %sub3A_218, %lt3A_220 : vector<16xi32>
          %jit3A_222 = arith.constant 0 : i32
          %broadcast_in_dim3A_223 = vector.broadcast %jit3A_222 : i32 to vector<16xi32>
          %select_n3A_224 = arith.select %lt3A_221, %sub3A_218, %broadcast_in_dim3A_223 : vector<16xi1>, vector<16xi32>
          tpu.vector_store_idx %arg9[%select_n3A_224], %get3A_208 masked %lt3A_221 {add = true} : memref<87424xf32, #tpu.memory_space<vmem>>[vector<16xi32>], vector<16xf32>, vector<16xi1>
          %add3A_225 = arith.constant 32 : i32
          %add3A_226 = arith.addi %mul3A_182, %add3A_225 : i32
          %get3A_227 = arith.index_cast %add3A_226 : i32 to index
          %get3A_228 = tpu.vector_load %arg7[%get3A_227] {strides = array<i32>} : memref<8192xi32, #tpu.memory_space<vmem>>, vector<16xi32>,
          %add3A_229 = arith.constant 32 : i32
          %add3A_230 = arith.addi %mul3A_182, %add3A_229 : i32
          %get3A_231 = arith.index_cast %add3A_230 : i32 to index
          %get3A_232 = tpu.vector_load %arg8[%get3A_231] {strides = array<i32>} : memref<8192xf32, #tpu.memory_space<vmem>>, vector<16xf32>,
          %shift_right_logical3A_233 = arith.constant 5 : i32
          %shift_right_logical3A_234 = vector.broadcast %shift_right_logical3A_233 : i32 to vector<16xi32>
          %shift_right_logical3A_235 = arith.shrui %get3A_228, %shift_right_logical3A_234 : vector<16xi32>
          %convert_element_type3A_236 = arith.sitofp %shift_right_logical3A_235 : vector<16xi32> to vector<16xf32>
          %mul3A_237 = arith.constant 0.333333343 : f32
          %mul3A_238 = vector.broadcast %mul3A_237 : f32 to vector<16xf32>
          %mul3A_239 = arith.mulf %convert_element_type3A_236, %mul3A_238 : vector<16xf32>
          %convert_element_type3A_240 = arith.fptosi %mul3A_239 : vector<16xf32> to vector<16xi32>
          %sub3A_241 = vector.broadcast %mul3A_25 : i32 to vector<16xi32>
          %sub3A_242 = arith.subi %convert_element_type3A_240, %sub3A_241 : vector<16xi32>
          %lt3A_243 = arith.constant 87424 : i32
          %lt3A_244 = vector.broadcast %lt3A_243 : i32 to vector<16xi32>
          %lt3A_245 = arith.cmpi ult, %sub3A_242, %lt3A_244 : vector<16xi32>
          %jit3A_246 = arith.constant 0 : i32
          %broadcast_in_dim3A_247 = vector.broadcast %jit3A_246 : i32 to vector<16xi32>
          %select_n3A_248 = arith.select %lt3A_245, %sub3A_242, %broadcast_in_dim3A_247 : vector<16xi1>, vector<16xi32>
          tpu.vector_store_idx %arg9[%select_n3A_248], %get3A_232 masked %lt3A_245 {add = true} : memref<87424xf32, #tpu.memory_space<vmem>>[vector<16xi32>], vector<16xf32>, vector<16xi1>
          %add3A_249 = arith.constant 48 : i32
          %add3A_250 = arith.addi %mul3A_182, %add3A_249 : i32
          %get3A_251 = arith.index_cast %add3A_250 : i32 to index
          %get3A_252 = tpu.vector_load %arg7[%get3A_251] {strides = array<i32>} : memref<8192xi32, #tpu.memory_space<vmem>>, vector<16xi32>,
          %add3A_253 = arith.constant 48 : i32
          %add3A_254 = arith.addi %mul3A_182, %add3A_253 : i32
          %get3A_255 = arith.index_cast %add3A_254 : i32 to index
          %get3A_256 = tpu.vector_load %arg8[%get3A_255] {strides = array<i32>} : memref<8192xf32, #tpu.memory_space<vmem>>, vector<16xf32>,
          %shift_right_logical3A_257 = arith.constant 5 : i32
          %shift_right_logical3A_258 = vector.broadcast %shift_right_logical3A_257 : i32 to vector<16xi32>
          %shift_right_logical3A_259 = arith.shrui %get3A_252, %shift_right_logical3A_258 : vector<16xi32>
          %convert_element_type3A_260 = arith.sitofp %shift_right_logical3A_259 : vector<16xi32> to vector<16xf32>
          %mul3A_261 = arith.constant 0.333333343 : f32
          %mul3A_262 = vector.broadcast %mul3A_261 : f32 to vector<16xf32>
          %mul3A_263 = arith.mulf %convert_element_type3A_260, %mul3A_262 : vector<16xf32>
          %convert_element_type3A_264 = arith.fptosi %mul3A_263 : vector<16xf32> to vector<16xi32>
          %sub3A_265 = vector.broadcast %mul3A_25 : i32 to vector<16xi32>
          %sub3A_266 = arith.subi %convert_element_type3A_264, %sub3A_265 : vector<16xi32>
          %lt3A_267 = arith.constant 87424 : i32
          %lt3A_268 = vector.broadcast %lt3A_267 : i32 to vector<16xi32>
          %lt3A_269 = arith.cmpi ult, %sub3A_266, %lt3A_268 : vector<16xi32>
          %jit3A_270 = arith.constant 0 : i32
          %broadcast_in_dim3A_271 = vector.broadcast %jit3A_270 : i32 to vector<16xi32>
          %select_n3A_272 = arith.select %lt3A_269, %sub3A_266, %broadcast_in_dim3A_271 : vector<16xi1>, vector<16xi32>
          tpu.vector_store_idx %arg9[%select_n3A_272], %get3A_256 masked %lt3A_269 {add = true} : memref<87424xf32, #tpu.memory_space<vmem>>[vector<16xi32>], vector<16xf32>, vector<16xi1>
          %add3A_273 = arith.constant 64 : i32
          %add3A_274 = arith.addi %mul3A_182, %add3A_273 : i32
          %get3A_275 = arith.index_cast %add3A_274 : i32 to index
          %get3A_276 = tpu.vector_load %arg7[%get3A_275] {strides = array<i32>} : memref<8192xi32, #tpu.memory_space<vmem>>, vector<16xi32>,
          %add3A_277 = arith.constant 64 : i32
          %add3A_278 = arith.addi %mul3A_182, %add3A_277 : i32
          %get3A_279 = arith.index_cast %add3A_278 : i32 to index
          %get3A_280 = tpu.vector_load %arg8[%get3A_279] {strides = array<i32>} : memref<8192xf32, #tpu.memory_space<vmem>>, vector<16xf32>,
          %shift_right_logical3A_281 = arith.constant 5 : i32
          %shift_right_logical3A_282 = vector.broadcast %shift_right_logical3A_281 : i32 to vector<16xi32>
          %shift_right_logical3A_283 = arith.shrui %get3A_276, %shift_right_logical3A_282 : vector<16xi32>
          %convert_element_type3A_284 = arith.sitofp %shift_right_logical3A_283 : vector<16xi32> to vector<16xf32>
          %mul3A_285 = arith.constant 0.333333343 : f32
          %mul3A_286 = vector.broadcast %mul3A_285 : f32 to vector<16xf32>
          %mul3A_287 = arith.mulf %convert_element_type3A_284, %mul3A_286 : vector<16xf32>
          %convert_element_type3A_288 = arith.fptosi %mul3A_287 : vector<16xf32> to vector<16xi32>
          %sub3A_289 = vector.broadcast %mul3A_25 : i32 to vector<16xi32>
          %sub3A_290 = arith.subi %convert_element_type3A_288, %sub3A_289 : vector<16xi32>
          %lt3A_291 = arith.constant 87424 : i32
          %lt3A_292 = vector.broadcast %lt3A_291 : i32 to vector<16xi32>
          %lt3A_293 = arith.cmpi ult, %sub3A_290, %lt3A_292 : vector<16xi32>
          %jit3A_294 = arith.constant 0 : i32
          %broadcast_in_dim3A_295 = vector.broadcast %jit3A_294 : i32 to vector<16xi32>
          %select_n3A_296 = arith.select %lt3A_293, %sub3A_290, %broadcast_in_dim3A_295 : vector<16xi1>, vector<16xi32>
          tpu.vector_store_idx %arg9[%select_n3A_296], %get3A_280 masked %lt3A_293 {add = true} : memref<87424xf32, #tpu.memory_space<vmem>>[vector<16xi32>], vector<16xf32>, vector<16xi1>
          %add3A_297 = arith.constant 80 : i32
          %add3A_298 = arith.addi %mul3A_182, %add3A_297 : i32
          %get3A_299 = arith.index_cast %add3A_298 : i32 to index
          %get3A_300 = tpu.vector_load %arg7[%get3A_299] {strides = array<i32>} : memref<8192xi32, #tpu.memory_space<vmem>>, vector<16xi32>,
          %add3A_301 = arith.constant 80 : i32
          %add3A_302 = arith.addi %mul3A_182, %add3A_301 : i32
          %get3A_303 = arith.index_cast %add3A_302 : i32 to index
          %get3A_304 = tpu.vector_load %arg8[%get3A_303] {strides = array<i32>} : memref<8192xf32, #tpu.memory_space<vmem>>, vector<16xf32>,
          %shift_right_logical3A_305 = arith.constant 5 : i32
          %shift_right_logical3A_306 = vector.broadcast %shift_right_logical3A_305 : i32 to vector<16xi32>
          %shift_right_logical3A_307 = arith.shrui %get3A_300, %shift_right_logical3A_306 : vector<16xi32>
          %convert_element_type3A_308 = arith.sitofp %shift_right_logical3A_307 : vector<16xi32> to vector<16xf32>
          %mul3A_309 = arith.constant 0.333333343 : f32
          %mul3A_310 = vector.broadcast %mul3A_309 : f32 to vector<16xf32>
          %mul3A_311 = arith.mulf %convert_element_type3A_308, %mul3A_310 : vector<16xf32>
          %convert_element_type3A_312 = arith.fptosi %mul3A_311 : vector<16xf32> to vector<16xi32>
          %sub3A_313 = vector.broadcast %mul3A_25 : i32 to vector<16xi32>
          %sub3A_314 = arith.subi %convert_element_type3A_312, %sub3A_313 : vector<16xi32>
          %lt3A_315 = arith.constant 87424 : i32
          %lt3A_316 = vector.broadcast %lt3A_315 : i32 to vector<16xi32>
          %lt3A_317 = arith.cmpi ult, %sub3A_314, %lt3A_316 : vector<16xi32>
          %jit3A_318 = arith.constant 0 : i32
          %broadcast_in_dim3A_319 = vector.broadcast %jit3A_318 : i32 to vector<16xi32>
          %select_n3A_320 = arith.select %lt3A_317, %sub3A_314, %broadcast_in_dim3A_319 : vector<16xi1>, vector<16xi32>
          tpu.vector_store_idx %arg9[%select_n3A_320], %get3A_304 masked %lt3A_317 {add = true} : memref<87424xf32, #tpu.memory_space<vmem>>[vector<16xi32>], vector<16xf32>, vector<16xi1>
          %add3A_321 = arith.constant 96 : i32
          %add3A_322 = arith.addi %mul3A_182, %add3A_321 : i32
          %get3A_323 = arith.index_cast %add3A_322 : i32 to index
          %get3A_324 = tpu.vector_load %arg7[%get3A_323] {strides = array<i32>} : memref<8192xi32, #tpu.memory_space<vmem>>, vector<16xi32>,
          %add3A_325 = arith.constant 96 : i32
          %add3A_326 = arith.addi %mul3A_182, %add3A_325 : i32
          %get3A_327 = arith.index_cast %add3A_326 : i32 to index
          %get3A_328 = tpu.vector_load %arg8[%get3A_327] {strides = array<i32>} : memref<8192xf32, #tpu.memory_space<vmem>>, vector<16xf32>,
          %shift_right_logical3A_329 = arith.constant 5 : i32
          %shift_right_logical3A_330 = vector.broadcast %shift_right_logical3A_329 : i32 to vector<16xi32>
          %shift_right_logical3A_331 = arith.shrui %get3A_324, %shift_right_logical3A_330 : vector<16xi32>
          %convert_element_type3A_332 = arith.sitofp %shift_right_logical3A_331 : vector<16xi32> to vector<16xf32>
          %mul3A_333 = arith.constant 0.333333343 : f32
          %mul3A_334 = vector.broadcast %mul3A_333 : f32 to vector<16xf32>
          %mul3A_335 = arith.mulf %convert_element_type3A_332, %mul3A_334 : vector<16xf32>
          %convert_element_type3A_336 = arith.fptosi %mul3A_335 : vector<16xf32> to vector<16xi32>
          %sub3A_337 = vector.broadcast %mul3A_25 : i32 to vector<16xi32>
          %sub3A_338 = arith.subi %convert_element_type3A_336, %sub3A_337 : vector<16xi32>
          %lt3A_339 = arith.constant 87424 : i32
          %lt3A_340 = vector.broadcast %lt3A_339 : i32 to vector<16xi32>
          %lt3A_341 = arith.cmpi ult, %sub3A_338, %lt3A_340 : vector<16xi32>
          %jit3A_342 = arith.constant 0 : i32
          %broadcast_in_dim3A_343 = vector.broadcast %jit3A_342 : i32 to vector<16xi32>
          %select_n3A_344 = arith.select %lt3A_341, %sub3A_338, %broadcast_in_dim3A_343 : vector<16xi1>, vector<16xi32>
          tpu.vector_store_idx %arg9[%select_n3A_344], %get3A_328 masked %lt3A_341 {add = true} : memref<87424xf32, #tpu.memory_space<vmem>>[vector<16xi32>], vector<16xf32>, vector<16xi1>
          %add3A_345 = arith.constant 112 : i32
          %add3A_346 = arith.addi %mul3A_182, %add3A_345 : i32
          %get3A_347 = arith.index_cast %add3A_346 : i32 to index
          %get3A_348 = tpu.vector_load %arg7[%get3A_347] {strides = array<i32>} : memref<8192xi32, #tpu.memory_space<vmem>>, vector<16xi32>,
          %add3A_349 = arith.constant 112 : i32
          %add3A_350 = arith.addi %mul3A_182, %add3A_349 : i32
          %get3A_351 = arith.index_cast %add3A_350 : i32 to index
          %get3A_352 = tpu.vector_load %arg8[%get3A_351] {strides = array<i32>} : memref<8192xf32, #tpu.memory_space<vmem>>, vector<16xf32>,
          %shift_right_logical3A_353 = arith.constant 5 : i32
          %shift_right_logical3A_354 = vector.broadcast %shift_right_logical3A_353 : i32 to vector<16xi32>
          %shift_right_logical3A_355 = arith.shrui %get3A_348, %shift_right_logical3A_354 : vector<16xi32>
          %convert_element_type3A_356 = arith.sitofp %shift_right_logical3A_355 : vector<16xi32> to vector<16xf32>
          %mul3A_357 = arith.constant 0.333333343 : f32
          %mul3A_358 = vector.broadcast %mul3A_357 : f32 to vector<16xf32>
          %mul3A_359 = arith.mulf %convert_element_type3A_356, %mul3A_358 : vector<16xf32>
          %convert_element_type3A_360 = arith.fptosi %mul3A_359 : vector<16xf32> to vector<16xi32>
          %sub3A_361 = vector.broadcast %mul3A_25 : i32 to vector<16xi32>
          %sub3A_362 = arith.subi %convert_element_type3A_360, %sub3A_361 : vector<16xi32>
          %lt3A_363 = arith.constant 87424 : i32
          %lt3A_364 = vector.broadcast %lt3A_363 : i32 to vector<16xi32>
          %lt3A_365 = arith.cmpi ult, %sub3A_362, %lt3A_364 : vector<16xi32>
          %jit3A_366 = arith.constant 0 : i32
          %broadcast_in_dim3A_367 = vector.broadcast %jit3A_366 : i32 to vector<16xi32>
          %select_n3A_368 = arith.select %lt3A_365, %sub3A_362, %broadcast_in_dim3A_367 : vector<16xi1>, vector<16xi32>
          tpu.vector_store_idx %arg9[%select_n3A_368], %get3A_352 masked %lt3A_365 {add = true} : memref<87424xf32, #tpu.memory_space<vmem>>[vector<16xi32>], vector<16xf32>, vector<16xi1>
          %scan3A_369 = arith.constant 0 : i32
          scf.yield %scan3A_369 : i32
        }
        %scan3A_104 = arith.constant 64 : i32
        %add3A_105 = arith.constant 40960 : i32
        %add3A_106 = arith.addi %mul3A_13, %add3A_105 : i32
        %dma_start3A_107 = tpu.memref_slice %arg3[%add3A_106] : memref<12582912xi32, #tpu.memory_space<hbm>> -> memref<8192xi32, #tpu.memory_space<hbm>>
        %dma_start3A_108 = tpu.memref_slice %arg3[%add3A_106] : memref<12582912xi32, #tpu.memory_space<hbm>> -> memref<8192xi32, #tpu.memory_space<hbm>>
        tpu.enqueue_dma source(%dma_start3A_108 : memref<8192xi32, #tpu.memory_space<hbm>>) target(%arg7 : memref<8192xi32, #tpu.memory_space<vmem>>) target_semaphore(%arg11 : memref<!tpu.dma_semaphore, #tpu.memory_space<semaphore_mem>>)
        %dma_start3A_109 = tpu.memref_slice %arg2[%add3A_106] : memref<12582912xf32, #tpu.memory_space<hbm>> -> memref<8192xf32, #tpu.memory_space<hbm>>
        %dma_start3A_110 = tpu.memref_slice %arg2[%add3A_106] : memref<12582912xf32, #tpu.memory_space<hbm>> -> memref<8192xf32, #tpu.memory_space<hbm>>
        tpu.enqueue_dma source(%dma_start3A_110 : memref<8192xf32, #tpu.memory_space<hbm>>) target(%arg8 : memref<8192xf32, #tpu.memory_space<vmem>>) target_semaphore(%arg11 : memref<!tpu.dma_semaphore, #tpu.memory_space<semaphore_mem>>)
        %dma_wait3A_111 = tpu.memref_slice %arg3[%add3A_89] : memref<12582912xi32, #tpu.memory_space<hbm>> -> memref<8192xi32, #tpu.memory_space<hbm>>
        %dma_wait3A_112 = tpu.memref_slice %arg3[%add3A_89] : memref<12582912xi32, #tpu.memory_space<hbm>> -> memref<8192xi32, #tpu.memory_space<hbm>>
        tpu.wait_dma2 semaphore(%arg10 : memref<!tpu.dma_semaphore, #tpu.memory_space<semaphore_mem>>) src(%dma_wait3A_112 : memref<8192xi32, #tpu.memory_space<hbm>>) dst(%arg5 : memref<8192xi32, #tpu.memory_space<vmem>>)
        %dma_wait3A_113 = tpu.memref_slice %arg2[%add3A_89] : memref<12582912xf32, #tpu.memory_space<hbm>> -> memref<8192xf32, #tpu.memory_space<hbm>>
        %dma_wait3A_114 = tpu.memref_slice %arg2[%add3A_89] : memref<12582912xf32, #tpu.memory_space<hbm>> -> memref<8192xf32, #tpu.memory_space<hbm>>
        tpu.wait_dma2 semaphore(%arg10 : memref<!tpu.dma_semaphore, #tpu.memory_space<semaphore_mem>>) src(%dma_wait3A_114 : memref<8192xf32, #tpu.memory_space<hbm>>) dst(%arg6 : memref<8192xf32, #tpu.memory_space<vmem>>)
        %scan3A_115 = arith.constant 0 : i32
        %scan3A_116 = arith.constant 0 : i32
        %scan3A_117 = arith.constant 64 : i32
        %scan3A_118 = arith.addi %scan3A_116, %scan3A_117 : i32
        %scan3A_119 = arith.constant 1 : i32
        %scan3A_120 = scf.for %scan3A_179 = %scan3A_116 to %scan3A_118 step %scan3A_119 iter_args(%scan3A_180 = %scan3A_115) -> (i32)  : i32 {
          %mul3A_181 = arith.constant 128 : i32
          %mul3A_182 = arith.muli %scan3A_179, %mul3A_181 : i32
          %add3A_183 = arith.constant 0 : i32
          %add3A_184 = arith.addi %mul3A_182, %add3A_183 : i32
          %get3A = arith.index_cast %add3A_184 : i32 to index
          %get3A_185 = tpu.vector_load %arg5[%get3A] {strides = array<i32>} : memref<8192xi32, #tpu.memory_space<vmem>>, vector<16xi32>,
          %add3A_186 = arith.constant 0 : i32
          %add3A_187 = arith.addi %mul3A_182, %add3A_186 : i32
          %get3A_188 = arith.index_cast %add3A_187 : i32 to index
          %get3A_189 = tpu.vector_load %arg6[%get3A_188] {strides = array<i32>} : memref<8192xf32, #tpu.memory_space<vmem>>, vector<16xf32>,
          %shift_right_logical3A = arith.constant 5 : i32
          %shift_right_logical3A_190 = vector.broadcast %shift_right_logical3A : i32 to vector<16xi32>
          %shift_right_logical3A_191 = arith.shrui %get3A_185, %shift_right_logical3A_190 : vector<16xi32>
          %convert_element_type3A_192 = arith.sitofp %shift_right_logical3A_191 : vector<16xi32> to vector<16xf32>
          %mul3A_193 = arith.constant 0.333333343 : f32
          %mul3A_194 = vector.broadcast %mul3A_193 : f32 to vector<16xf32>
          %mul3A_195 = arith.mulf %convert_element_type3A_192, %mul3A_194 : vector<16xf32>
          %convert_element_type3A_196 = arith.fptosi %mul3A_195 : vector<16xf32> to vector<16xi32>
          %sub3A = vector.broadcast %mul3A_25 : i32 to vector<16xi32>
          %sub3A_197 = arith.subi %convert_element_type3A_196, %sub3A : vector<16xi32>
          %lt3A_198 = arith.constant 87424 : i32
          %lt3A_199 = vector.broadcast %lt3A_198 : i32 to vector<16xi32>
          %lt3A_200 = arith.cmpi ult, %sub3A_197, %lt3A_199 : vector<16xi32>
          %jit3A = arith.constant 0 : i32
          %broadcast_in_dim3A = vector.broadcast %jit3A : i32 to vector<16xi32>
          %select_n3A = arith.select %lt3A_200, %sub3A_197, %broadcast_in_dim3A : vector<16xi1>, vector<16xi32>
          tpu.vector_store_idx %arg9[%select_n3A], %get3A_189 masked %lt3A_200 {add = true} : memref<87424xf32, #tpu.memory_space<vmem>>[vector<16xi32>], vector<16xf32>, vector<16xi1>
          %add3A_201 = arith.constant 16 : i32
          %add3A_202 = arith.addi %mul3A_182, %add3A_201 : i32
          %get3A_203 = arith.index_cast %add3A_202 : i32 to index
          %get3A_204 = tpu.vector_load %arg5[%get3A_203] {strides = array<i32>} : memref<8192xi32, #tpu.memory_space<vmem>>, vector<16xi32>,
          %add3A_205 = arith.constant 16 : i32
          %add3A_206 = arith.addi %mul3A_182, %add3A_205 : i32
          %get3A_207 = arith.index_cast %add3A_206 : i32 to index
          %get3A_208 = tpu.vector_load %arg6[%get3A_207] {strides = array<i32>} : memref<8192xf32, #tpu.memory_space<vmem>>, vector<16xf32>,
          %shift_right_logical3A_209 = arith.constant 5 : i32
          %shift_right_logical3A_210 = vector.broadcast %shift_right_logical3A_209 : i32 to vector<16xi32>
          %shift_right_logical3A_211 = arith.shrui %get3A_204, %shift_right_logical3A_210 : vector<16xi32>
          %convert_element_type3A_212 = arith.sitofp %shift_right_logical3A_211 : vector<16xi32> to vector<16xf32>
          %mul3A_213 = arith.constant 0.333333343 : f32
          %mul3A_214 = vector.broadcast %mul3A_213 : f32 to vector<16xf32>
          %mul3A_215 = arith.mulf %convert_element_type3A_212, %mul3A_214 : vector<16xf32>
          %convert_element_type3A_216 = arith.fptosi %mul3A_215 : vector<16xf32> to vector<16xi32>
          %sub3A_217 = vector.broadcast %mul3A_25 : i32 to vector<16xi32>
          %sub3A_218 = arith.subi %convert_element_type3A_216, %sub3A_217 : vector<16xi32>
          %lt3A_219 = arith.constant 87424 : i32
          %lt3A_220 = vector.broadcast %lt3A_219 : i32 to vector<16xi32>
          %lt3A_221 = arith.cmpi ult, %sub3A_218, %lt3A_220 : vector<16xi32>
          %jit3A_222 = arith.constant 0 : i32
          %broadcast_in_dim3A_223 = vector.broadcast %jit3A_222 : i32 to vector<16xi32>
          %select_n3A_224 = arith.select %lt3A_221, %sub3A_218, %broadcast_in_dim3A_223 : vector<16xi1>, vector<16xi32>
          tpu.vector_store_idx %arg9[%select_n3A_224], %get3A_208 masked %lt3A_221 {add = true} : memref<87424xf32, #tpu.memory_space<vmem>>[vector<16xi32>], vector<16xf32>, vector<16xi1>
          %add3A_225 = arith.constant 32 : i32
          %add3A_226 = arith.addi %mul3A_182, %add3A_225 : i32
          %get3A_227 = arith.index_cast %add3A_226 : i32 to index
          %get3A_228 = tpu.vector_load %arg5[%get3A_227] {strides = array<i32>} : memref<8192xi32, #tpu.memory_space<vmem>>, vector<16xi32>,
          %add3A_229 = arith.constant 32 : i32
          %add3A_230 = arith.addi %mul3A_182, %add3A_229 : i32
          %get3A_231 = arith.index_cast %add3A_230 : i32 to index
          %get3A_232 = tpu.vector_load %arg6[%get3A_231] {strides = array<i32>} : memref<8192xf32, #tpu.memory_space<vmem>>, vector<16xf32>,
          %shift_right_logical3A_233 = arith.constant 5 : i32
          %shift_right_logical3A_234 = vector.broadcast %shift_right_logical3A_233 : i32 to vector<16xi32>
          %shift_right_logical3A_235 = arith.shrui %get3A_228, %shift_right_logical3A_234 : vector<16xi32>
          %convert_element_type3A_236 = arith.sitofp %shift_right_logical3A_235 : vector<16xi32> to vector<16xf32>
          %mul3A_237 = arith.constant 0.333333343 : f32
          %mul3A_238 = vector.broadcast %mul3A_237 : f32 to vector<16xf32>
          %mul3A_239 = arith.mulf %convert_element_type3A_236, %mul3A_238 : vector<16xf32>
          %convert_element_type3A_240 = arith.fptosi %mul3A_239 : vector<16xf32> to vector<16xi32>
          %sub3A_241 = vector.broadcast %mul3A_25 : i32 to vector<16xi32>
          %sub3A_242 = arith.subi %convert_element_type3A_240, %sub3A_241 : vector<16xi32>
          %lt3A_243 = arith.constant 87424 : i32
          %lt3A_244 = vector.broadcast %lt3A_243 : i32 to vector<16xi32>
          %lt3A_245 = arith.cmpi ult, %sub3A_242, %lt3A_244 : vector<16xi32>
          %jit3A_246 = arith.constant 0 : i32
          %broadcast_in_dim3A_247 = vector.broadcast %jit3A_246 : i32 to vector<16xi32>
          %select_n3A_248 = arith.select %lt3A_245, %sub3A_242, %broadcast_in_dim3A_247 : vector<16xi1>, vector<16xi32>
          tpu.vector_store_idx %arg9[%select_n3A_248], %get3A_232 masked %lt3A_245 {add = true} : memref<87424xf32, #tpu.memory_space<vmem>>[vector<16xi32>], vector<16xf32>, vector<16xi1>
          %add3A_249 = arith.constant 48 : i32
          %add3A_250 = arith.addi %mul3A_182, %add3A_249 : i32
          %get3A_251 = arith.index_cast %add3A_250 : i32 to index
          %get3A_252 = tpu.vector_load %arg5[%get3A_251] {strides = array<i32>} : memref<8192xi32, #tpu.memory_space<vmem>>, vector<16xi32>,
          %add3A_253 = arith.constant 48 : i32
          %add3A_254 = arith.addi %mul3A_182, %add3A_253 : i32
          %get3A_255 = arith.index_cast %add3A_254 : i32 to index
          %get3A_256 = tpu.vector_load %arg6[%get3A_255] {strides = array<i32>} : memref<8192xf32, #tpu.memory_space<vmem>>, vector<16xf32>,
          %shift_right_logical3A_257 = arith.constant 5 : i32
          %shift_right_logical3A_258 = vector.broadcast %shift_right_logical3A_257 : i32 to vector<16xi32>
          %shift_right_logical3A_259 = arith.shrui %get3A_252, %shift_right_logical3A_258 : vector<16xi32>
          %convert_element_type3A_260 = arith.sitofp %shift_right_logical3A_259 : vector<16xi32> to vector<16xf32>
          %mul3A_261 = arith.constant 0.333333343 : f32
          %mul3A_262 = vector.broadcast %mul3A_261 : f32 to vector<16xf32>
          %mul3A_263 = arith.mulf %convert_element_type3A_260, %mul3A_262 : vector<16xf32>
          %convert_element_type3A_264 = arith.fptosi %mul3A_263 : vector<16xf32> to vector<16xi32>
          %sub3A_265 = vector.broadcast %mul3A_25 : i32 to vector<16xi32>
          %sub3A_266 = arith.subi %convert_element_type3A_264, %sub3A_265 : vector<16xi32>
          %lt3A_267 = arith.constant 87424 : i32
          %lt3A_268 = vector.broadcast %lt3A_267 : i32 to vector<16xi32>
          %lt3A_269 = arith.cmpi ult, %sub3A_266, %lt3A_268 : vector<16xi32>
          %jit3A_270 = arith.constant 0 : i32
          %broadcast_in_dim3A_271 = vector.broadcast %jit3A_270 : i32 to vector<16xi32>
          %select_n3A_272 = arith.select %lt3A_269, %sub3A_266, %broadcast_in_dim3A_271 : vector<16xi1>, vector<16xi32>
          tpu.vector_store_idx %arg9[%select_n3A_272], %get3A_256 masked %lt3A_269 {add = true} : memref<87424xf32, #tpu.memory_space<vmem>>[vector<16xi32>], vector<16xf32>, vector<16xi1>
          %add3A_273 = arith.constant 64 : i32
          %add3A_274 = arith.addi %mul3A_182, %add3A_273 : i32
          %get3A_275 = arith.index_cast %add3A_274 : i32 to index
          %get3A_276 = tpu.vector_load %arg5[%get3A_275] {strides = array<i32>} : memref<8192xi32, #tpu.memory_space<vmem>>, vector<16xi32>,
          %add3A_277 = arith.constant 64 : i32
          %add3A_278 = arith.addi %mul3A_182, %add3A_277 : i32
          %get3A_279 = arith.index_cast %add3A_278 : i32 to index
          %get3A_280 = tpu.vector_load %arg6[%get3A_279] {strides = array<i32>} : memref<8192xf32, #tpu.memory_space<vmem>>, vector<16xf32>,
          %shift_right_logical3A_281 = arith.constant 5 : i32
          %shift_right_logical3A_282 = vector.broadcast %shift_right_logical3A_281 : i32 to vector<16xi32>
          %shift_right_logical3A_283 = arith.shrui %get3A_276, %shift_right_logical3A_282 : vector<16xi32>
          %convert_element_type3A_284 = arith.sitofp %shift_right_logical3A_283 : vector<16xi32> to vector<16xf32>
          %mul3A_285 = arith.constant 0.333333343 : f32
          %mul3A_286 = vector.broadcast %mul3A_285 : f32 to vector<16xf32>
          %mul3A_287 = arith.mulf %convert_element_type3A_284, %mul3A_286 : vector<16xf32>
          %convert_element_type3A_288 = arith.fptosi %mul3A_287 : vector<16xf32> to vector<16xi32>
          %sub3A_289 = vector.broadcast %mul3A_25 : i32 to vector<16xi32>
          %sub3A_290 = arith.subi %convert_element_type3A_288, %sub3A_289 : vector<16xi32>
          %lt3A_291 = arith.constant 87424 : i32
          %lt3A_292 = vector.broadcast %lt3A_291 : i32 to vector<16xi32>
          %lt3A_293 = arith.cmpi ult, %sub3A_290, %lt3A_292 : vector<16xi32>
          %jit3A_294 = arith.constant 0 : i32
          %broadcast_in_dim3A_295 = vector.broadcast %jit3A_294 : i32 to vector<16xi32>
          %select_n3A_296 = arith.select %lt3A_293, %sub3A_290, %broadcast_in_dim3A_295 : vector<16xi1>, vector<16xi32>
          tpu.vector_store_idx %arg9[%select_n3A_296], %get3A_280 masked %lt3A_293 {add = true} : memref<87424xf32, #tpu.memory_space<vmem>>[vector<16xi32>], vector<16xf32>, vector<16xi1>
          %add3A_297 = arith.constant 80 : i32
          %add3A_298 = arith.addi %mul3A_182, %add3A_297 : i32
          %get3A_299 = arith.index_cast %add3A_298 : i32 to index
          %get3A_300 = tpu.vector_load %arg5[%get3A_299] {strides = array<i32>} : memref<8192xi32, #tpu.memory_space<vmem>>, vector<16xi32>,
          %add3A_301 = arith.constant 80 : i32
          %add3A_302 = arith.addi %mul3A_182, %add3A_301 : i32
          %get3A_303 = arith.index_cast %add3A_302 : i32 to index
          %get3A_304 = tpu.vector_load %arg6[%get3A_303] {strides = array<i32>} : memref<8192xf32, #tpu.memory_space<vmem>>, vector<16xf32>,
          %shift_right_logical3A_305 = arith.constant 5 : i32
          %shift_right_logical3A_306 = vector.broadcast %shift_right_logical3A_305 : i32 to vector<16xi32>
          %shift_right_logical3A_307 = arith.shrui %get3A_300, %shift_right_logical3A_306 : vector<16xi32>
          %convert_element_type3A_308 = arith.sitofp %shift_right_logical3A_307 : vector<16xi32> to vector<16xf32>
          %mul3A_309 = arith.constant 0.333333343 : f32
          %mul3A_310 = vector.broadcast %mul3A_309 : f32 to vector<16xf32>
          %mul3A_311 = arith.mulf %convert_element_type3A_308, %mul3A_310 : vector<16xf32>
          %convert_element_type3A_312 = arith.fptosi %mul3A_311 : vector<16xf32> to vector<16xi32>
          %sub3A_313 = vector.broadcast %mul3A_25 : i32 to vector<16xi32>
          %sub3A_314 = arith.subi %convert_element_type3A_312, %sub3A_313 : vector<16xi32>
          %lt3A_315 = arith.constant 87424 : i32
          %lt3A_316 = vector.broadcast %lt3A_315 : i32 to vector<16xi32>
          %lt3A_317 = arith.cmpi ult, %sub3A_314, %lt3A_316 : vector<16xi32>
          %jit3A_318 = arith.constant 0 : i32
          %broadcast_in_dim3A_319 = vector.broadcast %jit3A_318 : i32 to vector<16xi32>
          %select_n3A_320 = arith.select %lt3A_317, %sub3A_314, %broadcast_in_dim3A_319 : vector<16xi1>, vector<16xi32>
          tpu.vector_store_idx %arg9[%select_n3A_320], %get3A_304 masked %lt3A_317 {add = true} : memref<87424xf32, #tpu.memory_space<vmem>>[vector<16xi32>], vector<16xf32>, vector<16xi1>
          %add3A_321 = arith.constant 96 : i32
          %add3A_322 = arith.addi %mul3A_182, %add3A_321 : i32
          %get3A_323 = arith.index_cast %add3A_322 : i32 to index
          %get3A_324 = tpu.vector_load %arg5[%get3A_323] {strides = array<i32>} : memref<8192xi32, #tpu.memory_space<vmem>>, vector<16xi32>,
          %add3A_325 = arith.constant 96 : i32
          %add3A_326 = arith.addi %mul3A_182, %add3A_325 : i32
          %get3A_327 = arith.index_cast %add3A_326 : i32 to index
          %get3A_328 = tpu.vector_load %arg6[%get3A_327] {strides = array<i32>} : memref<8192xf32, #tpu.memory_space<vmem>>, vector<16xf32>,
          %shift_right_logical3A_329 = arith.constant 5 : i32
          %shift_right_logical3A_330 = vector.broadcast %shift_right_logical3A_329 : i32 to vector<16xi32>
          %shift_right_logical3A_331 = arith.shrui %get3A_324, %shift_right_logical3A_330 : vector<16xi32>
          %convert_element_type3A_332 = arith.sitofp %shift_right_logical3A_331 : vector<16xi32> to vector<16xf32>
          %mul3A_333 = arith.constant 0.333333343 : f32
          %mul3A_334 = vector.broadcast %mul3A_333 : f32 to vector<16xf32>
          %mul3A_335 = arith.mulf %convert_element_type3A_332, %mul3A_334 : vector<16xf32>
          %convert_element_type3A_336 = arith.fptosi %mul3A_335 : vector<16xf32> to vector<16xi32>
          %sub3A_337 = vector.broadcast %mul3A_25 : i32 to vector<16xi32>
          %sub3A_338 = arith.subi %convert_element_type3A_336, %sub3A_337 : vector<16xi32>
          %lt3A_339 = arith.constant 87424 : i32
          %lt3A_340 = vector.broadcast %lt3A_339 : i32 to vector<16xi32>
          %lt3A_341 = arith.cmpi ult, %sub3A_338, %lt3A_340 : vector<16xi32>
          %jit3A_342 = arith.constant 0 : i32
          %broadcast_in_dim3A_343 = vector.broadcast %jit3A_342 : i32 to vector<16xi32>
          %select_n3A_344 = arith.select %lt3A_341, %sub3A_338, %broadcast_in_dim3A_343 : vector<16xi1>, vector<16xi32>
          tpu.vector_store_idx %arg9[%select_n3A_344], %get3A_328 masked %lt3A_341 {add = true} : memref<87424xf32, #tpu.memory_space<vmem>>[vector<16xi32>], vector<16xf32>, vector<16xi1>
          %add3A_345 = arith.constant 112 : i32
          %add3A_346 = arith.addi %mul3A_182, %add3A_345 : i32
          %get3A_347 = arith.index_cast %add3A_346 : i32 to index
          %get3A_348 = tpu.vector_load %arg5[%get3A_347] {strides = array<i32>} : memref<8192xi32, #tpu.memory_space<vmem>>, vector<16xi32>,
          %add3A_349 = arith.constant 112 : i32
          %add3A_350 = arith.addi %mul3A_182, %add3A_349 : i32
          %get3A_351 = arith.index_cast %add3A_350 : i32 to index
          %get3A_352 = tpu.vector_load %arg6[%get3A_351] {strides = array<i32>} : memref<8192xf32, #tpu.memory_space<vmem>>, vector<16xf32>,
          %shift_right_logical3A_353 = arith.constant 5 : i32
          %shift_right_logical3A_354 = vector.broadcast %shift_right_logical3A_353 : i32 to vector<16xi32>
          %shift_right_logical3A_355 = arith.shrui %get3A_348, %shift_right_logical3A_354 : vector<16xi32>
          %convert_element_type3A_356 = arith.sitofp %shift_right_logical3A_355 : vector<16xi32> to vector<16xf32>
          %mul3A_357 = arith.constant 0.333333343 : f32
          %mul3A_358 = vector.broadcast %mul3A_357 : f32 to vector<16xf32>
          %mul3A_359 = arith.mulf %convert_element_type3A_356, %mul3A_358 : vector<16xf32>
          %convert_element_type3A_360 = arith.fptosi %mul3A_359 : vector<16xf32> to vector<16xi32>
          %sub3A_361 = vector.broadcast %mul3A_25 : i32 to vector<16xi32>
          %sub3A_362 = arith.subi %convert_element_type3A_360, %sub3A_361 : vector<16xi32>
          %lt3A_363 = arith.constant 87424 : i32
          %lt3A_364 = vector.broadcast %lt3A_363 : i32 to vector<16xi32>
          %lt3A_365 = arith.cmpi ult, %sub3A_362, %lt3A_364 : vector<16xi32>
          %jit3A_366 = arith.constant 0 : i32
          %broadcast_in_dim3A_367 = vector.broadcast %jit3A_366 : i32 to vector<16xi32>
          %select_n3A_368 = arith.select %lt3A_365, %sub3A_362, %broadcast_in_dim3A_367 : vector<16xi1>, vector<16xi32>
          tpu.vector_store_idx %arg9[%select_n3A_368], %get3A_352 masked %lt3A_365 {add = true} : memref<87424xf32, #tpu.memory_space<vmem>>[vector<16xi32>], vector<16xf32>, vector<16xi1>
          %scan3A_369 = arith.constant 0 : i32
          scf.yield %scan3A_369 : i32
        }
        %scan3A_121 = arith.constant 64 : i32
        %add3A_122 = arith.constant 49152 : i32
        %add3A_123 = arith.addi %mul3A_13, %add3A_122 : i32
        %dma_start3A_124 = tpu.memref_slice %arg3[%add3A_123] : memref<12582912xi32, #tpu.memory_space<hbm>> -> memref<8192xi32, #tpu.memory_space<hbm>>
        %dma_start3A_125 = tpu.memref_slice %arg3[%add3A_123] : memref<12582912xi32, #tpu.memory_space<hbm>> -> memref<8192xi32, #tpu.memory_space<hbm>>
        tpu.enqueue_dma source(%dma_start3A_125 : memref<8192xi32, #tpu.memory_space<hbm>>) target(%arg5 : memref<8192xi32, #tpu.memory_space<vmem>>) target_semaphore(%arg10 : memref<!tpu.dma_semaphore, #tpu.memory_space<semaphore_mem>>)
        %dma_start3A_126 = tpu.memref_slice %arg2[%add3A_123] : memref<12582912xf32, #tpu.memory_space<hbm>> -> memref<8192xf32, #tpu.memory_space<hbm>>
        %dma_start3A_127 = tpu.memref_slice %arg2[%add3A_123] : memref<12582912xf32, #tpu.memory_space<hbm>> -> memref<8192xf32, #tpu.memory_space<hbm>>
        tpu.enqueue_dma source(%dma_start3A_127 : memref<8192xf32, #tpu.memory_space<hbm>>) target(%arg6 : memref<8192xf32, #tpu.memory_space<vmem>>) target_semaphore(%arg10 : memref<!tpu.dma_semaphore, #tpu.memory_space<semaphore_mem>>)
        %dma_wait3A_128 = tpu.memref_slice %arg3[%add3A_106] : memref<12582912xi32, #tpu.memory_space<hbm>> -> memref<8192xi32, #tpu.memory_space<hbm>>
        %dma_wait3A_129 = tpu.memref_slice %arg3[%add3A_106] : memref<12582912xi32, #tpu.memory_space<hbm>> -> memref<8192xi32, #tpu.memory_space<hbm>>
        tpu.wait_dma2 semaphore(%arg11 : memref<!tpu.dma_semaphore, #tpu.memory_space<semaphore_mem>>) src(%dma_wait3A_129 : memref<8192xi32, #tpu.memory_space<hbm>>) dst(%arg7 : memref<8192xi32, #tpu.memory_space<vmem>>)
        %dma_wait3A_130 = tpu.memref_slice %arg2[%add3A_106] : memref<12582912xf32, #tpu.memory_space<hbm>> -> memref<8192xf32, #tpu.memory_space<hbm>>
        %dma_wait3A_131 = tpu.memref_slice %arg2[%add3A_106] : memref<12582912xf32, #tpu.memory_space<hbm>> -> memref<8192xf32, #tpu.memory_space<hbm>>
        tpu.wait_dma2 semaphore(%arg11 : memref<!tpu.dma_semaphore, #tpu.memory_space<semaphore_mem>>) src(%dma_wait3A_131 : memref<8192xf32, #tpu.memory_space<hbm>>) dst(%arg8 : memref<8192xf32, #tpu.memory_space<vmem>>)
        %scan3A_132 = arith.constant 0 : i32
        %scan3A_133 = arith.constant 0 : i32
        %scan3A_134 = arith.constant 64 : i32
        %scan3A_135 = arith.addi %scan3A_133, %scan3A_134 : i32
        %scan3A_136 = arith.constant 1 : i32
        %scan3A_137 = scf.for %scan3A_179 = %scan3A_133 to %scan3A_135 step %scan3A_136 iter_args(%scan3A_180 = %scan3A_132) -> (i32)  : i32 {
          %mul3A_181 = arith.constant 128 : i32
          %mul3A_182 = arith.muli %scan3A_179, %mul3A_181 : i32
          %add3A_183 = arith.constant 0 : i32
          %add3A_184 = arith.addi %mul3A_182, %add3A_183 : i32
          %get3A = arith.index_cast %add3A_184 : i32 to index
          %get3A_185 = tpu.vector_load %arg7[%get3A] {strides = array<i32>} : memref<8192xi32, #tpu.memory_space<vmem>>, vector<16xi32>,
          %add3A_186 = arith.constant 0 : i32
          %add3A_187 = arith.addi %mul3A_182, %add3A_186 : i32
          %get3A_188 = arith.index_cast %add3A_187 : i32 to index
          %get3A_189 = tpu.vector_load %arg8[%get3A_188] {strides = array<i32>} : memref<8192xf32, #tpu.memory_space<vmem>>, vector<16xf32>,
          %shift_right_logical3A = arith.constant 5 : i32
          %shift_right_logical3A_190 = vector.broadcast %shift_right_logical3A : i32 to vector<16xi32>
          %shift_right_logical3A_191 = arith.shrui %get3A_185, %shift_right_logical3A_190 : vector<16xi32>
          %convert_element_type3A_192 = arith.sitofp %shift_right_logical3A_191 : vector<16xi32> to vector<16xf32>
          %mul3A_193 = arith.constant 0.333333343 : f32
          %mul3A_194 = vector.broadcast %mul3A_193 : f32 to vector<16xf32>
          %mul3A_195 = arith.mulf %convert_element_type3A_192, %mul3A_194 : vector<16xf32>
          %convert_element_type3A_196 = arith.fptosi %mul3A_195 : vector<16xf32> to vector<16xi32>
          %sub3A = vector.broadcast %mul3A_25 : i32 to vector<16xi32>
          %sub3A_197 = arith.subi %convert_element_type3A_196, %sub3A : vector<16xi32>
          %lt3A_198 = arith.constant 87424 : i32
          %lt3A_199 = vector.broadcast %lt3A_198 : i32 to vector<16xi32>
          %lt3A_200 = arith.cmpi ult, %sub3A_197, %lt3A_199 : vector<16xi32>
          %jit3A = arith.constant 0 : i32
          %broadcast_in_dim3A = vector.broadcast %jit3A : i32 to vector<16xi32>
          %select_n3A = arith.select %lt3A_200, %sub3A_197, %broadcast_in_dim3A : vector<16xi1>, vector<16xi32>
          tpu.vector_store_idx %arg9[%select_n3A], %get3A_189 masked %lt3A_200 {add = true} : memref<87424xf32, #tpu.memory_space<vmem>>[vector<16xi32>], vector<16xf32>, vector<16xi1>
          %add3A_201 = arith.constant 16 : i32
          %add3A_202 = arith.addi %mul3A_182, %add3A_201 : i32
          %get3A_203 = arith.index_cast %add3A_202 : i32 to index
          %get3A_204 = tpu.vector_load %arg7[%get3A_203] {strides = array<i32>} : memref<8192xi32, #tpu.memory_space<vmem>>, vector<16xi32>,
          %add3A_205 = arith.constant 16 : i32
          %add3A_206 = arith.addi %mul3A_182, %add3A_205 : i32
          %get3A_207 = arith.index_cast %add3A_206 : i32 to index
          %get3A_208 = tpu.vector_load %arg8[%get3A_207] {strides = array<i32>} : memref<8192xf32, #tpu.memory_space<vmem>>, vector<16xf32>,
          %shift_right_logical3A_209 = arith.constant 5 : i32
          %shift_right_logical3A_210 = vector.broadcast %shift_right_logical3A_209 : i32 to vector<16xi32>
          %shift_right_logical3A_211 = arith.shrui %get3A_204, %shift_right_logical3A_210 : vector<16xi32>
          %convert_element_type3A_212 = arith.sitofp %shift_right_logical3A_211 : vector<16xi32> to vector<16xf32>
          %mul3A_213 = arith.constant 0.333333343 : f32
          %mul3A_214 = vector.broadcast %mul3A_213 : f32 to vector<16xf32>
          %mul3A_215 = arith.mulf %convert_element_type3A_212, %mul3A_214 : vector<16xf32>
          %convert_element_type3A_216 = arith.fptosi %mul3A_215 : vector<16xf32> to vector<16xi32>
          %sub3A_217 = vector.broadcast %mul3A_25 : i32 to vector<16xi32>
          %sub3A_218 = arith.subi %convert_element_type3A_216, %sub3A_217 : vector<16xi32>
          %lt3A_219 = arith.constant 87424 : i32
          %lt3A_220 = vector.broadcast %lt3A_219 : i32 to vector<16xi32>
          %lt3A_221 = arith.cmpi ult, %sub3A_218, %lt3A_220 : vector<16xi32>
          %jit3A_222 = arith.constant 0 : i32
          %broadcast_in_dim3A_223 = vector.broadcast %jit3A_222 : i32 to vector<16xi32>
          %select_n3A_224 = arith.select %lt3A_221, %sub3A_218, %broadcast_in_dim3A_223 : vector<16xi1>, vector<16xi32>
          tpu.vector_store_idx %arg9[%select_n3A_224], %get3A_208 masked %lt3A_221 {add = true} : memref<87424xf32, #tpu.memory_space<vmem>>[vector<16xi32>], vector<16xf32>, vector<16xi1>
          %add3A_225 = arith.constant 32 : i32
          %add3A_226 = arith.addi %mul3A_182, %add3A_225 : i32
          %get3A_227 = arith.index_cast %add3A_226 : i32 to index
          %get3A_228 = tpu.vector_load %arg7[%get3A_227] {strides = array<i32>} : memref<8192xi32, #tpu.memory_space<vmem>>, vector<16xi32>,
          %add3A_229 = arith.constant 32 : i32
          %add3A_230 = arith.addi %mul3A_182, %add3A_229 : i32
          %get3A_231 = arith.index_cast %add3A_230 : i32 to index
          %get3A_232 = tpu.vector_load %arg8[%get3A_231] {strides = array<i32>} : memref<8192xf32, #tpu.memory_space<vmem>>, vector<16xf32>,
          %shift_right_logical3A_233 = arith.constant 5 : i32
          %shift_right_logical3A_234 = vector.broadcast %shift_right_logical3A_233 : i32 to vector<16xi32>
          %shift_right_logical3A_235 = arith.shrui %get3A_228, %shift_right_logical3A_234 : vector<16xi32>
          %convert_element_type3A_236 = arith.sitofp %shift_right_logical3A_235 : vector<16xi32> to vector<16xf32>
          %mul3A_237 = arith.constant 0.333333343 : f32
          %mul3A_238 = vector.broadcast %mul3A_237 : f32 to vector<16xf32>
          %mul3A_239 = arith.mulf %convert_element_type3A_236, %mul3A_238 : vector<16xf32>
          %convert_element_type3A_240 = arith.fptosi %mul3A_239 : vector<16xf32> to vector<16xi32>
          %sub3A_241 = vector.broadcast %mul3A_25 : i32 to vector<16xi32>
          %sub3A_242 = arith.subi %convert_element_type3A_240, %sub3A_241 : vector<16xi32>
          %lt3A_243 = arith.constant 87424 : i32
          %lt3A_244 = vector.broadcast %lt3A_243 : i32 to vector<16xi32>
          %lt3A_245 = arith.cmpi ult, %sub3A_242, %lt3A_244 : vector<16xi32>
          %jit3A_246 = arith.constant 0 : i32
          %broadcast_in_dim3A_247 = vector.broadcast %jit3A_246 : i32 to vector<16xi32>
          %select_n3A_248 = arith.select %lt3A_245, %sub3A_242, %broadcast_in_dim3A_247 : vector<16xi1>, vector<16xi32>
          tpu.vector_store_idx %arg9[%select_n3A_248], %get3A_232 masked %lt3A_245 {add = true} : memref<87424xf32, #tpu.memory_space<vmem>>[vector<16xi32>], vector<16xf32>, vector<16xi1>
          %add3A_249 = arith.constant 48 : i32
          %add3A_250 = arith.addi %mul3A_182, %add3A_249 : i32
          %get3A_251 = arith.index_cast %add3A_250 : i32 to index
          %get3A_252 = tpu.vector_load %arg7[%get3A_251] {strides = array<i32>} : memref<8192xi32, #tpu.memory_space<vmem>>, vector<16xi32>,
          %add3A_253 = arith.constant 48 : i32
          %add3A_254 = arith.addi %mul3A_182, %add3A_253 : i32
          %get3A_255 = arith.index_cast %add3A_254 : i32 to index
          %get3A_256 = tpu.vector_load %arg8[%get3A_255] {strides = array<i32>} : memref<8192xf32, #tpu.memory_space<vmem>>, vector<16xf32>,
          %shift_right_logical3A_257 = arith.constant 5 : i32
          %shift_right_logical3A_258 = vector.broadcast %shift_right_logical3A_257 : i32 to vector<16xi32>
          %shift_right_logical3A_259 = arith.shrui %get3A_252, %shift_right_logical3A_258 : vector<16xi32>
          %convert_element_type3A_260 = arith.sitofp %shift_right_logical3A_259 : vector<16xi32> to vector<16xf32>
          %mul3A_261 = arith.constant 0.333333343 : f32
          %mul3A_262 = vector.broadcast %mul3A_261 : f32 to vector<16xf32>
          %mul3A_263 = arith.mulf %convert_element_type3A_260, %mul3A_262 : vector<16xf32>
          %convert_element_type3A_264 = arith.fptosi %mul3A_263 : vector<16xf32> to vector<16xi32>
          %sub3A_265 = vector.broadcast %mul3A_25 : i32 to vector<16xi32>
          %sub3A_266 = arith.subi %convert_element_type3A_264, %sub3A_265 : vector<16xi32>
          %lt3A_267 = arith.constant 87424 : i32
          %lt3A_268 = vector.broadcast %lt3A_267 : i32 to vector<16xi32>
          %lt3A_269 = arith.cmpi ult, %sub3A_266, %lt3A_268 : vector<16xi32>
          %jit3A_270 = arith.constant 0 : i32
          %broadcast_in_dim3A_271 = vector.broadcast %jit3A_270 : i32 to vector<16xi32>
          %select_n3A_272 = arith.select %lt3A_269, %sub3A_266, %broadcast_in_dim3A_271 : vector<16xi1>, vector<16xi32>
          tpu.vector_store_idx %arg9[%select_n3A_272], %get3A_256 masked %lt3A_269 {add = true} : memref<87424xf32, #tpu.memory_space<vmem>>[vector<16xi32>], vector<16xf32>, vector<16xi1>
          %add3A_273 = arith.constant 64 : i32
          %add3A_274 = arith.addi %mul3A_182, %add3A_273 : i32
          %get3A_275 = arith.index_cast %add3A_274 : i32 to index
          %get3A_276 = tpu.vector_load %arg7[%get3A_275] {strides = array<i32>} : memref<8192xi32, #tpu.memory_space<vmem>>, vector<16xi32>,
          %add3A_277 = arith.constant 64 : i32
          %add3A_278 = arith.addi %mul3A_182, %add3A_277 : i32
          %get3A_279 = arith.index_cast %add3A_278 : i32 to index
          %get3A_280 = tpu.vector_load %arg8[%get3A_279] {strides = array<i32>} : memref<8192xf32, #tpu.memory_space<vmem>>, vector<16xf32>,
          %shift_right_logical3A_281 = arith.constant 5 : i32
          %shift_right_logical3A_282 = vector.broadcast %shift_right_logical3A_281 : i32 to vector<16xi32>
          %shift_right_logical3A_283 = arith.shrui %get3A_276, %shift_right_logical3A_282 : vector<16xi32>
          %convert_element_type3A_284 = arith.sitofp %shift_right_logical3A_283 : vector<16xi32> to vector<16xf32>
          %mul3A_285 = arith.constant 0.333333343 : f32
          %mul3A_286 = vector.broadcast %mul3A_285 : f32 to vector<16xf32>
          %mul3A_287 = arith.mulf %convert_element_type3A_284, %mul3A_286 : vector<16xf32>
          %convert_element_type3A_288 = arith.fptosi %mul3A_287 : vector<16xf32> to vector<16xi32>
          %sub3A_289 = vector.broadcast %mul3A_25 : i32 to vector<16xi32>
          %sub3A_290 = arith.subi %convert_element_type3A_288, %sub3A_289 : vector<16xi32>
          %lt3A_291 = arith.constant 87424 : i32
          %lt3A_292 = vector.broadcast %lt3A_291 : i32 to vector<16xi32>
          %lt3A_293 = arith.cmpi ult, %sub3A_290, %lt3A_292 : vector<16xi32>
          %jit3A_294 = arith.constant 0 : i32
          %broadcast_in_dim3A_295 = vector.broadcast %jit3A_294 : i32 to vector<16xi32>
          %select_n3A_296 = arith.select %lt3A_293, %sub3A_290, %broadcast_in_dim3A_295 : vector<16xi1>, vector<16xi32>
          tpu.vector_store_idx %arg9[%select_n3A_296], %get3A_280 masked %lt3A_293 {add = true} : memref<87424xf32, #tpu.memory_space<vmem>>[vector<16xi32>], vector<16xf32>, vector<16xi1>
          %add3A_297 = arith.constant 80 : i32
          %add3A_298 = arith.addi %mul3A_182, %add3A_297 : i32
          %get3A_299 = arith.index_cast %add3A_298 : i32 to index
          %get3A_300 = tpu.vector_load %arg7[%get3A_299] {strides = array<i32>} : memref<8192xi32, #tpu.memory_space<vmem>>, vector<16xi32>,
          %add3A_301 = arith.constant 80 : i32
          %add3A_302 = arith.addi %mul3A_182, %add3A_301 : i32
          %get3A_303 = arith.index_cast %add3A_302 : i32 to index
          %get3A_304 = tpu.vector_load %arg8[%get3A_303] {strides = array<i32>} : memref<8192xf32, #tpu.memory_space<vmem>>, vector<16xf32>,
          %shift_right_logical3A_305 = arith.constant 5 : i32
          %shift_right_logical3A_306 = vector.broadcast %shift_right_logical3A_305 : i32 to vector<16xi32>
          %shift_right_logical3A_307 = arith.shrui %get3A_300, %shift_right_logical3A_306 : vector<16xi32>
          %convert_element_type3A_308 = arith.sitofp %shift_right_logical3A_307 : vector<16xi32> to vector<16xf32>
          %mul3A_309 = arith.constant 0.333333343 : f32
          %mul3A_310 = vector.broadcast %mul3A_309 : f32 to vector<16xf32>
          %mul3A_311 = arith.mulf %convert_element_type3A_308, %mul3A_310 : vector<16xf32>
          %convert_element_type3A_312 = arith.fptosi %mul3A_311 : vector<16xf32> to vector<16xi32>
          %sub3A_313 = vector.broadcast %mul3A_25 : i32 to vector<16xi32>
          %sub3A_314 = arith.subi %convert_element_type3A_312, %sub3A_313 : vector<16xi32>
          %lt3A_315 = arith.constant 87424 : i32
          %lt3A_316 = vector.broadcast %lt3A_315 : i32 to vector<16xi32>
          %lt3A_317 = arith.cmpi ult, %sub3A_314, %lt3A_316 : vector<16xi32>
          %jit3A_318 = arith.constant 0 : i32
          %broadcast_in_dim3A_319 = vector.broadcast %jit3A_318 : i32 to vector<16xi32>
          %select_n3A_320 = arith.select %lt3A_317, %sub3A_314, %broadcast_in_dim3A_319 : vector<16xi1>, vector<16xi32>
          tpu.vector_store_idx %arg9[%select_n3A_320], %get3A_304 masked %lt3A_317 {add = true} : memref<87424xf32, #tpu.memory_space<vmem>>[vector<16xi32>], vector<16xf32>, vector<16xi1>
          %add3A_321 = arith.constant 96 : i32
          %add3A_322 = arith.addi %mul3A_182, %add3A_321 : i32
          %get3A_323 = arith.index_cast %add3A_322 : i32 to index
          %get3A_324 = tpu.vector_load %arg7[%get3A_323] {strides = array<i32>} : memref<8192xi32, #tpu.memory_space<vmem>>, vector<16xi32>,
          %add3A_325 = arith.constant 96 : i32
          %add3A_326 = arith.addi %mul3A_182, %add3A_325 : i32
          %get3A_327 = arith.index_cast %add3A_326 : i32 to index
          %get3A_328 = tpu.vector_load %arg8[%get3A_327] {strides = array<i32>} : memref<8192xf32, #tpu.memory_space<vmem>>, vector<16xf32>,
          %shift_right_logical3A_329 = arith.constant 5 : i32
          %shift_right_logical3A_330 = vector.broadcast %shift_right_logical3A_329 : i32 to vector<16xi32>
          %shift_right_logical3A_331 = arith.shrui %get3A_324, %shift_right_logical3A_330 : vector<16xi32>
          %convert_element_type3A_332 = arith.sitofp %shift_right_logical3A_331 : vector<16xi32> to vector<16xf32>
          %mul3A_333 = arith.constant 0.333333343 : f32
          %mul3A_334 = vector.broadcast %mul3A_333 : f32 to vector<16xf32>
          %mul3A_335 = arith.mulf %convert_element_type3A_332, %mul3A_334 : vector<16xf32>
          %convert_element_type3A_336 = arith.fptosi %mul3A_335 : vector<16xf32> to vector<16xi32>
          %sub3A_337 = vector.broadcast %mul3A_25 : i32 to vector<16xi32>
          %sub3A_338 = arith.subi %convert_element_type3A_336, %sub3A_337 : vector<16xi32>
          %lt3A_339 = arith.constant 87424 : i32
          %lt3A_340 = vector.broadcast %lt3A_339 : i32 to vector<16xi32>
          %lt3A_341 = arith.cmpi ult, %sub3A_338, %lt3A_340 : vector<16xi32>
          %jit3A_342 = arith.constant 0 : i32
          %broadcast_in_dim3A_343 = vector.broadcast %jit3A_342 : i32 to vector<16xi32>
          %select_n3A_344 = arith.select %lt3A_341, %sub3A_338, %broadcast_in_dim3A_343 : vector<16xi1>, vector<16xi32>
          tpu.vector_store_idx %arg9[%select_n3A_344], %get3A_328 masked %lt3A_341 {add = true} : memref<87424xf32, #tpu.memory_space<vmem>>[vector<16xi32>], vector<16xf32>, vector<16xi1>
          %add3A_345 = arith.constant 112 : i32
          %add3A_346 = arith.addi %mul3A_182, %add3A_345 : i32
          %get3A_347 = arith.index_cast %add3A_346 : i32 to index
          %get3A_348 = tpu.vector_load %arg7[%get3A_347] {strides = array<i32>} : memref<8192xi32, #tpu.memory_space<vmem>>, vector<16xi32>,
          %add3A_349 = arith.constant 112 : i32
          %add3A_350 = arith.addi %mul3A_182, %add3A_349 : i32
          %get3A_351 = arith.index_cast %add3A_350 : i32 to index
          %get3A_352 = tpu.vector_load %arg8[%get3A_351] {strides = array<i32>} : memref<8192xf32, #tpu.memory_space<vmem>>, vector<16xf32>,
          %shift_right_logical3A_353 = arith.constant 5 : i32
          %shift_right_logical3A_354 = vector.broadcast %shift_right_logical3A_353 : i32 to vector<16xi32>
          %shift_right_logical3A_355 = arith.shrui %get3A_348, %shift_right_logical3A_354 : vector<16xi32>
          %convert_element_type3A_356 = arith.sitofp %shift_right_logical3A_355 : vector<16xi32> to vector<16xf32>
          %mul3A_357 = arith.constant 0.333333343 : f32
          %mul3A_358 = vector.broadcast %mul3A_357 : f32 to vector<16xf32>
          %mul3A_359 = arith.mulf %convert_element_type3A_356, %mul3A_358 : vector<16xf32>
          %convert_element_type3A_360 = arith.fptosi %mul3A_359 : vector<16xf32> to vector<16xi32>
          %sub3A_361 = vector.broadcast %mul3A_25 : i32 to vector<16xi32>
          %sub3A_362 = arith.subi %convert_element_type3A_360, %sub3A_361 : vector<16xi32>
          %lt3A_363 = arith.constant 87424 : i32
          %lt3A_364 = vector.broadcast %lt3A_363 : i32 to vector<16xi32>
          %lt3A_365 = arith.cmpi ult, %sub3A_362, %lt3A_364 : vector<16xi32>
          %jit3A_366 = arith.constant 0 : i32
          %broadcast_in_dim3A_367 = vector.broadcast %jit3A_366 : i32 to vector<16xi32>
          %select_n3A_368 = arith.select %lt3A_365, %sub3A_362, %broadcast_in_dim3A_367 : vector<16xi1>, vector<16xi32>
          tpu.vector_store_idx %arg9[%select_n3A_368], %get3A_352 masked %lt3A_365 {add = true} : memref<87424xf32, #tpu.memory_space<vmem>>[vector<16xi32>], vector<16xf32>, vector<16xi1>
          %scan3A_369 = arith.constant 0 : i32
          scf.yield %scan3A_369 : i32
        }
        %scan3A_138 = arith.constant 64 : i32
        %add3A_139 = arith.constant 57344 : i32
        %add3A_140 = arith.addi %mul3A_13, %add3A_139 : i32
        %dma_start3A_141 = tpu.memref_slice %arg3[%add3A_140] : memref<12582912xi32, #tpu.memory_space<hbm>> -> memref<8192xi32, #tpu.memory_space<hbm>>
        %dma_start3A_142 = tpu.memref_slice %arg3[%add3A_140] : memref<12582912xi32, #tpu.memory_space<hbm>> -> memref<8192xi32, #tpu.memory_space<hbm>>
        tpu.enqueue_dma source(%dma_start3A_142 : memref<8192xi32, #tpu.memory_space<hbm>>) target(%arg7 : memref<8192xi32, #tpu.memory_space<vmem>>) target_semaphore(%arg11 : memref<!tpu.dma_semaphore, #tpu.memory_space<semaphore_mem>>)
        %dma_start3A_143 = tpu.memref_slice %arg2[%add3A_140] : memref<12582912xf32, #tpu.memory_space<hbm>> -> memref<8192xf32, #tpu.memory_space<hbm>>
        %dma_start3A_144 = tpu.memref_slice %arg2[%add3A_140] : memref<12582912xf32, #tpu.memory_space<hbm>> -> memref<8192xf32, #tpu.memory_space<hbm>>
        tpu.enqueue_dma source(%dma_start3A_144 : memref<8192xf32, #tpu.memory_space<hbm>>) target(%arg8 : memref<8192xf32, #tpu.memory_space<vmem>>) target_semaphore(%arg11 : memref<!tpu.dma_semaphore, #tpu.memory_space<semaphore_mem>>)
        %dma_wait3A_145 = tpu.memref_slice %arg3[%add3A_123] : memref<12582912xi32, #tpu.memory_space<hbm>> -> memref<8192xi32, #tpu.memory_space<hbm>>
        %dma_wait3A_146 = tpu.memref_slice %arg3[%add3A_123] : memref<12582912xi32, #tpu.memory_space<hbm>> -> memref<8192xi32, #tpu.memory_space<hbm>>
        tpu.wait_dma2 semaphore(%arg10 : memref<!tpu.dma_semaphore, #tpu.memory_space<semaphore_mem>>) src(%dma_wait3A_146 : memref<8192xi32, #tpu.memory_space<hbm>>) dst(%arg5 : memref<8192xi32, #tpu.memory_space<vmem>>)
        %dma_wait3A_147 = tpu.memref_slice %arg2[%add3A_123] : memref<12582912xf32, #tpu.memory_space<hbm>> -> memref<8192xf32, #tpu.memory_space<hbm>>
        %dma_wait3A_148 = tpu.memref_slice %arg2[%add3A_123] : memref<12582912xf32, #tpu.memory_space<hbm>> -> memref<8192xf32, #tpu.memory_space<hbm>>
        tpu.wait_dma2 semaphore(%arg10 : memref<!tpu.dma_semaphore, #tpu.memory_space<semaphore_mem>>) src(%dma_wait3A_148 : memref<8192xf32, #tpu.memory_space<hbm>>) dst(%arg6 : memref<8192xf32, #tpu.memory_space<vmem>>)
        %scan3A_149 = arith.constant 0 : i32
        %scan3A_150 = arith.constant 0 : i32
        %scan3A_151 = arith.constant 64 : i32
        %scan3A_152 = arith.addi %scan3A_150, %scan3A_151 : i32
        %scan3A_153 = arith.constant 1 : i32
        %scan3A_154 = scf.for %scan3A_179 = %scan3A_150 to %scan3A_152 step %scan3A_153 iter_args(%scan3A_180 = %scan3A_149) -> (i32)  : i32 {
          %mul3A_181 = arith.constant 128 : i32
          %mul3A_182 = arith.muli %scan3A_179, %mul3A_181 : i32
          %add3A_183 = arith.constant 0 : i32
          %add3A_184 = arith.addi %mul3A_182, %add3A_183 : i32
          %get3A = arith.index_cast %add3A_184 : i32 to index
          %get3A_185 = tpu.vector_load %arg5[%get3A] {strides = array<i32>} : memref<8192xi32, #tpu.memory_space<vmem>>, vector<16xi32>,
          %add3A_186 = arith.constant 0 : i32
          %add3A_187 = arith.addi %mul3A_182, %add3A_186 : i32
          %get3A_188 = arith.index_cast %add3A_187 : i32 to index
          %get3A_189 = tpu.vector_load %arg6[%get3A_188] {strides = array<i32>} : memref<8192xf32, #tpu.memory_space<vmem>>, vector<16xf32>,
          %shift_right_logical3A = arith.constant 5 : i32
          %shift_right_logical3A_190 = vector.broadcast %shift_right_logical3A : i32 to vector<16xi32>
          %shift_right_logical3A_191 = arith.shrui %get3A_185, %shift_right_logical3A_190 : vector<16xi32>
          %convert_element_type3A_192 = arith.sitofp %shift_right_logical3A_191 : vector<16xi32> to vector<16xf32>
          %mul3A_193 = arith.constant 0.333333343 : f32
          %mul3A_194 = vector.broadcast %mul3A_193 : f32 to vector<16xf32>
          %mul3A_195 = arith.mulf %convert_element_type3A_192, %mul3A_194 : vector<16xf32>
          %convert_element_type3A_196 = arith.fptosi %mul3A_195 : vector<16xf32> to vector<16xi32>
          %sub3A = vector.broadcast %mul3A_25 : i32 to vector<16xi32>
          %sub3A_197 = arith.subi %convert_element_type3A_196, %sub3A : vector<16xi32>
          %lt3A_198 = arith.constant 87424 : i32
          %lt3A_199 = vector.broadcast %lt3A_198 : i32 to vector<16xi32>
          %lt3A_200 = arith.cmpi ult, %sub3A_197, %lt3A_199 : vector<16xi32>
          %jit3A = arith.constant 0 : i32
          %broadcast_in_dim3A = vector.broadcast %jit3A : i32 to vector<16xi32>
          %select_n3A = arith.select %lt3A_200, %sub3A_197, %broadcast_in_dim3A : vector<16xi1>, vector<16xi32>
          tpu.vector_store_idx %arg9[%select_n3A], %get3A_189 masked %lt3A_200 {add = true} : memref<87424xf32, #tpu.memory_space<vmem>>[vector<16xi32>], vector<16xf32>, vector<16xi1>
          %add3A_201 = arith.constant 16 : i32
          %add3A_202 = arith.addi %mul3A_182, %add3A_201 : i32
          %get3A_203 = arith.index_cast %add3A_202 : i32 to index
          %get3A_204 = tpu.vector_load %arg5[%get3A_203] {strides = array<i32>} : memref<8192xi32, #tpu.memory_space<vmem>>, vector<16xi32>,
          %add3A_205 = arith.constant 16 : i32
          %add3A_206 = arith.addi %mul3A_182, %add3A_205 : i32
          %get3A_207 = arith.index_cast %add3A_206 : i32 to index
          %get3A_208 = tpu.vector_load %arg6[%get3A_207] {strides = array<i32>} : memref<8192xf32, #tpu.memory_space<vmem>>, vector<16xf32>,
          %shift_right_logical3A_209 = arith.constant 5 : i32
          %shift_right_logical3A_210 = vector.broadcast %shift_right_logical3A_209 : i32 to vector<16xi32>
          %shift_right_logical3A_211 = arith.shrui %get3A_204, %shift_right_logical3A_210 : vector<16xi32>
          %convert_element_type3A_212 = arith.sitofp %shift_right_logical3A_211 : vector<16xi32> to vector<16xf32>
          %mul3A_213 = arith.constant 0.333333343 : f32
          %mul3A_214 = vector.broadcast %mul3A_213 : f32 to vector<16xf32>
          %mul3A_215 = arith.mulf %convert_element_type3A_212, %mul3A_214 : vector<16xf32>
          %convert_element_type3A_216 = arith.fptosi %mul3A_215 : vector<16xf32> to vector<16xi32>
          %sub3A_217 = vector.broadcast %mul3A_25 : i32 to vector<16xi32>
          %sub3A_218 = arith.subi %convert_element_type3A_216, %sub3A_217 : vector<16xi32>
          %lt3A_219 = arith.constant 87424 : i32
          %lt3A_220 = vector.broadcast %lt3A_219 : i32 to vector<16xi32>
          %lt3A_221 = arith.cmpi ult, %sub3A_218, %lt3A_220 : vector<16xi32>
          %jit3A_222 = arith.constant 0 : i32
          %broadcast_in_dim3A_223 = vector.broadcast %jit3A_222 : i32 to vector<16xi32>
          %select_n3A_224 = arith.select %lt3A_221, %sub3A_218, %broadcast_in_dim3A_223 : vector<16xi1>, vector<16xi32>
          tpu.vector_store_idx %arg9[%select_n3A_224], %get3A_208 masked %lt3A_221 {add = true} : memref<87424xf32, #tpu.memory_space<vmem>>[vector<16xi32>], vector<16xf32>, vector<16xi1>
          %add3A_225 = arith.constant 32 : i32
          %add3A_226 = arith.addi %mul3A_182, %add3A_225 : i32
          %get3A_227 = arith.index_cast %add3A_226 : i32 to index
          %get3A_228 = tpu.vector_load %arg5[%get3A_227] {strides = array<i32>} : memref<8192xi32, #tpu.memory_space<vmem>>, vector<16xi32>,
          %add3A_229 = arith.constant 32 : i32
          %add3A_230 = arith.addi %mul3A_182, %add3A_229 : i32
          %get3A_231 = arith.index_cast %add3A_230 : i32 to index
          %get3A_232 = tpu.vector_load %arg6[%get3A_231] {strides = array<i32>} : memref<8192xf32, #tpu.memory_space<vmem>>, vector<16xf32>,
          %shift_right_logical3A_233 = arith.constant 5 : i32
          %shift_right_logical3A_234 = vector.broadcast %shift_right_logical3A_233 : i32 to vector<16xi32>
          %shift_right_logical3A_235 = arith.shrui %get3A_228, %shift_right_logical3A_234 : vector<16xi32>
          %convert_element_type3A_236 = arith.sitofp %shift_right_logical3A_235 : vector<16xi32> to vector<16xf32>
          %mul3A_237 = arith.constant 0.333333343 : f32
          %mul3A_238 = vector.broadcast %mul3A_237 : f32 to vector<16xf32>
          %mul3A_239 = arith.mulf %convert_element_type3A_236, %mul3A_238 : vector<16xf32>
          %convert_element_type3A_240 = arith.fptosi %mul3A_239 : vector<16xf32> to vector<16xi32>
          %sub3A_241 = vector.broadcast %mul3A_25 : i32 to vector<16xi32>
          %sub3A_242 = arith.subi %convert_element_type3A_240, %sub3A_241 : vector<16xi32>
          %lt3A_243 = arith.constant 87424 : i32
          %lt3A_244 = vector.broadcast %lt3A_243 : i32 to vector<16xi32>
          %lt3A_245 = arith.cmpi ult, %sub3A_242, %lt3A_244 : vector<16xi32>
          %jit3A_246 = arith.constant 0 : i32
          %broadcast_in_dim3A_247 = vector.broadcast %jit3A_246 : i32 to vector<16xi32>
          %select_n3A_248 = arith.select %lt3A_245, %sub3A_242, %broadcast_in_dim3A_247 : vector<16xi1>, vector<16xi32>
          tpu.vector_store_idx %arg9[%select_n3A_248], %get3A_232 masked %lt3A_245 {add = true} : memref<87424xf32, #tpu.memory_space<vmem>>[vector<16xi32>], vector<16xf32>, vector<16xi1>
          %add3A_249 = arith.constant 48 : i32
          %add3A_250 = arith.addi %mul3A_182, %add3A_249 : i32
          %get3A_251 = arith.index_cast %add3A_250 : i32 to index
          %get3A_252 = tpu.vector_load %arg5[%get3A_251] {strides = array<i32>} : memref<8192xi32, #tpu.memory_space<vmem>>, vector<16xi32>,
          %add3A_253 = arith.constant 48 : i32
          %add3A_254 = arith.addi %mul3A_182, %add3A_253 : i32
          %get3A_255 = arith.index_cast %add3A_254 : i32 to index
          %get3A_256 = tpu.vector_load %arg6[%get3A_255] {strides = array<i32>} : memref<8192xf32, #tpu.memory_space<vmem>>, vector<16xf32>,
          %shift_right_logical3A_257 = arith.constant 5 : i32
          %shift_right_logical3A_258 = vector.broadcast %shift_right_logical3A_257 : i32 to vector<16xi32>
          %shift_right_logical3A_259 = arith.shrui %get3A_252, %shift_right_logical3A_258 : vector<16xi32>
          %convert_element_type3A_260 = arith.sitofp %shift_right_logical3A_259 : vector<16xi32> to vector<16xf32>
          %mul3A_261 = arith.constant 0.333333343 : f32
          %mul3A_262 = vector.broadcast %mul3A_261 : f32 to vector<16xf32>
          %mul3A_263 = arith.mulf %convert_element_type3A_260, %mul3A_262 : vector<16xf32>
          %convert_element_type3A_264 = arith.fptosi %mul3A_263 : vector<16xf32> to vector<16xi32>
          %sub3A_265 = vector.broadcast %mul3A_25 : i32 to vector<16xi32>
          %sub3A_266 = arith.subi %convert_element_type3A_264, %sub3A_265 : vector<16xi32>
          %lt3A_267 = arith.constant 87424 : i32
          %lt3A_268 = vector.broadcast %lt3A_267 : i32 to vector<16xi32>
          %lt3A_269 = arith.cmpi ult, %sub3A_266, %lt3A_268 : vector<16xi32>
          %jit3A_270 = arith.constant 0 : i32
          %broadcast_in_dim3A_271 = vector.broadcast %jit3A_270 : i32 to vector<16xi32>
          %select_n3A_272 = arith.select %lt3A_269, %sub3A_266, %broadcast_in_dim3A_271 : vector<16xi1>, vector<16xi32>
          tpu.vector_store_idx %arg9[%select_n3A_272], %get3A_256 masked %lt3A_269 {add = true} : memref<87424xf32, #tpu.memory_space<vmem>>[vector<16xi32>], vector<16xf32>, vector<16xi1>
          %add3A_273 = arith.constant 64 : i32
          %add3A_274 = arith.addi %mul3A_182, %add3A_273 : i32
          %get3A_275 = arith.index_cast %add3A_274 : i32 to index
          %get3A_276 = tpu.vector_load %arg5[%get3A_275] {strides = array<i32>} : memref<8192xi32, #tpu.memory_space<vmem>>, vector<16xi32>,
          %add3A_277 = arith.constant 64 : i32
          %add3A_278 = arith.addi %mul3A_182, %add3A_277 : i32
          %get3A_279 = arith.index_cast %add3A_278 : i32 to index
          %get3A_280 = tpu.vector_load %arg6[%get3A_279] {strides = array<i32>} : memref<8192xf32, #tpu.memory_space<vmem>>, vector<16xf32>,
          %shift_right_logical3A_281 = arith.constant 5 : i32
          %shift_right_logical3A_282 = vector.broadcast %shift_right_logical3A_281 : i32 to vector<16xi32>
          %shift_right_logical3A_283 = arith.shrui %get3A_276, %shift_right_logical3A_282 : vector<16xi32>
          %convert_element_type3A_284 = arith.sitofp %shift_right_logical3A_283 : vector<16xi32> to vector<16xf32>
          %mul3A_285 = arith.constant 0.333333343 : f32
          %mul3A_286 = vector.broadcast %mul3A_285 : f32 to vector<16xf32>
          %mul3A_287 = arith.mulf %convert_element_type3A_284, %mul3A_286 : vector<16xf32>
          %convert_element_type3A_288 = arith.fptosi %mul3A_287 : vector<16xf32> to vector<16xi32>
          %sub3A_289 = vector.broadcast %mul3A_25 : i32 to vector<16xi32>
          %sub3A_290 = arith.subi %convert_element_type3A_288, %sub3A_289 : vector<16xi32>
          %lt3A_291 = arith.constant 87424 : i32
          %lt3A_292 = vector.broadcast %lt3A_291 : i32 to vector<16xi32>
          %lt3A_293 = arith.cmpi ult, %sub3A_290, %lt3A_292 : vector<16xi32>
          %jit3A_294 = arith.constant 0 : i32
          %broadcast_in_dim3A_295 = vector.broadcast %jit3A_294 : i32 to vector<16xi32>
          %select_n3A_296 = arith.select %lt3A_293, %sub3A_290, %broadcast_in_dim3A_295 : vector<16xi1>, vector<16xi32>
          tpu.vector_store_idx %arg9[%select_n3A_296], %get3A_280 masked %lt3A_293 {add = true} : memref<87424xf32, #tpu.memory_space<vmem>>[vector<16xi32>], vector<16xf32>, vector<16xi1>
          %add3A_297 = arith.constant 80 : i32
          %add3A_298 = arith.addi %mul3A_182, %add3A_297 : i32
          %get3A_299 = arith.index_cast %add3A_298 : i32 to index
          %get3A_300 = tpu.vector_load %arg5[%get3A_299] {strides = array<i32>} : memref<8192xi32, #tpu.memory_space<vmem>>, vector<16xi32>,
          %add3A_301 = arith.constant 80 : i32
          %add3A_302 = arith.addi %mul3A_182, %add3A_301 : i32
          %get3A_303 = arith.index_cast %add3A_302 : i32 to index
          %get3A_304 = tpu.vector_load %arg6[%get3A_303] {strides = array<i32>} : memref<8192xf32, #tpu.memory_space<vmem>>, vector<16xf32>,
          %shift_right_logical3A_305 = arith.constant 5 : i32
          %shift_right_logical3A_306 = vector.broadcast %shift_right_logical3A_305 : i32 to vector<16xi32>
          %shift_right_logical3A_307 = arith.shrui %get3A_300, %shift_right_logical3A_306 : vector<16xi32>
          %convert_element_type3A_308 = arith.sitofp %shift_right_logical3A_307 : vector<16xi32> to vector<16xf32>
          %mul3A_309 = arith.constant 0.333333343 : f32
          %mul3A_310 = vector.broadcast %mul3A_309 : f32 to vector<16xf32>
          %mul3A_311 = arith.mulf %convert_element_type3A_308, %mul3A_310 : vector<16xf32>
          %convert_element_type3A_312 = arith.fptosi %mul3A_311 : vector<16xf32> to vector<16xi32>
          %sub3A_313 = vector.broadcast %mul3A_25 : i32 to vector<16xi32>
          %sub3A_314 = arith.subi %convert_element_type3A_312, %sub3A_313 : vector<16xi32>
          %lt3A_315 = arith.constant 87424 : i32
          %lt3A_316 = vector.broadcast %lt3A_315 : i32 to vector<16xi32>
          %lt3A_317 = arith.cmpi ult, %sub3A_314, %lt3A_316 : vector<16xi32>
          %jit3A_318 = arith.constant 0 : i32
          %broadcast_in_dim3A_319 = vector.broadcast %jit3A_318 : i32 to vector<16xi32>
          %select_n3A_320 = arith.select %lt3A_317, %sub3A_314, %broadcast_in_dim3A_319 : vector<16xi1>, vector<16xi32>
          tpu.vector_store_idx %arg9[%select_n3A_320], %get3A_304 masked %lt3A_317 {add = true} : memref<87424xf32, #tpu.memory_space<vmem>>[vector<16xi32>], vector<16xf32>, vector<16xi1>
          %add3A_321 = arith.constant 96 : i32
          %add3A_322 = arith.addi %mul3A_182, %add3A_321 : i32
          %get3A_323 = arith.index_cast %add3A_322 : i32 to index
          %get3A_324 = tpu.vector_load %arg5[%get3A_323] {strides = array<i32>} : memref<8192xi32, #tpu.memory_space<vmem>>, vector<16xi32>,
          %add3A_325 = arith.constant 96 : i32
          %add3A_326 = arith.addi %mul3A_182, %add3A_325 : i32
          %get3A_327 = arith.index_cast %add3A_326 : i32 to index
          %get3A_328 = tpu.vector_load %arg6[%get3A_327] {strides = array<i32>} : memref<8192xf32, #tpu.memory_space<vmem>>, vector<16xf32>,
          %shift_right_logical3A_329 = arith.constant 5 : i32
          %shift_right_logical3A_330 = vector.broadcast %shift_right_logical3A_329 : i32 to vector<16xi32>
          %shift_right_logical3A_331 = arith.shrui %get3A_324, %shift_right_logical3A_330 : vector<16xi32>
          %convert_element_type3A_332 = arith.sitofp %shift_right_logical3A_331 : vector<16xi32> to vector<16xf32>
          %mul3A_333 = arith.constant 0.333333343 : f32
          %mul3A_334 = vector.broadcast %mul3A_333 : f32 to vector<16xf32>
          %mul3A_335 = arith.mulf %convert_element_type3A_332, %mul3A_334 : vector<16xf32>
          %convert_element_type3A_336 = arith.fptosi %mul3A_335 : vector<16xf32> to vector<16xi32>
          %sub3A_337 = vector.broadcast %mul3A_25 : i32 to vector<16xi32>
          %sub3A_338 = arith.subi %convert_element_type3A_336, %sub3A_337 : vector<16xi32>
          %lt3A_339 = arith.constant 87424 : i32
          %lt3A_340 = vector.broadcast %lt3A_339 : i32 to vector<16xi32>
          %lt3A_341 = arith.cmpi ult, %sub3A_338, %lt3A_340 : vector<16xi32>
          %jit3A_342 = arith.constant 0 : i32
          %broadcast_in_dim3A_343 = vector.broadcast %jit3A_342 : i32 to vector<16xi32>
          %select_n3A_344 = arith.select %lt3A_341, %sub3A_338, %broadcast_in_dim3A_343 : vector<16xi1>, vector<16xi32>
          tpu.vector_store_idx %arg9[%select_n3A_344], %get3A_328 masked %lt3A_341 {add = true} : memref<87424xf32, #tpu.memory_space<vmem>>[vector<16xi32>], vector<16xf32>, vector<16xi1>
          %add3A_345 = arith.constant 112 : i32
          %add3A_346 = arith.addi %mul3A_182, %add3A_345 : i32
          %get3A_347 = arith.index_cast %add3A_346 : i32 to index
          %get3A_348 = tpu.vector_load %arg5[%get3A_347] {strides = array<i32>} : memref<8192xi32, #tpu.memory_space<vmem>>, vector<16xi32>,
          %add3A_349 = arith.constant 112 : i32
          %add3A_350 = arith.addi %mul3A_182, %add3A_349 : i32
          %get3A_351 = arith.index_cast %add3A_350 : i32 to index
          %get3A_352 = tpu.vector_load %arg6[%get3A_351] {strides = array<i32>} : memref<8192xf32, #tpu.memory_space<vmem>>, vector<16xf32>,
          %shift_right_logical3A_353 = arith.constant 5 : i32
          %shift_right_logical3A_354 = vector.broadcast %shift_right_logical3A_353 : i32 to vector<16xi32>
          %shift_right_logical3A_355 = arith.shrui %get3A_348, %shift_right_logical3A_354 : vector<16xi32>
          %convert_element_type3A_356 = arith.sitofp %shift_right_logical3A_355 : vector<16xi32> to vector<16xf32>
          %mul3A_357 = arith.constant 0.333333343 : f32
          %mul3A_358 = vector.broadcast %mul3A_357 : f32 to vector<16xf32>
          %mul3A_359 = arith.mulf %convert_element_type3A_356, %mul3A_358 : vector<16xf32>
          %convert_element_type3A_360 = arith.fptosi %mul3A_359 : vector<16xf32> to vector<16xi32>
          %sub3A_361 = vector.broadcast %mul3A_25 : i32 to vector<16xi32>
          %sub3A_362 = arith.subi %convert_element_type3A_360, %sub3A_361 : vector<16xi32>
          %lt3A_363 = arith.constant 87424 : i32
          %lt3A_364 = vector.broadcast %lt3A_363 : i32 to vector<16xi32>
          %lt3A_365 = arith.cmpi ult, %sub3A_362, %lt3A_364 : vector<16xi32>
          %jit3A_366 = arith.constant 0 : i32
          %broadcast_in_dim3A_367 = vector.broadcast %jit3A_366 : i32 to vector<16xi32>
          %select_n3A_368 = arith.select %lt3A_365, %sub3A_362, %broadcast_in_dim3A_367 : vector<16xi1>, vector<16xi32>
          tpu.vector_store_idx %arg9[%select_n3A_368], %get3A_352 masked %lt3A_365 {add = true} : memref<87424xf32, #tpu.memory_space<vmem>>[vector<16xi32>], vector<16xf32>, vector<16xi1>
          %scan3A_369 = arith.constant 0 : i32
          scf.yield %scan3A_369 : i32
        }
        %scan3A_155 = arith.constant 64 : i32
        %dma_wait3A_156 = tpu.memref_slice %arg3[%add3A_140] : memref<12582912xi32, #tpu.memory_space<hbm>> -> memref<8192xi32, #tpu.memory_space<hbm>>
        %dma_wait3A_157 = tpu.memref_slice %arg3[%add3A_140] : memref<12582912xi32, #tpu.memory_space<hbm>> -> memref<8192xi32, #tpu.memory_space<hbm>>
        tpu.wait_dma2 semaphore(%arg11 : memref<!tpu.dma_semaphore, #tpu.memory_space<semaphore_mem>>) src(%dma_wait3A_157 : memref<8192xi32, #tpu.memory_space<hbm>>) dst(%arg7 : memref<8192xi32, #tpu.memory_space<vmem>>)
        %dma_wait3A_158 = tpu.memref_slice %arg2[%add3A_140] : memref<12582912xf32, #tpu.memory_space<hbm>> -> memref<8192xf32, #tpu.memory_space<hbm>>
        %dma_wait3A_159 = tpu.memref_slice %arg2[%add3A_140] : memref<12582912xf32, #tpu.memory_space<hbm>> -> memref<8192xf32, #tpu.memory_space<hbm>>
        tpu.wait_dma2 semaphore(%arg11 : memref<!tpu.dma_semaphore, #tpu.memory_space<semaphore_mem>>) src(%dma_wait3A_159 : memref<8192xf32, #tpu.memory_space<hbm>>) dst(%arg8 : memref<8192xf32, #tpu.memory_space<vmem>>)
        %scan3A_160 = arith.constant 0 : i32
        %scan3A_161 = arith.constant 0 : i32
        %scan3A_162 = arith.constant 64 : i32
        %scan3A_163 = arith.addi %scan3A_161, %scan3A_162 : i32
        %scan3A_164 = arith.constant 1 : i32
        %scan3A_165 = scf.for %scan3A_179 = %scan3A_161 to %scan3A_163 step %scan3A_164 iter_args(%scan3A_180 = %scan3A_160) -> (i32)  : i32 {
          %mul3A_181 = arith.constant 128 : i32
          %mul3A_182 = arith.muli %scan3A_179, %mul3A_181 : i32
          %add3A_183 = arith.constant 0 : i32
          %add3A_184 = arith.addi %mul3A_182, %add3A_183 : i32
          %get3A = arith.index_cast %add3A_184 : i32 to index
          %get3A_185 = tpu.vector_load %arg7[%get3A] {strides = array<i32>} : memref<8192xi32, #tpu.memory_space<vmem>>, vector<16xi32>,
          %add3A_186 = arith.constant 0 : i32
          %add3A_187 = arith.addi %mul3A_182, %add3A_186 : i32
          %get3A_188 = arith.index_cast %add3A_187 : i32 to index
          %get3A_189 = tpu.vector_load %arg8[%get3A_188] {strides = array<i32>} : memref<8192xf32, #tpu.memory_space<vmem>>, vector<16xf32>,
          %shift_right_logical3A = arith.constant 5 : i32
          %shift_right_logical3A_190 = vector.broadcast %shift_right_logical3A : i32 to vector<16xi32>
          %shift_right_logical3A_191 = arith.shrui %get3A_185, %shift_right_logical3A_190 : vector<16xi32>
          %convert_element_type3A_192 = arith.sitofp %shift_right_logical3A_191 : vector<16xi32> to vector<16xf32>
          %mul3A_193 = arith.constant 0.333333343 : f32
          %mul3A_194 = vector.broadcast %mul3A_193 : f32 to vector<16xf32>
          %mul3A_195 = arith.mulf %convert_element_type3A_192, %mul3A_194 : vector<16xf32>
          %convert_element_type3A_196 = arith.fptosi %mul3A_195 : vector<16xf32> to vector<16xi32>
          %sub3A = vector.broadcast %mul3A_25 : i32 to vector<16xi32>
          %sub3A_197 = arith.subi %convert_element_type3A_196, %sub3A : vector<16xi32>
          %lt3A_198 = arith.constant 87424 : i32
          %lt3A_199 = vector.broadcast %lt3A_198 : i32 to vector<16xi32>
          %lt3A_200 = arith.cmpi ult, %sub3A_197, %lt3A_199 : vector<16xi32>
          %jit3A = arith.constant 0 : i32
          %broadcast_in_dim3A = vector.broadcast %jit3A : i32 to vector<16xi32>
          %select_n3A = arith.select %lt3A_200, %sub3A_197, %broadcast_in_dim3A : vector<16xi1>, vector<16xi32>
          tpu.vector_store_idx %arg9[%select_n3A], %get3A_189 masked %lt3A_200 {add = true} : memref<87424xf32, #tpu.memory_space<vmem>>[vector<16xi32>], vector<16xf32>, vector<16xi1>
          %add3A_201 = arith.constant 16 : i32
          %add3A_202 = arith.addi %mul3A_182, %add3A_201 : i32
          %get3A_203 = arith.index_cast %add3A_202 : i32 to index
          %get3A_204 = tpu.vector_load %arg7[%get3A_203] {strides = array<i32>} : memref<8192xi32, #tpu.memory_space<vmem>>, vector<16xi32>,
          %add3A_205 = arith.constant 16 : i32
          %add3A_206 = arith.addi %mul3A_182, %add3A_205 : i32
          %get3A_207 = arith.index_cast %add3A_206 : i32 to index
          %get3A_208 = tpu.vector_load %arg8[%get3A_207] {strides = array<i32>} : memref<8192xf32, #tpu.memory_space<vmem>>, vector<16xf32>,
          %shift_right_logical3A_209 = arith.constant 5 : i32
          %shift_right_logical3A_210 = vector.broadcast %shift_right_logical3A_209 : i32 to vector<16xi32>
          %shift_right_logical3A_211 = arith.shrui %get3A_204, %shift_right_logical3A_210 : vector<16xi32>
          %convert_element_type3A_212 = arith.sitofp %shift_right_logical3A_211 : vector<16xi32> to vector<16xf32>
          %mul3A_213 = arith.constant 0.333333343 : f32
          %mul3A_214 = vector.broadcast %mul3A_213 : f32 to vector<16xf32>
          %mul3A_215 = arith.mulf %convert_element_type3A_212, %mul3A_214 : vector<16xf32>
          %convert_element_type3A_216 = arith.fptosi %mul3A_215 : vector<16xf32> to vector<16xi32>
          %sub3A_217 = vector.broadcast %mul3A_25 : i32 to vector<16xi32>
          %sub3A_218 = arith.subi %convert_element_type3A_216, %sub3A_217 : vector<16xi32>
          %lt3A_219 = arith.constant 87424 : i32
          %lt3A_220 = vector.broadcast %lt3A_219 : i32 to vector<16xi32>
          %lt3A_221 = arith.cmpi ult, %sub3A_218, %lt3A_220 : vector<16xi32>
          %jit3A_222 = arith.constant 0 : i32
          %broadcast_in_dim3A_223 = vector.broadcast %jit3A_222 : i32 to vector<16xi32>
          %select_n3A_224 = arith.select %lt3A_221, %sub3A_218, %broadcast_in_dim3A_223 : vector<16xi1>, vector<16xi32>
          tpu.vector_store_idx %arg9[%select_n3A_224], %get3A_208 masked %lt3A_221 {add = true} : memref<87424xf32, #tpu.memory_space<vmem>>[vector<16xi32>], vector<16xf32>, vector<16xi1>
          %add3A_225 = arith.constant 32 : i32
          %add3A_226 = arith.addi %mul3A_182, %add3A_225 : i32
          %get3A_227 = arith.index_cast %add3A_226 : i32 to index
          %get3A_228 = tpu.vector_load %arg7[%get3A_227] {strides = array<i32>} : memref<8192xi32, #tpu.memory_space<vmem>>, vector<16xi32>,
          %add3A_229 = arith.constant 32 : i32
          %add3A_230 = arith.addi %mul3A_182, %add3A_229 : i32
          %get3A_231 = arith.index_cast %add3A_230 : i32 to index
          %get3A_232 = tpu.vector_load %arg8[%get3A_231] {strides = array<i32>} : memref<8192xf32, #tpu.memory_space<vmem>>, vector<16xf32>,
          %shift_right_logical3A_233 = arith.constant 5 : i32
          %shift_right_logical3A_234 = vector.broadcast %shift_right_logical3A_233 : i32 to vector<16xi32>
          %shift_right_logical3A_235 = arith.shrui %get3A_228, %shift_right_logical3A_234 : vector<16xi32>
          %convert_element_type3A_236 = arith.sitofp %shift_right_logical3A_235 : vector<16xi32> to vector<16xf32>
          %mul3A_237 = arith.constant 0.333333343 : f32
          %mul3A_238 = vector.broadcast %mul3A_237 : f32 to vector<16xf32>
          %mul3A_239 = arith.mulf %convert_element_type3A_236, %mul3A_238 : vector<16xf32>
          %convert_element_type3A_240 = arith.fptosi %mul3A_239 : vector<16xf32> to vector<16xi32>
          %sub3A_241 = vector.broadcast %mul3A_25 : i32 to vector<16xi32>
          %sub3A_242 = arith.subi %convert_element_type3A_240, %sub3A_241 : vector<16xi32>
          %lt3A_243 = arith.constant 87424 : i32
          %lt3A_244 = vector.broadcast %lt3A_243 : i32 to vector<16xi32>
          %lt3A_245 = arith.cmpi ult, %sub3A_242, %lt3A_244 : vector<16xi32>
          %jit3A_246 = arith.constant 0 : i32
          %broadcast_in_dim3A_247 = vector.broadcast %jit3A_246 : i32 to vector<16xi32>
          %select_n3A_248 = arith.select %lt3A_245, %sub3A_242, %broadcast_in_dim3A_247 : vector<16xi1>, vector<16xi32>
          tpu.vector_store_idx %arg9[%select_n3A_248], %get3A_232 masked %lt3A_245 {add = true} : memref<87424xf32, #tpu.memory_space<vmem>>[vector<16xi32>], vector<16xf32>, vector<16xi1>
          %add3A_249 = arith.constant 48 : i32
          %add3A_250 = arith.addi %mul3A_182, %add3A_249 : i32
          %get3A_251 = arith.index_cast %add3A_250 : i32 to index
          %get3A_252 = tpu.vector_load %arg7[%get3A_251] {strides = array<i32>} : memref<8192xi32, #tpu.memory_space<vmem>>, vector<16xi32>,
          %add3A_253 = arith.constant 48 : i32
          %add3A_254 = arith.addi %mul3A_182, %add3A_253 : i32
          %get3A_255 = arith.index_cast %add3A_254 : i32 to index
          %get3A_256 = tpu.vector_load %arg8[%get3A_255] {strides = array<i32>} : memref<8192xf32, #tpu.memory_space<vmem>>, vector<16xf32>,
          %shift_right_logical3A_257 = arith.constant 5 : i32
          %shift_right_logical3A_258 = vector.broadcast %shift_right_logical3A_257 : i32 to vector<16xi32>
          %shift_right_logical3A_259 = arith.shrui %get3A_252, %shift_right_logical3A_258 : vector<16xi32>
          %convert_element_type3A_260 = arith.sitofp %shift_right_logical3A_259 : vector<16xi32> to vector<16xf32>
          %mul3A_261 = arith.constant 0.333333343 : f32
          %mul3A_262 = vector.broadcast %mul3A_261 : f32 to vector<16xf32>
          %mul3A_263 = arith.mulf %convert_element_type3A_260, %mul3A_262 : vector<16xf32>
          %convert_element_type3A_264 = arith.fptosi %mul3A_263 : vector<16xf32> to vector<16xi32>
          %sub3A_265 = vector.broadcast %mul3A_25 : i32 to vector<16xi32>
          %sub3A_266 = arith.subi %convert_element_type3A_264, %sub3A_265 : vector<16xi32>
          %lt3A_267 = arith.constant 87424 : i32
          %lt3A_268 = vector.broadcast %lt3A_267 : i32 to vector<16xi32>
          %lt3A_269 = arith.cmpi ult, %sub3A_266, %lt3A_268 : vector<16xi32>
          %jit3A_270 = arith.constant 0 : i32
          %broadcast_in_dim3A_271 = vector.broadcast %jit3A_270 : i32 to vector<16xi32>
          %select_n3A_272 = arith.select %lt3A_269, %sub3A_266, %broadcast_in_dim3A_271 : vector<16xi1>, vector<16xi32>
          tpu.vector_store_idx %arg9[%select_n3A_272], %get3A_256 masked %lt3A_269 {add = true} : memref<87424xf32, #tpu.memory_space<vmem>>[vector<16xi32>], vector<16xf32>, vector<16xi1>
          %add3A_273 = arith.constant 64 : i32
          %add3A_274 = arith.addi %mul3A_182, %add3A_273 : i32
          %get3A_275 = arith.index_cast %add3A_274 : i32 to index
          %get3A_276 = tpu.vector_load %arg7[%get3A_275] {strides = array<i32>} : memref<8192xi32, #tpu.memory_space<vmem>>, vector<16xi32>,
          %add3A_277 = arith.constant 64 : i32
          %add3A_278 = arith.addi %mul3A_182, %add3A_277 : i32
          %get3A_279 = arith.index_cast %add3A_278 : i32 to index
          %get3A_280 = tpu.vector_load %arg8[%get3A_279] {strides = array<i32>} : memref<8192xf32, #tpu.memory_space<vmem>>, vector<16xf32>,
          %shift_right_logical3A_281 = arith.constant 5 : i32
          %shift_right_logical3A_282 = vector.broadcast %shift_right_logical3A_281 : i32 to vector<16xi32>
          %shift_right_logical3A_283 = arith.shrui %get3A_276, %shift_right_logical3A_282 : vector<16xi32>
          %convert_element_type3A_284 = arith.sitofp %shift_right_logical3A_283 : vector<16xi32> to vector<16xf32>
          %mul3A_285 = arith.constant 0.333333343 : f32
          %mul3A_286 = vector.broadcast %mul3A_285 : f32 to vector<16xf32>
          %mul3A_287 = arith.mulf %convert_element_type3A_284, %mul3A_286 : vector<16xf32>
          %convert_element_type3A_288 = arith.fptosi %mul3A_287 : vector<16xf32> to vector<16xi32>
          %sub3A_289 = vector.broadcast %mul3A_25 : i32 to vector<16xi32>
          %sub3A_290 = arith.subi %convert_element_type3A_288, %sub3A_289 : vector<16xi32>
          %lt3A_291 = arith.constant 87424 : i32
          %lt3A_292 = vector.broadcast %lt3A_291 : i32 to vector<16xi32>
          %lt3A_293 = arith.cmpi ult, %sub3A_290, %lt3A_292 : vector<16xi32>
          %jit3A_294 = arith.constant 0 : i32
          %broadcast_in_dim3A_295 = vector.broadcast %jit3A_294 : i32 to vector<16xi32>
          %select_n3A_296 = arith.select %lt3A_293, %sub3A_290, %broadcast_in_dim3A_295 : vector<16xi1>, vector<16xi32>
          tpu.vector_store_idx %arg9[%select_n3A_296], %get3A_280 masked %lt3A_293 {add = true} : memref<87424xf32, #tpu.memory_space<vmem>>[vector<16xi32>], vector<16xf32>, vector<16xi1>
          %add3A_297 = arith.constant 80 : i32
          %add3A_298 = arith.addi %mul3A_182, %add3A_297 : i32
          %get3A_299 = arith.index_cast %add3A_298 : i32 to index
          %get3A_300 = tpu.vector_load %arg7[%get3A_299] {strides = array<i32>} : memref<8192xi32, #tpu.memory_space<vmem>>, vector<16xi32>,
          %add3A_301 = arith.constant 80 : i32
          %add3A_302 = arith.addi %mul3A_182, %add3A_301 : i32
          %get3A_303 = arith.index_cast %add3A_302 : i32 to index
          %get3A_304 = tpu.vector_load %arg8[%get3A_303] {strides = array<i32>} : memref<8192xf32, #tpu.memory_space<vmem>>, vector<16xf32>,
          %shift_right_logical3A_305 = arith.constant 5 : i32
          %shift_right_logical3A_306 = vector.broadcast %shift_right_logical3A_305 : i32 to vector<16xi32>
          %shift_right_logical3A_307 = arith.shrui %get3A_300, %shift_right_logical3A_306 : vector<16xi32>
          %convert_element_type3A_308 = arith.sitofp %shift_right_logical3A_307 : vector<16xi32> to vector<16xf32>
          %mul3A_309 = arith.constant 0.333333343 : f32
          %mul3A_310 = vector.broadcast %mul3A_309 : f32 to vector<16xf32>
          %mul3A_311 = arith.mulf %convert_element_type3A_308, %mul3A_310 : vector<16xf32>
          %convert_element_type3A_312 = arith.fptosi %mul3A_311 : vector<16xf32> to vector<16xi32>
          %sub3A_313 = vector.broadcast %mul3A_25 : i32 to vector<16xi32>
          %sub3A_314 = arith.subi %convert_element_type3A_312, %sub3A_313 : vector<16xi32>
          %lt3A_315 = arith.constant 87424 : i32
          %lt3A_316 = vector.broadcast %lt3A_315 : i32 to vector<16xi32>
          %lt3A_317 = arith.cmpi ult, %sub3A_314, %lt3A_316 : vector<16xi32>
          %jit3A_318 = arith.constant 0 : i32
          %broadcast_in_dim3A_319 = vector.broadcast %jit3A_318 : i32 to vector<16xi32>
          %select_n3A_320 = arith.select %lt3A_317, %sub3A_314, %broadcast_in_dim3A_319 : vector<16xi1>, vector<16xi32>
          tpu.vector_store_idx %arg9[%select_n3A_320], %get3A_304 masked %lt3A_317 {add = true} : memref<87424xf32, #tpu.memory_space<vmem>>[vector<16xi32>], vector<16xf32>, vector<16xi1>
          %add3A_321 = arith.constant 96 : i32
          %add3A_322 = arith.addi %mul3A_182, %add3A_321 : i32
          %get3A_323 = arith.index_cast %add3A_322 : i32 to index
          %get3A_324 = tpu.vector_load %arg7[%get3A_323] {strides = array<i32>} : memref<8192xi32, #tpu.memory_space<vmem>>, vector<16xi32>,
          %add3A_325 = arith.constant 96 : i32
          %add3A_326 = arith.addi %mul3A_182, %add3A_325 : i32
          %get3A_327 = arith.index_cast %add3A_326 : i32 to index
          %get3A_328 = tpu.vector_load %arg8[%get3A_327] {strides = array<i32>} : memref<8192xf32, #tpu.memory_space<vmem>>, vector<16xf32>,
          %shift_right_logical3A_329 = arith.constant 5 : i32
          %shift_right_logical3A_330 = vector.broadcast %shift_right_logical3A_329 : i32 to vector<16xi32>
          %shift_right_logical3A_331 = arith.shrui %get3A_324, %shift_right_logical3A_330 : vector<16xi32>
          %convert_element_type3A_332 = arith.sitofp %shift_right_logical3A_331 : vector<16xi32> to vector<16xf32>
          %mul3A_333 = arith.constant 0.333333343 : f32
          %mul3A_334 = vector.broadcast %mul3A_333 : f32 to vector<16xf32>
          %mul3A_335 = arith.mulf %convert_element_type3A_332, %mul3A_334 : vector<16xf32>
          %convert_element_type3A_336 = arith.fptosi %mul3A_335 : vector<16xf32> to vector<16xi32>
          %sub3A_337 = vector.broadcast %mul3A_25 : i32 to vector<16xi32>
          %sub3A_338 = arith.subi %convert_element_type3A_336, %sub3A_337 : vector<16xi32>
          %lt3A_339 = arith.constant 87424 : i32
          %lt3A_340 = vector.broadcast %lt3A_339 : i32 to vector<16xi32>
          %lt3A_341 = arith.cmpi ult, %sub3A_338, %lt3A_340 : vector<16xi32>
          %jit3A_342 = arith.constant 0 : i32
          %broadcast_in_dim3A_343 = vector.broadcast %jit3A_342 : i32 to vector<16xi32>
          %select_n3A_344 = arith.select %lt3A_341, %sub3A_338, %broadcast_in_dim3A_343 : vector<16xi1>, vector<16xi32>
          tpu.vector_store_idx %arg9[%select_n3A_344], %get3A_328 masked %lt3A_341 {add = true} : memref<87424xf32, #tpu.memory_space<vmem>>[vector<16xi32>], vector<16xf32>, vector<16xi1>
          %add3A_345 = arith.constant 112 : i32
          %add3A_346 = arith.addi %mul3A_182, %add3A_345 : i32
          %get3A_347 = arith.index_cast %add3A_346 : i32 to index
          %get3A_348 = tpu.vector_load %arg7[%get3A_347] {strides = array<i32>} : memref<8192xi32, #tpu.memory_space<vmem>>, vector<16xi32>,
          %add3A_349 = arith.constant 112 : i32
          %add3A_350 = arith.addi %mul3A_182, %add3A_349 : i32
          %get3A_351 = arith.index_cast %add3A_350 : i32 to index
          %get3A_352 = tpu.vector_load %arg8[%get3A_351] {strides = array<i32>} : memref<8192xf32, #tpu.memory_space<vmem>>, vector<16xf32>,
          %shift_right_logical3A_353 = arith.constant 5 : i32
          %shift_right_logical3A_354 = vector.broadcast %shift_right_logical3A_353 : i32 to vector<16xi32>
          %shift_right_logical3A_355 = arith.shrui %get3A_348, %shift_right_logical3A_354 : vector<16xi32>
          %convert_element_type3A_356 = arith.sitofp %shift_right_logical3A_355 : vector<16xi32> to vector<16xf32>
          %mul3A_357 = arith.constant 0.333333343 : f32
          %mul3A_358 = vector.broadcast %mul3A_357 : f32 to vector<16xf32>
          %mul3A_359 = arith.mulf %convert_element_type3A_356, %mul3A_358 : vector<16xf32>
          %convert_element_type3A_360 = arith.fptosi %mul3A_359 : vector<16xf32> to vector<16xi32>
          %sub3A_361 = vector.broadcast %mul3A_25 : i32 to vector<16xi32>
          %sub3A_362 = arith.subi %convert_element_type3A_360, %sub3A_361 : vector<16xi32>
          %lt3A_363 = arith.constant 87424 : i32
          %lt3A_364 = vector.broadcast %lt3A_363 : i32 to vector<16xi32>
          %lt3A_365 = arith.cmpi ult, %sub3A_362, %lt3A_364 : vector<16xi32>
          %jit3A_366 = arith.constant 0 : i32
          %broadcast_in_dim3A_367 = vector.broadcast %jit3A_366 : i32 to vector<16xi32>
          %select_n3A_368 = arith.select %lt3A_365, %sub3A_362, %broadcast_in_dim3A_367 : vector<16xi1>, vector<16xi32>
          tpu.vector_store_idx %arg9[%select_n3A_368], %get3A_352 masked %lt3A_365 {add = true} : memref<87424xf32, #tpu.memory_space<vmem>>[vector<16xi32>], vector<16xf32>, vector<16xi1>
          %scan3A_369 = arith.constant 0 : i32
          scf.yield %scan3A_369 : i32
        }
        %scan3A_166 = arith.constant 64 : i32
        %mul3A_167 = arith.constant 262144 : i32
        %mul3A_168 = arith.muli %add3A_11, %mul3A_167 : i32
        %mul3A_169 = arith.constant 87424 : i32
        %mul3A_170 = arith.muli %scan3A_22, %mul3A_169 : i32
        %add3A_171 = arith.addi %mul3A_168, %mul3A_170 : i32
        %lt3A = arith.constant 2 : i32
        %lt3A_172 = arith.cmpi slt, %scan3A_22, %lt3A : i32
        %convert_element_type3A = arith.extui %lt3A_172 : i1 to i32
        %cond3A = arith.constant 0 : i32
        %cond3A_173 = arith.cmpi ne, %convert_element_type3A, %cond3A : i32
        scf.if %cond3A_173 {
          "tpu.region"() ({
            %run_scoped3A = tpu.sem_alloc : memref<!tpu.dma_semaphore, #tpu.memory_space<semaphore_mem>>
            %dma_start3A_179 = arith.constant 0 : i32
            %dma_start3A_180 = tpu.memref_slice %arg9[%dma_start3A_179] : memref<87424xf32, #tpu.memory_space<vmem>> -> memref<87424xf32, #tpu.memory_space<vmem>>
            %dma_start3A_181 = tpu.memref_slice %arg4[%add3A_171] : memref<50331648xf32, #tpu.memory_space<hbm>> -> memref<87424xf32, #tpu.memory_space<hbm>>
            %dma_start3A_182 = tpu.memref_slice %arg4[%add3A_171] : memref<50331648xf32, #tpu.memory_space<hbm>> -> memref<87424xf32, #tpu.memory_space<hbm>>
            %dma_start3A_183 = arith.constant 0 : i32
            %dma_start3A_184 = tpu.memref_slice %arg9[%dma_start3A_183] : memref<87424xf32, #tpu.memory_space<vmem>> -> memref<87424xf32, #tpu.memory_space<vmem>>
            tpu.enqueue_dma source(%dma_start3A_184 : memref<87424xf32, #tpu.memory_space<vmem>>) target(%dma_start3A_182 : memref<87424xf32, #tpu.memory_space<hbm>>) target_semaphore(%run_scoped3A : memref<!tpu.dma_semaphore, #tpu.memory_space<semaphore_mem>>)
            %dma_wait3A_185 = arith.constant 0 : i32
            %dma_wait3A_186 = tpu.memref_slice %arg9[%dma_wait3A_185] : memref<87424xf32, #tpu.memory_space<vmem>> -> memref<87424xf32, #tpu.memory_space<vmem>>
            %dma_wait3A_187 = tpu.memref_slice %arg4[%add3A_171] : memref<50331648xf32, #tpu.memory_space<hbm>> -> memref<87424xf32, #tpu.memory_space<hbm>>
            %dma_wait3A_188 = tpu.memref_slice %arg4[%add3A_171] : memref<50331648xf32, #tpu.memory_space<hbm>> -> memref<87424xf32, #tpu.memory_space<hbm>>
            %dma_wait3A_189 = arith.constant 0 : i32
            %dma_wait3A_190 = tpu.memref_slice %arg9[%dma_wait3A_189] : memref<87424xf32, #tpu.memory_space<vmem>> -> memref<87424xf32, #tpu.memory_space<vmem>>
            tpu.wait_dma2 semaphore(%run_scoped3A : memref<!tpu.dma_semaphore, #tpu.memory_space<semaphore_mem>>) src(%dma_wait3A_190 : memref<87424xf32, #tpu.memory_space<vmem>>) dst(%dma_wait3A_188 : memref<87424xf32, #tpu.memory_space<hbm>>)
            tpu.yield
          }) : () -> ()
        } else {
        }
        %eq3A = arith.constant 2 : i32
        %eq3A_174 = arith.cmpi eq, %scan3A_22, %eq3A : i32
        %convert_element_type3A_175 = arith.extui %eq3A_174 : i1 to i32
        %cond3A_176 = arith.constant 0 : i32
        %cond3A_177 = arith.cmpi ne, %convert_element_type3A_175, %cond3A_176 : i32
        scf.if %cond3A_177 {
          "tpu.region"() ({
            %run_scoped3A = tpu.sem_alloc : memref<!tpu.dma_semaphore, #tpu.memory_space<semaphore_mem>>
            %dma_start3A_179 = arith.constant 0 : i32
            %dma_start3A_180 = tpu.memref_slice %arg9[%dma_start3A_179] : memref<87424xf32, #tpu.memory_space<vmem>> -> memref<87296xf32, #tpu.memory_space<vmem>>
            %dma_start3A_181 = tpu.memref_slice %arg4[%add3A_171] : memref<50331648xf32, #tpu.memory_space<hbm>> -> memref<87296xf32, #tpu.memory_space<hbm>>
            %dma_start3A_182 = tpu.memref_slice %arg4[%add3A_171] : memref<50331648xf32, #tpu.memory_space<hbm>> -> memref<87296xf32, #tpu.memory_space<hbm>>
            %dma_start3A_183 = arith.constant 0 : i32
            %dma_start3A_184 = tpu.memref_slice %arg9[%dma_start3A_183] : memref<87424xf32, #tpu.memory_space<vmem>> -> memref<87296xf32, #tpu.memory_space<vmem>>
            tpu.enqueue_dma source(%dma_start3A_184 : memref<87296xf32, #tpu.memory_space<vmem>>) target(%dma_start3A_182 : memref<87296xf32, #tpu.memory_space<hbm>>) target_semaphore(%run_scoped3A : memref<!tpu.dma_semaphore, #tpu.memory_space<semaphore_mem>>)
            %dma_wait3A_185 = arith.constant 0 : i32
            %dma_wait3A_186 = tpu.memref_slice %arg9[%dma_wait3A_185] : memref<87424xf32, #tpu.memory_space<vmem>> -> memref<87296xf32, #tpu.memory_space<vmem>>
            %dma_wait3A_187 = tpu.memref_slice %arg4[%add3A_171] : memref<50331648xf32, #tpu.memory_space<hbm>> -> memref<87296xf32, #tpu.memory_space<hbm>>
            %dma_wait3A_188 = tpu.memref_slice %arg4[%add3A_171] : memref<50331648xf32, #tpu.memory_space<hbm>> -> memref<87296xf32, #tpu.memory_space<hbm>>
            %dma_wait3A_189 = arith.constant 0 : i32
            %dma_wait3A_190 = tpu.memref_slice %arg9[%dma_wait3A_189] : memref<87424xf32, #tpu.memory_space<vmem>> -> memref<87296xf32, #tpu.memory_space<vmem>>
            tpu.wait_dma2 semaphore(%run_scoped3A : memref<!tpu.dma_semaphore, #tpu.memory_space<semaphore_mem>>) src(%dma_wait3A_190 : memref<87296xf32, #tpu.memory_space<vmem>>) dst(%dma_wait3A_188 : memref<87296xf32, #tpu.memory_space<hbm>>)
            tpu.yield
          }) : () -> ()
        } else {
        }
        %scan3A_178 = arith.constant 0 : i32
        scf.yield %scan3A_178 : i32
      }
      %scan3A_20 = arith.constant 3 : i32
      %scan3A_21 = arith.constant 0 : i32
      scf.yield %scan3A_21 : i32
    }
    %scan3A_8 = arith.constant 6 : i32
    return
  }
}

</mosaic_0001>

<sc_bundles>
// kernel: kernel.3.cloned.1.call-start
scs
__scs_entry_jumppad:
0x0: {  	(pc) =	sbr.rel $0x88, $3  }
0x1: {  	(tag) =	ssettag $0x0;
	lr =	simm.s32 $0x1  }
0x2: {  	[smem:$0x3F9F] =	sst lr;
	_ =	strace $0xD0000000  }
0x3: {  	_ = 	snop  }
0x4: {  	_ = 	snop  }
0x5: {  	_ = 	snop  }
0x6: {  	_ = 	snop  }
0x7: {  	_ = 	snop  }
__scs_overlays_trampoline_lowered:
0x8: {  	[smem:$0x3FAE] =	sst s0  }
0x9: {  	[smem:$0x3FAF] =	sst s1  }
0xa: {  	[smem:$0x3FB0] =	sst s2  }
0xb: {  	[smem:$0x3FB1] =	sst s3  }
0xc: {  	[smem:$0x3FB2] =	sst s4  }
0xd: {  	[smem:$0x3FB3] =	sst s5  }
0xe: {  	[smem:$0x3FB4] =	sst s6  }
0xf: {  	[smem:$0x3FB5] =	sst s7  }
0x10: {  	[smem:$0x3FB6] =	sst s8  }
0x11: {  	[smem:$0x3FB7] =	sst s9;
	s0 =	simm.s32 @!p0 $0x0  }
0x12: {  	s1 =	sld [smem:$0x3F9D];
	s0 =	simm.s32 @p0 $0x1  }
0x13: {  	[smem:$0x3FB8] =	sst s0;
	s0 =	simm.s32 @!p1 $0x0  }
0x14: {  	s2 =	sld [smem:$0x3F9C];
	s0 =	simm.s32 @p1 $0x1  }
0x15: {  	[smem:$0x3FB9] =	sst s0;
	s0 =	simm.s32 @!p2 $0x0  }
0x16: {  	s3 =	sld [smem:$0x3FDB];
	s0 =	simm.s32 @p2 $0x1  }
0x17: {  	s4 =	simm.s32 $0x1BF5;
	[smem:$0x3FBB] =	sst s0  }
0x18: {  	s0 =	sld [smem:$0x3F9E];
	_ =	swait.ge [sflag:s4], $0x0  }
0x19: {  	s7 =	sld [smem:$0x3F9F]  }
0x1a: {  	s8 =	sadd.s32 $0xFFFFE003, lr  }
0x1b: {  	s9 =	sadd.s32 $0xFFFFFEF7, lr;
	s5 =	simm.s32 $0xFFFFFFFF;
	p2 =	slt.u32 s8, $0xFFFFF086  }
0x1c: {  	p1 =	slt.u32 s9, $0xF7A;
	s5 =	simm.s32 @!p2 $0x0  }
0x1d: {  	s5 =	simm.s32 @p1 $0x1;
	p0 =	seq.s32 s7, s2  }
0x1e: {  	s7 =	smul.u32 @!p0 $0xF7A, s2;
	p2 =	seq.s32 @!p0 s5, $0x0  }
0x1f: {  	s9 =	smul.u32 $0xF7A, s1;
	s8 =	simm.s32 @!p0 $0x1BF5;
	p2 =	por !p2, p0  }
0x20: {  	[sflag:s8] =	ssyncset.s32 @!p0 $0xFFFFF086;
	s6 =	sadd.s32 @!p0 s3, s7;
	s7 =	simm.s32 @!p0 $0x108  }
0x21: {  	s3 =	sadd.s32 s3, s9;
	s6 =	sadd.s32 @!p0 $0x88, s6;
	s7 =	simm.s32 @p2 $0x1082  }
0x22: {  	[simem:s7], [sflag:s8] =	dma.local @!p0 [hbm:s6], $0xF7A  }
0x23: {  	s9 =	sor.u32 $0xD0000000, s2;
	s6 =	simm.s32 $0x108;
	_ =	swait.ge @!p0 [sflag:s8], $0x0  }
0x24: {  	s3 =	sadd.s32 $0x88, s3;
	s6 =	simm.s32 @!p1 $0x1082;
	[sflag:s4] =	ssyncset.s32 $0xFFFFF086  }
0x25: {  	[simem:s6], [sflag:s4] =	dma.local [hbm:s3], $0xF7A  }
0x26: {  	[smem:$0x3F9F] =	sst s1;
	(tag) =	ssettag s2;
	_ =	strace s9  }
0x27: {  	s1 =	sld [smem:$0x3FAF]  }
0x28: {  	s2 =	sld [smem:$0x3FB0]  }
0x29: {  	s4 =	sld [smem:$0x3FB2]  }
0x2a: {  	p0 =	seq.s32 s5, $0x0;
	s5 =	sld [smem:$0x3FB3]  }
0x2b: {  	s6 =	sld [smem:$0x3FB4]  }
0x2c: {  	s7 =	sld [smem:$0x3FB5]  }
0x2d: {  	s3 =	simm.s32 $0x108;
	s8 =	sld [smem:$0x3FB6]  }
0x2e: {  	s3 =	simm.s32 @!p0 $0x1082;
	s9 =	sld [smem:$0x3FB7]  }
0x2f: {  	lr =	sadd.s32 s0, s3;
	s0 =	sld [smem:$0x3FAE]  }
0x30: {  	s3 =	sld [smem:$0x3FB1]  }
0x31: {  	[smem:$0x3FBA] =	sst s10  }
0x32: {  	s10 =	sld [smem:$0x3FB8];
	_ =	sdelay $0x3  }
0x33: {  	p0 =	seq.s32 s10, $0x1;
	s10 =	sld [smem:$0x3FBA];
	_ =	sdelay $0x3  }
0x34: {  	[smem:$0x3FBA] =	sst s10  }
0x35: {  	s10 =	sld [smem:$0x3FB9];
	_ =	sdelay $0x3  }
0x36: {  	p1 =	seq.s32 s10, $0x1;
	s10 =	sld [smem:$0x3FBA];
	_ =	sdelay $0x3  }
0x37: {  	[smem:$0x3FBA] =	sst s10  }
0x38: {  	s10 =	sld [smem:$0x3FBB]  }
0x39: {  	_ = 	snop;
	(pc) =	sbr.ind lr, $3  }
0x3a: {  	_ = 	snop  }
0x3b: {  	_ = 	snop  }
0x3c: {  	p2 =	seq.s32 s10, $0x1;
	s10 =	sld [smem:$0x3FBA]  }
0x3d: {  	_ =	shalt  }
0x3e: {  	_ =	shalt  }
0x3f: {  	_ =	shalt  }
0x40: {  	_ =	shalt  }
0x41: {  	_ =	shalt  }
0x42: {  	_ =	shalt  }
0x43: {  	_ =	shalt  }
0x44: {  	_ =	shalt  }
0x45: {  	_ =	shalt  }
0x46: {  	_ =	shalt  }
0x47: {  	_ =	shalt  }
0x48: {  	_ =	shalt  }
0x49: {  	_ =	shalt  }
0x4a: {  	_ =	shalt  }
0x4b: {  	_ =	shalt  }
0x4c: {  	_ =	shalt  }
0x4d: {  	_ =	shalt  }
0x4e: {  	_ =	shalt  }
0x4f: {  	_ =	shalt  }
0x50: {  	_ =	shalt  }
0x51: {  	_ =	shalt  }
0x52: {  	_ =	shalt  }
0x53: {  	_ =	shalt  }
0x54: {  	_ =	shalt  }
0x55: {  	_ =	shalt  }
0x56: {  	_ =	shalt  }
0x57: {  	_ =	shalt  }
0x58: {  	_ =	shalt  }
0x59: {  	_ =	shalt  }
0x5a: {  	_ =	shalt  }
0x5b: {  	_ =	shalt  }
0x5c: {  	_ =	shalt  }
0x5d: {  	_ =	shalt  }
0x5e: {  	_ =	shalt  }
0x5f: {  	_ =	shalt  }
0x60: {  	_ =	shalt  }
0x61: {  	_ =	shalt  }
0x62: {  	_ =	shalt  }
0x63: {  	_ =	shalt  }
0x64: {  	_ =	shalt  }
0x65: {  	_ =	shalt  }
0x66: {  	_ =	shalt  }
0x67: {  	_ =	shalt  }
0x68: {  	_ =	shalt  }
0x69: {  	_ =	shalt  }
0x6a: {  	_ =	shalt  }
0x6b: {  	_ =	shalt  }
0x6c: {  	_ =	shalt  }
0x6d: {  	_ =	shalt  }
0x6e: {  	_ =	shalt  }
0x6f: {  	_ =	shalt  }
0x70: {  	_ =	shalt  }
0x71: {  	_ =	shalt  }
0x72: {  	_ =	shalt  }
0x73: {  	_ =	shalt  }
0x74: {  	_ =	shalt  }
0x75: {  	_ =	shalt  }
0x76: {  	_ =	shalt  }
0x77: {  	_ =	shalt  }
0x78: {  	_ =	shalt  }
0x79: {  	_ =	shalt  }
0x7a: {  	_ =	shalt  }
0x7b: {  	_ =	shalt  }
0x7c: {  	_ =	shalt  }
0x7d: {  	_ =	shalt  }
0x7e: {  	_ =	shalt  }
0x7f: {  	_ =	shalt  }
0x80: {  	_ =	shalt  }
0x81: {  	_ =	shalt  }
0x82: {  	_ =	shalt  }
0x83: {  	_ =	shalt  }
0x84: {  	_ =	shalt  }
0x85: {  	_ =	shalt  }
0x86: {  	_ =	shalt  }
0x87: {  	_ =	shalt  }
.Lfunc_end0:
.L_simem_size_0:
called_computation.5_lowered:
.L_overlay_start_0:
0x88: {  	s2 =	sld [smem:$0x3FD9]  }
0x89: {  	s3 =	sld [smem:$0x3FFE];
	_ =	sdelay $0x1  }
0x8a: {  	s1 =	srdreg.scid  }
0x8b: {  	s0 =	sand.u32 $0x1, s1  }
0x8c: {  	s17 =	sshll.u32 s0, $0xA;
	s2 =	sadd.s32 s3, s2  }
0x8d: {  	s2 =	sadd.s32 s2, s17  }
0x8e: {  	[smem:$0x3FC6] =	sst s2  }
0x8f: {  	_ = 	snop  }
0x90: {  	s2 =	sld [smem:$0x3FD0];
	(tm) =	ssettm $0x1  }
0x91: {  	s18 =	sld [smem:$0x3FFB];
	_ =	sdelay $0x3  }
0x92: {  	_ =	strace s18  }
0x93: {  	s3 =	sld [smem:$0x3FFC];
	_ =	sdelay $0x3  }
0x94: {  	_ =	strace s3  }
0x95: {  	s3 =	sld [smem:$0x3FFD];
	_ =	sdelay $0x3  }
0x96: {  	_ =	strace s3  }
0x97: {  	_ =	strace $0x8FFFFFFF  }
0x98: {  	s19 =	sld [smem:$0x3FDB];
	_ =	sdelay $0x1  }
0x99: {  	s4 =	simm.s32 $_scs_section_size  }
0x9a: {  	s5 =	simm.s32 $_size__tile_overlayer_lowered;
	s6 =	simm.s32 $_tile_overlayer_lowered  }
0x9b: {  	s22 =	simm.s32 $0x1BFF;
	s21 =	sshll.u32 s6, $0x1;
	s3 =	sadd.s32 s4, s19  }
0x9c: {  	s7 =	simm.s32 $0x0;
	s20 =	sshll.u32 s5, $0x1;
	s5 =	sadd.s32 s21, s3  }
0x9d: {  	[timem:s7], [sflag:s22] =	dma.local [hbm:s5], s20  }
0x9e: {  	_ =	swait.ge [sflag:s22], s20  }
0x9f: {  	s4 =	ssub.s32 $0x0, s20;
	[sflag:s22] =	ssyncset.done $0x0  }
0xa0: {  	[sflag:s22] =	ssyncadd.s32 s4;
	_ =	sdelay $0x1  }
0xa1: {  	s23 =	simm.s32 $0x1B8B  }
0xa2: {  	_ =	swait.ge [sflag:s23], $0x1  }
0xa3: {  	[sflag:s23] =	ssyncset.done $0x0  }
0xa4: {  	s25 =	simm.s32 $0x1B8E;
	s24 =	sld [smem:$0x3FFE];
	[sflag:s23] =	ssyncadd.s32 $0xFFFFFFFF  }
0xa5: {  	s26 =	simm.s32 $execute0_lowered;
	[smem:$0x3FD2] =	sst s25  }
0xa6: {  	s5 =	sshll.u32 s26, $0x1;
	_ =	strace $0x80000052;
	[dreg:$0x1] =	wrdreg $0xFFFFFFFF  }
0xa7: {  	s28 =	simm.s32 $_size_execute0_lowered;
	s3 =	sadd.s32 s3, s5;
	[dreg:$0x0] =	wrdreg $0x0  }
0xa8: {  	s5 =	sshll.u32 s28, $0x1;
	[dreg:$0x2] =	wrdreg s3  }
0xa9: {  	[dreg:$0x3] =	wrdreg s5  }
0xaa: {  	[dreg:$0x4] =	wrdreg $0xC0  }
0xab: {  	_ =	task [dreg:s7], $0x5FFFF  }
0xac: {  	[dreg:$0x1] =	wrdreg $0xFFFFFFFF  }
0xad: {  	[dreg:$0x0] =	wrdreg $0x60  }
0xae: {  	[dreg:$0x2] =	wrdreg s24  }
0xaf: {  	[dreg:$0x3] =	wrdreg s2  }
0xb0: {  	[dreg:$0x4] =	wrdreg $0x9  }
0xb1: {  	_ =	task.clear_ibuf [dreg:s7], $0x5FFFF;
	_ =	strace $0x90000052  }
0xb2: {  	s29 =	simm.s32 $0x9;
	_ =	strace $0x80000054  }
0xb3: {  	_ =	swait.ge [sflag:s29], $0x1  }
0xb4: {  	[sflag:s29] =	ssyncadd.s32 $0xFFFFFFFF  }
0xb5: {  	_ =	strace $0x90000054  }
0xb6: {  	_ =	sfence  }
0xb7: {  	s30 =	sld [smem:$0x0];
	_ =	sdelay $0x2  }
0xb8: {  	s31 =	sshll.u32 s1, $0xD;
	s1 =	sshrl.u32 s1, $0x2  }
0xb9: {  	s3 =	sand.u32 $0x4000, s31;
	s1 =	sadd.s32 s1, s30  }
0xba: {  	s0 =	sor.u32 s3, s0;
	s1 =	sshll.u32 s1, $0x11  }
0xbb: {  	s0 =	sor.u32 s1, s0  }
0xbc: {  	s0 =	sadd.s32 $0x8F2B, s0  }
0xbd: {  	[sflag:s0] =	ssyncadd.remote.s32 $0x1  }
0xbe: {  	_ =	sfence.sel $0xFFFF  }
0xbf: {  	[dreg:$0x0] =	wrdreg $0xFFFFFFFF;
	(pc) =	sbr.abs _section_cstart, $3  }
0xc0: {  	[dreg:$0x1] =	wrdreg $0xFFFFFFFF  }
0xc1: {  	_ =	task.clear_ibuf [dreg:s7], $0x2FFFF;
	_ =	strace $0x9FFFFFFF  }
0xc2: {  	(tm) =	ssettm $0x7FFFFFFF  }
0xc3: {  	_ =	shalt  }
tec
execute0_lowered:
.L_overlay_start_1:
0x0: {  	(tag) =	ssettag $0x1  }
0x1: {  	s0 =	rddreg [dreg:$0x0]  }
0x2: {  	s1 =	rddreg [dreg:$0x1];
	s2 =	srdreg.scid  }
0x3: {  	s3 =	simm.s32 $0x0;
	s6 =	stileid.u32;
	s8 =	simm.s32 $0x2000  }
0x4: {  	s9 =	simm.s32 $0x4000;
	s10 =	simm.s32 $0x6000;
	s11 =	simm.s32 $0x1  }
0x5: {  	s2 =	sand.u32 $0x1, s2;
	[smem:$0x7FF] =	sst s3;
	s6 =	sshll.u32 s6, $0x1  }
0x6: {  	s7 =	sadd.s32 $0x181800, s0;
	s0 =	sadd.s32 $0x301800, s0;
	s4 =	ssub.s32 $0x2, s2  }
.Ltmp0:
0x7: {  	_ =	strace $0x80000053;
	s2 =	sor.u32 s2, s6;
	(pc) =	sbr.rel .LBB2_1-.Ltmp0, $4  }
0x8: {  	[dreg:$0x3] =	wrdreg s7;
	s5 =	sshrl.u32 s4, $0x1;
	s30 =	smul.u32 $0x6, s2  }
0x9: {  	s12 =	simm.s32 $0x8000;
	[dreg:$0x4] =	wrdreg s0;
	s4 =	ssub.s32 s4, s5  }
0xa: {  	s13 =	simm.s32 $0x2;
	[dreg:$0x5] =	wrdreg s30;
	s31 =	smax.u32 s4, $0x1  }
0xb: {  	v0 =	vimm.f32 $0.0e+00;
	s15 =	simm.s32 $0x4;
	s2 =	simm.s32 $0x0;
	[dreg:$0x6] =	wrdreg s31  }
.LBB2_24:
0xc: {  	s2 =	rddreg [dreg:$0x7]  }
0xd: {  	s0 =	rddreg [dreg:$0x6];
	s2 =	sadd.s32 $0x1, s2  }
0xe: {  	p0 =	sne.s32 s2, s0  }
.Ltmp1:
0xf: {  	_ = 	snop;
	(pc) =	sbr.rel @!p0 .LBB2_25-.Ltmp1, $1  }
0x10: {  	_ =	sdelay $0x3  }
.LBB2_1:
.Ltmp2:
0x11: {  	(pc) =	sbr.rel .LBB2_2-.Ltmp2, $2  }
0x12: {  	_ =	sdelay $0x2  }
0x13: {  	[dreg:$0x7] =	wrdreg s2;
	s2 =	simm.s32 $0x0  }
.LBB2_23:
0x14: {  	[hbm4b:s4+s3] =	stream.linear.scatter [tilespmem:s12], [sflag:$0x3], $0x15500, $0x38;
	[tilespmem:$0x1D580] =	vst v63  }
0x15: {  	s0 =	simm.s32 $0x3  }
0x16: {  	_ =	swait.ge [sflag:s0], $0x15500  }
0x17: {  	s2 =	rddreg [dreg:$0x8]  }
0x18: {  	s2 =	sadd.s32 $0x1, s2  }
0x19: {  	p0 =	sne.s32 s2, $0x6  }
.Ltmp3:
0x1a: {  	_ = 	snop;
	(pc) =	sbr.rel @!p0 .LBB2_24-.Ltmp3, $3  }
0x1b: {  	_ =	sdelay $0x1  }
0x1c: {  	[sflag:s0] =	ssyncset.done $0x0  }
0x1d: {  	[sflag:s0] =	ssyncadd.s32 $0xFFFEAB00  }
.LBB2_2:
0x1e: {  	s0 =	rddreg [dreg:$0x5]  }
0x1f: {  	[dreg:$0x8] =	wrdreg s2;
	s4 =	sadd.s32 s0, s2  }
0x20: {  	s14 =	rddreg [dreg:$0x4];
	s0 =	sshll.u32 s4, $0xD  }
0x21: {  	s7 =	rddreg [dreg:$0x3];
	s18 =	sadd.s32 s14, s0;
	s25 =	sor.u32 $0x400, s0  }
0x22: {  	s19 =	sadd.s32 s7, s0;
	s5 =	sor.u32 $0x800, s0;
	s26 =	sor.u32 $0xC00, s0  }
0x23: {  	s6 =	sor.u32 $0x1000, s0;
	s16 =	sor.u32 $0x1400, s0;
	s17 =	sor.u32 $0x1800, s0  }
0x24: {  	s20 =	sadd.s32 s14, s25;
	s21 =	sadd.s32 s7, s25;
	s22 =	sadd.s32 s14, s5  }
0x25: {  	s23 =	sadd.s32 s7, s5;
	s24 =	sadd.s32 s14, s26;
	s25 =	sadd.s32 s7, s26  }
0x26: {  	s26 =	sadd.s32 s14, s6;
	s28 =	sadd.s32 s7, s6;
	s29 =	sadd.s32 s14, s16  }
0x27: {  	s30 =	sadd.s32 s7, s16;
	s31 =	sadd.s32 s14, s17;
	s6 =	sor.u32 $0x1C00, s0  }
0x28: {  	s0 =	sadd.s32 s7, s17;
	s16 =	sshll.u32 s4, $0x12;
	s2 =	sadd.s32 s14, s6  }
0x29: {  	s7 =	sadd.s32 s7, s6;
	s6 =	simm.s32 $0x0;
	s14 =	simm.s32 $0x0  }
.LBB2_3:
0x2a: {  	[tilespmem:s6], [sflag:$0x1] =	stream.linear.gather [hbm4b:s18+s6], $0x2000, $0x38;
	[tilespmem:$0x1D580] =	vst v63  }
0x2b: {  	s4 =	simm.s32 $0x0;
	s5 =	simm.s32 $0x200  }
0x2c: {  	[tilespmem:s8], [sflag:$0x1] =	stream.linear.gather [hbm4b:s19+s6], $0x2000, $0x38;
	[tilespmem:$0x1D580] =	vst v63  }
.LBB2_4:
0x2d: {  	p0 =	sne.s32 s5, $0x55400;
	[tilespmem:s4+$0x8070] =	vst v0  }
0x2e: {  	[tilespmem:s4+$0x8000] =	vst v0  }
0x2f: {  	[tilespmem:s4+$0x8010] =	vst v0  }
.Ltmp4:
0x30: {  	[tilespmem:s4+$0x8020] =	vst v0;
	(pc) =	sbr.rel @p0 .LBB2_4-.Ltmp4, $4  }
0x31: {  	[tilespmem:s4+$0x8030] =	vst v0  }
0x32: {  	[tilespmem:s4+$0x8040] =	vst v0  }
0x33: {  	[tilespmem:s4+$0x8050] =	vst v0  }
0x34: {  	[tilespmem:s4+$0x8060] =	vst v0;
	s4 =	sshra.s32 s5, $0x2;
	s5 =	sadd.s32 $0x200, s5  }
0x35: {  	[tilespmem:s4+$0x8070] =	vst v0  }
0x36: {  	[tilespmem:s4+$0x8000] =	vst v0  }
0x37: {  	[tilespmem:s4+$0x8010] =	vst v0  }
0x38: {  	[tilespmem:s4+$0x8020] =	vst v0  }
0x39: {  	[tilespmem:s4+$0x8030] =	vst v0  }
0x3a: {  	[tilespmem:s4+$0x8040] =	vst v0  }
0x3b: {  	[tilespmem:s4+$0x8050] =	vst v0  }
0x3c: {  	[tilespmem:s4+$0x8060] =	vst v0;
	s5 =	simm.s32 $0x0  }
0x3d: {  	[tilespmem:s9], [sflag:$0x2] =	stream.linear.gather [hbm4b:s20+s5], $0x2000, $0x38;
	[tilespmem:$0x1D580] =	vst v63  }
0x3e: {  	_ = 	snop  }
0x3f: {  	[tilespmem:s10], [sflag:$0x2] =	stream.linear.gather [hbm4b:s21+s5], $0x2000, $0x38;
	[tilespmem:$0x1D580] =	vst v63  }
0x40: {  	_ =	swait.ge [sflag:s11], $0x2000  }
0x41: {  	[sflag:s11] =	ssyncset.done $0x0  }
0x42: {  	[sflag:s11] =	ssyncadd.s32 $0xFFFFE000  }
0x43: {  	s4 =	smul.u32 $0x15580, s14;
	_ =	swait.ge [sflag:s11], $0x2000  }
0x44: {  	[sflag:s11] =	ssyncset.done $0x0  }
0x45: {  	v1 =	vmov s4;
	[sflag:s11] =	ssyncadd.s32 $0xFFFFE000  }
.LBB2_6:
0x46: {  	s17 =	sshra.s32 s5, $0x2  }
0x47: {  	v2 =	vld [tilespmem:s17+$0x0];
	_ =	sdelay $0x4  }
0x48: {  	v2 =	vshrl.u32 v2, $0x5  }
0x49: {  	v2 =	vcvt.s32.f32 v2;
	_ =	sdelay $0x1  }
0x4a: {  	v2 =	vmul.f32 $3.333333430e-01, v2;
	_ =	sdelay $0x1  }
0x4b: {  	v2 =	vtrunc.f32 v2  }
0x4c: {  	v2 =	vcvt.f32.s32 v2;
	_ =	sdelay $0x1  }
0x4d: {  	v2 =	vsub.s32 v2, v1  }
0x4e: {  	vm0 =	vlt.u32 v2, $0x15580  }
0x4f: {  	v3 =	vld [tilespmem:s17+$0x2000];
	v2 =	vnsel vm0, $0x0, v2;
	_ =	sdelay $0x4  }
0x50: {  	[tilespmem:v2+s12+$0x0] =	vst.idx.add.f32.msk vm0, v3  }
0x51: {  	v2 =	vld [tilespmem:s17+$0x10];
	_ =	sdelay $0x4  }
0x52: {  	v2 =	vshrl.u32 v2, $0x5  }
0x53: {  	v2 =	vcvt.s32.f32 v2;
	_ =	sdelay $0x1  }
0x54: {  	v2 =	vmul.f32 $3.333333430e-01, v2;
	_ =	sdelay $0x1  }
0x55: {  	v2 =	vtrunc.f32 v2  }
0x56: {  	v2 =	vcvt.f32.s32 v2;
	_ =	sdelay $0x1  }
0x57: {  	v2 =	vsub.s32 v2, v1  }
0x58: {  	vm9 =	vlt.u32 v2, $0x15580  }
0x59: {  	v3 =	vld [tilespmem:s17+$0x2010];
	v2 =	vnsel vm9, $0x0, v2;
	_ =	sdelay $0x4  }
0x5a: {  	[tilespmem:v2+s12+$0x0] =	vst.idx.add.f32.msk vm9, v3  }
0x5b: {  	v2 =	vld [tilespmem:s17+$0x20];
	_ =	sdelay $0x4  }
0x5c: {  	v2 =	vshrl.u32 v2, $0x5  }
0x5d: {  	v2 =	vcvt.s32.f32 v2;
	_ =	sdelay $0x1  }
0x5e: {  	v2 =	vmul.f32 $3.333333430e-01, v2;
	_ =	sdelay $0x1  }
0x5f: {  	v2 =	vtrunc.f32 v2  }
0x60: {  	v2 =	vcvt.f32.s32 v2;
	_ =	sdelay $0x1  }
0x61: {  	v2 =	vsub.s32 v2, v1  }
0x62: {  	vm10 =	vlt.u32 v2, $0x15580  }
0x63: {  	v3 =	vld [tilespmem:s17+$0x2020];
	v2 =	vnsel vm10, $0x0, v2;
	_ =	sdelay $0x4  }
0x64: {  	[tilespmem:v2+s12+$0x0] =	vst.idx.add.f32.msk vm10, v3  }
0x65: {  	v2 =	vld [tilespmem:s17+$0x30];
	_ =	sdelay $0x4  }
0x66: {  	v2 =	vshrl.u32 v2, $0x5  }
0x67: {  	v2 =	vcvt.s32.f32 v2;
	_ =	sdelay $0x1  }
0x68: {  	v2 =	vmul.f32 $3.333333430e-01, v2;
	_ =	sdelay $0x1  }
0x69: {  	v2 =	vtrunc.f32 v2  }
0x6a: {  	v2 =	vcvt.f32.s32 v2;
	_ =	sdelay $0x1  }
0x6b: {  	v2 =	vsub.s32 v2, v1  }
0x6c: {  	vm11 =	vlt.u32 v2, $0x15580  }
0x6d: {  	v3 =	vld [tilespmem:s17+$0x2030];
	v2 =	vnsel vm11, $0x0, v2;
	_ =	sdelay $0x4  }
0x6e: {  	[tilespmem:v2+s12+$0x0] =	vst.idx.add.f32.msk vm11, v3  }
0x6f: {  	v2 =	vld [tilespmem:s17+$0x40];
	_ =	sdelay $0x4  }
0x70: {  	v2 =	vshrl.u32 v2, $0x5  }
0x71: {  	v2 =	vcvt.s32.f32 v2;
	_ =	sdelay $0x1  }
0x72: {  	v2 =	vmul.f32 $3.333333430e-01, v2;
	_ =	sdelay $0x1  }
0x73: {  	v2 =	vtrunc.f32 v2  }
0x74: {  	v2 =	vcvt.f32.s32 v2;
	_ =	sdelay $0x1  }
0x75: {  	v2 =	vsub.s32 v2, v1  }
0x76: {  	vm12 =	vlt.u32 v2, $0x15580  }
0x77: {  	v3 =	vld [tilespmem:s17+$0x2040];
	v2 =	vnsel vm12, $0x0, v2;
	_ =	sdelay $0x4  }
0x78: {  	[tilespmem:v2+s12+$0x0] =	vst.idx.add.f32.msk vm12, v3  }
0x79: {  	v2 =	vld [tilespmem:s17+$0x50];
	_ =	sdelay $0x4  }
0x7a: {  	v2 =	vshrl.u32 v2, $0x5  }
0x7b: {  	v2 =	vcvt.s32.f32 v2;
	_ =	sdelay $0x1  }
0x7c: {  	v2 =	vmul.f32 $3.333333430e-01, v2;
	_ =	sdelay $0x1  }
0x7d: {  	v2 =	vtrunc.f32 v2  }
0x7e: {  	v2 =	vcvt.f32.s32 v2;
	_ =	sdelay $0x1  }
0x7f: {  	v2 =	vsub.s32 v2, v1  }
0x80: {  	vm13 =	vlt.u32 v2, $0x15580  }
0x81: {  	v3 =	vld [tilespmem:s17+$0x2050];
	v2 =	vnsel vm13, $0x0, v2;
	_ =	sdelay $0x4  }
0x82: {  	[tilespmem:v2+s12+$0x0] =	vst.idx.add.f32.msk vm13, v3  }
0x83: {  	v2 =	vld [tilespmem:s17+$0x60];
	_ =	sdelay $0x4  }
0x84: {  	v2 =	vshrl.u32 v2, $0x5  }
0x85: {  	v2 =	vcvt.s32.f32 v2;
	_ =	sdelay $0x1  }
0x86: {  	v2 =	vmul.f32 $3.333333430e-01, v2;
	_ =	sdelay $0x1  }
0x87: {  	v2 =	vtrunc.f32 v2  }
0x88: {  	v2 =	vcvt.f32.s32 v2;
	_ =	sdelay $0x1  }
0x89: {  	v2 =	vsub.s32 v2, v1  }
0x8a: {  	vm14 =	vlt.u32 v2, $0x15580  }
0x8b: {  	v3 =	vld [tilespmem:s17+$0x2060];
	v2 =	vnsel vm14, $0x0, v2;
	_ =	sdelay $0x4  }
0x8c: {  	[tilespmem:v2+s12+$0x0] =	vst.idx.add.f32.msk vm14, v3  }
0x8d: {  	v2 =	vld [tilespmem:s17+$0x70];
	_ =	sdelay $0x4  }
0x8e: {  	v2 =	vshrl.u32 v2, $0x5  }
0x8f: {  	v2 =	vcvt.s32.f32 v2;
	_ =	sdelay $0x1  }
0x90: {  	v2 =	vmul.f32 $3.333333430e-01, v2;
	_ =	sdelay $0x1  }
0x91: {  	v2 =	vtrunc.f32 v2  }
0x92: {  	v2 =	vcvt.f32.s32 v2;
	_ =	sdelay $0x1  }
0x93: {  	v2 =	vsub.s32 v2, v1  }
0x94: {  	vm15 =	vlt.u32 v2, $0x15580  }
0x95: {  	p0 =	sne.s32 s5, $0x7E00;
	v3 =	vld [tilespmem:s17+$0x2070];
	v2 =	vnsel vm15, $0x0, v2  }
.Ltmp5:
0x96: {  	_ = 	snop;
	(pc) =	sbr.rel @p0 .LBB2_6-.Ltmp5, $2  }
0x97: {  	_ =	sdelay $0x2  }
0x98: {  	s5 =	sadd.s32 $0x200, s5;
	[tilespmem:v2+s12+$0x0] =	vst.idx.add.f32.msk vm15, v3  }
0x99: {  	s5 =	simm.s32 $0x0  }
0x9a: {  	[tilespmem:s5], [sflag:$0x1] =	stream.linear.gather [hbm4b:s22+s5], $0x2000, $0x38;
	[tilespmem:$0x1D580] =	vst v63  }
0x9b: {  	_ = 	snop  }
0x9c: {  	[tilespmem:s8], [sflag:$0x1] =	stream.linear.gather [hbm4b:s23+s5], $0x2000, $0x38;
	[tilespmem:$0x1D580] =	vst v63  }
0x9d: {  	_ =	swait.ge [sflag:s13], $0x2000  }
0x9e: {  	[sflag:s13] =	ssyncset.done $0x0  }
0x9f: {  	[sflag:s13] =	ssyncadd.s32 $0xFFFFE000  }
0xa0: {  	_ =	swait.ge [sflag:s13], $0x2000  }
0xa1: {  	[sflag:s13] =	ssyncset.done $0x0  }
0xa2: {  	[sflag:s13] =	ssyncadd.s32 $0xFFFFE000  }
.LBB2_8:
0xa3: {  	s17 =	sshra.s32 s5, $0x2  }
0xa4: {  	v2 =	vld [tilespmem:s17+$0x4000];
	_ =	sdelay $0x4  }
0xa5: {  	v2 =	vshrl.u32 v2, $0x5  }
0xa6: {  	v2 =	vcvt.s32.f32 v2;
	_ =	sdelay $0x1  }
0xa7: {  	v2 =	vmul.f32 $3.333333430e-01, v2;
	_ =	sdelay $0x1  }
0xa8: {  	v2 =	vtrunc.f32 v2  }
0xa9: {  	v2 =	vcvt.f32.s32 v2;
	_ =	sdelay $0x1  }
0xaa: {  	v2 =	vsub.s32 v2, v1  }
0xab: {  	vm0 =	vlt.u32 v2, $0x15580  }
0xac: {  	v3 =	vld [tilespmem:s17+$0x6000];
	v2 =	vnsel vm0, $0x0, v2;
	_ =	sdelay $0x4  }
0xad: {  	[tilespmem:v2+s12+$0x0] =	vst.idx.add.f32.msk vm0, v3  }
0xae: {  	v2 =	vld [tilespmem:s17+$0x4010];
	_ =	sdelay $0x4  }
0xaf: {  	v2 =	vshrl.u32 v2, $0x5  }
0xb0: {  	v2 =	vcvt.s32.f32 v2;
	_ =	sdelay $0x1  }
0xb1: {  	v2 =	vmul.f32 $3.333333430e-01, v2;
	_ =	sdelay $0x1  }
0xb2: {  	v2 =	vtrunc.f32 v2  }
0xb3: {  	v2 =	vcvt.f32.s32 v2;
	_ =	sdelay $0x1  }
0xb4: {  	v2 =	vsub.s32 v2, v1  }
0xb5: {  	vm9 =	vlt.u32 v2, $0x15580  }
0xb6: {  	v3 =	vld [tilespmem:s17+$0x6010];
	v2 =	vnsel vm9, $0x0, v2;
	_ =	sdelay $0x4  }
0xb7: {  	[tilespmem:v2+s12+$0x0] =	vst.idx.add.f32.msk vm9, v3  }
0xb8: {  	v2 =	vld [tilespmem:s17+$0x4020];
	_ =	sdelay $0x4  }
0xb9: {  	v2 =	vshrl.u32 v2, $0x5  }
0xba: {  	v2 =	vcvt.s32.f32 v2;
	_ =	sdelay $0x1  }
0xbb: {  	v2 =	vmul.f32 $3.333333430e-01, v2;
	_ =	sdelay $0x1  }
0xbc: {  	v2 =	vtrunc.f32 v2  }
0xbd: {  	v2 =	vcvt.f32.s32 v2;
	_ =	sdelay $0x1  }
0xbe: {  	v2 =	vsub.s32 v2, v1  }
0xbf: {  	vm10 =	vlt.u32 v2, $0x15580  }
0xc0: {  	v3 =	vld [tilespmem:s17+$0x6020];
	v2 =	vnsel vm10, $0x0, v2;
	_ =	sdelay $0x4  }
0xc1: {  	[tilespmem:v2+s12+$0x0] =	vst.idx.add.f32.msk vm10, v3  }
0xc2: {  	v2 =	vld [tilespmem:s17+$0x4030];
	_ =	sdelay $0x4  }
0xc3: {  	v2 =	vshrl.u32 v2, $0x5  }
0xc4: {  	v2 =	vcvt.s32.f32 v2;
	_ =	sdelay $0x1  }
0xc5: {  	v2 =	vmul.f32 $3.333333430e-01, v2;
	_ =	sdelay $0x1  }
0xc6: {  	v2 =	vtrunc.f32 v2  }
0xc7: {  	v2 =	vcvt.f32.s32 v2;
	_ =	sdelay $0x1  }
0xc8: {  	v2 =	vsub.s32 v2, v1  }
0xc9: {  	vm11 =	vlt.u32 v2, $0x15580  }
0xca: {  	v3 =	vld [tilespmem:s17+$0x6030];
	v2 =	vnsel vm11, $0x0, v2;
	_ =	sdelay $0x4  }
0xcb: {  	[tilespmem:v2+s12+$0x0] =	vst.idx.add.f32.msk vm11, v3  }
0xcc: {  	v2 =	vld [tilespmem:s17+$0x4040];
	_ =	sdelay $0x4  }
0xcd: {  	v2 =	vshrl.u32 v2, $0x5  }
0xce: {  	v2 =	vcvt.s32.f32 v2;
	_ =	sdelay $0x1  }
0xcf: {  	v2 =	vmul.f32 $3.333333430e-01, v2;
	_ =	sdelay $0x1  }
0xd0: {  	v2 =	vtrunc.f32 v2  }
0xd1: {  	v2 =	vcvt.f32.s32 v2;
	_ =	sdelay $0x1  }
0xd2: {  	v2 =	vsub.s32 v2, v1  }
0xd3: {  	vm12 =	vlt.u32 v2, $0x15580  }
0xd4: {  	v3 =	vld [tilespmem:s17+$0x6040];
	v2 =	vnsel vm12, $0x0, v2;
	_ =	sdelay $0x4  }
0xd5: {  	[tilespmem:v2+s12+$0x0] =	vst.idx.add.f32.msk vm12, v3  }
0xd6: {  	v2 =	vld [tilespmem:s17+$0x4050];
	_ =	sdelay $0x4  }
0xd7: {  	v2 =	vshrl.u32 v2, $0x5  }
0xd8: {  	v2 =	vcvt.s32.f32 v2;
	_ =	sdelay $0x1  }
0xd9: {  	v2 =	vmul.f32 $3.333333430e-01, v2;
	_ =	sdelay $0x1  }
0xda: {  	v2 =	vtrunc.f32 v2  }
0xdb: {  	v2 =	vcvt.f32.s32 v2;
	_ =	sdelay $0x1  }
0xdc: {  	v2 =	vsub.s32 v2, v1  }
0xdd: {  	vm13 =	vlt.u32 v2, $0x15580  }
0xde: {  	v3 =	vld [tilespmem:s17+$0x6050];
	v2 =	vnsel vm13, $0x0, v2;
	_ =	sdelay $0x4  }
0xdf: {  	[tilespmem:v2+s12+$0x0] =	vst.idx.add.f32.msk vm13, v3  }
0xe0: {  	v2 =	vld [tilespmem:s17+$0x4060];
	_ =	sdelay $0x4  }
0xe1: {  	v2 =	vshrl.u32 v2, $0x5  }
0xe2: {  	v2 =	vcvt.s32.f32 v2;
	_ =	sdelay $0x1  }
0xe3: {  	v2 =	vmul.f32 $3.333333430e-01, v2;
	_ =	sdelay $0x1  }
0xe4: {  	v2 =	vtrunc.f32 v2  }
0xe5: {  	v2 =	vcvt.f32.s32 v2;
	_ =	sdelay $0x1  }
0xe6: {  	v2 =	vsub.s32 v2, v1  }
0xe7: {  	vm14 =	vlt.u32 v2, $0x15580  }
0xe8: {  	v3 =	vld [tilespmem:s17+$0x6060];
	v2 =	vnsel vm14, $0x0, v2;
	_ =	sdelay $0x4  }
0xe9: {  	[tilespmem:v2+s12+$0x0] =	vst.idx.add.f32.msk vm14, v3  }
0xea: {  	v2 =	vld [tilespmem:s17+$0x4070];
	_ =	sdelay $0x4  }
0xeb: {  	v2 =	vshrl.u32 v2, $0x5  }
0xec: {  	v2 =	vcvt.s32.f32 v2;
	_ =	sdelay $0x1  }
0xed: {  	v2 =	vmul.f32 $3.333333430e-01, v2;
	_ =	sdelay $0x1  }
0xee: {  	v2 =	vtrunc.f32 v2  }
0xef: {  	v2 =	vcvt.f32.s32 v2;
	_ =	sdelay $0x1  }
0xf0: {  	v2 =	vsub.s32 v2, v1  }
0xf1: {  	vm15 =	vlt.u32 v2, $0x15580  }
0xf2: {  	p0 =	sne.s32 s5, $0x7E00;
	v3 =	vld [tilespmem:s17+$0x6070];
	v2 =	vnsel vm15, $0x0, v2  }
.Ltmp6:
0xf3: {  	_ = 	snop;
	(pc) =	sbr.rel @p0 .LBB2_8-.Ltmp6, $2  }
0xf4: {  	_ =	sdelay $0x2  }
0xf5: {  	s5 =	sadd.s32 $0x200, s5;
	[tilespmem:v2+s12+$0x0] =	vst.idx.add.f32.msk vm15, v3  }
0xf6: {  	s5 =	simm.s32 $0x0  }
0xf7: {  	[tilespmem:s9], [sflag:$0x2] =	stream.linear.gather [hbm4b:s24+s5], $0x2000, $0x38;
	[tilespmem:$0x1D580] =	vst v63  }
0xf8: {  	_ = 	snop  }
0xf9: {  	[tilespmem:s10], [sflag:$0x2] =	stream.linear.gather [hbm4b:s25+s5], $0x2000, $0x38;
	[tilespmem:$0x1D580] =	vst v63  }
0xfa: {  	_ =	swait.ge [sflag:s11], $0x2000  }
0xfb: {  	[sflag:s11] =	ssyncset.done $0x0  }
0xfc: {  	[sflag:s11] =	ssyncadd.s32 $0xFFFFE000  }
0xfd: {  	_ =	swait.ge [sflag:s11], $0x2000  }
0xfe: {  	[sflag:s11] =	ssyncset.done $0x0  }
0xff: {  	[sflag:s11] =	ssyncadd.s32 $0xFFFFE000  }
.LBB2_10:
0x100: {  	s17 =	sshra.s32 s5, $0x2  }
0x101: {  	v2 =	vld [tilespmem:s17+$0x0];
	_ =	sdelay $0x4  }
0x102: {  	v2 =	vshrl.u32 v2, $0x5  }
0x103: {  	v2 =	vcvt.s32.f32 v2;
	_ =	sdelay $0x1  }
0x104: {  	v2 =	vmul.f32 $3.333333430e-01, v2;
	_ =	sdelay $0x1  }
0x105: {  	v2 =	vtrunc.f32 v2  }
0x106: {  	v2 =	vcvt.f32.s32 v2;
	_ =	sdelay $0x1  }
0x107: {  	v2 =	vsub.s32 v2, v1  }
0x108: {  	vm0 =	vlt.u32 v2, $0x15580  }
0x109: {  	v3 =	vld [tilespmem:s17+$0x2000];
	v2 =	vnsel vm0, $0x0, v2;
	_ =	sdelay $0x4  }
0x10a: {  	[tilespmem:v2+s12+$0x0] =	vst.idx.add.f32.msk vm0, v3  }
0x10b: {  	v2 =	vld [tilespmem:s17+$0x10];
	_ =	sdelay $0x4  }
0x10c: {  	v2 =	vshrl.u32 v2, $0x5  }
0x10d: {  	v2 =	vcvt.s32.f32 v2;
	_ =	sdelay $0x1  }
0x10e: {  	v2 =	vmul.f32 $3.333333430e-01, v2;
	_ =	sdelay $0x1  }
0x10f: {  	v2 =	vtrunc.f32 v2  }
0x110: {  	v2 =	vcvt.f32.s32 v2;
	_ =	sdelay $0x1  }
0x111: {  	v2 =	vsub.s32 v2, v1  }
0x112: {  	vm9 =	vlt.u32 v2, $0x15580  }
0x113: {  	v3 =	vld [tilespmem:s17+$0x2010];
	v2 =	vnsel vm9, $0x0, v2;
	_ =	sdelay $0x4  }
0x114: {  	[tilespmem:v2+s12+$0x0] =	vst.idx.add.f32.msk vm9, v3  }
0x115: {  	v2 =	vld [tilespmem:s17+$0x20];
	_ =	sdelay $0x4  }
0x116: {  	v2 =	vshrl.u32 v2, $0x5  }
0x117: {  	v2 =	vcvt.s32.f32 v2;
	_ =	sdelay $0x1  }
0x118: {  	v2 =	vmul.f32 $3.333333430e-01, v2;
	_ =	sdelay $0x1  }
0x119: {  	v2 =	vtrunc.f32 v2  }
0x11a: {  	v2 =	vcvt.f32.s32 v2;
	_ =	sdelay $0x1  }
0x11b: {  	v2 =	vsub.s32 v2, v1  }
0x11c: {  	vm10 =	vlt.u32 v2, $0x15580  }
0x11d: {  	v3 =	vld [tilespmem:s17+$0x2020];
	v2 =	vnsel vm10, $0x0, v2;
	_ =	sdelay $0x4  }
0x11e: {  	[tilespmem:v2+s12+$0x0] =	vst.idx.add.f32.msk vm10, v3  }
0x11f: {  	v2 =	vld [tilespmem:s17+$0x30];
	_ =	sdelay $0x4  }
0x120: {  	v2 =	vshrl.u32 v2, $0x5  }
0x121: {  	v2 =	vcvt.s32.f32 v2;
	_ =	sdelay $0x1  }
0x122: {  	v2 =	vmul.f32 $3.333333430e-01, v2;
	_ =	sdelay $0x1  }
0x123: {  	v2 =	vtrunc.f32 v2  }
0x124: {  	v2 =	vcvt.f32.s32 v2;
	_ =	sdelay $0x1  }
0x125: {  	v2 =	vsub.s32 v2, v1  }
0x126: {  	vm11 =	vlt.u32 v2, $0x15580  }
0x127: {  	v3 =	vld [tilespmem:s17+$0x2030];
	v2 =	vnsel vm11, $0x0, v2;
	_ =	sdelay $0x4  }
0x128: {  	[tilespmem:v2+s12+$0x0] =	vst.idx.add.f32.msk vm11, v3  }
0x129: {  	v2 =	vld [tilespmem:s17+$0x40];
	_ =	sdelay $0x4  }
0x12a: {  	v2 =	vshrl.u32 v2, $0x5  }
0x12b: {  	v2 =	vcvt.s32.f32 v2;
	_ =	sdelay $0x1  }
0x12c: {  	v2 =	vmul.f32 $3.333333430e-01, v2;
	_ =	sdelay $0x1  }
0x12d: {  	v2 =	vtrunc.f32 v2  }
0x12e: {  	v2 =	vcvt.f32.s32 v2;
	_ =	sdelay $0x1  }
0x12f: {  	v2 =	vsub.s32 v2, v1  }
0x130: {  	vm12 =	vlt.u32 v2, $0x15580  }
0x131: {  	v3 =	vld [tilespmem:s17+$0x2040];
	v2 =	vnsel vm12, $0x0, v2;
	_ =	sdelay $0x4  }
0x132: {  	[tilespmem:v2+s12+$0x0] =	vst.idx.add.f32.msk vm12, v3  }
0x133: {  	v2 =	vld [tilespmem:s17+$0x50];
	_ =	sdelay $0x4  }
0x134: {  	v2 =	vshrl.u32 v2, $0x5  }
0x135: {  	v2 =	vcvt.s32.f32 v2;
	_ =	sdelay $0x1  }
0x136: {  	v2 =	vmul.f32 $3.333333430e-01, v2;
	_ =	sdelay $0x1  }
0x137: {  	v2 =	vtrunc.f32 v2  }
0x138: {  	v2 =	vcvt.f32.s32 v2;
	_ =	sdelay $0x1  }
0x139: {  	v2 =	vsub.s32 v2, v1  }
0x13a: {  	vm13 =	vlt.u32 v2, $0x15580  }
0x13b: {  	v3 =	vld [tilespmem:s17+$0x2050];
	v2 =	vnsel vm13, $0x0, v2;
	_ =	sdelay $0x4  }
0x13c: {  	[tilespmem:v2+s12+$0x0] =	vst.idx.add.f32.msk vm13, v3  }
0x13d: {  	v2 =	vld [tilespmem:s17+$0x60];
	_ =	sdelay $0x4  }
0x13e: {  	v2 =	vshrl.u32 v2, $0x5  }
0x13f: {  	v2 =	vcvt.s32.f32 v2;
	_ =	sdelay $0x1  }
0x140: {  	v2 =	vmul.f32 $3.333333430e-01, v2;
	_ =	sdelay $0x1  }
0x141: {  	v2 =	vtrunc.f32 v2  }
0x142: {  	v2 =	vcvt.f32.s32 v2;
	_ =	sdelay $0x1  }
0x143: {  	v2 =	vsub.s32 v2, v1  }
0x144: {  	vm14 =	vlt.u32 v2, $0x15580  }
0x145: {  	v3 =	vld [tilespmem:s17+$0x2060];
	v2 =	vnsel vm14, $0x0, v2;
	_ =	sdelay $0x4  }
0x146: {  	[tilespmem:v2+s12+$0x0] =	vst.idx.add.f32.msk vm14, v3  }
0x147: {  	v2 =	vld [tilespmem:s17+$0x70];
	_ =	sdelay $0x4  }
0x148: {  	v2 =	vshrl.u32 v2, $0x5  }
0x149: {  	v2 =	vcvt.s32.f32 v2;
	_ =	sdelay $0x1  }
0x14a: {  	v2 =	vmul.f32 $3.333333430e-01, v2;
	_ =	sdelay $0x1  }
0x14b: {  	v2 =	vtrunc.f32 v2  }
0x14c: {  	v2 =	vcvt.f32.s32 v2;
	_ =	sdelay $0x1  }
0x14d: {  	v2 =	vsub.s32 v2, v1  }
0x14e: {  	vm15 =	vlt.u32 v2, $0x15580  }
0x14f: {  	p0 =	sne.s32 s5, $0x7E00;
	v3 =	vld [tilespmem:s17+$0x2070];
	v2 =	vnsel vm15, $0x0, v2  }
.Ltmp7:
0x150: {  	_ = 	snop;
	(pc) =	sbr.rel @p0 .LBB2_10-.Ltmp7, $2  }
0x151: {  	_ =	sdelay $0x2  }
0x152: {  	s5 =	sadd.s32 $0x200, s5;
	[tilespmem:v2+s12+$0x0] =	vst.idx.add.f32.msk vm15, v3  }
0x153: {  	s5 =	simm.s32 $0x0  }
0x154: {  	[tilespmem:s5], [sflag:$0x1] =	stream.linear.gather [hbm4b:s26+s5], $0x2000, $0x38;
	[tilespmem:$0x1D580] =	vst v63  }
0x155: {  	_ = 	snop  }
0x156: {  	[tilespmem:s8], [sflag:$0x1] =	stream.linear.gather [hbm4b:s28+s5], $0x2000, $0x38;
	[tilespmem:$0x1D580] =	vst v63  }
0x157: {  	_ =	swait.ge [sflag:s13], $0x2000  }
0x158: {  	[sflag:s13] =	ssyncset.done $0x0  }
0x159: {  	[sflag:s13] =	ssyncadd.s32 $0xFFFFE000  }
0x15a: {  	_ =	swait.ge [sflag:s13], $0x2000  }
0x15b: {  	[sflag:s13] =	ssyncset.done $0x0  }
0x15c: {  	[sflag:s13] =	ssyncadd.s32 $0xFFFFE000  }
.LBB2_12:
0x15d: {  	s17 =	sshra.s32 s5, $0x2  }
0x15e: {  	v2 =	vld [tilespmem:s17+$0x4000];
	_ =	sdelay $0x4  }
0x15f: {  	v2 =	vshrl.u32 v2, $0x5  }
0x160: {  	v2 =	vcvt.s32.f32 v2;
	_ =	sdelay $0x1  }
0x161: {  	v2 =	vmul.f32 $3.333333430e-01, v2;
	_ =	sdelay $0x1  }
0x162: {  	v2 =	vtrunc.f32 v2  }
0x163: {  	v2 =	vcvt.f32.s32 v2;
	_ =	sdelay $0x1  }
0x164: {  	v2 =	vsub.s32 v2, v1  }
0x165: {  	vm0 =	vlt.u32 v2, $0x15580  }
0x166: {  	v3 =	vld [tilespmem:s17+$0x6000];
	v2 =	vnsel vm0, $0x0, v2;
	_ =	sdelay $0x4  }
0x167: {  	[tilespmem:v2+s12+$0x0] =	vst.idx.add.f32.msk vm0, v3  }
0x168: {  	v2 =	vld [tilespmem:s17+$0x4010];
	_ =	sdelay $0x4  }
0x169: {  	v2 =	vshrl.u32 v2, $0x5  }
0x16a: {  	v2 =	vcvt.s32.f32 v2;
	_ =	sdelay $0x1  }
0x16b: {  	v2 =	vmul.f32 $3.333333430e-01, v2;
	_ =	sdelay $0x1  }
0x16c: {  	v2 =	vtrunc.f32 v2  }
0x16d: {  	v2 =	vcvt.f32.s32 v2;
	_ =	sdelay $0x1  }
0x16e: {  	v2 =	vsub.s32 v2, v1  }
0x16f: {  	vm9 =	vlt.u32 v2, $0x15580  }
0x170: {  	v3 =	vld [tilespmem:s17+$0x6010];
	v2 =	vnsel vm9, $0x0, v2;
	_ =	sdelay $0x4  }
0x171: {  	[tilespmem:v2+s12+$0x0] =	vst.idx.add.f32.msk vm9, v3  }
0x172: {  	v2 =	vld [tilespmem:s17+$0x4020];
	_ =	sdelay $0x4  }
0x173: {  	v2 =	vshrl.u32 v2, $0x5  }
0x174: {  	v2 =	vcvt.s32.f32 v2;
	_ =	sdelay $0x1  }
0x175: {  	v2 =	vmul.f32 $3.333333430e-01, v2;
	_ =	sdelay $0x1  }
0x176: {  	v2 =	vtrunc.f32 v2  }
0x177: {  	v2 =	vcvt.f32.s32 v2;
	_ =	sdelay $0x1  }
0x178: {  	v2 =	vsub.s32 v2, v1  }
0x179: {  	vm10 =	vlt.u32 v2, $0x15580  }
0x17a: {  	v3 =	vld [tilespmem:s17+$0x6020];
	v2 =	vnsel vm10, $0x0, v2;
	_ =	sdelay $0x4  }
0x17b: {  	[tilespmem:v2+s12+$0x0] =	vst.idx.add.f32.msk vm10, v3  }
0x17c: {  	v2 =	vld [tilespmem:s17+$0x4030];
	_ =	sdelay $0x4  }
0x17d: {  	v2 =	vshrl.u32 v2, $0x5  }
0x17e: {  	v2 =	vcvt.s32.f32 v2;
	_ =	sdelay $0x1  }
0x17f: {  	v2 =	vmul.f32 $3.333333430e-01, v2;
	_ =	sdelay $0x1  }
0x180: {  	v2 =	vtrunc.f32 v2  }
0x181: {  	v2 =	vcvt.f32.s32 v2;
	_ =	sdelay $0x1  }
0x182: {  	v2 =	vsub.s32 v2, v1  }
0x183: {  	vm11 =	vlt.u32 v2, $0x15580  }
0x184: {  	v3 =	vld [tilespmem:s17+$0x6030];
	v2 =	vnsel vm11, $0x0, v2;
	_ =	sdelay $0x4  }
0x185: {  	[tilespmem:v2+s12+$0x0] =	vst.idx.add.f32.msk vm11, v3  }
0x186: {  	v2 =	vld [tilespmem:s17+$0x4040];
	_ =	sdelay $0x4  }
0x187: {  	v2 =	vshrl.u32 v2, $0x5  }
0x188: {  	v2 =	vcvt.s32.f32 v2;
	_ =	sdelay $0x1  }
0x189: {  	v2 =	vmul.f32 $3.333333430e-01, v2;
	_ =	sdelay $0x1  }
0x18a: {  	v2 =	vtrunc.f32 v2  }
0x18b: {  	v2 =	vcvt.f32.s32 v2;
	_ =	sdelay $0x1  }
0x18c: {  	v2 =	vsub.s32 v2, v1  }
0x18d: {  	vm12 =	vlt.u32 v2, $0x15580  }
0x18e: {  	v3 =	vld [tilespmem:s17+$0x6040];
	v2 =	vnsel vm12, $0x0, v2;
	_ =	sdelay $0x4  }
0x18f: {  	[tilespmem:v2+s12+$0x0] =	vst.idx.add.f32.msk vm12, v3  }
0x190: {  	v2 =	vld [tilespmem:s17+$0x4050];
	_ =	sdelay $0x4  }
0x191: {  	v2 =	vshrl.u32 v2, $0x5  }
0x192: {  	v2 =	vcvt.s32.f32 v2;
	_ =	sdelay $0x1  }
0x193: {  	v2 =	vmul.f32 $3.333333430e-01, v2;
	_ =	sdelay $0x1  }
0x194: {  	v2 =	vtrunc.f32 v2  }
0x195: {  	v2 =	vcvt.f32.s32 v2;
	_ =	sdelay $0x1  }
0x196: {  	v2 =	vsub.s32 v2, v1  }
0x197: {  	vm13 =	vlt.u32 v2, $0x15580  }
0x198: {  	v3 =	vld [tilespmem:s17+$0x6050];
	v2 =	vnsel vm13, $0x0, v2;
	_ =	sdelay $0x4  }
0x199: {  	[tilespmem:v2+s12+$0x0] =	vst.idx.add.f32.msk vm13, v3  }
0x19a: {  	v2 =	vld [tilespmem:s17+$0x4060];
	_ =	sdelay $0x4  }
0x19b: {  	v2 =	vshrl.u32 v2, $0x5  }
0x19c: {  	v2 =	vcvt.s32.f32 v2;
	_ =	sdelay $0x1  }
0x19d: {  	v2 =	vmul.f32 $3.333333430e-01, v2;
	_ =	sdelay $0x1  }
0x19e: {  	v2 =	vtrunc.f32 v2  }
0x19f: {  	v2 =	vcvt.f32.s32 v2;
	_ =	sdelay $0x1  }
0x1a0: {  	v2 =	vsub.s32 v2, v1  }
0x1a1: {  	vm14 =	vlt.u32 v2, $0x15580  }
0x1a2: {  	v3 =	vld [tilespmem:s17+$0x6060];
	v2 =	vnsel vm14, $0x0, v2;
	_ =	sdelay $0x4  }
0x1a3: {  	[tilespmem:v2+s12+$0x0] =	vst.idx.add.f32.msk vm14, v3  }
0x1a4: {  	v2 =	vld [tilespmem:s17+$0x4070];
	_ =	sdelay $0x4  }
0x1a5: {  	v2 =	vshrl.u32 v2, $0x5  }
0x1a6: {  	v2 =	vcvt.s32.f32 v2;
	_ =	sdelay $0x1  }
0x1a7: {  	v2 =	vmul.f32 $3.333333430e-01, v2;
	_ =	sdelay $0x1  }
0x1a8: {  	v2 =	vtrunc.f32 v2  }
0x1a9: {  	v2 =	vcvt.f32.s32 v2;
	_ =	sdelay $0x1  }
0x1aa: {  	v2 =	vsub.s32 v2, v1  }
0x1ab: {  	vm15 =	vlt.u32 v2, $0x15580  }
0x1ac: {  	p0 =	sne.s32 s5, $0x7E00;
	v3 =	vld [tilespmem:s17+$0x6070];
	v2 =	vnsel vm15, $0x0, v2  }
.Ltmp8:
0x1ad: {  	_ = 	snop;
	(pc) =	sbr.rel @p0 .LBB2_12-.Ltmp8, $2  }
0x1ae: {  	_ =	sdelay $0x2  }
0x1af: {  	s5 =	sadd.s32 $0x200, s5;
	[tilespmem:v2+s12+$0x0] =	vst.idx.add.f32.msk vm15, v3  }
0x1b0: {  	s5 =	simm.s32 $0x0  }
0x1b1: {  	[tilespmem:s9], [sflag:$0x2] =	stream.linear.gather [hbm4b:s29+s5], $0x2000, $0x38;
	[tilespmem:$0x1D580] =	vst v63  }
0x1b2: {  	_ = 	snop  }
0x1b3: {  	[tilespmem:s10], [sflag:$0x2] =	stream.linear.gather [hbm4b:s30+s5], $0x2000, $0x38;
	[tilespmem:$0x1D580] =	vst v63  }
0x1b4: {  	_ =	swait.ge [sflag:s11], $0x2000  }
0x1b5: {  	[sflag:s11] =	ssyncset.done $0x0  }
0x1b6: {  	[sflag:s11] =	ssyncadd.s32 $0xFFFFE000  }
0x1b7: {  	_ =	swait.ge [sflag:s11], $0x2000  }
0x1b8: {  	[sflag:s11] =	ssyncset.done $0x0  }
0x1b9: {  	[sflag:s11] =	ssyncadd.s32 $0xFFFFE000  }
.LBB2_14:
0x1ba: {  	s17 =	sshra.s32 s5, $0x2  }
0x1bb: {  	v2 =	vld [tilespmem:s17+$0x0];
	_ =	sdelay $0x4  }
0x1bc: {  	v2 =	vshrl.u32 v2, $0x5  }
0x1bd: {  	v2 =	vcvt.s32.f32 v2;
	_ =	sdelay $0x1  }
0x1be: {  	v2 =	vmul.f32 $3.333333430e-01, v2;
	_ =	sdelay $0x1  }
0x1bf: {  	v2 =	vtrunc.f32 v2  }
0x1c0: {  	v2 =	vcvt.f32.s32 v2;
	_ =	sdelay $0x1  }
0x1c1: {  	v2 =	vsub.s32 v2, v1  }
0x1c2: {  	vm0 =	vlt.u32 v2, $0x15580  }
0x1c3: {  	v3 =	vld [tilespmem:s17+$0x2000];
	v2 =	vnsel vm0, $0x0, v2;
	_ =	sdelay $0x4  }
0x1c4: {  	[tilespmem:v2+s12+$0x0] =	vst.idx.add.f32.msk vm0, v3  }
0x1c5: {  	v2 =	vld [tilespmem:s17+$0x10];
	_ =	sdelay $0x4  }
0x1c6: {  	v2 =	vshrl.u32 v2, $0x5  }
0x1c7: {  	v2 =	vcvt.s32.f32 v2;
	_ =	sdelay $0x1  }
0x1c8: {  	v2 =	vmul.f32 $3.333333430e-01, v2;
	_ =	sdelay $0x1  }
0x1c9: {  	v2 =	vtrunc.f32 v2  }
0x1ca: {  	v2 =	vcvt.f32.s32 v2;
	_ =	sdelay $0x1  }
0x1cb: {  	v2 =	vsub.s32 v2, v1  }
0x1cc: {  	vm9 =	vlt.u32 v2, $0x15580  }
0x1cd: {  	v3 =	vld [tilespmem:s17+$0x2010];
	v2 =	vnsel vm9, $0x0, v2;
	_ =	sdelay $0x4  }
0x1ce: {  	[tilespmem:v2+s12+$0x0] =	vst.idx.add.f32.msk vm9, v3  }
0x1cf: {  	v2 =	vld [tilespmem:s17+$0x20];
	_ =	sdelay $0x4  }
0x1d0: {  	v2 =	vshrl.u32 v2, $0x5  }
0x1d1: {  	v2 =	vcvt.s32.f32 v2;
	_ =	sdelay $0x1  }
0x1d2: {  	v2 =	vmul.f32 $3.333333430e-01, v2;
	_ =	sdelay $0x1  }
0x1d3: {  	v2 =	vtrunc.f32 v2  }
0x1d4: {  	v2 =	vcvt.f32.s32 v2;
	_ =	sdelay $0x1  }
0x1d5: {  	v2 =	vsub.s32 v2, v1  }
0x1d6: {  	vm10 =	vlt.u32 v2, $0x15580  }
0x1d7: {  	v3 =	vld [tilespmem:s17+$0x2020];
	v2 =	vnsel vm10, $0x0, v2;
	_ =	sdelay $0x4  }
0x1d8: {  	[tilespmem:v2+s12+$0x0] =	vst.idx.add.f32.msk vm10, v3  }
0x1d9: {  	v2 =	vld [tilespmem:s17+$0x30];
	_ =	sdelay $0x4  }
0x1da: {  	v2 =	vshrl.u32 v2, $0x5  }
0x1db: {  	v2 =	vcvt.s32.f32 v2;
	_ =	sdelay $0x1  }
0x1dc: {  	v2 =	vmul.f32 $3.333333430e-01, v2;
	_ =	sdelay $0x1  }
0x1dd: {  	v2 =	vtrunc.f32 v2  }
0x1de: {  	v2 =	vcvt.f32.s32 v2;
	_ =	sdelay $0x1  }
0x1df: {  	v2 =	vsub.s32 v2, v1  }
0x1e0: {  	vm11 =	vlt.u32 v2, $0x15580  }
0x1e1: {  	v3 =	vld [tilespmem:s17+$0x2030];
	v2 =	vnsel vm11, $0x0, v2;
	_ =	sdelay $0x4  }
0x1e2: {  	[tilespmem:v2+s12+$0x0] =	vst.idx.add.f32.msk vm11, v3  }
0x1e3: {  	v2 =	vld [tilespmem:s17+$0x40];
	_ =	sdelay $0x4  }
0x1e4: {  	v2 =	vshrl.u32 v2, $0x5  }
0x1e5: {  	v2 =	vcvt.s32.f32 v2;
	_ =	sdelay $0x1  }
0x1e6: {  	v2 =	vmul.f32 $3.333333430e-01, v2;
	_ =	sdelay $0x1  }
0x1e7: {  	v2 =	vtrunc.f32 v2  }
0x1e8: {  	v2 =	vcvt.f32.s32 v2;
	_ =	sdelay $0x1  }
0x1e9: {  	v2 =	vsub.s32 v2, v1  }
0x1ea: {  	vm12 =	vlt.u32 v2, $0x15580  }
0x1eb: {  	v3 =	vld [tilespmem:s17+$0x2040];
	v2 =	vnsel vm12, $0x0, v2;
	_ =	sdelay $0x4  }
0x1ec: {  	[tilespmem:v2+s12+$0x0] =	vst.idx.add.f32.msk vm12, v3  }
0x1ed: {  	v2 =	vld [tilespmem:s17+$0x50];
	_ =	sdelay $0x4  }
0x1ee: {  	v2 =	vshrl.u32 v2, $0x5  }
0x1ef: {  	v2 =	vcvt.s32.f32 v2;
	_ =	sdelay $0x1  }
0x1f0: {  	v2 =	vmul.f32 $3.333333430e-01, v2;
	_ =	sdelay $0x1  }
0x1f1: {  	v2 =	vtrunc.f32 v2  }
0x1f2: {  	v2 =	vcvt.f32.s32 v2;
	_ =	sdelay $0x1  }
0x1f3: {  	v2 =	vsub.s32 v2, v1  }
0x1f4: {  	vm13 =	vlt.u32 v2, $0x15580  }
0x1f5: {  	v3 =	vld [tilespmem:s17+$0x2050];
	v2 =	vnsel vm13, $0x0, v2;
	_ =	sdelay $0x4  }
0x1f6: {  	[tilespmem:v2+s12+$0x0] =	vst.idx.add.f32.msk vm13, v3  }
0x1f7: {  	v2 =	vld [tilespmem:s17+$0x60];
	_ =	sdelay $0x4  }
0x1f8: {  	v2 =	vshrl.u32 v2, $0x5  }
0x1f9: {  	v2 =	vcvt.s32.f32 v2;
	_ =	sdelay $0x1  }
0x1fa: {  	v2 =	vmul.f32 $3.333333430e-01, v2;
	_ =	sdelay $0x1  }
0x1fb: {  	v2 =	vtrunc.f32 v2  }
0x1fc: {  	v2 =	vcvt.f32.s32 v2;
	_ =	sdelay $0x1  }
0x1fd: {  	v2 =	vsub.s32 v2, v1  }
0x1fe: {  	vm14 =	vlt.u32 v2, $0x15580  }
0x1ff: {  	v3 =	vld [tilespmem:s17+$0x2060];
	v2 =	vnsel vm14, $0x0, v2;
	_ =	sdelay $0x4  }
0x200: {  	[tilespmem:v2+s12+$0x0] =	vst.idx.add.f32.msk vm14, v3  }
0x201: {  	v2 =	vld [tilespmem:s17+$0x70];
	_ =	sdelay $0x4  }
0x202: {  	v2 =	vshrl.u32 v2, $0x5  }
0x203: {  	v2 =	vcvt.s32.f32 v2;
	_ =	sdelay $0x1  }
0x204: {  	v2 =	vmul.f32 $3.333333430e-01, v2;
	_ =	sdelay $0x1  }
0x205: {  	v2 =	vtrunc.f32 v2  }
0x206: {  	v2 =	vcvt.f32.s32 v2;
	_ =	sdelay $0x1  }
0x207: {  	v2 =	vsub.s32 v2, v1  }
0x208: {  	vm15 =	vlt.u32 v2, $0x15580  }
0x209: {  	p0 =	sne.s32 s5, $0x7E00;
	v3 =	vld [tilespmem:s17+$0x2070];
	v2 =	vnsel vm15, $0x0, v2  }
.Ltmp9:
0x20a: {  	_ = 	snop;
	(pc) =	sbr.rel @p0 .LBB2_14-.Ltmp9, $2  }
0x20b: {  	_ =	sdelay $0x2  }
0x20c: {  	s5 =	sadd.s32 $0x200, s5;
	[tilespmem:v2+s12+$0x0] =	vst.idx.add.f32.msk vm15, v3  }
0x20d: {  	s5 =	simm.s32 $0x0  }
0x20e: {  	[tilespmem:s5], [sflag:$0x1] =	stream.linear.gather [hbm4b:s31+s5], $0x2000, $0x38;
	[tilespmem:$0x1D580] =	vst v63  }
0x20f: {  	_ = 	snop  }
0x210: {  	[tilespmem:s8], [sflag:$0x1] =	stream.linear.gather [hbm4b:s0+s5], $0x2000, $0x38;
	[tilespmem:$0x1D580] =	vst v63  }
0x211: {  	_ =	swait.ge [sflag:s13], $0x2000  }
0x212: {  	[sflag:s13] =	ssyncset.done $0x0  }
0x213: {  	[sflag:s13] =	ssyncadd.s32 $0xFFFFE000  }
0x214: {  	_ =	swait.ge [sflag:s13], $0x2000  }
0x215: {  	[sflag:s13] =	ssyncset.done $0x0  }
0x216: {  	[sflag:s13] =	ssyncadd.s32 $0xFFFFE000  }
.LBB2_16:
0x217: {  	s17 =	sshra.s32 s5, $0x2  }
0x218: {  	v2 =	vld [tilespmem:s17+$0x4000];
	_ =	sdelay $0x4  }
0x219: {  	v2 =	vshrl.u32 v2, $0x5  }
0x21a: {  	v2 =	vcvt.s32.f32 v2;
	_ =	sdelay $0x1  }
0x21b: {  	v2 =	vmul.f32 $3.333333430e-01, v2;
	_ =	sdelay $0x1  }
0x21c: {  	v2 =	vtrunc.f32 v2  }
0x21d: {  	v2 =	vcvt.f32.s32 v2;
	_ =	sdelay $0x1  }
0x21e: {  	v2 =	vsub.s32 v2, v1  }
0x21f: {  	vm0 =	vlt.u32 v2, $0x15580  }
0x220: {  	v3 =	vld [tilespmem:s17+$0x6000];
	v2 =	vnsel vm0, $0x0, v2;
	_ =	sdelay $0x4  }
0x221: {  	[tilespmem:v2+s12+$0x0] =	vst.idx.add.f32.msk vm0, v3  }
0x222: {  	v2 =	vld [tilespmem:s17+$0x4010];
	_ =	sdelay $0x4  }
0x223: {  	v2 =	vshrl.u32 v2, $0x5  }
0x224: {  	v2 =	vcvt.s32.f32 v2;
	_ =	sdelay $0x1  }
0x225: {  	v2 =	vmul.f32 $3.333333430e-01, v2;
	_ =	sdelay $0x1  }
0x226: {  	v2 =	vtrunc.f32 v2  }
0x227: {  	v2 =	vcvt.f32.s32 v2;
	_ =	sdelay $0x1  }
0x228: {  	v2 =	vsub.s32 v2, v1  }
0x229: {  	vm9 =	vlt.u32 v2, $0x15580  }
0x22a: {  	v3 =	vld [tilespmem:s17+$0x6010];
	v2 =	vnsel vm9, $0x0, v2;
	_ =	sdelay $0x4  }
0x22b: {  	[tilespmem:v2+s12+$0x0] =	vst.idx.add.f32.msk vm9, v3  }
0x22c: {  	v2 =	vld [tilespmem:s17+$0x4020];
	_ =	sdelay $0x4  }
0x22d: {  	v2 =	vshrl.u32 v2, $0x5  }
0x22e: {  	v2 =	vcvt.s32.f32 v2;
	_ =	sdelay $0x1  }
0x22f: {  	v2 =	vmul.f32 $3.333333430e-01, v2;
	_ =	sdelay $0x1  }
0x230: {  	v2 =	vtrunc.f32 v2  }
0x231: {  	v2 =	vcvt.f32.s32 v2;
	_ =	sdelay $0x1  }
0x232: {  	v2 =	vsub.s32 v2, v1  }
0x233: {  	vm10 =	vlt.u32 v2, $0x15580  }
0x234: {  	v3 =	vld [tilespmem:s17+$0x6020];
	v2 =	vnsel vm10, $0x0, v2;
	_ =	sdelay $0x4  }
0x235: {  	[tilespmem:v2+s12+$0x0] =	vst.idx.add.f32.msk vm10, v3  }
0x236: {  	v2 =	vld [tilespmem:s17+$0x4030];
	_ =	sdelay $0x4  }
0x237: {  	v2 =	vshrl.u32 v2, $0x5  }
0x238: {  	v2 =	vcvt.s32.f32 v2;
	_ =	sdelay $0x1  }
0x239: {  	v2 =	vmul.f32 $3.333333430e-01, v2;
	_ =	sdelay $0x1  }
0x23a: {  	v2 =	vtrunc.f32 v2  }
0x23b: {  	v2 =	vcvt.f32.s32 v2;
	_ =	sdelay $0x1  }
0x23c: {  	v2 =	vsub.s32 v2, v1  }
0x23d: {  	vm11 =	vlt.u32 v2, $0x15580  }
0x23e: {  	v3 =	vld [tilespmem:s17+$0x6030];
	v2 =	vnsel vm11, $0x0, v2;
	_ =	sdelay $0x4  }
0x23f: {  	[tilespmem:v2+s12+$0x0] =	vst.idx.add.f32.msk vm11, v3  }
0x240: {  	v2 =	vld [tilespmem:s17+$0x4040];
	_ =	sdelay $0x4  }
0x241: {  	v2 =	vshrl.u32 v2, $0x5  }
0x242: {  	v2 =	vcvt.s32.f32 v2;
	_ =	sdelay $0x1  }
0x243: {  	v2 =	vmul.f32 $3.333333430e-01, v2;
	_ =	sdelay $0x1  }
0x244: {  	v2 =	vtrunc.f32 v2  }
0x245: {  	v2 =	vcvt.f32.s32 v2;
	_ =	sdelay $0x1  }
0x246: {  	v2 =	vsub.s32 v2, v1  }
0x247: {  	vm12 =	vlt.u32 v2, $0x15580  }
0x248: {  	v3 =	vld [tilespmem:s17+$0x6040];
	v2 =	vnsel vm12, $0x0, v2;
	_ =	sdelay $0x4  }
0x249: {  	[tilespmem:v2+s12+$0x0] =	vst.idx.add.f32.msk vm12, v3  }
0x24a: {  	v2 =	vld [tilespmem:s17+$0x4050];
	_ =	sdelay $0x4  }
0x24b: {  	v2 =	vshrl.u32 v2, $0x5  }
0x24c: {  	v2 =	vcvt.s32.f32 v2;
	_ =	sdelay $0x1  }
0x24d: {  	v2 =	vmul.f32 $3.333333430e-01, v2;
	_ =	sdelay $0x1  }
0x24e: {  	v2 =	vtrunc.f32 v2  }
0x24f: {  	v2 =	vcvt.f32.s32 v2;
	_ =	sdelay $0x1  }
0x250: {  	v2 =	vsub.s32 v2, v1  }
0x251: {  	vm13 =	vlt.u32 v2, $0x15580  }
0x252: {  	v3 =	vld [tilespmem:s17+$0x6050];
	v2 =	vnsel vm13, $0x0, v2;
	_ =	sdelay $0x4  }
0x253: {  	[tilespmem:v2+s12+$0x0] =	vst.idx.add.f32.msk vm13, v3  }
0x254: {  	v2 =	vld [tilespmem:s17+$0x4060];
	_ =	sdelay $0x4  }
0x255: {  	v2 =	vshrl.u32 v2, $0x5  }
0x256: {  	v2 =	vcvt.s32.f32 v2;
	_ =	sdelay $0x1  }
0x257: {  	v2 =	vmul.f32 $3.333333430e-01, v2;
	_ =	sdelay $0x1  }
0x258: {  	v2 =	vtrunc.f32 v2  }
0x259: {  	v2 =	vcvt.f32.s32 v2;
	_ =	sdelay $0x1  }
0x25a: {  	v2 =	vsub.s32 v2, v1  }
0x25b: {  	vm14 =	vlt.u32 v2, $0x15580  }
0x25c: {  	v3 =	vld [tilespmem:s17+$0x6060];
	v2 =	vnsel vm14, $0x0, v2;
	_ =	sdelay $0x4  }
0x25d: {  	[tilespmem:v2+s12+$0x0] =	vst.idx.add.f32.msk vm14, v3  }
0x25e: {  	v2 =	vld [tilespmem:s17+$0x4070];
	_ =	sdelay $0x4  }
0x25f: {  	v2 =	vshrl.u32 v2, $0x5  }
0x260: {  	v2 =	vcvt.s32.f32 v2;
	_ =	sdelay $0x1  }
0x261: {  	v2 =	vmul.f32 $3.333333430e-01, v2;
	_ =	sdelay $0x1  }
0x262: {  	v2 =	vtrunc.f32 v2  }
0x263: {  	v2 =	vcvt.f32.s32 v2;
	_ =	sdelay $0x1  }
0x264: {  	v2 =	vsub.s32 v2, v1  }
0x265: {  	vm15 =	vlt.u32 v2, $0x15580  }
0x266: {  	p0 =	sne.s32 s5, $0x7E00;
	v3 =	vld [tilespmem:s17+$0x6070];
	v2 =	vnsel vm15, $0x0, v2  }
.Ltmp10:
0x267: {  	_ = 	snop;
	(pc) =	sbr.rel @p0 .LBB2_16-.Ltmp10, $2  }
0x268: {  	_ =	sdelay $0x2  }
0x269: {  	s5 =	sadd.s32 $0x200, s5;
	[tilespmem:v2+s12+$0x0] =	vst.idx.add.f32.msk vm15, v3  }
0x26a: {  	s5 =	simm.s32 $0x0  }
0x26b: {  	[tilespmem:s9], [sflag:$0x2] =	stream.linear.gather [hbm4b:s2+s5], $0x2000, $0x38;
	[tilespmem:$0x1D580] =	vst v63  }
0x26c: {  	_ = 	snop  }
0x26d: {  	[tilespmem:s10], [sflag:$0x2] =	stream.linear.gather [hbm4b:s7+s5], $0x2000, $0x38;
	[tilespmem:$0x1D580] =	vst v63  }
0x26e: {  	_ =	swait.ge [sflag:s11], $0x2000  }
0x26f: {  	[sflag:s11] =	ssyncset.done $0x0  }
0x270: {  	[sflag:s11] =	ssyncadd.s32 $0xFFFFE000  }
0x271: {  	_ =	swait.ge [sflag:s11], $0x2000  }
0x272: {  	[sflag:s11] =	ssyncset.done $0x0  }
0x273: {  	[sflag:s11] =	ssyncadd.s32 $0xFFFFE000  }
.LBB2_18:
0x274: {  	s17 =	sshra.s32 s5, $0x2  }
0x275: {  	v2 =	vld [tilespmem:s17+$0x0];
	_ =	sdelay $0x4  }
0x276: {  	v2 =	vshrl.u32 v2, $0x5  }
0x277: {  	v2 =	vcvt.s32.f32 v2;
	_ =	sdelay $0x1  }
0x278: {  	v2 =	vmul.f32 $3.333333430e-01, v2;
	_ =	sdelay $0x1  }
0x279: {  	v2 =	vtrunc.f32 v2  }
0x27a: {  	v2 =	vcvt.f32.s32 v2;
	_ =	sdelay $0x1  }
0x27b: {  	v2 =	vsub.s32 v2, v1  }
0x27c: {  	vm0 =	vlt.u32 v2, $0x15580  }
0x27d: {  	v3 =	vld [tilespmem:s17+$0x2000];
	v2 =	vnsel vm0, $0x0, v2;
	_ =	sdelay $0x4  }
0x27e: {  	[tilespmem:v2+s12+$0x0] =	vst.idx.add.f32.msk vm0, v3  }
0x27f: {  	v2 =	vld [tilespmem:s17+$0x10];
	_ =	sdelay $0x4  }
0x280: {  	v2 =	vshrl.u32 v2, $0x5  }
0x281: {  	v2 =	vcvt.s32.f32 v2;
	_ =	sdelay $0x1  }
0x282: {  	v2 =	vmul.f32 $3.333333430e-01, v2;
	_ =	sdelay $0x1  }
0x283: {  	v2 =	vtrunc.f32 v2  }
0x284: {  	v2 =	vcvt.f32.s32 v2;
	_ =	sdelay $0x1  }
0x285: {  	v2 =	vsub.s32 v2, v1  }
0x286: {  	vm9 =	vlt.u32 v2, $0x15580  }
0x287: {  	v3 =	vld [tilespmem:s17+$0x2010];
	v2 =	vnsel vm9, $0x0, v2;
	_ =	sdelay $0x4  }
0x288: {  	[tilespmem:v2+s12+$0x0] =	vst.idx.add.f32.msk vm9, v3  }
0x289: {  	v2 =	vld [tilespmem:s17+$0x20];
	_ =	sdelay $0x4  }
0x28a: {  	v2 =	vshrl.u32 v2, $0x5  }
0x28b: {  	v2 =	vcvt.s32.f32 v2;
	_ =	sdelay $0x1  }
0x28c: {  	v2 =	vmul.f32 $3.333333430e-01, v2;
	_ =	sdelay $0x1  }
0x28d: {  	v2 =	vtrunc.f32 v2  }
0x28e: {  	v2 =	vcvt.f32.s32 v2;
	_ =	sdelay $0x1  }
0x28f: {  	v2 =	vsub.s32 v2, v1  }
0x290: {  	vm10 =	vlt.u32 v2, $0x15580  }
0x291: {  	v3 =	vld [tilespmem:s17+$0x2020];
	v2 =	vnsel vm10, $0x0, v2;
	_ =	sdelay $0x4  }
0x292: {  	[tilespmem:v2+s12+$0x0] =	vst.idx.add.f32.msk vm10, v3  }
0x293: {  	v2 =	vld [tilespmem:s17+$0x30];
	_ =	sdelay $0x4  }
0x294: {  	v2 =	vshrl.u32 v2, $0x5  }
0x295: {  	v2 =	vcvt.s32.f32 v2;
	_ =	sdelay $0x1  }
0x296: {  	v2 =	vmul.f32 $3.333333430e-01, v2;
	_ =	sdelay $0x1  }
0x297: {  	v2 =	vtrunc.f32 v2  }
0x298: {  	v2 =	vcvt.f32.s32 v2;
	_ =	sdelay $0x1  }
0x299: {  	v2 =	vsub.s32 v2, v1  }
0x29a: {  	vm11 =	vlt.u32 v2, $0x15580  }
0x29b: {  	v3 =	vld [tilespmem:s17+$0x2030];
	v2 =	vnsel vm11, $0x0, v2;
	_ =	sdelay $0x4  }
0x29c: {  	[tilespmem:v2+s12+$0x0] =	vst.idx.add.f32.msk vm11, v3  }
0x29d: {  	v2 =	vld [tilespmem:s17+$0x40];
	_ =	sdelay $0x4  }
0x29e: {  	v2 =	vshrl.u32 v2, $0x5  }
0x29f: {  	v2 =	vcvt.s32.f32 v2;
	_ =	sdelay $0x1  }
0x2a0: {  	v2 =	vmul.f32 $3.333333430e-01, v2;
	_ =	sdelay $0x1  }
0x2a1: {  	v2 =	vtrunc.f32 v2  }
0x2a2: {  	v2 =	vcvt.f32.s32 v2;
	_ =	sdelay $0x1  }
0x2a3: {  	v2 =	vsub.s32 v2, v1  }
0x2a4: {  	vm12 =	vlt.u32 v2, $0x15580  }
0x2a5: {  	v3 =	vld [tilespmem:s17+$0x2040];
	v2 =	vnsel vm12, $0x0, v2;
	_ =	sdelay $0x4  }
0x2a6: {  	[tilespmem:v2+s12+$0x0] =	vst.idx.add.f32.msk vm12, v3  }
0x2a7: {  	v2 =	vld [tilespmem:s17+$0x50];
	_ =	sdelay $0x4  }
0x2a8: {  	v2 =	vshrl.u32 v2, $0x5  }
0x2a9: {  	v2 =	vcvt.s32.f32 v2;
	_ =	sdelay $0x1  }
0x2aa: {  	v2 =	vmul.f32 $3.333333430e-01, v2;
	_ =	sdelay $0x1  }
0x2ab: {  	v2 =	vtrunc.f32 v2  }
0x2ac: {  	v2 =	vcvt.f32.s32 v2;
	_ =	sdelay $0x1  }
0x2ad: {  	v2 =	vsub.s32 v2, v1  }
0x2ae: {  	vm13 =	vlt.u32 v2, $0x15580  }
0x2af: {  	v3 =	vld [tilespmem:s17+$0x2050];
	v2 =	vnsel vm13, $0x0, v2;
	_ =	sdelay $0x4  }
0x2b0: {  	[tilespmem:v2+s12+$0x0] =	vst.idx.add.f32.msk vm13, v3  }
0x2b1: {  	v2 =	vld [tilespmem:s17+$0x60];
	_ =	sdelay $0x4  }
0x2b2: {  	v2 =	vshrl.u32 v2, $0x5  }
0x2b3: {  	v2 =	vcvt.s32.f32 v2;
	_ =	sdelay $0x1  }
0x2b4: {  	v2 =	vmul.f32 $3.333333430e-01, v2;
	_ =	sdelay $0x1  }
0x2b5: {  	v2 =	vtrunc.f32 v2  }
0x2b6: {  	v2 =	vcvt.f32.s32 v2;
	_ =	sdelay $0x1  }
0x2b7: {  	v2 =	vsub.s32 v2, v1  }
0x2b8: {  	vm14 =	vlt.u32 v2, $0x15580  }
0x2b9: {  	v3 =	vld [tilespmem:s17+$0x2060];
	v2 =	vnsel vm14, $0x0, v2;
	_ =	sdelay $0x4  }
0x2ba: {  	[tilespmem:v2+s12+$0x0] =	vst.idx.add.f32.msk vm14, v3  }
0x2bb: {  	v2 =	vld [tilespmem:s17+$0x70];
	_ =	sdelay $0x4  }
0x2bc: {  	v2 =	vshrl.u32 v2, $0x5  }
0x2bd: {  	v2 =	vcvt.s32.f32 v2;
	_ =	sdelay $0x1  }
0x2be: {  	v2 =	vmul.f32 $3.333333430e-01, v2;
	_ =	sdelay $0x1  }
0x2bf: {  	v2 =	vtrunc.f32 v2  }
0x2c0: {  	v2 =	vcvt.f32.s32 v2;
	_ =	sdelay $0x1  }
0x2c1: {  	v2 =	vsub.s32 v2, v1  }
0x2c2: {  	vm15 =	vlt.u32 v2, $0x15580  }
0x2c3: {  	p0 =	sne.s32 s5, $0x7E00;
	v3 =	vld [tilespmem:s17+$0x2070];
	v2 =	vnsel vm15, $0x0, v2  }
.Ltmp11:
0x2c4: {  	_ = 	snop;
	(pc) =	sbr.rel @p0 .LBB2_18-.Ltmp11, $2  }
0x2c5: {  	_ =	sdelay $0x2  }
0x2c6: {  	s5 =	sadd.s32 $0x200, s5;
	[tilespmem:v2+s12+$0x0] =	vst.idx.add.f32.msk vm15, v3  }
0x2c7: {  	_ =	swait.ge [sflag:s13], $0x2000  }
0x2c8: {  	[sflag:s13] =	ssyncset.done $0x0  }
0x2c9: {  	[sflag:s13] =	ssyncadd.s32 $0xFFFFE000  }
0x2ca: {  	_ =	swait.ge [sflag:s13], $0x2000  }
0x2cb: {  	[sflag:s13] =	ssyncset.done $0x0  }
0x2cc: {  	s5 =	simm.s32 $0x0;
	[sflag:s13] =	ssyncadd.s32 $0xFFFFE000  }
.LBB2_20:
0x2cd: {  	s17 =	sshra.s32 s5, $0x2  }
0x2ce: {  	v2 =	vld [tilespmem:s17+$0x4000];
	_ =	sdelay $0x4  }
0x2cf: {  	v2 =	vshrl.u32 v2, $0x5  }
0x2d0: {  	v2 =	vcvt.s32.f32 v2;
	_ =	sdelay $0x1  }
0x2d1: {  	v2 =	vmul.f32 $3.333333430e-01, v2;
	_ =	sdelay $0x1  }
0x2d2: {  	v2 =	vtrunc.f32 v2  }
0x2d3: {  	v2 =	vcvt.f32.s32 v2;
	_ =	sdelay $0x1  }
0x2d4: {  	v2 =	vsub.s32 v2, v1  }
0x2d5: {  	vm0 =	vlt.u32 v2, $0x15580  }
0x2d6: {  	v3 =	vld [tilespmem:s17+$0x6000];
	v2 =	vnsel vm0, $0x0, v2;
	_ =	sdelay $0x4  }
0x2d7: {  	[tilespmem:v2+s12+$0x0] =	vst.idx.add.f32.msk vm0, v3  }
0x2d8: {  	v2 =	vld [tilespmem:s17+$0x4010];
	_ =	sdelay $0x4  }
0x2d9: {  	v2 =	vshrl.u32 v2, $0x5  }
0x2da: {  	v2 =	vcvt.s32.f32 v2;
	_ =	sdelay $0x1  }
0x2db: {  	v2 =	vmul.f32 $3.333333430e-01, v2;
	_ =	sdelay $0x1  }
0x2dc: {  	v2 =	vtrunc.f32 v2  }
0x2dd: {  	v2 =	vcvt.f32.s32 v2;
	_ =	sdelay $0x1  }
0x2de: {  	v2 =	vsub.s32 v2, v1  }
0x2df: {  	vm9 =	vlt.u32 v2, $0x15580  }
0x2e0: {  	v3 =	vld [tilespmem:s17+$0x6010];
	v2 =	vnsel vm9, $0x0, v2;
	_ =	sdelay $0x4  }
0x2e1: {  	[tilespmem:v2+s12+$0x0] =	vst.idx.add.f32.msk vm9, v3  }
0x2e2: {  	v2 =	vld [tilespmem:s17+$0x4020];
	_ =	sdelay $0x4  }
0x2e3: {  	v2 =	vshrl.u32 v2, $0x5  }
0x2e4: {  	v2 =	vcvt.s32.f32 v2;
	_ =	sdelay $0x1  }
0x2e5: {  	v2 =	vmul.f32 $3.333333430e-01, v2;
	_ =	sdelay $0x1  }
0x2e6: {  	v2 =	vtrunc.f32 v2  }
0x2e7: {  	v2 =	vcvt.f32.s32 v2;
	_ =	sdelay $0x1  }
0x2e8: {  	v2 =	vsub.s32 v2, v1  }
0x2e9: {  	vm10 =	vlt.u32 v2, $0x15580  }
0x2ea: {  	v3 =	vld [tilespmem:s17+$0x6020];
	v2 =	vnsel vm10, $0x0, v2;
	_ =	sdelay $0x4  }
0x2eb: {  	[tilespmem:v2+s12+$0x0] =	vst.idx.add.f32.msk vm10, v3  }
0x2ec: {  	v2 =	vld [tilespmem:s17+$0x4030];
	_ =	sdelay $0x4  }
0x2ed: {  	v2 =	vshrl.u32 v2, $0x5  }
0x2ee: {  	v2 =	vcvt.s32.f32 v2;
	_ =	sdelay $0x1  }
0x2ef: {  	v2 =	vmul.f32 $3.333333430e-01, v2;
	_ =	sdelay $0x1  }
0x2f0: {  	v2 =	vtrunc.f32 v2  }
0x2f1: {  	v2 =	vcvt.f32.s32 v2;
	_ =	sdelay $0x1  }
0x2f2: {  	v2 =	vsub.s32 v2, v1  }
0x2f3: {  	vm11 =	vlt.u32 v2, $0x15580  }
0x2f4: {  	v3 =	vld [tilespmem:s17+$0x6030];
	v2 =	vnsel vm11, $0x0, v2;
	_ =	sdelay $0x4  }
0x2f5: {  	[tilespmem:v2+s12+$0x0] =	vst.idx.add.f32.msk vm11, v3  }
0x2f6: {  	v2 =	vld [tilespmem:s17+$0x4040];
	_ =	sdelay $0x4  }
0x2f7: {  	v2 =	vshrl.u32 v2, $0x5  }
0x2f8: {  	v2 =	vcvt.s32.f32 v2;
	_ =	sdelay $0x1  }
0x2f9: {  	v2 =	vmul.f32 $3.333333430e-01, v2;
	_ =	sdelay $0x1  }
0x2fa: {  	v2 =	vtrunc.f32 v2  }
0x2fb: {  	v2 =	vcvt.f32.s32 v2;
	_ =	sdelay $0x1  }
0x2fc: {  	v2 =	vsub.s32 v2, v1  }
0x2fd: {  	vm12 =	vlt.u32 v2, $0x15580  }
0x2fe: {  	v3 =	vld [tilespmem:s17+$0x6040];
	v2 =	vnsel vm12, $0x0, v2;
	_ =	sdelay $0x4  }
0x2ff: {  	[tilespmem:v2+s12+$0x0] =	vst.idx.add.f32.msk vm12, v3  }
0x300: {  	v2 =	vld [tilespmem:s17+$0x4050];
	_ =	sdelay $0x4  }
0x301: {  	v2 =	vshrl.u32 v2, $0x5  }
0x302: {  	v2 =	vcvt.s32.f32 v2;
	_ =	sdelay $0x1  }
0x303: {  	v2 =	vmul.f32 $3.333333430e-01, v2;
	_ =	sdelay $0x1  }
0x304: {  	v2 =	vtrunc.f32 v2  }
0x305: {  	v2 =	vcvt.f32.s32 v2;
	_ =	sdelay $0x1  }
0x306: {  	v2 =	vsub.s32 v2, v1  }
0x307: {  	vm13 =	vlt.u32 v2, $0x15580  }
0x308: {  	v3 =	vld [tilespmem:s17+$0x6050];
	v2 =	vnsel vm13, $0x0, v2;
	_ =	sdelay $0x4  }
0x309: {  	[tilespmem:v2+s12+$0x0] =	vst.idx.add.f32.msk vm13, v3  }
0x30a: {  	v2 =	vld [tilespmem:s17+$0x4060];
	_ =	sdelay $0x4  }
0x30b: {  	v2 =	vshrl.u32 v2, $0x5  }
0x30c: {  	v2 =	vcvt.s32.f32 v2;
	_ =	sdelay $0x1  }
0x30d: {  	v2 =	vmul.f32 $3.333333430e-01, v2;
	_ =	sdelay $0x1  }
0x30e: {  	v2 =	vtrunc.f32 v2  }
0x30f: {  	v2 =	vcvt.f32.s32 v2;
	_ =	sdelay $0x1  }
0x310: {  	v2 =	vsub.s32 v2, v1  }
0x311: {  	vm14 =	vlt.u32 v2, $0x15580  }
0x312: {  	v3 =	vld [tilespmem:s17+$0x6060];
	v2 =	vnsel vm14, $0x0, v2;
	_ =	sdelay $0x4  }
0x313: {  	[tilespmem:v2+s12+$0x0] =	vst.idx.add.f32.msk vm14, v3  }
0x314: {  	v2 =	vld [tilespmem:s17+$0x4070];
	_ =	sdelay $0x4  }
0x315: {  	v2 =	vshrl.u32 v2, $0x5  }
0x316: {  	v2 =	vcvt.s32.f32 v2;
	_ =	sdelay $0x1  }
0x317: {  	v2 =	vmul.f32 $3.333333430e-01, v2;
	_ =	sdelay $0x1  }
0x318: {  	v2 =	vtrunc.f32 v2  }
0x319: {  	v2 =	vcvt.f32.s32 v2;
	_ =	sdelay $0x1  }
0x31a: {  	v2 =	vsub.s32 v2, v1  }
0x31b: {  	vm15 =	vlt.u32 v2, $0x15580  }
0x31c: {  	p0 =	sne.s32 s5, $0x7E00;
	v3 =	vld [tilespmem:s17+$0x6070];
	v2 =	vnsel vm15, $0x0, v2  }
.Ltmp12:
0x31d: {  	_ = 	snop;
	(pc) =	sbr.rel @p0 .LBB2_20-.Ltmp12, $2  }
0x31e: {  	_ =	sdelay $0x2  }
0x31f: {  	s5 =	sadd.s32 $0x200, s5;
	[tilespmem:v2+s12+$0x0] =	vst.idx.add.f32.msk vm15, v3  }
0x320: {  	p0 =	seq.s32 s14, $0x2  }
.Ltmp13:
0x321: {  	_ = 	snop;
	(pc) =	sbr.rel @p0 .LBB2_23-.Ltmp13, $4  }
0x322: {  	_ = 	snop  }
0x323: {  	s4 =	sadd.s32 s16, s4  }
0x324: {  	s4 =	sshrl.u32 s4, $0x3  }
0x325: {  	s4 =	sadd.s32 s1, s4  }
.Ltmp14:
0x326: {  	(pc) =	sbr.rel .LBB2_3-.Ltmp14, $4  }
0x327: {  	[hbm4b:s4+s3] =	stream.linear.scatter [tilespmem:s12], [sflag:$0x4], $0x15580, $0x38;
	[tilespmem:$0x1D580] =	vst v63  }
0x328: {  	_ =	swait.ge [sflag:s15], $0x15580  }
0x329: {  	[sflag:s15] =	ssyncset.done $0x0  }
0x32a: {  	s14 =	sadd.s32 $0x1, s14;
	[sflag:s15] =	ssyncadd.s32 $0xFFFEAA80  }
.LBB2_25:
0x32b: {  	_ =	sfence.sel $0x180000  }
0x32c: {  	[bflag:$0x0] =	sbarrier.arrive $0xFFFF  }
0x32d: {  	_ =	strace $0x90000053  }
0x32e: {  	s0 =	stileid.u32;
	[bflag:$0x2] =	sbarrier.arrive $0xFFFF  }
0x32f: {  	p0 =	sne.s32 s0, $0x0;
	s0 =	rddreg [dreg:$0x2]  }
0x330: {  	s0 =	sadd.s32 @!p0 $0x100000, s0  }
0x331: {  	[sflag:s0] =	ssyncadd.tile.s32 @!p0 $0x1;
	_ =	shalt  }
.Lfunc_end2:
_tile_overlayer_lowered:
.L_overlay_start_2:
0x332: {  	(tag) =	ssettag $0x2  }
0x333: {  	s0 =	rddreg [dreg:$0x0];
	s2 =	stileid.u32  }
0x334: {  	s1 =	rddreg [dreg:$0x1];
	p0 =	sne.s32 s2, $0x0  }
0x335: {  	s3 =	rddreg [dreg:$0x2];
	[bflag:$0x3] =	sbarrier.arrive $0xFFFF;
	s2 =	simm.s32 @!p0 $0x1C03  }
0x336: {  	[timem:s3], [sflag:s2] =	dma.local @!p0 [hbm:s0], s1  }
0x337: {  	s0 =	simm.s32 @!p0 $0x3  }
0x338: {  	_ =	swait.ge @!p0 [sflag:s0], s1  }
0x339: {  	s1 =	ssub.s32 @!p0 $0x0, s1;
	[sflag:s0] =	ssyncset.done @!p0 $0x0  }
0x33a: {  	[sflag:s0] =	ssyncadd.s32 @!p0 s1  }
0x33b: {  	[bflag:$0x3] =	sbarrier.arrive $0xFFFF  }
0x33c: {  	_ =	shalt  }

// kernel: sparse-core-data-format-call.1.cloned.1.call-start
scs
called_computation.1_lowered:
.L_overlay_start_0:
0x0: {  	s2 =	sld [smem:$0x3FD9]  }
0x1: {  	s3 =	sld [smem:$0x3FFE];
	_ =	sdelay $0x1  }
0x2: {  	s1 =	srdreg.scid  }
0x3: {  	s0 =	sand.u32 $0x1, s1  }
0x4: {  	s18 =	sshll.u32 s0, $0xA;
	s2 =	sadd.s32 s3, s2  }
0x5: {  	s2 =	sadd.s32 s2, s18  }
0x6: {  	[smem:$0x3FC6] =	sst s2  }
0x7: {  	_ = 	snop  }
0x8: {  	s19 =	sld [smem:$0x3FD0];
	(tm) =	ssettm $0x1  }
0x9: {  	s20 =	sld [smem:$0x3FFB];
	_ =	sdelay $0x3  }
0xa: {  	_ =	strace s20  }
0xb: {  	s2 =	sld [smem:$0x3FFC];
	_ =	sdelay $0x3  }
0xc: {  	_ =	strace s2  }
0xd: {  	s2 =	sld [smem:$0x3FFD];
	_ =	sdelay $0x3  }
0xe: {  	_ =	strace s2  }
0xf: {  	_ =	strace $0x8FFFFFFF  }
0x10: {  	s21 =	sld [smem:$0x3FDB];
	_ =	sdelay $0x1  }
0x11: {  	s4 =	simm.s32 $_scs_section_size  }
0x12: {  	s5 =	simm.s32 $_size__tile_overlayer_lowered;
	s6 =	simm.s32 $_tile_overlayer_lowered  }
0x13: {  	s7 =	simm.s32 $0x1BFF;
	s22 =	sshll.u32 s6, $0x1;
	s4 =	sadd.s32 s4, s21  }
0x14: {  	s23 =	simm.s32 $0x0;
	s5 =	sshll.u32 s5, $0x1;
	s6 =	sadd.s32 s22, s4  }
0x15: {  	[timem:s23], [sflag:s7] =	dma.local [hbm:s6], s5  }
0x16: {  	_ =	swait.ge [sflag:s7], s5  }
0x17: {  	s5 =	ssub.s32 $0x0, s5;
	[sflag:s7] =	ssyncset.done $0x0  }
0x18: {  	[sflag:s7] =	ssyncadd.s32 s5;
	_ =	sdelay $0x1  }
0x19: {  	s24 =	simm.s32 $0x1B8B  }
0x1a: {  	_ =	swait.ge [sflag:s24], $0x1  }
0x1b: {  	[sflag:s24] =	ssyncset.done $0x0  }
0x1c: {  	[sflag:s24] =	ssyncadd.s32 $0xFFFFFFFF  }
0x1d: {  	s5 =	sld [smem:$0x0]  }
0x1e: {  	s6 =	sand.u32 $0xFFFFFFFE, s1  }
0x1f: {  	p0 =	sne.s32 s1, s6  }
0x20: {  	s6 =	sshll.u32 @p0 s6, $0xE  }
0x21: {  	s6 =	sadd.s32 @p0 $0x11B8D, s6;
	s7 =	sshll.u32 @p0 s5, $0x11  }
0x22: {  	s6 =	sor.u32 @p0 s7, s6  }
0x23: {  	[sflag:s6] =	ssyncadd.remote.s32 @p0 $0x1;
	_ =	sdelay $0x1  }
0x24: {  	s6 =	simm.s32 @p0 $0x1B8D  }
0x25: {  	_ =	swait.eq @p0 [sflag:s6], $0x1  }
0x26: {  	[sflag:s6] =	ssyncadd.s32 @p0 $0xFFFFFFFF  }
0x27: {  	s7 =	sshll.u32 @!p0 s1, $0xE  }
0x28: {  	s7 =	sor.u32 @!p0 $0x4000, s7;
	s6 =	simm.s32 @!p0 $0x1B8D  }
0x29: {  	s5 =	sshll.u32 @!p0 s5, $0x11;
	s7 =	sadd.s32 @!p0 $0x11B8D, s7;
	_ =	swait.eq @!p0 [sflag:s6], $0x1  }
0x2a: {  	s5 =	sor.u32 @!p0 s5, s7;
	[sflag:s6] =	ssyncadd.s32 @!p0 $0xFFFFFFFF  }
0x2b: {  	s26 =	simm.s32 $0x1B8E;
	s25 =	sld [smem:$0x3FFE];
	[sflag:s5] =	ssyncadd.remote.s32 @!p0 $0x1  }
0x2c: {  	s27 =	simm.s32 $execute0_lowered;
	[smem:$0x3FD2] =	sst s26  }
0x2d: {  	s6 =	sshll.u32 s27, $0x1;
	_ =	strace $0x8000004F;
	[dreg:$0x1] =	wrdreg $0xFFFFFFFF  }
0x2e: {  	s28 =	simm.s32 $_size_execute0_lowered;
	s4 =	sadd.s32 s4, s6;
	[dreg:$0x0] =	wrdreg $0x0  }
0x2f: {  	s6 =	sshll.u32 s28, $0x1;
	[dreg:$0x2] =	wrdreg s4  }
0x30: {  	[dreg:$0x3] =	wrdreg s6  }
0x31: {  	[dreg:$0x4] =	wrdreg $0xC0  }
0x32: {  	_ =	task [dreg:s23], $0x5FFFF  }
0x33: {  	[dreg:$0x1] =	wrdreg $0xFFFFFFFF  }
0x34: {  	[dreg:$0x0] =	wrdreg $0x60  }
0x35: {  	[dreg:$0x2] =	wrdreg s19  }
0x36: {  	[dreg:$0x3] =	wrdreg s25  }
0x37: {  	[dreg:$0x4] =	wrdreg $0x9  }
0x38: {  	_ =	task.clear_ibuf [dreg:s23], $0x5FFFF;
	_ =	strace $0x9000004F  }
0x39: {  	s29 =	simm.s32 $0x9;
	_ =	strace $0x80000051  }
0x3a: {  	_ =	swait.ge [sflag:s29], $0x1  }
0x3b: {  	[sflag:s29] =	ssyncadd.s32 $0xFFFFFFFF  }
0x3c: {  	_ =	strace $0x90000051  }
0x3d: {  	_ =	sfence  }
0x3e: {  	s30 =	sld [smem:$0x0];
	_ =	sdelay $0x2  }
0x3f: {  	s31 =	sshll.u32 s1, $0xD;
	s1 =	sshrl.u32 s1, $0x2  }
0x40: {  	s4 =	sand.u32 $0x4000, s31;
	s1 =	sadd.s32 s1, s30  }
0x41: {  	s0 =	sor.u32 s4, s0;
	s1 =	sshll.u32 s1, $0x11  }
0x42: {  	s0 =	sor.u32 s1, s0  }
0x43: {  	s0 =	sadd.s32 $0x8F2B, s0  }
0x44: {  	[sflag:s0] =	ssyncadd.remote.s32 $0x1  }
0x45: {  	_ =	sfence.sel $0xFFFF  }
0x46: {  	[dreg:$0x0] =	wrdreg $0xFFFFFFFF;
	(pc) =	sbr.abs _section_cstart, $3  }
0x47: {  	[dreg:$0x1] =	wrdreg $0xFFFFFFFF  }
0x48: {  	_ =	task.clear_ibuf [dreg:s23], $0x2FFFF;
	_ =	strace $0x9FFFFFFF  }
0x49: {  	(tm) =	ssettm $0x7FFFFFFF  }
tec
execute0_lowered:
.L_overlay_start_1:
0x0: {  	(tag) =	ssettag $0x1  }
0x1: {  	s0 =	srdreg.scid  }
0x2: {  	s1 =	sshll.u32 s0, $0x4  }
0x3: {  	s7 =	rddreg [dreg:$0x0];
	s0 =	stileid.u32;
	s1 =	sand.u32 $0x10, s1  }
0x4: {  	s5 =	rddreg [dreg:$0x1];
	s6 =	sor.u32 s0, s1  }
0x5: {  	s4 =	simm.s32 $0x1;
	s31 =	simm.s32 $0x2;
	s2 =	sshll.u32 s6, $0x4  }
0x6: {  	s13 =	simm.s32 $0x0;
	s9 =	simm.s32 $0x10000;
	s3 =	ssub.s32 $0x200, s2  }
0x7: {  	s10 =	simm.s32 $0x0;
	s14 =	simm.s32 $0x0;
	s30 =	sand.u32 $0x1F0, s3  }
0x8: {  	s11 =	simm.s32 $0x0;
	s12 =	simm.s32 $0x0;
	p0 =	sne.s32 s30, $0x0  }
.Ltmp0:
0x9: {  	s8 =	sshrl.u32 s3, $0x9;
	s4 =	simm.s32 @!p0 $0x0;
	(pc) =	sbr.rel .LBB1_1-.Ltmp0, $4  }
0xa: {  	s1 =	rddreg [dreg:$0x2];
	_ =	strace $0x80000050;
	s4 =	sadd.s32 s4, s8  }
0xb: {  	s6 =	sshll.u32 s6, $0xB;
	s3 =	simm.s32 $0x1;
	s4 =	smul.u32 $0x18, s4  }
0xc: {  	s5 =	sadd.s32 $0x301800, s5;
	s6 =	sadd.s32 s7, s6;
	[sflag:s3] =	ssyncpa.u1 $0x0  }
0xd: {  	[sflag:s31] =	ssyncpa.u1 $0x0;
	s8 =	simm.s32 $0x800;
	s7 =	sor.u32 $0x1, s4  }
.LBB1_7:
0xe: {  	s15 =	sadd.s32 $0x1, s11  }
0xf: {  	p1 =	sgt.s32 s15, $0x17  }
0x10: {  	s15 =	simm.s32 @p1 $0x0;
	p1 =	sne.s32 s12, s7  }
.Ltmp1:
0x11: {  	p0 =	slt.u32 s12, $0x2;
	(pc) =	sbr.rel @!p1 .LBB1_8-.Ltmp1, $4  }
0x12: {  	s13 =	simm.s32 @!p0 $0x2  }
0x13: {  	s16 =	sadd.s32 $0x1, s12;
	s14 =	smov.u32 s11;
	_ =	swait.ge @!p0 [sflag:s13], $0x4000  }
0x14: {  	s10 =	sadd.s32 $0x4000, s10;
	s12 =	smov.u32 s16;
	[sflag:s13] =	ssyncset.done @!p0 $0x0  }
0x15: {  	s11 =	smov.u32 s15;
	[sflag:s13] =	ssyncadd.s32 @!p0 $0xFFFFC000;
	s13 =	smov.u32 s2  }
.LBB1_1:
0x16: {  	p0 =	sge.u32 s12, s4  }
0x17: {  	s15 =	sxor.u32 @!p0 $0xFFFFFFFF, s12  }
0x18: {  	s31 =	sadd.s32 $0xFFFFFFFF, s12;
	s16 =	sshll.u32 @!p0 s11, $0x10;
	s15 =	sshll.u32 @!p0 s15, $0xE  }
0x19: {  	s17 =	simm.s32 @!p0 $0x0;
	s16 =	sadd.s32 @!p0 s16, s6;
	s15 =	sand.u32 @!p0 $0x4000, s15  }
0x1a: {  	[tilespmem:s15], [sflag:$0x1] =	stream.linear.gather @!p0 [hbm4b:s16+s17], $0x4000, $0x38;
	[tilespmem:$0x10000] =	vst v63  }
0x1b: {  	p0 =	sge.u32 s31, s4  }
.Ltmp2:
0x1c: {  	_ = 	snop;
	(pc) =	sbr.rel @p0 .LBB1_7-.Ltmp2, $1  }
0x1d: {  	_ =	sdelay $0x3  }
0x1e: {  	s16 =	sand.u32 $0x4000, s10  }
0x1f: {  	_ =	swait.ge [sflag:s3], $0x4000;
	s18 =	sshll.u32 s12, $0xE;
	s15 =	sor.u32 $0x8040, s16  }
0x20: {  	s17 =	sor.u32 $0x40, s16;
	[sflag:s3] =	ssyncset.done $0x0;
	s31 =	sand.u32 $0x4000, s18  }
0x21: {  	s18 =	simm.s32 $0x0;
	[sflag:s3] =	ssyncadd.s32 $0xFFFFC000;
	s16 =	sor.u32 $0x8000, s31  }
.LBB1_3:
0x22: {  	v0 =	vmov s17;
	_ =	sdelay $0x3  }
0x23: {  	s20 =	simm.s32 $0x0  }
0x24: {  	v6 =	vld.idx.msk [tilespmem:v0+s20+$0x30 ss:$0x1], $0xffff  }
0x25: {  	v7 =	vld.idx.msk [tilespmem:v0+s20+$0xFFFFFFC0 ss:$0x1], $0xffff  }
0x26: {  	v5 =	vld.idx.msk [tilespmem:v0+s20+$0xFFFFFFD0 ss:$0x1], $0xffff  }
0x27: {  	v4 =	vld.idx.msk [tilespmem:v0+s20+$0xFFFFFFE0 ss:$0x1], $0xffff  }
0x28: {  	v3 =	vld.idx.msk [tilespmem:v0+s20+$0xFFFFFFF0 ss:$0x1], $0xffff  }
0x29: {  	v1 =	vld.idx.msk [tilespmem:v0+s20+$0x0 ss:$0x1], $0xffff  }
0x2a: {  	v2 =	vld.idx.msk [tilespmem:v0+s20+$0x10 ss:$0x1], $0xffff;
	[tilespmem:s15+$0x30] =	vst v6  }
0x2b: {  	s19 =	simm.s32 $0x80;
	s21 =	simm.s32 $0x400;
	[tilespmem:s15+$0xFFFFFFC0] =	vst v7;
	v6 =	vld.idx.msk [tilespmem:v0+s20+$0x20 ss:$0x1], $0xffff;
	s20 =	smov.u32 s15  }
.LBB1_4:
0x2c: {  	p0 =	sne.s32 s21, $0xE00;
	v7 =	vld.idx.msk [tilespmem:v0+s19+$0x30 ss:$0x1], $0xffff;
	[tilespmem:s20+$0xFFFFFFD0] =	vst v5  }
0x2d: {  	v8 =	vld.idx.msk [tilespmem:v0+s19+$0xFFFFFFC0 ss:$0x1], $0xffff;
	[tilespmem:s20+$0xFFFFFFE0] =	vst v4  }
0x2e: {  	v5 =	vld.idx.msk [tilespmem:v0+s19+$0xFFFFFFD0 ss:$0x1], $0xffff;
	[tilespmem:s20+$0xFFFFFFF0] =	vst v3  }
.Ltmp3:
0x2f: {  	v4 =	vld.idx.msk [tilespmem:v0+s19+$0xFFFFFFE0 ss:$0x1], $0xffff;
	[tilespmem:s20+$0x0] =	vst v1;
	(pc) =	sbr.rel @p0 .LBB1_4-.Ltmp3, $4  }
0x30: {  	v3 =	vld.idx.msk [tilespmem:v0+s19+$0xFFFFFFF0 ss:$0x1], $0xffff;
	[tilespmem:s20+$0x10] =	vst v2  }
0x31: {  	v1 =	vld.idx.msk [tilespmem:v0+s19+$0x0 ss:$0x1], $0xffff;
	[tilespmem:s20+$0x20] =	vst v6;
	s20 =	sadd.s32 $0x800, s20  }
0x32: {  	v2 =	vld.idx.msk [tilespmem:v0+s19+$0x10 ss:$0x1], $0xffff;
	[tilespmem:s20+$0x30] =	vst v7  }
0x33: {  	[tilespmem:s20+$0xFFFFFFC0] =	vst v8;
	v6 =	vld.idx.msk [tilespmem:v0+s19+$0x20 ss:$0x1], $0xffff;
	s19 =	sshra.s32 s21, $0x2;
	s21 =	sadd.s32 $0x200, s21  }
0x34: {  	_ =	sdelay $0x2  }
0x35: {  	[tilespmem:s20+$0xFFFFFFD0] =	vst v5  }
0x36: {  	v56 =	vld.idx.msk [tilespmem:v0+s19+$0x30 ss:$0x1], $0xffff;
	[tilespmem:s20+$0xFFFFFFE0] =	vst v4  }
0x37: {  	v57 =	vld.idx.msk [tilespmem:v0+s19+$0xFFFFFFC0 ss:$0x1], $0xffff;
	[tilespmem:s20+$0xFFFFFFF0] =	vst v3  }
0x38: {  	v58 =	vld.idx.msk [tilespmem:v0+s19+$0xFFFFFFD0 ss:$0x1], $0xffff;
	[tilespmem:s20+$0x0] =	vst v1  }
0x39: {  	v59 =	vld.idx.msk [tilespmem:v0+s19+$0xFFFFFFE0 ss:$0x1], $0xffff;
	[tilespmem:s20+$0x10] =	vst v2  }
0x3a: {  	v60 =	vld.idx.msk [tilespmem:v0+s19+$0xFFFFFFF0 ss:$0x1], $0xffff;
	s31 =	sadd.s32 $0x800, s20;
	[tilespmem:s20+$0x20] =	vst v6  }
0x3b: {  	v61 =	vld.idx.msk [tilespmem:v0+s19+$0x0 ss:$0x1], $0xffff;
	[tilespmem:s31+$0x30] =	vst v56  }
0x3c: {  	v62 =	vld.idx.msk [tilespmem:v0+s19+$0x10 ss:$0x1], $0xffff;
	s18 =	sadd.s32 $0x1, s18;
	[tilespmem:s31+$0xFFFFFFC0] =	vst v57  }
0x3d: {  	v63 =	vld.idx.msk [tilespmem:v0+s19+$0x20 ss:$0x1], $0xffff;
	p0 =	sne.s32 s18, $0x10;
	[tilespmem:s31+$0xFFFFFFD0] =	vst v58  }
.Ltmp4:
0x3e: {  	[tilespmem:s31+$0xFFFFFFE0] =	vst v59;
	(pc) =	sbr.rel @p0 .LBB1_3-.Ltmp4, $4  }
0x3f: {  	[tilespmem:s31+$0xFFFFFFF0] =	vst v60  }
0x40: {  	[tilespmem:s31+$0x0] =	vst v61  }
0x41: {  	[tilespmem:s31+$0x10] =	vst v62  }
0x42: {  	s15 =	sadd.s32 $0x80, s15;
	s17 =	sadd.s32 $0x400, s17;
	[tilespmem:s31+$0x20] =	vst v63  }
.Ltmp5:
0x43: {  	(pc) =	sbr.rel .LBB1_7-.Ltmp5, $4  }
0x44: {  	s14 =	sshll.u32 s14, $0x10;
	s13 =	sshll.u32 s13, $0x4  }
0x45: {  	s13 =	sand.u32 $0x1F00, s13;
	s14 =	sadd.s32 s5, s14  }
0x46: {  	s13 =	sadd.s32 s13, s14  }
0x47: {  	[hbm4b:s13+s8] =	stream.strided.scatter [tilespmem:s16], [sflag:$0x2], $0x4000, s9, s8, $0x38;
	[tilespmem:$0x10000] =	vst v63  }
.LBB1_8:
0x48: {  	_ =	sfence.sel $0x180000  }
0x49: {  	s2 =	simm.s32 $0x1;
	[bflag:$0x0] =	sbarrier.arrive $0xFFFF  }
0x4a: {  	s31 =	simm.s32 $0x2;
	[sflag:s2] =	ssyncpa.u1 $0x1  }
0x4b: {  	[sflag:s31] =	ssyncpa.u1 $0x1  }
0x4c: {  	p0 =	sne.s32 s0, $0x0;
	_ =	strace $0x90000050  }
0x4d: {  	s0 =	sadd.s32 @!p0 $0x100000, s1;
	[bflag:$0x2] =	sbarrier.arrive $0xFFFF  }
0x4e: {  	[sflag:s0] =	ssyncadd.tile.s32 @!p0 $0x1;
	_ =	shalt  }
.Lfunc_end1:
_tile_overlayer_lowered:
.L_overlay_start_2:
0x4f: {  	(tag) =	ssettag $0x2  }
0x50: {  	s0 =	rddreg [dreg:$0x0];
	s2 =	stileid.u32  }
0x51: {  	s1 =	rddreg [dreg:$0x1];
	p0 =	sne.s32 s2, $0x0  }
0x52: {  	s3 =	rddreg [dreg:$0x2];
	[bflag:$0x3] =	sbarrier.arrive $0xFFFF;
	s2 =	simm.s32 @!p0 $0x1C01  }
0x53: {  	[timem:s3], [sflag:s2] =	dma.local @!p0 [hbm:s0], s1  }
0x54: {  	s0 =	simm.s32 @!p0 $0x1  }
0x55: {  	_ =	swait.ge @!p0 [sflag:s0], s1  }
0x56: {  	s1 =	ssub.s32 @!p0 $0x0, s1;
	[sflag:s0] =	ssyncset.done @!p0 $0x0  }
0x57: {  	[sflag:s0] =	ssyncadd.s32 @!p0 s1  }
0x58: {  	[bflag:$0x3] =	sbarrier.arrive $0xFFFF  }
0x59: {  	_ =	shalt  }

// kernel: sparse-core-data-format-call.2.cloned.1.call-start
scs
called_computation.2_lowered:
.L_overlay_start_0:
0x0: {  	s2 =	sld [smem:$0x3FD9]  }
0x1: {  	s3 =	sld [smem:$0x3FFE];
	_ =	sdelay $0x1  }
0x2: {  	s1 =	srdreg.scid  }
0x3: {  	s0 =	sand.u32 $0x1, s1  }
0x4: {  	s19 =	sshll.u32 s0, $0xA;
	s2 =	sadd.s32 s3, s2  }
0x5: {  	s2 =	sadd.s32 s2, s19  }
0x6: {  	[smem:$0x3FC6] =	sst s2  }
0x7: {  	_ = 	snop  }
0x8: {  	s20 =	sld [smem:$0x3FC8]  }
0x9: {  	s4 =	sld [smem:$0x3FD0];
	(tm) =	ssettm $0x1  }
0xa: {  	s21 =	sld [smem:$0x3FFB];
	_ =	sdelay $0x3  }
0xb: {  	_ =	strace s21  }
0xc: {  	s2 =	sld [smem:$0x3FFC];
	_ =	sdelay $0x3  }
0xd: {  	_ =	strace s2  }
0xe: {  	s2 =	sld [smem:$0x3FFD];
	_ =	sdelay $0x3  }
0xf: {  	_ =	strace s2  }
0x10: {  	_ =	strace $0x8FFFFFFF  }
0x11: {  	s22 =	sld [smem:$0x3FDB];
	_ =	sdelay $0x1  }
0x12: {  	s5 =	simm.s32 $_scs_section_size  }
0x13: {  	s6 =	simm.s32 $_size__tile_overlayer_lowered;
	s7 =	simm.s32 $_tile_overlayer_lowered  }
0x14: {  	s8 =	simm.s32 $0x1BFF;
	s23 =	sshll.u32 s7, $0x1;
	s5 =	sadd.s32 s5, s22  }
0x15: {  	s24 =	simm.s32 $0x0;
	s6 =	sshll.u32 s6, $0x1;
	s7 =	sadd.s32 s23, s5  }
0x16: {  	[timem:s24], [sflag:s8] =	dma.local [hbm:s7], s6  }
0x17: {  	_ =	swait.ge [sflag:s8], s6  }
0x18: {  	s6 =	ssub.s32 $0x0, s6;
	[sflag:s8] =	ssyncset.done $0x0  }
0x19: {  	[sflag:s8] =	ssyncadd.s32 s6;
	_ =	sdelay $0x1  }
0x1a: {  	s25 =	simm.s32 $0x1B8B  }
0x1b: {  	_ =	swait.ge [sflag:s25], $0x1  }
0x1c: {  	[sflag:s25] =	ssyncset.done $0x0  }
0x1d: {  	[sflag:s25] =	ssyncadd.s32 $0xFFFFFFFF  }
0x1e: {  	s6 =	sld [smem:$0x0]  }
0x1f: {  	s7 =	sand.u32 $0xFFFFFFFE, s1  }
0x20: {  	p0 =	sne.s32 s1, s7  }
0x21: {  	s7 =	sshll.u32 @p0 s7, $0xE  }
0x22: {  	s7 =	sadd.s32 @p0 $0x11B8D, s7;
	s8 =	sshll.u32 @p0 s6, $0x11  }
0x23: {  	s7 =	sor.u32 @p0 s8, s7  }
0x24: {  	[sflag:s7] =	ssyncadd.remote.s32 @p0 $0x1;
	_ =	sdelay $0x1  }
0x25: {  	s7 =	simm.s32 @p0 $0x1B8D  }
0x26: {  	_ =	swait.eq @p0 [sflag:s7], $0x1  }
0x27: {  	[sflag:s7] =	ssyncadd.s32 @p0 $0xFFFFFFFF  }
0x28: {  	s8 =	sshll.u32 @!p0 s1, $0xE  }
0x29: {  	s8 =	sor.u32 @!p0 $0x4000, s8;
	s7 =	simm.s32 @!p0 $0x1B8D  }
0x2a: {  	s6 =	sshll.u32 @!p0 s6, $0x11;
	s8 =	sadd.s32 @!p0 $0x11B8D, s8;
	_ =	swait.eq @!p0 [sflag:s7], $0x1  }
0x2b: {  	s6 =	sor.u32 @!p0 s6, s8;
	[sflag:s7] =	ssyncadd.s32 @!p0 $0xFFFFFFFF  }
0x2c: {  	s26 =	simm.s32 $0x1B8E;
	[sflag:s6] =	ssyncadd.remote.s32 @!p0 $0x1  }
0x2d: {  	s27 =	simm.s32 $execute0_lowered;
	[smem:$0x3FD2] =	sst s26  }
0x2e: {  	s6 =	sshll.u32 s27, $0x1;
	_ =	strace $0x80000049;
	[dreg:$0x1] =	wrdreg $0xFFFFFFFF  }
0x2f: {  	s28 =	simm.s32 $_size_execute0_lowered;
	s5 =	sadd.s32 s5, s6;
	[dreg:$0x0] =	wrdreg $0x0  }
0x30: {  	s6 =	sshll.u32 s28, $0x1;
	[dreg:$0x2] =	wrdreg s5  }
0x31: {  	[dreg:$0x3] =	wrdreg s6  }
0x32: {  	[dreg:$0x4] =	wrdreg $0xC0  }
0x33: {  	_ =	task [dreg:s24], $0x5FFFF  }
0x34: {  	[dreg:$0x1] =	wrdreg $0xFFFFFFFF  }
0x35: {  	[dreg:$0x0] =	wrdreg $0x60  }
0x36: {  	[dreg:$0x2] =	wrdreg s20  }
0x37: {  	[dreg:$0x3] =	wrdreg s4  }
0x38: {  	[dreg:$0x4] =	wrdreg $0x9  }
0x39: {  	_ =	task.clear_ibuf [dreg:s24], $0x5FFFF;
	_ =	strace $0x90000049  }
0x3a: {  	s29 =	simm.s32 $0x9;
	_ =	strace $0x8000004B  }
0x3b: {  	_ =	swait.ge [sflag:s29], $0x1  }
0x3c: {  	[sflag:s29] =	ssyncadd.s32 $0xFFFFFFFF  }
0x3d: {  	_ =	strace $0x9000004B  }
0x3e: {  	_ =	sfence  }
0x3f: {  	s30 =	sld [smem:$0x0];
	_ =	sdelay $0x2  }
0x40: {  	s31 =	sshll.u32 s1, $0xD;
	s1 =	sshrl.u32 s1, $0x2  }
0x41: {  	s4 =	sand.u32 $0x4000, s31;
	s1 =	sadd.s32 s1, s30  }
0x42: {  	s0 =	sor.u32 s4, s0;
	s1 =	sshll.u32 s1, $0x11  }
0x43: {  	s0 =	sor.u32 s1, s0  }
0x44: {  	s0 =	sadd.s32 $0x8F2B, s0  }
0x45: {  	[sflag:s0] =	ssyncadd.remote.s32 $0x1  }
0x46: {  	_ =	sfence.sel $0xFFFF  }
0x47: {  	[dreg:$0x0] =	wrdreg $0xFFFFFFFF;
	(pc) =	sbr.abs _section_cstart, $3  }
0x48: {  	[dreg:$0x1] =	wrdreg $0xFFFFFFFF  }
0x49: {  	_ =	task.clear_ibuf [dreg:s24], $0x2FFFF;
	_ =	strace $0x9FFFFFFF  }
0x4a: {  	(tm) =	ssettm $0x7FFFFFFF  }
0x4b: {  	_ =	shalt  }
tec
execute0_lowered:
.L_overlay_start_1:
0x0: {  	(tag) =	ssettag $0x1  }
0x1: {  	s0 =	srdreg.scid  }
0x2: {  	s1 =	stileid.u32;
	s0 =	sshll.u32 s0, $0x4  }
0x3: {  	s0 =	sor.u32 s1, s0  }
0x4: {  	s6 =	sand.u32 $0x1E, s0  }
0x5: {  	s8 =	rddreg [dreg:$0x0];
	s7 =	sand.u32 $0x1, s1;
	s0 =	ssub.s32 $0x100, s6  }
0x6: {  	_ =	strace $0x8000004A;
	s3 =	ssub.s32 $0x2, s7;
	s4 =	sand.u32 $0x1E, s0  }
0x7: {  	s5 =	sshrl.u32 s3, $0x1;
	p0 =	sne.s32 s4, $0x0;
	s4 =	simm.s32 $0x1  }
0x8: {  	s3 =	sand.u32 $0x1, s3;
	s0 =	sshrl.u32 s0, $0x5;
	s4 =	simm.s32 @!p0 $0x0  }
0x9: {  	s30 =	simm.s32 $0x1;
	s3 =	sadd.s32 s3, s5;
	s0 =	sadd.s32 s4, s0  }
0xa: {  	s31 =	simm.s32 $0x2;
	s15 =	simm.s32 $0x0;
	s0 =	smul.u32 s0, s3  }
.Ltmp0:
0xb: {  	s16 =	simm.s32 $0x0;
	s17 =	simm.s32 $0x0;
	(pc) =	sbr.rel .LBB1_1-.Ltmp0, $4  }
0xc: {  	s11 =	simm.s32 $0x0;
	[dreg:$0x4] =	wrdreg s7;
	s9 =	smul.u32 $0x3, s0  }
0xd: {  	s14 =	simm.s32 $0x0;
	[sflag:s30] =	ssyncpa.u1 $0x0;
	[dreg:$0x3] =	wrdreg s6  }
0xe: {  	[sflag:s31] =	ssyncpa.u1 $0x0;
	s10 =	sadd.s32 $0x1, s9;
	[dreg:$0x5] =	wrdreg s9  }
0xf: {  	s13 =	smov.u32 s7;
	s12 =	smov.u32 s6;
	[dreg:$0x6] =	wrdreg s10  }
.LBB1_9:
0x10: {  	s0 =	sadd.s32 $0x4, s11  }
0x11: {  	s1 =	sadd.s32 $0x20, s12;
	s2 =	smov.u32 s12;
	p1 =	sgt.s32 s0, $0xB  }
0x12: {  	s2 =	smov.u32 @p1 s1  }
0x13: {  	s3 =	sadd.s32 $0x2, s13;
	s4 =	smov.u32 s13;
	p2 =	sgt.s32 s2, $0xFF  }
0x14: {  	s4 =	smov.u32 @p2 s3  }
0x15: {  	s0 =	simm.s32 @p1 $0x0;
	p1 =	sgt.s32 s4, $0x1  }
0x16: {  	p0 =	slt.u32 s14, $0x2;
	s4 =	smov.u32 @p1 s7;
	p1 =	sne.s32 s14, s10  }
.Ltmp1:
0x17: {  	s1 =	simm.s32 @!p0 $0x2;
	(pc) =	sbr.rel @!p1 .LBB1_10-.Ltmp1, $4  }
0x18: {  	s15 =	smov.u32 s11;
	_ =	swait.ge @!p0 [sflag:s1], $0x4000  }
0x19: {  	s16 =	smov.u32 s12;
	s17 =	smov.u32 s13;
	[sflag:s1] =	ssyncset.done @!p0 $0x0  }
0x1a: {  	s11 =	smov.u32 s0;
	s2 =	smov.u32 @p2 s6;
	[sflag:s1] =	ssyncadd.s32 @!p0 $0xFFFFC000  }
0x1b: {  	s12 =	smov.u32 s2;
	s14 =	sadd.s32 $0x1, s14;
	s13 =	smov.u32 s4  }
.LBB1_1:
0x1c: {  	p0 =	sge.u32 s14, s9  }
0x1d: {  	s0 =	smul.u32 @!p0 $0xC0000, s13  }
0x1e: {  	s3 =	sxor.u32 @!p0 $0xFFFFFFFF, s14;
	s4 =	smul.u32 @!p0 $0xC00, s12  }
0x1f: {  	s31 =	sadd.s32 $0xFFFFFFFF, s14;
	s3 =	sshll.u32 @!p0 s3, $0xE;
	s0 =	sadd.s32 @!p0 s8, s0  }
0x20: {  	s5 =	sshll.u32 @!p0 s11, $0x8;
	s3 =	sand.u32 @!p0 $0x4000, s3;
	s0 =	sadd.s32 @!p0 s4, s0  }
0x21: {  	s4 =	simm.s32 @!p0 $0x2000;
	s0 =	sadd.s32 @!p0 s5, s0;
	s5 =	simm.s32 @!p0 $0x6000  }
0x22: {  	[tilespmem:s3], [sflag:$0x1] =	stream.strided.gather @!p0 [hbm4b:s0+s4], $0x4000, s5, s4, $0x38;
	[tilespmem:$0x10000] =	vst v63  }
0x23: {  	p0 =	sge.u32 s31, s9  }
.Ltmp2:
0x24: {  	_ = 	snop;
	(pc) =	sbr.rel @p0 .LBB1_9-.Ltmp2, $1  }
0x25: {  	_ =	sdelay $0x3  }
0x26: {  	[dreg:$0x7] =	wrdreg s15;
	s1 =	simm.s32 $0x1  }
0x27: {  	s0 =	sshll.u32 s14, $0xE;
	_ =	swait.ge [sflag:s1], $0x4000  }
0x28: {  	p1 =	por $0x1, $0x1;
	s19 =	sand.u32 $0x4000, s0;
	[sflag:s1] =	ssyncset.done $0x0  }
0x29: {  	s0 =	simm.s32 $0x0;
	s18 =	sor.u32 $0x8000, s19;
	[sflag:s1] =	ssyncadd.s32 $0xFFFFC000  }
.LBB1_3:
0x2a: {  	s3 =	sshll.u32 s0, $0xD;
	s31 =	sshll.u32 s0, $0xB  }
0x2b: {  	p0 =	por p1, p1;
	s3 =	sand.u32 $0x3FFFE000, s3;
	s0 =	sand.u32 $0x3FFFF800, s31  }
0x2c: {  	s22 =	simm.s32 $0x0;
	s20 =	sadd.s32 s3, s19;
	s21 =	sadd.s32 s0, s18  }
.LBB1_4:
0x2d: {  	s0 =	sshll.u32 s22, $0xC  }
0x2e: {  	s3 =	sshll.u32 s22, $0xB;
	s4 =	simm.s32 $0x410;
	s1 =	simm.s32 $0x470  }
0x2f: {  	s7 =	simm.s32 $0x460;
	s8 =	simm.s32 $0x450;
	s0 =	sand.u32 $0x3FFFF000, s0  }
0x30: {  	s3 =	sand.u32 $0x3FFFF800, s3;
	s15 =	sand.u32 $0x700, s4;
	s25 =	sand.u32 $0x90, s4  }
0x31: {  	s2 =	sand.u32 $0xF0, s1;
	s4 =	sand.u32 $0x700, s1;
	s9 =	sand.u32 $0x700, s7  }
0x32: {  	s10 =	sand.u32 $0x700, s8;
	s23 =	sadd.s32 s0, s21;
	s24 =	sadd.s32 s3, s20  }
0x33: {  	s26 =	sadd.s32 s15, s23;
	s0 =	sadd.s32 s15, s24;
	s6 =	sadd.s32 s4, s24  }
0x34: {  	s3 =	sadd.s32 s4, s23;
	s15 =	sand.u32 $0xE0, s7;
	s1 =	sadd.s32 s10, s23  }
0x35: {  	s7 =	sadd.s32 s10, s24;
	s26 =	sadd.s32 s25, s26;
	s5 =	sadd.s32 s25, s0  }
0x36: {  	s6 =	sadd.s32 s2, s6;
	s27 =	sadd.s32 s2, s3;
	s25 =	sadd.s32 s9, s23  }
0x37: {  	s9 =	sadd.s32 s9, s24;
	s0 =	sand.u32 $0xD0, s8;
	s2 =	simm.s32 $0x440  }
0x38: {  	s28 =	sadd.s32 s15, s25;
	s25 =	sadd.s32 s15, s9;
	s29 =	sadd.s32 s0, s1  }
0x39: {  	s8 =	sand.u32 $0xC0, s2;
	s15 =	sand.u32 $0x700, s2;
	s3 =	sadd.s32 s0, s7  }
0x3a: {  	s1 =	simm.s32 $0x430;
	s7 =	simm.s32 $0x420;
	v2 =	vld [tilespmem:s6+$0x0];
	s6 =	simm.s32 $0x0  }
0x3b: {  	v1 =	vld [tilespmem:s5+$0x0];
	s2 =	sadd.s32 s15, s24;
	s10 =	sadd.s32 s15, s23;
	s31 =	sand.u32 $0x700, s1  }
0x3c: {  	s9 =	sand.u32 $0xB0, s1;
	s5 =	sand.u32 $0xA0, s7;
	v0 =	vld [tilespmem:s25+$0x0];
	s25 =	simm.s32 $0x490  }
0x3d: {  	s0 =	sadd.s32 s8, s2;
	s30 =	sadd.s32 s8, s10;
	s15 =	sadd.s32 s31, s23  }
0x3e: {  	s8 =	sand.u32 $0x700, s7;
	s1 =	sadd.s32 s31, s24;
	s31 =	sadd.s32 s9, s15  }
0x3f: {  	s10 =	sadd.s32 s8, s23;
	s9 =	sadd.s32 s9, s1;
	s4 =	sadd.s32 s8, s24  }
.LBB1_5:
0x40: {  	p1 =	sne.s32 s25, $0x790;
	s1 =	sand.u32 $0x300, s6;
	s8 =	sadd.s32 s5, s10;
	v3 =	vld [tilespmem:s3+$0x0]  }
0x41: {  	s3 =	sadd.s32 s1, s24;
	s10 =	sadd.s32 s1, s23;
	s1 =	sor.u32 $0x400, s1;
	v4 =	vld [tilespmem:s0+$0x0]  }
0x42: {  	s4 =	sadd.s32 s5, s4;
	s0 =	sand.u32 $0x80, s6;
	s6 =	sadd.s32 s1, s24;
	[tilespmem:s26+$0x0] =	vst v1;
	v1 =	vld [tilespmem:s9+$0x0]  }
0x43: {  	s5 =	sor.u32 $0x10, s0;
	s9 =	sor.u32 $0x20, s0;
	s6 =	sadd.s32 s0, s6;
	v5 =	vld [tilespmem:s4+$0x0];
	[tilespmem:s27+$0x0] =	vst v2  }
0x44: {  	s26 =	sor.u32 $0x40, s0;
	s4 =	sor.u32 $0x30, s0;
	s27 =	sor.u32 $0x50, s0;
	v2 =	vld [tilespmem:s6+$0x0];
	[tilespmem:s28+$0x0] =	vst v0  }
0x45: {  	s2 =	sor.u32 $0x70, s0;
	s6 =	sadd.s32 s0, s3;
	s28 =	sor.u32 $0x60, s0;
	[tilespmem:s29+$0x0] =	vst v3  }
0x46: {  	s7 =	sadd.s32 s4, s3;
	s29 =	sadd.s32 s9, s3;
	v0 =	vld [tilespmem:s6+$0x0];
	s6 =	sadd.s32 s5, s3;
	[tilespmem:s30+$0x0] =	vst v4  }
0x47: {  	s1 =	sadd.s32 s1, s23;
	s30 =	sadd.s32 s27, s3;
	v3 =	vld [tilespmem:s6+$0x0];
	s6 =	sadd.s32 s26, s3;
	[tilespmem:s31+$0x0] =	vst v1  }
0x48: {  	s1 =	sadd.s32 s0, s1;
	v1 =	vld [tilespmem:s29+$0x0];
	s29 =	sadd.s32 s28, s3;
	s3 =	sadd.s32 s2, s3;
	[tilespmem:s8+$0x0] =	vst v5  }
0x49: {  	s0 =	sadd.s32 s0, s10;
	s5 =	sadd.s32 s5, s10;
	s8 =	sadd.s32 s9, s10;
	v4 =	vld [tilespmem:s7+$0x0];
	[tilespmem:s1+$0x0] =	vst v2  }
0x4a: {  	s1 =	sadd.s32 s4, s10;
	s4 =	sadd.s32 s26, s10;
	v2 =	vld [tilespmem:s6+$0x0];
	s6 =	sadd.s32 s27, s10  }
0x4b: {  	s2 =	sadd.s32 s2, s10;
	s7 =	sand.u32 $0x700, s25;
	[tilespmem:s0+$0x0] =	vst v0;
	v0 =	vld [tilespmem:s30+$0x0];
	s0 =	sadd.s32 s28, s10  }
0x4c: {  	s9 =	sand.u32 $0x90, s25;
	s10 =	sadd.s32 s7, s23;
	[tilespmem:s5+$0x0] =	vst v3;
	v3 =	vld [tilespmem:s29+$0x0];
	s5 =	sadd.s32 s7, s24  }
0x4d: {  	s26 =	sadd.s32 s9, s10;
	s7 =	sadd.s32 $0x60, s25;
	[tilespmem:s8+$0x0] =	vst v1;
	v1 =	vld [tilespmem:s3+$0x0];
	s5 =	sadd.s32 s9, s5  }
0x4e: {  	s3 =	sand.u32 $0xF0, s7;
	s7 =	sand.u32 $0x700, s7;
	[tilespmem:s1+$0x0] =	vst v4;
	s1 =	sadd.s32 $0x50, s25  }
0x4f: {  	s8 =	sadd.s32 s7, s24;
	s7 =	sadd.s32 s7, s23;
	[tilespmem:s4+$0x0] =	vst v2;
	s4 =	sand.u32 $0x700, s1  }
0x50: {  	s8 =	sadd.s32 s3, s8;
	s27 =	sadd.s32 s3, s7;
	s3 =	sadd.s32 $0x40, s25;
	[tilespmem:s6+$0x0] =	vst v0  }
0x51: {  	s1 =	sand.u32 $0xE0, s1;
	s6 =	sadd.s32 s4, s23;
	s4 =	sadd.s32 s4, s24;
	[tilespmem:s0+$0x0] =	vst v3  }
0x52: {  	s0 =	sand.u32 $0x700, s3;
	s28 =	sadd.s32 s1, s6;
	s1 =	sadd.s32 s1, s4;
	[tilespmem:s2+$0x0] =	vst v1  }
0x53: {  	s4 =	sadd.s32 $0x30, s25;
	s2 =	sand.u32 $0xD0, s3;
	s3 =	sadd.s32 s0, s23  }
0x54: {  	s0 =	sadd.s32 s0, s24;
	s6 =	sand.u32 $0xC0, s4;
	s29 =	sadd.s32 s2, s3  }
0x55: {  	s4 =	sand.u32 $0x700, s4;
	s3 =	sadd.s32 s2, s0;
	s2 =	sadd.s32 $0x20, s25  }
0x56: {  	s0 =	sadd.s32 s4, s24;
	s4 =	sadd.s32 s4, s23;
	s7 =	sand.u32 $0x700, s2  }
.Ltmp3:
0x57: {  	s0 =	sadd.s32 s6, s0;
	s30 =	sadd.s32 s6, s4;
	(pc) =	sbr.rel @p1 .LBB1_5-.Ltmp3, $4  }
0x58: {  	s4 =	sadd.s32 $0x10, s25;
	s2 =	sand.u32 $0xB0, s2;
	s6 =	sadd.s32 s7, s23  }
0x59: {  	s15 =	sand.u32 $0x700, s4;
	s7 =	sadd.s32 s7, s24;
	s31 =	sadd.s32 s2, s6;
	v1 =	vld [tilespmem:s5+$0x0]  }
0x5a: {  	s10 =	sadd.s32 s15, s23;
	s9 =	sadd.s32 s2, s7;
	s5 =	sand.u32 $0xA0, s4;
	v2 =	vld [tilespmem:s8+$0x0]  }
0x5b: {  	s6 =	sadd.s32 $0xFFFFFBF0, s25;
	s25 =	sadd.s32 $0x80, s25;
	s4 =	sadd.s32 s15, s24;
	v0 =	vld [tilespmem:s1+$0x0]  }
0x5c: {  	v3 =	vld [tilespmem:s3+$0x0]  }
0x5d: {  	s1 =	sand.u32 $0x300, s6;
	v4 =	vld [tilespmem:s0+$0x0];
	s0 =	sand.u32 $0x80, s6  }
0x5e: {  	s4 =	sadd.s32 s5, s4;
	v54 =	vld [tilespmem:s9+$0x0];
	s2 =	sor.u32 $0x400, s1;
	s6 =	sadd.s32 s1, s24;
	[tilespmem:s26+$0x0] =	vst v1  }
0x5f: {  	v5 =	vld [tilespmem:s4+$0x0];
	s25 =	sadd.s32 s2, s24;
	s26 =	sadd.s32 s0, s6;
	[tilespmem:s27+$0x0] =	vst v2  }
0x60: {  	s24 =	sor.u32 $0x50, s0;
	s3 =	sadd.s32 s0, s25;
	v56 =	vld [tilespmem:s26+$0x0];
	[tilespmem:s28+$0x0] =	vst v0  }
0x61: {  	s4 =	sor.u32 $0x10, s0;
	s7 =	sor.u32 $0x20, s0;
	s26 =	sadd.s32 s24, s6;
	v55 =	vld [tilespmem:s3+$0x0];
	[tilespmem:s29+$0x0] =	vst v3  }
0x62: {  	s1 =	sadd.s32 s1, s23;
	s8 =	sor.u32 $0x30, s0;
	s28 =	sadd.s32 s4, s6;
	v61 =	vld [tilespmem:s26+$0x0];
	[tilespmem:s30+$0x0] =	vst v4  }
0x63: {  	s2 =	sadd.s32 s2, s23;
	s27 =	sadd.s32 s5, s10;
	s29 =	sadd.s32 s7, s6;
	v57 =	vld [tilespmem:s28+$0x0];
	[tilespmem:s31+$0x0] =	vst v54  }
0x64: {  	s3 =	sor.u32 $0x40, s0;
	s30 =	sadd.s32 s8, s6;
	v58 =	vld [tilespmem:s29+$0x0];
	[tilespmem:s27+$0x0] =	vst v5;
	s27 =	sadd.s32 s0, s1  }
0x65: {  	s2 =	sadd.s32 s0, s2;
	s25 =	sor.u32 $0x60, s0;
	s15 =	sadd.s32 s3, s6;
	v59 =	vld [tilespmem:s30+$0x0];
	[tilespmem:s27+$0x0] =	vst v56  }
0x66: {  	s28 =	sadd.s32 s25, s6;
	v60 =	vld [tilespmem:s15+$0x0];
	s0 =	sor.u32 $0x70, s0;
	s30 =	sadd.s32 s24, s1;
	[tilespmem:s2+$0x0] =	vst v55  }
0x67: {  	s22 =	sadd.s32 $0x1, s22;
	s4 =	sadd.s32 s4, s1;
	v62 =	vld [tilespmem:s28+$0x0];
	s6 =	sadd.s32 s0, s6;
	[tilespmem:s30+$0x0] =	vst v61  }
0x68: {  	p1 =	sne.s32 s22, $0x4;
	s7 =	sadd.s32 s7, s1;
	v63 =	vld [tilespmem:s6+$0x0];
	[tilespmem:s4+$0x0] =	vst v57  }
.Ltmp4:
0x69: {  	s29 =	sadd.s32 s8, s1;
	[tilespmem:s7+$0x0] =	vst v58;
	(pc) =	sbr.rel @p1 .LBB1_4-.Ltmp4, $4  }
0x6a: {  	s3 =	sadd.s32 s3, s1;
	[tilespmem:s29+$0x0] =	vst v59  }
0x6b: {  	s31 =	sadd.s32 s25, s1;
	[tilespmem:s3+$0x0] =	vst v60  }
0x6c: {  	s0 =	sadd.s32 s0, s1;
	[tilespmem:s31+$0x0] =	vst v62  }
0x6d: {  	[tilespmem:s0+$0x0] =	vst v63  }
.Ltmp5:
0x6e: {  	(pc) =	sbr.rel @p0 .LBB1_3-.Ltmp5, $2  }
0x6f: {  	_ =	sdelay $0x2  }
0x70: {  	s0 =	simm.s32 $0x1;
	p1 =	por $0x0, $0x0  }
0x71: {  	s2 =	rddreg [dreg:$0x1]  }
0x72: {  	s29 =	rddreg [dreg:$0x7]  }
0x73: {  	s0 =	smul.u32 $0xC0000, s17;
	s6 =	rddreg [dreg:$0x3]  }
.Ltmp6:
0x74: {  	s1 =	sshll.u32 s16, $0x8;
	s7 =	rddreg [dreg:$0x4];
	(pc) =	sbr.rel .LBB1_9-.Ltmp6, $4  }
0x75: {  	s30 =	simm.s32 $0x1000;
	s8 =	rddreg [dreg:$0x0];
	s0 =	sadd.s32 s2, s0  }
0x76: {  	s9 =	rddreg [dreg:$0x5];
	s2 =	sshll.u32 s29, $0x10;
	s0 =	sadd.s32 s1, s0  }
0x77: {  	s31 =	simm.s32 $0x80000;
	s10 =	rddreg [dreg:$0x6];
	s0 =	sadd.s32 s2, s0  }
0x78: {  	[hbm4b:s0+s30] =	stream.strided.scatter [tilespmem:s18], [sflag:$0x2], $0x4000, s31, s30, $0x38;
	[tilespmem:$0x10000] =	vst v63  }
.LBB1_10:
0x79: {  	_ =	sfence.sel $0x180000  }
0x7a: {  	s0 =	simm.s32 $0x1;
	[bflag:$0x0] =	sbarrier.arrive $0xFFFF  }
0x7b: {  	s30 =	simm.s32 $0x2;
	[sflag:s0] =	ssyncpa.u1 $0x1  }
0x7c: {  	[sflag:s30] =	ssyncpa.u1 $0x1  }
0x7d: {  	_ =	strace $0x9000004A  }
0x7e: {  	s31 =	stileid.u32;
	[bflag:$0x2] =	sbarrier.arrive $0xFFFF  }
0x7f: {  	p0 =	sne.s32 s31, $0x0;
	s0 =	rddreg [dreg:$0x2]  }
0x80: {  	s0 =	sadd.s32 @!p0 $0x100000, s0  }
0x81: {  	[sflag:s0] =	ssyncadd.tile.s32 @!p0 $0x1;
	_ =	shalt  }
.Lfunc_end1:
_tile_overlayer_lowered:
.L_overlay_start_2:
0x82: {  	(tag) =	ssettag $0x2  }
0x83: {  	s0 =	rddreg [dreg:$0x0];
	s2 =	stileid.u32  }
0x84: {  	s1 =	rddreg [dreg:$0x1];
	p0 =	sne.s32 s2, $0x0  }
0x85: {  	s3 =	rddreg [dreg:$0x2];
	[bflag:$0x3] =	sbarrier.arrive $0xFFFF;
	s2 =	simm.s32 @!p0 $0x1C01  }
0x86: {  	[timem:s3], [sflag:s2] =	dma.local @!p0 [hbm:s0], s1  }
0x87: {  	s0 =	simm.s32 @!p0 $0x1  }
0x88: {  	_ =	swait.ge @!p0 [sflag:s0], s1  }
0x89: {  	s1 =	ssub.s32 @!p0 $0x0, s1;
	[sflag:s0] =	ssyncset.done @!p0 $0x0  }
0x8a: {  	[sflag:s0] =	ssyncadd.s32 @!p0 s1  }
0x8b: {  	[bflag:$0x3] =	sbarrier.arrive $0xFFFF  }
0x8c: {  	_ =	shalt  }

// kernel: sparse-core-data-format-call.3.cloned.1.call-start
scs
called_computation.3_lowered:
.L_overlay_start_0:
0x0: {  	s2 =	sld [smem:$0x3FD9]  }
0x1: {  	s3 =	sld [smem:$0x3FFE];
	_ =	sdelay $0x1  }
0x2: {  	s1 =	srdreg.scid  }
0x3: {  	s0 =	sand.u32 $0x1, s1  }
0x4: {  	s18 =	sshll.u32 s0, $0xA;
	s2 =	sadd.s32 s3, s2  }
0x5: {  	s2 =	sadd.s32 s2, s18  }
0x6: {  	[smem:$0x3FC6] =	sst s2  }
0x7: {  	_ = 	snop  }
0x8: {  	(tm) =	ssettm $0x1  }
0x9: {  	s19 =	sld [smem:$0x3FFB];
	_ =	sdelay $0x3  }
0xa: {  	_ =	strace s19  }
0xb: {  	s2 =	sld [smem:$0x3FFC];
	_ =	sdelay $0x3  }
0xc: {  	_ =	strace s2  }
0xd: {  	s2 =	sld [smem:$0x3FFD];
	_ =	sdelay $0x3  }
0xe: {  	_ =	strace s2  }
0xf: {  	_ =	strace $0x8FFFFFFF  }
0x10: {  	s20 =	sld [smem:$0x3FDB];
	_ =	sdelay $0x1  }
0x11: {  	s21 =	simm.s32 $_scs_section_size  }
0x12: {  	s4 =	simm.s32 $_size__tile_overlayer_lowered;
	s5 =	simm.s32 $_tile_overlayer_lowered  }
0x13: {  	s6 =	simm.s32 $0x1BFF;
	s22 =	sshll.u32 s5, $0x1;
	s3 =	sadd.s32 s21, s20  }
0x14: {  	s23 =	simm.s32 $0x0;
	s4 =	sshll.u32 s4, $0x1;
	s5 =	sadd.s32 s22, s3  }
0x15: {  	[timem:s23], [sflag:s6] =	dma.local [hbm:s5], s4  }
0x16: {  	_ =	swait.ge [sflag:s6], s4  }
0x17: {  	s4 =	ssub.s32 $0x0, s4;
	[sflag:s6] =	ssyncset.done $0x0  }
0x18: {  	[sflag:s6] =	ssyncadd.s32 s4;
	_ =	sdelay $0x1  }
0x19: {  	s24 =	simm.s32 $0x1B8B  }
0x1a: {  	_ =	swait.ge [sflag:s24], $0x1  }
0x1b: {  	[sflag:s24] =	ssyncset.done $0x0  }
0x1c: {  	[sflag:s24] =	ssyncadd.s32 $0xFFFFFFFF  }
0x1d: {  	s4 =	sld [smem:$0x0]  }
0x1e: {  	s5 =	sand.u32 $0xFFFFFFFE, s1  }
0x1f: {  	p0 =	sne.s32 s1, s5  }
0x20: {  	s5 =	sshll.u32 @p0 s5, $0xE  }
0x21: {  	s5 =	sadd.s32 @p0 $0x11B8D, s5;
	s6 =	sshll.u32 @p0 s4, $0x11  }
0x22: {  	s5 =	sor.u32 @p0 s6, s5  }
0x23: {  	[sflag:s5] =	ssyncadd.remote.s32 @p0 $0x1;
	_ =	sdelay $0x1  }
0x24: {  	s5 =	simm.s32 @p0 $0x1B8D  }
0x25: {  	_ =	swait.eq @p0 [sflag:s5], $0x1  }
0x26: {  	[sflag:s5] =	ssyncadd.s32 @p0 $0xFFFFFFFF  }
0x27: {  	s6 =	sshll.u32 @!p0 s1, $0xE  }
0x28: {  	s6 =	sor.u32 @!p0 $0x4000, s6;
	s5 =	simm.s32 @!p0 $0x1B8D  }
0x29: {  	s4 =	sshll.u32 @!p0 s4, $0x11;
	s6 =	sadd.s32 @!p0 $0x11B8D, s6;
	_ =	swait.eq @!p0 [sflag:s5], $0x1  }
0x2a: {  	s4 =	sor.u32 @!p0 s4, s6;
	[sflag:s5] =	ssyncadd.s32 @!p0 $0xFFFFFFFF  }
0x2b: {  	s26 =	simm.s32 $0x1B8E;
	s25 =	sld [smem:$0x3FFE];
	[sflag:s4] =	ssyncadd.remote.s32 @!p0 $0x1  }
0x2c: {  	s27 =	simm.s32 $execute0_lowered;
	[smem:$0x3FD2] =	sst s26  }
0x2d: {  	s5 =	sshll.u32 s27, $0x1;
	_ =	strace $0x8000004C;
	[dreg:$0x1] =	wrdreg $0xFFFFFFFF  }
0x2e: {  	s28 =	simm.s32 $_size_execute0_lowered;
	s3 =	sadd.s32 s3, s5;
	[dreg:$0x0] =	wrdreg $0x0  }
0x2f: {  	s5 =	sshll.u32 s28, $0x1;
	[dreg:$0x2] =	wrdreg s3  }
0x30: {  	[dreg:$0x3] =	wrdreg s5  }
0x31: {  	[dreg:$0x4] =	wrdreg $0xC0  }
0x32: {  	_ =	task [dreg:s23], $0x5FFFF  }
0x33: {  	[dreg:$0x1] =	wrdreg $0xFFFFFFFF  }
0x34: {  	[dreg:$0x0] =	wrdreg $0x60  }
0x35: {  	[dreg:$0x2] =	wrdreg s25  }
0x36: {  	[dreg:$0x3] =	wrdreg $0xA  }
0x37: {  	_ =	task.clear_ibuf [dreg:s23], $0x4FFFF;
	_ =	strace $0x9000004C  }
0x38: {  	s29 =	simm.s32 $0xA;
	_ =	strace $0x8000004E  }
0x39: {  	_ =	swait.ge [sflag:s29], $0x1  }
0x3a: {  	[sflag:s29] =	ssyncadd.s32 $0xFFFFFFFF  }
0x3b: {  	_ =	strace $0x9000004E  }
0x3c: {  	_ =	sfence  }
0x3d: {  	s30 =	sld [smem:$0x0];
	_ =	sdelay $0x2  }
0x3e: {  	s31 =	sshll.u32 s1, $0xD;
	s1 =	sshrl.u32 s1, $0x2  }
0x3f: {  	s4 =	sand.u32 $0x4000, s31;
	s1 =	sadd.s32 s1, s30  }
0x40: {  	s0 =	sor.u32 s4, s0;
	s1 =	sshll.u32 s1, $0x11  }
0x41: {  	s0 =	sor.u32 s1, s0  }
0x42: {  	s0 =	sadd.s32 $0x8F2B, s0  }
0x43: {  	[sflag:s0] =	ssyncadd.remote.s32 $0x1  }
0x44: {  	_ =	sfence.sel $0xFFFF  }
0x45: {  	[dreg:$0x0] =	wrdreg $0xFFFFFFFF;
	(pc) =	sbr.abs _section_cstart, $3  }
0x46: {  	[dreg:$0x1] =	wrdreg $0xFFFFFFFF  }
0x47: {  	_ =	task.clear_ibuf [dreg:s23], $0x2FFFF;
	_ =	strace $0x9FFFFFFF  }
0x48: {  	(tm) =	ssettm $0x7FFFFFFF  }
0x49: {  	_ =	shalt  }
tec
execute0_lowered:
.L_overlay_start_1:
0x0: {  	(tag) =	ssettag $0x1  }
0x1: {  	s0 =	srdreg.scid  }
0x2: {  	s1 =	sshll.u32 s0, $0x4  }
0x3: {  	s0 =	stileid.u32;
	s1 =	sand.u32 $0x10, s1  }
0x4: {  	s5 =	rddreg [dreg:$0x0];
	s31 =	simm.s32 $0x2;
	s3 =	sor.u32 s0, s1  }
0x5: {  	s13 =	simm.s32 $0x0;
	s8 =	simm.s32 $0x800;
	s2 =	sshll.u32 s3, $0x4  }
0x6: {  	s9 =	simm.s32 $0x10000;
	s10 =	simm.s32 $0x0;
	s4 =	ssub.s32 $0x200, s2  }
0x7: {  	s14 =	simm.s32 $0x0;
	s11 =	simm.s32 $0x0;
	s6 =	sand.u32 $0x1F0, s4  }
0x8: {  	s12 =	simm.s32 $0x0;
	p0 =	sne.s32 s6, $0x0;
	s6 =	simm.s32 $0x1  }
.Ltmp0:
0x9: {  	s4 =	sshrl.u32 s4, $0x9;
	s6 =	simm.s32 @!p0 $0x0;
	(pc) =	sbr.rel .LBB1_1-.Ltmp0, $4  }
0xa: {  	s1 =	rddreg [dreg:$0x1];
	_ =	strace $0x8000004D;
	s4 =	sadd.s32 s6, s4  }
0xb: {  	s7 =	sshll.u32 s3, $0xB;
	s3 =	simm.s32 $0x1;
	s4 =	smul.u32 $0x18, s4  }
0xc: {  	[sflag:s3] =	ssyncpa.u1 $0x0;
	s7 =	sadd.s32 s7, s5;
	s5 =	sadd.s32 $0x181800, s5  }
0xd: {  	[sflag:s31] =	ssyncpa.u1 $0x0;
	s6 =	sadd.s32 $0x1800, s7;
	s7 =	sor.u32 $0x1, s4  }
.LBB1_7:
0xe: {  	s15 =	sadd.s32 $0x1, s11  }
0xf: {  	p1 =	sgt.s32 s15, $0x17  }
0x10: {  	s15 =	simm.s32 @p1 $0x0;
	p1 =	sne.s32 s12, s7  }
.Ltmp1:
0x11: {  	p0 =	slt.u32 s12, $0x2;
	(pc) =	sbr.rel @!p1 .LBB1_8-.Ltmp1, $4  }
0x12: {  	s13 =	simm.s32 @!p0 $0x2  }
0x13: {  	s16 =	sadd.s32 $0x1, s12;
	s14 =	smov.u32 s11;
	_ =	swait.ge @!p0 [sflag:s13], $0x4000  }
0x14: {  	s10 =	sadd.s32 $0x4000, s10;
	s12 =	smov.u32 s16;
	[sflag:s13] =	ssyncset.done @!p0 $0x0  }
0x15: {  	s11 =	smov.u32 s15;
	[sflag:s13] =	ssyncadd.s32 @!p0 $0xFFFFC000;
	s13 =	smov.u32 s2  }
.LBB1_1:
0x16: {  	p0 =	sge.u32 s12, s4  }
0x17: {  	s15 =	sxor.u32 @!p0 $0xFFFFFFFF, s12  }
0x18: {  	s31 =	sadd.s32 $0xFFFFFFFF, s12;
	s16 =	sshll.u32 @!p0 s11, $0x10;
	s15 =	sshll.u32 @!p0 s15, $0xE  }
0x19: {  	s17 =	simm.s32 @!p0 $0x0;
	s16 =	sadd.s32 @!p0 s16, s6;
	s15 =	sand.u32 @!p0 $0x4000, s15  }
0x1a: {  	[tilespmem:s15], [sflag:$0x1] =	stream.linear.gather @!p0 [hbm4b:s16+s17], $0x4000, $0x38;
	[tilespmem:$0x10000] =	vst v63  }
0x1b: {  	p0 =	sge.u32 s31, s4  }
.Ltmp2:
0x1c: {  	_ = 	snop;
	(pc) =	sbr.rel @p0 .LBB1_7-.Ltmp2, $1  }
0x1d: {  	_ =	sdelay $0x3  }
0x1e: {  	s16 =	sand.u32 $0x4000, s10  }
0x1f: {  	_ =	swait.ge [sflag:s3], $0x4000;
	s18 =	sshll.u32 s12, $0xE;
	s15 =	sor.u32 $0x8040, s16  }
0x20: {  	s17 =	sor.u32 $0x40, s16;
	[sflag:s3] =	ssyncset.done $0x0;
	s31 =	sand.u32 $0x4000, s18  }
0x21: {  	s18 =	simm.s32 $0x0;
	[sflag:s3] =	ssyncadd.s32 $0xFFFFC000;
	s16 =	sor.u32 $0x8000, s31  }
.LBB1_3:
0x22: {  	v0 =	vmov s17;
	_ =	sdelay $0x3  }
0x23: {  	s20 =	simm.s32 $0x0  }
0x24: {  	v6 =	vld.idx.msk [tilespmem:v0+s20+$0x30 ss:$0x1], $0xffff  }
0x25: {  	v7 =	vld.idx.msk [tilespmem:v0+s20+$0xFFFFFFC0 ss:$0x1], $0xffff  }
0x26: {  	v5 =	vld.idx.msk [tilespmem:v0+s20+$0xFFFFFFD0 ss:$0x1], $0xffff  }
0x27: {  	v4 =	vld.idx.msk [tilespmem:v0+s20+$0xFFFFFFE0 ss:$0x1], $0xffff  }
0x28: {  	v3 =	vld.idx.msk [tilespmem:v0+s20+$0xFFFFFFF0 ss:$0x1], $0xffff  }
0x29: {  	v1 =	vld.idx.msk [tilespmem:v0+s20+$0x0 ss:$0x1], $0xffff  }
0x2a: {  	v2 =	vld.idx.msk [tilespmem:v0+s20+$0x10 ss:$0x1], $0xffff;
	[tilespmem:s15+$0x30] =	vst v6  }
0x2b: {  	s19 =	simm.s32 $0x80;
	s21 =	simm.s32 $0x400;
	[tilespmem:s15+$0xFFFFFFC0] =	vst v7;
	v6 =	vld.idx.msk [tilespmem:v0+s20+$0x20 ss:$0x1], $0xffff;
	s20 =	smov.u32 s15  }
.LBB1_4:
0x2c: {  	p0 =	sne.s32 s21, $0xE00;
	v7 =	vld.idx.msk [tilespmem:v0+s19+$0x30 ss:$0x1], $0xffff;
	[tilespmem:s20+$0xFFFFFFD0] =	vst v5  }
0x2d: {  	v8 =	vld.idx.msk [tilespmem:v0+s19+$0xFFFFFFC0 ss:$0x1], $0xffff;
	[tilespmem:s20+$0xFFFFFFE0] =	vst v4  }
0x2e: {  	v5 =	vld.idx.msk [tilespmem:v0+s19+$0xFFFFFFD0 ss:$0x1], $0xffff;
	[tilespmem:s20+$0xFFFFFFF0] =	vst v3  }
.Ltmp3:
0x2f: {  	v4 =	vld.idx.msk [tilespmem:v0+s19+$0xFFFFFFE0 ss:$0x1], $0xffff;
	[tilespmem:s20+$0x0] =	vst v1;
	(pc) =	sbr.rel @p0 .LBB1_4-.Ltmp3, $4  }
0x30: {  	v3 =	vld.idx.msk [tilespmem:v0+s19+$0xFFFFFFF0 ss:$0x1], $0xffff;
	[tilespmem:s20+$0x10] =	vst v2  }
0x31: {  	v1 =	vld.idx.msk [tilespmem:v0+s19+$0x0 ss:$0x1], $0xffff;
	[tilespmem:s20+$0x20] =	vst v6;
	s20 =	sadd.s32 $0x800, s20  }
0x32: {  	v2 =	vld.idx.msk [tilespmem:v0+s19+$0x10 ss:$0x1], $0xffff;
	[tilespmem:s20+$0x30] =	vst v7  }
0x33: {  	[tilespmem:s20+$0xFFFFFFC0] =	vst v8;
	v6 =	vld.idx.msk [tilespmem:v0+s19+$0x20 ss:$0x1], $0xffff;
	s19 =	sshra.s32 s21, $0x2;
	s21 =	sadd.s32 $0x200, s21  }
0x34: {  	_ =	sdelay $0x2  }
0x35: {  	[tilespmem:s20+$0xFFFFFFD0] =	vst v5  }
0x36: {  	v56 =	vld.idx.msk [tilespmem:v0+s19+$0x30 ss:$0x1], $0xffff;
	[tilespmem:s20+$0xFFFFFFE0] =	vst v4  }
0x37: {  	v57 =	vld.idx.msk [tilespmem:v0+s19+$0xFFFFFFC0 ss:$0x1], $0xffff;
	[tilespmem:s20+$0xFFFFFFF0] =	vst v3  }
0x38: {  	v58 =	vld.idx.msk [tilespmem:v0+s19+$0xFFFFFFD0 ss:$0x1], $0xffff;
	[tilespmem:s20+$0x0] =	vst v1  }
0x39: {  	v59 =	vld.idx.msk [tilespmem:v0+s19+$0xFFFFFFE0 ss:$0x1], $0xffff;
	[tilespmem:s20+$0x10] =	vst v2  }
0x3a: {  	v60 =	vld.idx.msk [tilespmem:v0+s19+$0xFFFFFFF0 ss:$0x1], $0xffff;
	s31 =	sadd.s32 $0x800, s20;
	[tilespmem:s20+$0x20] =	vst v6  }
0x3b: {  	v61 =	vld.idx.msk [tilespmem:v0+s19+$0x0 ss:$0x1], $0xffff;
	[tilespmem:s31+$0x30] =	vst v56  }
0x3c: {  	v62 =	vld.idx.msk [tilespmem:v0+s19+$0x10 ss:$0x1], $0xffff;
	s18 =	sadd.s32 $0x1, s18;
	[tilespmem:s31+$0xFFFFFFC0] =	vst v57  }
0x3d: {  	v63 =	vld.idx.msk [tilespmem:v0+s19+$0x20 ss:$0x1], $0xffff;
	p0 =	sne.s32 s18, $0x10;
	[tilespmem:s31+$0xFFFFFFD0] =	vst v58  }
.Ltmp4:
0x3e: {  	[tilespmem:s31+$0xFFFFFFE0] =	vst v59;
	(pc) =	sbr.rel @p0 .LBB1_3-.Ltmp4, $4  }
0x3f: {  	[tilespmem:s31+$0xFFFFFFF0] =	vst v60  }
0x40: {  	[tilespmem:s31+$0x0] =	vst v61  }
0x41: {  	[tilespmem:s31+$0x10] =	vst v62  }
0x42: {  	s15 =	sadd.s32 $0x80, s15;
	s17 =	sadd.s32 $0x400, s17;
	[tilespmem:s31+$0x20] =	vst v63  }
.Ltmp5:
0x43: {  	(pc) =	sbr.rel .LBB1_7-.Ltmp5, $4  }
0x44: {  	s14 =	sshll.u32 s14, $0x10;
	s13 =	sshll.u32 s13, $0x4  }
0x45: {  	s13 =	sand.u32 $0x1F00, s13;
	s14 =	sadd.s32 s5, s14  }
0x46: {  	s13 =	sadd.s32 s13, s14  }
0x47: {  	[hbm4b:s13+s8] =	stream.strided.scatter [tilespmem:s16], [sflag:$0x2], $0x4000, s9, s8, $0x38;
	[tilespmem:$0x10000] =	vst v63  }
.LBB1_8:
0x48: {  	_ =	sfence.sel $0x180000  }
0x49: {  	s2 =	simm.s32 $0x1;
	[bflag:$0x0] =	sbarrier.arrive $0xFFFF  }
0x4a: {  	s31 =	simm.s32 $0x2;
	[sflag:s2] =	ssyncpa.u1 $0x1  }
0x4b: {  	[sflag:s31] =	ssyncpa.u1 $0x1  }
0x4c: {  	p0 =	sne.s32 s0, $0x0;
	_ =	strace $0x9000004D  }
0x4d: {  	s0 =	sadd.s32 @!p0 $0x100000, s1;
	[bflag:$0x2] =	sbarrier.arrive $0xFFFF  }
0x4e: {  	[sflag:s0] =	ssyncadd.tile.s32 @!p0 $0x1;
	_ =	shalt  }
.Lfunc_end1:
_tile_overlayer_lowered:
.L_overlay_start_2:
0x4f: {  	(tag) =	ssettag $0x2  }
0x50: {  	s0 =	rddreg [dreg:$0x0];
	s2 =	stileid.u32  }
0x51: {  	s1 =	rddreg [dreg:$0x1];
	p0 =	sne.s32 s2, $0x0  }
0x52: {  	s3 =	rddreg [dreg:$0x2];
	[bflag:$0x3] =	sbarrier.arrive $0xFFFF;
	s2 =	simm.s32 @!p0 $0x1C01  }
0x53: {  	[timem:s3], [sflag:s2] =	dma.local @!p0 [hbm:s0], s1  }
0x54: {  	s0 =	simm.s32 @!p0 $0x1  }
0x55: {  	_ =	swait.ge @!p0 [sflag:s0], s1  }
0x56: {  	s1 =	ssub.s32 @!p0 $0x0, s1;
	[sflag:s0] =	ssyncset.done @!p0 $0x0  }
0x57: {  	[sflag:s0] =	ssyncadd.s32 @!p0 s1  }
0x58: {  	[bflag:$0x3] =	sbarrier.arrive $0xFFFF  }
0x59: {  	_ =	shalt  }

// kernel: sparse-core-data-format-call.4.cloned.1.call-start
scs
called_computation.4_lowered:
.L_overlay_start_0:
0x0: {  	s2 =	sld [smem:$0x3FD9]  }
0x1: {  	s3 =	sld [smem:$0x3FFE];
	_ =	sdelay $0x1  }
0x2: {  	s1 =	srdreg.scid  }
0x3: {  	s0 =	sand.u32 $0x1, s1  }
0x4: {  	s18 =	sshll.u32 s0, $0xA;
	s2 =	sadd.s32 s3, s2  }
0x5: {  	s2 =	sadd.s32 s2, s18  }
0x6: {  	[smem:$0x3FC6] =	sst s2  }
0x7: {  	_ = 	snop  }
0x8: {  	s2 =	sld [smem:$0x3FC9];
	(tm) =	ssettm $0x1  }
0x9: {  	s19 =	sld [smem:$0x3FFB];
	_ =	sdelay $0x3  }
0xa: {  	_ =	strace s19  }
0xb: {  	s3 =	sld [smem:$0x3FFC];
	_ =	sdelay $0x3  }
0xc: {  	_ =	strace s3  }
0xd: {  	s3 =	sld [smem:$0x3FFD];
	_ =	sdelay $0x3  }
0xe: {  	_ =	strace s3  }
0xf: {  	_ =	strace $0x8FFFFFFF  }
0x10: {  	s20 =	sld [smem:$0x3FDB];
	_ =	sdelay $0x1  }
0x11: {  	s4 =	simm.s32 $_scs_section_size  }
0x12: {  	s5 =	simm.s32 $_size__tile_overlayer_lowered;
	s6 =	simm.s32 $_tile_overlayer_lowered  }
0x13: {  	s23 =	simm.s32 $0x1BFF;
	s22 =	sshll.u32 s6, $0x1;
	s3 =	sadd.s32 s4, s20  }
0x14: {  	s7 =	simm.s32 $0x0;
	s21 =	sshll.u32 s5, $0x1;
	s5 =	sadd.s32 s22, s3  }
0x15: {  	[timem:s7], [sflag:s23] =	dma.local [hbm:s5], s21  }
0x16: {  	_ =	swait.ge [sflag:s23], s21  }
0x17: {  	s4 =	ssub.s32 $0x0, s21;
	[sflag:s23] =	ssyncset.done $0x0  }
0x18: {  	[sflag:s23] =	ssyncadd.s32 s4;
	_ =	sdelay $0x1  }
0x19: {  	s24 =	simm.s32 $0x1B8B  }
0x1a: {  	_ =	swait.ge [sflag:s24], $0x1  }
0x1b: {  	[sflag:s24] =	ssyncset.done $0x0  }
0x1c: {  	s26 =	simm.s32 $0x1B8E;
	s25 =	sld [smem:$0x3FFE];
	[sflag:s24] =	ssyncadd.s32 $0xFFFFFFFF  }
0x1d: {  	s27 =	simm.s32 $execute0_lowered;
	[smem:$0x3FD2] =	sst s26  }
0x1e: {  	s5 =	sshll.u32 s27, $0x1;
	_ =	strace $0x80000046;
	[dreg:$0x1] =	wrdreg $0xFFFFFFFF  }
0x1f: {  	s28 =	simm.s32 $_size_execute0_lowered;
	s3 =	sadd.s32 s3, s5;
	[dreg:$0x0] =	wrdreg $0x0  }
0x20: {  	s5 =	sshll.u32 s28, $0x1;
	[dreg:$0x2] =	wrdreg s3  }
0x21: {  	[dreg:$0x3] =	wrdreg s5  }
0x22: {  	[dreg:$0x4] =	wrdreg $0xC0  }
0x23: {  	_ =	task [dreg:s7], $0x5FFFF  }
0x24: {  	[dreg:$0x1] =	wrdreg $0xFFFFFFFF  }
0x25: {  	[dreg:$0x0] =	wrdreg $0x60  }
0x26: {  	[dreg:$0x2] =	wrdreg s2  }
0x27: {  	[dreg:$0x3] =	wrdreg s25  }
0x28: {  	[dreg:$0x4] =	wrdreg $0xA  }
0x29: {  	_ =	task.clear_ibuf [dreg:s7], $0x5FFFF;
	_ =	strace $0x90000046  }
0x2a: {  	s29 =	simm.s32 $0xA;
	_ =	strace $0x80000048  }
0x2b: {  	_ =	swait.ge [sflag:s29], $0x1  }
0x2c: {  	[sflag:s29] =	ssyncadd.s32 $0xFFFFFFFF  }
0x2d: {  	_ =	strace $0x90000048  }
0x2e: {  	_ =	sfence  }
0x2f: {  	s30 =	sld [smem:$0x0];
	_ =	sdelay $0x2  }
0x30: {  	s31 =	sshll.u32 s1, $0xD;
	s1 =	sshrl.u32 s1, $0x2  }
0x31: {  	s3 =	sand.u32 $0x4000, s31;
	s1 =	sadd.s32 s1, s30  }
0x32: {  	s0 =	sor.u32 s3, s0;
	s1 =	sshll.u32 s1, $0x11  }
0x33: {  	s0 =	sor.u32 s1, s0  }
0x34: {  	s0 =	sadd.s32 $0x8F2B, s0  }
0x35: {  	[sflag:s0] =	ssyncadd.remote.s32 $0x1  }
0x36: {  	_ =	sfence.sel $0xFFFF  }
0x37: {  	[dreg:$0x0] =	wrdreg $0xFFFFFFFF;
	(pc) =	sbr.abs _section_cstart, $3  }
0x38: {  	[dreg:$0x1] =	wrdreg $0xFFFFFFFF  }
0x39: {  	_ =	task.clear_ibuf [dreg:s7], $0x2FFFF;
	_ =	strace $0x9FFFFFFF  }
0x3a: {  	(tm) =	ssettm $0x7FFFFFFF  }
0x3b: {  	_ =	shalt  }
tec
execute0_lowered:
.L_overlay_start_1:
0x0: {  	(tag) =	ssettag $0x1  }
0x1: {  	s0 =	srdreg.scid  }
0x2: {  	s1 =	stileid.u32;
	s0 =	sshll.u32 s0, $0x4  }
0x3: {  	s8 =	rddreg [dreg:$0x0];
	s0 =	sor.u32 s1, s0  }
0x4: {  	s28 =	rddreg [dreg:$0x1];
	_ =	strace $0x80000047;
	s6 =	sand.u32 $0x1E, s0  }
0x5: {  	s29 =	simm.s32 $0x1;
	s7 =	sand.u32 $0x1, s1;
	s0 =	ssub.s32 $0x100, s6  }
0x6: {  	s31 =	simm.s32 $0x2;
	s3 =	ssub.s32 $0x2, s7;
	s4 =	sand.u32 $0x1E, s0  }
0x7: {  	s5 =	sshrl.u32 s3, $0x1;
	p0 =	sne.s32 s4, $0x0;
	s4 =	simm.s32 $0x1  }
0x8: {  	s3 =	sand.u32 $0x1, s3;
	s0 =	sshrl.u32 s0, $0x5;
	s4 =	simm.s32 @!p0 $0x0  }
0x9: {  	s15 =	simm.s32 $0x0;
	s3 =	sadd.s32 s3, s5;
	s0 =	sadd.s32 s4, s0  }
0xa: {  	s16 =	simm.s32 $0x0;
	s30 =	sadd.s32 $0x1800, s28;
	s0 =	smul.u32 s0, s3  }
.Ltmp0:
0xb: {  	s17 =	simm.s32 $0x0;
	[dreg:$0x6] =	wrdreg s30;
	(pc) =	sbr.rel .LBB1_1-.Ltmp0, $4  }
0xc: {  	s11 =	simm.s32 $0x0;
	[dreg:$0x4] =	wrdreg s7;
	s9 =	smul.u32 $0x3, s0  }
0xd: {  	s14 =	simm.s32 $0x0;
	[sflag:s29] =	ssyncpa.u1 $0x0;
	[dreg:$0x3] =	wrdreg s6  }
0xe: {  	[sflag:s31] =	ssyncpa.u1 $0x0;
	s10 =	sadd.s32 $0x1, s9;
	[dreg:$0x5] =	wrdreg s9  }
0xf: {  	s13 =	smov.u32 s7;
	s12 =	smov.u32 s6;
	[dreg:$0x7] =	wrdreg s10  }
.LBB1_9:
0x10: {  	s0 =	sadd.s32 $0x4, s11  }
0x11: {  	s1 =	sadd.s32 $0x20, s12;
	s2 =	smov.u32 s12;
	p1 =	sgt.s32 s0, $0xB  }
0x12: {  	s2 =	smov.u32 @p1 s1  }
0x13: {  	s3 =	sadd.s32 $0x2, s13;
	s4 =	smov.u32 s13;
	p2 =	sgt.s32 s2, $0xFF  }
0x14: {  	s4 =	smov.u32 @p2 s3  }
0x15: {  	s0 =	simm.s32 @p1 $0x0;
	p1 =	sgt.s32 s4, $0x1  }
0x16: {  	p0 =	slt.u32 s14, $0x2;
	s4 =	smov.u32 @p1 s7;
	p1 =	sne.s32 s14, s10  }
.Ltmp1:
0x17: {  	s1 =	simm.s32 @!p0 $0x2;
	(pc) =	sbr.rel @!p1 .LBB1_10-.Ltmp1, $4  }
0x18: {  	s15 =	smov.u32 s11;
	_ =	swait.ge @!p0 [sflag:s1], $0x4000  }
0x19: {  	s16 =	smov.u32 s12;
	s17 =	smov.u32 s13;
	[sflag:s1] =	ssyncset.done @!p0 $0x0  }
0x1a: {  	s11 =	smov.u32 s0;
	s2 =	smov.u32 @p2 s6;
	[sflag:s1] =	ssyncadd.s32 @!p0 $0xFFFFC000  }
0x1b: {  	s12 =	smov.u32 s2;
	s14 =	sadd.s32 $0x1, s14;
	s13 =	smov.u32 s4  }
.LBB1_1:
0x1c: {  	p0 =	sge.u32 s14, s9  }
0x1d: {  	s0 =	smul.u32 @!p0 $0xC0000, s13  }
0x1e: {  	s3 =	sxor.u32 @!p0 $0xFFFFFFFF, s14;
	s4 =	smul.u32 @!p0 $0xC00, s12  }
0x1f: {  	s31 =	sadd.s32 $0xFFFFFFFF, s14;
	s3 =	sshll.u32 @!p0 s3, $0xE;
	s0 =	sadd.s32 @!p0 s8, s0  }
0x20: {  	s5 =	sshll.u32 @!p0 s11, $0x8;
	s3 =	sand.u32 @!p0 $0x4000, s3;
	s0 =	sadd.s32 @!p0 s4, s0  }
0x21: {  	s4 =	simm.s32 @!p0 $0x2000;
	s0 =	sadd.s32 @!p0 s5, s0;
	s5 =	simm.s32 @!p0 $0x6000  }
0x22: {  	[tilespmem:s3], [sflag:$0x1] =	stream.strided.gather @!p0 [hbm4b:s0+s4], $0x4000, s5, s4, $0x38;
	[tilespmem:$0x10000] =	vst v63  }
0x23: {  	p0 =	sge.u32 s31, s9  }
.Ltmp2:
0x24: {  	_ = 	snop;
	(pc) =	sbr.rel @p0 .LBB1_9-.Ltmp2, $1  }
0x25: {  	_ =	sdelay $0x3  }
0x26: {  	s1 =	simm.s32 $0x1  }
0x27: {  	s0 =	sshll.u32 s14, $0xE;
	_ =	swait.ge [sflag:s1], $0x4000  }
0x28: {  	p1 =	por $0x1, $0x1;
	s19 =	sand.u32 $0x4000, s0;
	[sflag:s1] =	ssyncset.done $0x0  }
0x29: {  	s0 =	simm.s32 $0x0;
	s18 =	sor.u32 $0x8000, s19;
	[sflag:s1] =	ssyncadd.s32 $0xFFFFC000  }
.LBB1_3:
0x2a: {  	s3 =	sshll.u32 s0, $0xD;
	s31 =	sshll.u32 s0, $0xB  }
0x2b: {  	p0 =	por p1, p1;
	s3 =	sand.u32 $0x3FFFE000, s3;
	s0 =	sand.u32 $0x3FFFF800, s31  }
0x2c: {  	s22 =	simm.s32 $0x0;
	s20 =	sadd.s32 s3, s19;
	s21 =	sadd.s32 s0, s18  }
.LBB1_4:
0x2d: {  	s0 =	sshll.u32 s22, $0xC  }
0x2e: {  	s3 =	sshll.u32 s22, $0xB;
	s4 =	simm.s32 $0x410;
	s7 =	simm.s32 $0x470  }
0x2f: {  	s25 =	simm.s32 $0x460;
	s1 =	simm.s32 $0x450;
	s0 =	sand.u32 $0x3FFFF000, s0  }
0x30: {  	s3 =	sand.u32 $0x3FFFF800, s3;
	s2 =	sand.u32 $0x700, s4;
	s5 =	sand.u32 $0x90, s4  }
0x31: {  	s8 =	sand.u32 $0xF0, s7;
	s10 =	sand.u32 $0x700, s7;
	s23 =	sadd.s32 s0, s21  }
0x32: {  	s9 =	sand.u32 $0x700, s25;
	s24 =	sadd.s32 s3, s20;
	s6 =	sadd.s32 s2, s23  }
0x33: {  	s0 =	sadd.s32 s2, s24;
	s7 =	sadd.s32 s10, s24;
	s3 =	sadd.s32 s10, s23  }
0x34: {  	s2 =	sand.u32 $0xE0, s25;
	s10 =	sand.u32 $0x700, s1;
	s26 =	sadd.s32 s5, s6  }
0x35: {  	s5 =	sadd.s32 s5, s0;
	s7 =	sadd.s32 s8, s7;
	s27 =	sadd.s32 s8, s3  }
0x36: {  	s6 =	sadd.s32 s9, s23;
	s9 =	sadd.s32 s9, s24;
	s0 =	sand.u32 $0xD0, s1  }
0x37: {  	s8 =	sadd.s32 s10, s23;
	s10 =	sadd.s32 s10, s24;
	s28 =	sadd.s32 s2, s6  }
0x38: {  	s25 =	sadd.s32 s2, s9;
	s9 =	simm.s32 $0x440;
	s29 =	sadd.s32 s0, s8  }
0x39: {  	s3 =	sadd.s32 s0, s10;
	s6 =	simm.s32 $0x430;
	v1 =	vld [tilespmem:s5+$0x0];
	s5 =	simm.s32 $0x0  }
0x3a: {  	s1 =	sand.u32 $0xC0, s9;
	s2 =	sand.u32 $0x700, s9;
	s31 =	sand.u32 $0x700, s6  }
0x3b: {  	v0 =	vld [tilespmem:s25+$0x0];
	s25 =	simm.s32 $0x490;
	s8 =	sadd.s32 s2, s24;
	s10 =	sadd.s32 s2, s23  }
0x3c: {  	s2 =	sadd.s32 s31, s23;
	s0 =	sadd.s32 s1, s8;
	s30 =	sadd.s32 s1, s10  }
0x3d: {  	s10 =	simm.s32 $0x420;
	s1 =	sand.u32 $0xB0, s6;
	s6 =	sadd.s32 s31, s24  }
0x3e: {  	v2 =	vld [tilespmem:s7+$0x0];
	s8 =	sand.u32 $0x700, s10;
	s31 =	sadd.s32 s1, s2;
	s9 =	sand.u32 $0xA0, s10  }
0x3f: {  	s10 =	sadd.s32 s1, s6;
	s4 =	sadd.s32 s8, s23;
	s7 =	sadd.s32 s8, s24  }
.LBB1_5:
0x40: {  	p1 =	sne.s32 s25, $0x790;
	s8 =	sand.u32 $0x300, s5;
	s4 =	sadd.s32 s9, s4;
	v3 =	vld [tilespmem:s3+$0x0]  }
0x41: {  	s3 =	sadd.s32 s8, s24;
	s1 =	sadd.s32 s8, s23;
	s8 =	sor.u32 $0x400, s8;
	v4 =	vld [tilespmem:s0+$0x0]  }
0x42: {  	s7 =	sadd.s32 s9, s7;
	s0 =	sand.u32 $0x80, s5;
	s5 =	sadd.s32 s8, s24;
	[tilespmem:s26+$0x0] =	vst v1;
	v1 =	vld [tilespmem:s10+$0x0]  }
0x43: {  	s9 =	sor.u32 $0x10, s0;
	s10 =	sor.u32 $0x20, s0;
	s5 =	sadd.s32 s0, s5;
	v5 =	vld [tilespmem:s7+$0x0];
	[tilespmem:s27+$0x0] =	vst v2  }
0x44: {  	s26 =	sor.u32 $0x40, s0;
	s7 =	sor.u32 $0x30, s0;
	s27 =	sor.u32 $0x50, s0;
	v2 =	vld [tilespmem:s5+$0x0];
	[tilespmem:s28+$0x0] =	vst v0  }
0x45: {  	s2 =	sor.u32 $0x70, s0;
	s5 =	sadd.s32 s0, s3;
	s28 =	sor.u32 $0x60, s0;
	[tilespmem:s29+$0x0] =	vst v3  }
0x46: {  	s6 =	sadd.s32 s7, s3;
	s29 =	sadd.s32 s10, s3;
	v0 =	vld [tilespmem:s5+$0x0];
	s5 =	sadd.s32 s9, s3;
	[tilespmem:s30+$0x0] =	vst v4  }
0x47: {  	s8 =	sadd.s32 s8, s23;
	s30 =	sadd.s32 s27, s3;
	v3 =	vld [tilespmem:s5+$0x0];
	s5 =	sadd.s32 s26, s3;
	[tilespmem:s31+$0x0] =	vst v1  }
0x48: {  	s8 =	sadd.s32 s0, s8;
	v1 =	vld [tilespmem:s29+$0x0];
	s29 =	sadd.s32 s28, s3;
	s3 =	sadd.s32 s2, s3;
	[tilespmem:s4+$0x0] =	vst v5  }
0x49: {  	s0 =	sadd.s32 s0, s1;
	s4 =	sadd.s32 s9, s1;
	s9 =	sadd.s32 s10, s1;
	v4 =	vld [tilespmem:s6+$0x0];
	[tilespmem:s8+$0x0] =	vst v2  }
0x4a: {  	s6 =	sadd.s32 s7, s1;
	s7 =	sadd.s32 s27, s1;
	v2 =	vld [tilespmem:s5+$0x0];
	s5 =	sadd.s32 s26, s1  }
0x4b: {  	s8 =	sand.u32 $0x700, s25;
	[tilespmem:s0+$0x0] =	vst v0;
	v0 =	vld [tilespmem:s30+$0x0];
	s0 =	sadd.s32 s28, s1;
	s1 =	sadd.s32 s2, s1  }
0x4c: {  	s10 =	sadd.s32 s8, s23;
	s2 =	sand.u32 $0x90, s25;
	[tilespmem:s4+$0x0] =	vst v3;
	v3 =	vld [tilespmem:s29+$0x0];
	s4 =	sadd.s32 s8, s24  }
0x4d: {  	s26 =	sadd.s32 s2, s10;
	s8 =	sadd.s32 $0x60, s25;
	[tilespmem:s9+$0x0] =	vst v1;
	v1 =	vld [tilespmem:s3+$0x0];
	s2 =	sadd.s32 s2, s4  }
0x4e: {  	s3 =	sand.u32 $0xF0, s8;
	s4 =	sand.u32 $0x700, s8;
	[tilespmem:s6+$0x0] =	vst v4;
	s6 =	sadd.s32 $0x50, s25  }
0x4f: {  	s8 =	sadd.s32 s4, s24;
	s4 =	sadd.s32 s4, s23;
	[tilespmem:s5+$0x0] =	vst v2;
	s5 =	sand.u32 $0x700, s6  }
0x50: {  	s8 =	sadd.s32 s3, s8;
	s27 =	sadd.s32 s3, s4;
	s3 =	sadd.s32 $0x40, s25;
	[tilespmem:s7+$0x0] =	vst v0  }
0x51: {  	s4 =	sand.u32 $0xE0, s6;
	s6 =	sadd.s32 s5, s23;
	s5 =	sadd.s32 s5, s24;
	[tilespmem:s0+$0x0] =	vst v3  }
0x52: {  	s0 =	sand.u32 $0x700, s3;
	s28 =	sadd.s32 s4, s6;
	s6 =	sadd.s32 s4, s5;
	[tilespmem:s1+$0x0] =	vst v1  }
0x53: {  	s4 =	sadd.s32 $0x30, s25;
	s1 =	sand.u32 $0xD0, s3;
	s3 =	sadd.s32 s0, s23  }
0x54: {  	s0 =	sadd.s32 s0, s24;
	s5 =	sand.u32 $0xC0, s4;
	s29 =	sadd.s32 s1, s3  }
0x55: {  	s4 =	sand.u32 $0x700, s4;
	s3 =	sadd.s32 s1, s0;
	s1 =	sadd.s32 $0x20, s25  }
0x56: {  	s0 =	sadd.s32 s4, s24;
	s4 =	sadd.s32 s4, s23;
	s7 =	sand.u32 $0x700, s1  }
.Ltmp3:
0x57: {  	s0 =	sadd.s32 s5, s0;
	s30 =	sadd.s32 s5, s4;
	(pc) =	sbr.rel @p1 .LBB1_5-.Ltmp3, $4  }
0x58: {  	s4 =	sadd.s32 $0x10, s25;
	s1 =	sand.u32 $0xB0, s1;
	s5 =	sadd.s32 s7, s23  }
0x59: {  	s7 =	sadd.s32 s7, s24;
	s31 =	sadd.s32 s1, s5;
	v1 =	vld [tilespmem:s2+$0x0];
	s2 =	sand.u32 $0x700, s4  }
0x5a: {  	s9 =	sand.u32 $0xA0, s4;
	s10 =	sadd.s32 s1, s7;
	s4 =	sadd.s32 s2, s23;
	v2 =	vld [tilespmem:s8+$0x0]  }
0x5b: {  	s5 =	sadd.s32 $0xFFFFFBF0, s25;
	s25 =	sadd.s32 $0x80, s25;
	s7 =	sadd.s32 s2, s24;
	v0 =	vld [tilespmem:s6+$0x0]  }
0x5c: {  	s1 =	sand.u32 $0x300, s5;
	v3 =	vld [tilespmem:s3+$0x0]  }
0x5d: {  	v4 =	vld [tilespmem:s0+$0x0];
	s2 =	sor.u32 $0x400, s1  }
0x5e: {  	s0 =	sand.u32 $0x80, s5;
	v54 =	vld [tilespmem:s10+$0x0];
	s25 =	sadd.s32 s2, s24;
	[tilespmem:s26+$0x0] =	vst v1;
	s26 =	sadd.s32 s9, s7  }
0x5f: {  	s6 =	sadd.s32 s1, s24;
	s3 =	sadd.s32 s0, s25;
	v5 =	vld [tilespmem:s26+$0x0];
	[tilespmem:s27+$0x0] =	vst v2  }
0x60: {  	s5 =	sor.u32 $0x10, s0;
	s27 =	sadd.s32 s0, s6;
	v55 =	vld [tilespmem:s3+$0x0];
	[tilespmem:s28+$0x0] =	vst v0  }
0x61: {  	s4 =	sadd.s32 s9, s4;
	s7 =	sor.u32 $0x20, s0;
	v56 =	vld [tilespmem:s27+$0x0];
	s28 =	sadd.s32 s5, s6;
	[tilespmem:s29+$0x0] =	vst v3  }
0x62: {  	s1 =	sadd.s32 s1, s23;
	s8 =	sor.u32 $0x30, s0;
	s29 =	sadd.s32 s7, s6;
	[tilespmem:s30+$0x0] =	vst v4;
	v57 =	vld [tilespmem:s28+$0x0]  }
0x63: {  	s2 =	sadd.s32 s2, s23;
	s3 =	sor.u32 $0x40, s0;
	s30 =	sadd.s32 s8, s6;
	[tilespmem:s31+$0x0] =	vst v54;
	v58 =	vld [tilespmem:s29+$0x0]  }
0x64: {  	s2 =	sadd.s32 s0, s2;
	s25 =	sor.u32 $0x60, s0;
	s24 =	sadd.s32 s3, s6;
	v59 =	vld [tilespmem:s30+$0x0];
	[tilespmem:s4+$0x0] =	vst v5  }
0x65: {  	s27 =	sadd.s32 s0, s1;
	s31 =	sor.u32 $0x50, s0;
	s28 =	sadd.s32 s25, s6;
	v60 =	vld [tilespmem:s24+$0x0];
	[tilespmem:s2+$0x0] =	vst v55  }
0x66: {  	s5 =	sadd.s32 s5, s1;
	s0 =	sor.u32 $0x70, s0;
	s26 =	sadd.s32 s31, s6;
	v62 =	vld [tilespmem:s28+$0x0];
	[tilespmem:s27+$0x0] =	vst v56  }
0x67: {  	s22 =	sadd.s32 $0x1, s22;
	s7 =	sadd.s32 s7, s1;
	s6 =	sadd.s32 s0, s6;
	v61 =	vld [tilespmem:s26+$0x0];
	[tilespmem:s5+$0x0] =	vst v57  }
0x68: {  	p1 =	sne.s32 s22, $0x4;
	s29 =	sadd.s32 s8, s1;
	v63 =	vld [tilespmem:s6+$0x0];
	[tilespmem:s7+$0x0] =	vst v58  }
.Ltmp4:
0x69: {  	s3 =	sadd.s32 s3, s1;
	[tilespmem:s29+$0x0] =	vst v59;
	(pc) =	sbr.rel @p1 .LBB1_4-.Ltmp4, $4  }
0x6a: {  	s30 =	sadd.s32 s31, s1;
	s31 =	sadd.s32 s25, s1;
	[tilespmem:s3+$0x0] =	vst v60  }
0x6b: {  	[tilespmem:s31+$0x0] =	vst v62  }
0x6c: {  	s0 =	sadd.s32 s0, s1;
	[tilespmem:s30+$0x0] =	vst v61  }
0x6d: {  	[tilespmem:s0+$0x0] =	vst v63  }
.Ltmp5:
0x6e: {  	(pc) =	sbr.rel @p0 .LBB1_3-.Ltmp5, $2  }
0x6f: {  	_ =	sdelay $0x2  }
0x70: {  	s0 =	simm.s32 $0x1;
	p1 =	por $0x0, $0x0  }
0x71: {  	s2 =	rddreg [dreg:$0x6]  }
0x72: {  	s0 =	smul.u32 $0xC0000, s17;
	s6 =	rddreg [dreg:$0x3]  }
.Ltmp6:
0x73: {  	s1 =	sshll.u32 s16, $0x8;
	s7 =	rddreg [dreg:$0x4];
	(pc) =	sbr.rel .LBB1_9-.Ltmp6, $4  }
0x74: {  	s29 =	sshll.u32 s15, $0x10;
	s8 =	rddreg [dreg:$0x0];
	s0 =	sadd.s32 s2, s0  }
0x75: {  	s30 =	simm.s32 $0x1000;
	s9 =	rddreg [dreg:$0x5];
	s0 =	sadd.s32 s1, s0  }
0x76: {  	s31 =	simm.s32 $0x80000;
	s10 =	rddreg [dreg:$0x7];
	s0 =	sadd.s32 s29, s0  }
0x77: {  	[hbm4b:s0+s30] =	stream.strided.scatter [tilespmem:s18], [sflag:$0x2], $0x4000, s31, s30, $0x38;
	[tilespmem:$0x10000] =	vst v63  }
.LBB1_10:
0x78: {  	_ =	sfence.sel $0x180000  }
0x79: {  	s0 =	simm.s32 $0x1;
	[bflag:$0x0] =	sbarrier.arrive $0xFFFF  }
0x7a: {  	s30 =	simm.s32 $0x2;
	[sflag:s0] =	ssyncpa.u1 $0x1  }
0x7b: {  	[sflag:s30] =	ssyncpa.u1 $0x1  }
0x7c: {  	_ =	strace $0x90000047  }
0x7d: {  	s31 =	stileid.u32;
	[bflag:$0x2] =	sbarrier.arrive $0xFFFF  }
0x7e: {  	p0 =	sne.s32 s31, $0x0;
	s0 =	rddreg [dreg:$0x2]  }
0x7f: {  	s0 =	sadd.s32 @!p0 $0x100000, s0  }
0x80: {  	[sflag:s0] =	ssyncadd.tile.s32 @!p0 $0x1;
	_ =	shalt  }
.Lfunc_end1:
_tile_overlayer_lowered:
.L_overlay_start_2:
0x81: {  	(tag) =	ssettag $0x2  }
0x82: {  	s0 =	rddreg [dreg:$0x0];
	s2 =	stileid.u32  }
0x83: {  	s1 =	rddreg [dreg:$0x1];
	p0 =	sne.s32 s2, $0x0  }
0x84: {  	s3 =	rddreg [dreg:$0x2];
	[bflag:$0x3] =	sbarrier.arrive $0xFFFF;
	s2 =	simm.s32 @!p0 $0x1C01  }
0x85: {  	[timem:s3], [sflag:s2] =	dma.local @!p0 [hbm:s0], s1  }
0x86: {  	s0 =	simm.s32 @!p0 $0x1  }
0x87: {  	_ =	swait.ge @!p0 [sflag:s0], s1  }
0x88: {  	s1 =	ssub.s32 @!p0 $0x0, s1;
	[sflag:s0] =	ssyncset.done @!p0 $0x0  }
0x89: {  	[sflag:s0] =	ssyncadd.s32 @!p0 s1  }
0x8a: {  	[bflag:$0x3] =	sbarrier.arrive $0xFFFF  }
0x8b: {  	_ =	shalt  }

// kernel: sparse-core-data-format-call.cloned.1.call-start
scs
called_computation_lowered:
.L_overlay_start_0:
0x0: {  	s2 =	sld [smem:$0x3FD9]  }
0x1: {  	s3 =	sld [smem:$0x3FFE];
	_ =	sdelay $0x1  }
0x2: {  	s1 =	srdreg.scid  }
0x3: {  	s0 =	sand.u32 $0x1, s1  }
0x4: {  	s18 =	sshll.u32 s0, $0xA;
	s2 =	sadd.s32 s3, s2  }
0x5: {  	s2 =	sadd.s32 s2, s18  }
0x6: {  	[smem:$0x3FC6] =	sst s2  }
0x7: {  	_ = 	snop  }
0x8: {  	s2 =	sld [smem:$0x3FD0];
	(tm) =	ssettm $0x1  }
0x9: {  	s19 =	sld [smem:$0x3FFB];
	_ =	sdelay $0x3  }
0xa: {  	_ =	strace s19  }
0xb: {  	s3 =	sld [smem:$0x3FFC];
	_ =	sdelay $0x3  }
0xc: {  	_ =	strace s3  }
0xd: {  	s3 =	sld [smem:$0x3FFD];
	_ =	sdelay $0x3  }
0xe: {  	_ =	strace s3  }
0xf: {  	_ =	strace $0x8FFFFFFF  }
0x10: {  	s20 =	sld [smem:$0x3FDB];
	_ =	sdelay $0x1  }
0x11: {  	s4 =	simm.s32 $_scs_section_size  }
0x12: {  	s5 =	simm.s32 $_size__tile_overlayer_lowered;
	s6 =	simm.s32 $_tile_overlayer_lowered  }
0x13: {  	s23 =	simm.s32 $0x1BFF;
	s22 =	sshll.u32 s6, $0x1;
	s3 =	sadd.s32 s4, s20  }
0x14: {  	s7 =	simm.s32 $0x0;
	s21 =	sshll.u32 s5, $0x1;
	s5 =	sadd.s32 s22, s3  }
0x15: {  	[timem:s7], [sflag:s23] =	dma.local [hbm:s5], s21  }
0x16: {  	_ =	swait.ge [sflag:s23], s21  }
0x17: {  	s4 =	ssub.s32 $0x0, s21;
	[sflag:s23] =	ssyncset.done $0x0  }
0x18: {  	[sflag:s23] =	ssyncadd.s32 s4;
	_ =	sdelay $0x1  }
0x19: {  	s24 =	simm.s32 $0x1B8B  }
0x1a: {  	_ =	swait.ge [sflag:s24], $0x1  }
0x1b: {  	[sflag:s24] =	ssyncset.done $0x0  }
0x1c: {  	s26 =	simm.s32 $0x1B8E;
	s25 =	sld [smem:$0x3FFE];
	[sflag:s24] =	ssyncadd.s32 $0xFFFFFFFF  }
0x1d: {  	s27 =	simm.s32 $execute0_lowered;
	[smem:$0x3FD2] =	sst s26  }
0x1e: {  	s5 =	sshll.u32 s27, $0x1;
	_ =	strace $0x80000055;
	[dreg:$0x1] =	wrdreg $0xFFFFFFFF  }
0x1f: {  	s28 =	simm.s32 $_size_execute0_lowered;
	s3 =	sadd.s32 s3, s5;
	[dreg:$0x0] =	wrdreg $0x0  }
0x20: {  	s5 =	sshll.u32 s28, $0x1;
	[dreg:$0x2] =	wrdreg s3  }
0x21: {  	[dreg:$0x3] =	wrdreg s5  }
0x22: {  	[dreg:$0x4] =	wrdreg $0xC0  }
0x23: {  	_ =	task [dreg:s7], $0x5FFFF  }
0x24: {  	[dreg:$0x1] =	wrdreg $0xFFFFFFFF  }
0x25: {  	[dreg:$0x0] =	wrdreg $0x60  }
0x26: {  	[dreg:$0x2] =	wrdreg s25  }
0x27: {  	[dreg:$0x3] =	wrdreg s2  }
0x28: {  	[dreg:$0x4] =	wrdreg $0x9  }
0x29: {  	_ =	task.clear_ibuf [dreg:s7], $0x5FFFF;
	_ =	strace $0x90000055  }
0x2a: {  	s29 =	simm.s32 $0x9;
	_ =	strace $0x80000057  }
0x2b: {  	_ =	swait.ge [sflag:s29], $0x1  }
0x2c: {  	[sflag:s29] =	ssyncadd.s32 $0xFFFFFFFF  }
0x2d: {  	_ =	strace $0x90000057  }
0x2e: {  	_ =	sfence  }
0x2f: {  	s30 =	sld [smem:$0x0];
	_ =	sdelay $0x2  }
0x30: {  	s31 =	sshll.u32 s1, $0xD;
	s1 =	sshrl.u32 s1, $0x2  }
0x31: {  	s3 =	sand.u32 $0x4000, s31;
	s1 =	sadd.s32 s1, s30  }
0x32: {  	s0 =	sor.u32 s3, s0;
	s1 =	sshll.u32 s1, $0x11  }
0x33: {  	s0 =	sor.u32 s1, s0  }
0x34: {  	s0 =	sadd.s32 $0x8F2B, s0  }
0x35: {  	[sflag:s0] =	ssyncadd.remote.s32 $0x1  }
0x36: {  	_ =	sfence.sel $0xFFFF  }
0x37: {  	[dreg:$0x0] =	wrdreg $0xFFFFFFFF;
	(pc) =	sbr.abs _section_cstart, $3  }
0x38: {  	[dreg:$0x1] =	wrdreg $0xFFFFFFFF  }
0x39: {  	_ =	task.clear_ibuf [dreg:s7], $0x2FFFF;
	_ =	strace $0x9FFFFFFF  }
0x3a: {  	(tm) =	ssettm $0x7FFFFFFF  }
0x3b: {  	_ =	shalt  }
tec
execute0_lowered:
.L_overlay_start_1:
0x0: {  	(tag) =	ssettag $0x1  }
0x1: {  	s0 =	stileid.u32;
	s1 =	srdreg.scid  }
0x2: {  	s2 =	sshll.u32 s0, $0x1;
	s1 =	sshll.u32 s1, $0x5  }
0x3: {  	s1 =	sor.u32 s2, s1  }
0x4: {  	s7 =	rddreg [dreg:$0x0];
	s31 =	simm.s32 $0x2;
	s1 =	sand.u32 $0x3C, s1  }
0x5: {  	s16 =	simm.s32 $0x0;
	s2 =	sand.u32 $0x1, s0;
	s3 =	ssub.s32 $0x200, s1  }
0x6: {  	s9 =	simm.s32 $0x1000;
	s4 =	ssub.s32 $0x2, s2;
	s5 =	sand.u32 $0x3C, s3  }
0x7: {  	s6 =	sshrl.u32 s4, $0x1;
	p0 =	sne.s32 s5, $0x0;
	s5 =	simm.s32 $0x1  }
0x8: {  	s8 =	sand.u32 $0x1, s4;
	s3 =	sshrl.u32 s3, $0x6;
	s5 =	simm.s32 @!p0 $0x0  }
0x9: {  	s10 =	simm.s32 $0xC000;
	s6 =	sadd.s32 s8, s6;
	s5 =	sadd.s32 s5, s3  }
0xa: {  	s11 =	simm.s32 $0x0;
	s17 =	simm.s32 $0x0;
	s6 =	smul.u32 s5, s6  }
.Ltmp0:
0xb: {  	s18 =	simm.s32 $0x0;
	s4 =	rddreg [dreg:$0x1];
	(pc) =	sbr.rel .LBB1_1-.Ltmp0, $4  }
0xc: {  	s13 =	simm.s32 $0x0;
	s15 =	simm.s32 $0x0;
	s3 =	rddreg [dreg:$0x2]  }
0xd: {  	_ =	strace $0x80000056;
	s5 =	simm.s32 $0x1;
	s6 =	smul.u32 $0xC, s6  }
0xe: {  	s7 =	sadd.s32 $0x1800, s7;
	s14 =	smov.u32 s2;
	[sflag:s5] =	ssyncpa.u1 $0x0  }
0xf: {  	s12 =	smov.u32 s1;
	[sflag:s31] =	ssyncpa.u1 $0x0;
	s8 =	sor.u32 $0x1, s6  }
.LBB1_7:
0x10: {  	s19 =	sadd.s32 $0x40, s12  }
0x11: {  	s16 =	simm.s32 $0x1;
	p1 =	sgt.s32 s19, $0x1FF  }
0x12: {  	s16 =	simm.s32 @!p1 $0x0  }
0x13: {  	s20 =	sadd.s32 s16, s13  }
0x14: {  	s22 =	smov.u32 s14;
	s16 =	sadd.s32 $0x2, s14;
	p2 =	sgt.s32 s20, $0xB  }
0x15: {  	s22 =	smov.u32 @p2 s16  }
0x16: {  	p0 =	slt.u32 s15, $0x2;
	s19 =	smov.u32 @p1 s1;
	p1 =	sgt.s32 s22, $0x1  }
0x17: {  	s21 =	simm.s32 @!p0 $0x2;
	s22 =	smov.u32 @p1 s2;
	p1 =	sne.s32 s15, s8  }
.Ltmp1:
0x18: {  	_ =	swait.ge @!p0 [sflag:s21], $0x4000;
	(pc) =	sbr.rel @!p1 .LBB1_8-.Ltmp1, $4  }
0x19: {  	s17 =	smov.u32 s13;
	[sflag:s21] =	ssyncset.done @!p0 $0x0  }
0x1a: {  	s18 =	smov.u32 s14;
	s11 =	sadd.s32 $0x4000, s11;
	[sflag:s21] =	ssyncadd.s32 @!p0 $0xFFFFC000  }
0x1b: {  	s20 =	simm.s32 @p2 $0x0;
	s16 =	smov.u32 s12;
	s12 =	smov.u32 s19  }
0x1c: {  	s13 =	smov.u32 s20;
	s15 =	sadd.s32 $0x1, s15;
	s14 =	smov.u32 s22  }
.LBB1_1:
0x1d: {  	p0 =	sge.u32 s15, s6  }
0x1e: {  	s19 =	smul.u32 @!p0 $0x300000, s14  }
0x1f: {  	s31 =	sadd.s32 $0xFFFFFFFF, s15  }
0x20: {  	s20 =	sxor.u32 @!p0 $0xFFFFFFFF, s15;
	s21 =	sshll.u32 @!p0 s13, $0x12;
	s19 =	sadd.s32 @!p0 s7, s19  }
0x21: {  	s22 =	sshll.u32 @!p0 s12, $0x9;
	s20 =	sshll.u32 @!p0 s20, $0xE;
	s19 =	sadd.s32 @!p0 s21, s19  }
0x22: {  	s20 =	sand.u32 @!p0 $0x4000, s20;
	s21 =	simm.s32 @!p0 $0x0;
	s19 =	sadd.s32 @!p0 s22, s19  }
0x23: {  	[tilespmem:s20], [sflag:$0x1] =	stream.linear.gather @!p0 [hbm4b:s19+s21], $0x4000, $0x38;
	[tilespmem:$0x10000] =	vst v63  }
0x24: {  	p0 =	sge.u32 s31, s6  }
.Ltmp2:
0x25: {  	_ = 	snop;
	(pc) =	sbr.rel @p0 .LBB1_7-.Ltmp2, $1  }
0x26: {  	_ =	sdelay $0x3  }
0x27: {  	s19 =	sand.u32 $0x4000, s11  }
0x28: {  	_ =	swait.ge [sflag:s5], $0x4000;
	s22 =	sshll.u32 s15, $0xE;
	s20 =	sor.u32 $0x440, s19  }
0x29: {  	s21 =	sor.u32 $0x8C70, s19;
	[sflag:s5] =	ssyncset.done $0x0;
	s31 =	sand.u32 $0x4000, s22  }
0x2a: {  	s22 =	simm.s32 $0x0;
	[sflag:s5] =	ssyncadd.s32 $0xFFFFC000;
	s19 =	sor.u32 $0x8000, s31  }
.LBB1_3:
0x2b: {  	v1 =	vmov s20;
	_ =	sdelay $0x3  }
0x2c: {  	s23 =	simm.s32 $0xFFFFFC00  }
0x2d: {  	v2 =	vld.idx.msk [tilespmem:v1+s23+$0xC30 ss:$0x1], $0xffff  }
0x2e: {  	v0 =	vmov s21;
	v3 =	vld.idx.msk [tilespmem:v1+s23+$0xFFFFFFC0 ss:$0x1], $0xffff  }
0x2f: {  	v4 =	vld.idx.msk [tilespmem:v1+s23+$0xFFFFFFD0 ss:$0x1], $0xffff  }
0x30: {  	v5 =	vld.idx.msk [tilespmem:v1+s23+$0xFFFFFFE0 ss:$0x1], $0xffff  }
0x31: {  	v6 =	vld.idx.msk [tilespmem:v1+s23+$0xFFFFFFF0 ss:$0x1], $0xffff  }
0x32: {  	v7 =	vld.idx.msk [tilespmem:v1+s23+$0x0 ss:$0x1], $0xffff  }
0x33: {  	v8 =	vld.idx.msk [tilespmem:v1+s23+$0x10 ss:$0x1], $0xffff;
	[tilespmem:v0+s23+$0x400 ss:$0x1] =	vst.idx.msk $0xffff, v2  }
0x34: {  	[tilespmem:v0+s23+$0xFFFFF790 ss:$0x1] =	vst.idx.msk $0xffff, v3;
	v2 =	vld.idx.msk [tilespmem:v1+s23+$0x20 ss:$0x1], $0xffff  }
0x35: {  	[tilespmem:v0+s23+$0xFFFFF7A0 ss:$0x1] =	vst.idx.msk $0xffff, v4;
	v3 =	vld.idx.msk [tilespmem:v1+s23+$0x30 ss:$0x1], $0xffff  }
0x36: {  	[tilespmem:v0+s23+$0xFFFFF7B0 ss:$0x1] =	vst.idx.msk $0xffff, v5;
	v4 =	vld.idx.msk [tilespmem:v1+s23+$0x3C0 ss:$0x1], $0xffff  }
0x37: {  	[tilespmem:v0+s23+$0xFFFFF7C0 ss:$0x1] =	vst.idx.msk $0xffff, v6;
	v5 =	vld.idx.msk [tilespmem:v1+s23+$0x3D0 ss:$0x1], $0xffff  }
0x38: {  	[tilespmem:v0+s23+$0xFFFFF7D0 ss:$0x1] =	vst.idx.msk $0xffff, v7;
	v6 =	vld.idx.msk [tilespmem:v1+s23+$0x3E0 ss:$0x1], $0xffff  }
0x39: {  	[tilespmem:v0+s23+$0xFFFFF7E0 ss:$0x1] =	vst.idx.msk $0xffff, v8;
	v7 =	vld.idx.msk [tilespmem:v1+s23+$0x3F0 ss:$0x1], $0xffff  }
0x3a: {  	v8 =	vld.idx.msk [tilespmem:v1+s23+$0xBC0 ss:$0x1], $0xffff;
	[tilespmem:v0+s23+$0xFFFFF7F0 ss:$0x1] =	vst.idx.msk $0xffff, v2  }
0x3b: {  	v2 =	vld.idx.msk [tilespmem:v1+s23+$0x400 ss:$0x1], $0xffff;
	[tilespmem:v0+s23+$0xFFFFF800 ss:$0x1] =	vst.idx.msk $0xffff, v3  }
0x3c: {  	v3 =	vld.idx.msk [tilespmem:v1+s23+$0x410 ss:$0x1], $0xffff;
	[tilespmem:v0+s23+$0xFFFFFB90 ss:$0x1] =	vst.idx.msk $0xffff, v4  }
0x3d: {  	v4 =	vld.idx.msk [tilespmem:v1+s23+$0x420 ss:$0x1], $0xffff;
	[tilespmem:v0+s23+$0xFFFFFBA0 ss:$0x1] =	vst.idx.msk $0xffff, v5  }
0x3e: {  	v5 =	vld.idx.msk [tilespmem:v1+s23+$0x430 ss:$0x1], $0xffff;
	[tilespmem:v0+s23+$0xFFFFFBB0 ss:$0x1] =	vst.idx.msk $0xffff, v6  }
0x3f: {  	v6 =	vld.idx.msk [tilespmem:v1+s23+$0x7C0 ss:$0x1], $0xffff;
	[tilespmem:v0+s23+$0xFFFFFBC0 ss:$0x1] =	vst.idx.msk $0xffff, v7  }
0x40: {  	v7 =	vld.idx.msk [tilespmem:v1+s23+$0x7D0 ss:$0x1], $0xffff;
	[tilespmem:v0+s23+$0x390 ss:$0x1] =	vst.idx.msk $0xffff, v8  }
0x41: {  	[tilespmem:v0+s23+$0xFFFFFBD0 ss:$0x1] =	vst.idx.msk $0xffff, v2;
	v2 =	vld.idx.msk [tilespmem:v1+s23+$0x7E0 ss:$0x1], $0xffff  }
0x42: {  	[tilespmem:v0+s23+$0xFFFFFBE0 ss:$0x1] =	vst.idx.msk $0xffff, v3;
	v3 =	vld.idx.msk [tilespmem:v1+s23+$0x7F0 ss:$0x1], $0xffff  }
0x43: {  	[tilespmem:v0+s23+$0xFFFFFBF0 ss:$0x1] =	vst.idx.msk $0xffff, v4;
	v4 =	vld.idx.msk [tilespmem:v1+s23+$0x800 ss:$0x1], $0xffff  }
0x44: {  	[tilespmem:v0+s23+$0xFFFFFC00 ss:$0x1] =	vst.idx.msk $0xffff, v5;
	v5 =	vld.idx.msk [tilespmem:v1+s23+$0x810 ss:$0x1], $0xffff  }
0x45: {  	[tilespmem:v0+s23+$0xFFFFFF90 ss:$0x1] =	vst.idx.msk $0xffff, v6;
	v6 =	vld.idx.msk [tilespmem:v1+s23+$0x820 ss:$0x1], $0xffff  }
0x46: {  	[tilespmem:v0+s23+$0xFFFFFFA0 ss:$0x1] =	vst.idx.msk $0xffff, v7;
	v7 =	vld.idx.msk [tilespmem:v1+s23+$0x830 ss:$0x1], $0xffff  }
0x47: {  	[tilespmem:v0+s23+$0xFFFFFFB0 ss:$0x1] =	vst.idx.msk $0xffff, v2;
	v2 =	vld.idx.msk [tilespmem:v1+s23+$0xBD0 ss:$0x1], $0xffff  }
0x48: {  	[tilespmem:v0+s23+$0xFFFFFFC0 ss:$0x1] =	vst.idx.msk $0xffff, v3;
	v3 =	vld.idx.msk [tilespmem:v1+s23+$0xBE0 ss:$0x1], $0xffff  }
0x49: {  	[tilespmem:v0+s23+$0xFFFFFFD0 ss:$0x1] =	vst.idx.msk $0xffff, v4;
	v4 =	vld.idx.msk [tilespmem:v1+s23+$0xBF0 ss:$0x1], $0xffff  }
0x4a: {  	[tilespmem:v0+s23+$0xFFFFFFE0 ss:$0x1] =	vst.idx.msk $0xffff, v5;
	v5 =	vld.idx.msk [tilespmem:v1+s23+$0xC00 ss:$0x1], $0xffff  }
0x4b: {  	[tilespmem:v0+s23+$0xFFFFFFF0 ss:$0x1] =	vst.idx.msk $0xffff, v6;
	v6 =	vld.idx.msk [tilespmem:v1+s23+$0xC10 ss:$0x1], $0xffff  }
0x4c: {  	s25 =	simm.s32 $0xFFFFFC80;
	s24 =	simm.s32 $0xFFFFF400;
	[tilespmem:v0+s23+$0x0 ss:$0x1] =	vst.idx.msk $0xffff, v7;
	v7 =	vld.idx.msk [tilespmem:v1+s23+$0xC20 ss:$0x1], $0xffff  }
.LBB1_4:
0x4d: {  	p0 =	sne.s32 s24, $0xFFFFFE00;
	v8 =	vld.idx.msk [tilespmem:v1+s25+$0xC30 ss:$0x1], $0xffff;
	[tilespmem:v0+s23+$0x3A0 ss:$0x1] =	vst.idx.msk $0xffff, v2  }
0x4e: {  	v2 =	vld.idx.msk [tilespmem:v1+s25+$0xFFFFFFC0 ss:$0x1], $0xffff;
	[tilespmem:v0+s23+$0x3B0 ss:$0x1] =	vst.idx.msk $0xffff, v3  }
0x4f: {  	v3 =	vld.idx.msk [tilespmem:v1+s25+$0xFFFFFFD0 ss:$0x1], $0xffff;
	[tilespmem:v0+s23+$0x3C0 ss:$0x1] =	vst.idx.msk $0xffff, v4  }
0x50: {  	v4 =	vld.idx.msk [tilespmem:v1+s25+$0xFFFFFFE0 ss:$0x1], $0xffff;
	[tilespmem:v0+s23+$0x3D0 ss:$0x1] =	vst.idx.msk $0xffff, v5  }
0x51: {  	v5 =	vld.idx.msk [tilespmem:v1+s25+$0xFFFFFFF0 ss:$0x1], $0xffff;
	[tilespmem:v0+s23+$0x3E0 ss:$0x1] =	vst.idx.msk $0xffff, v6  }
0x52: {  	v6 =	vld.idx.msk [tilespmem:v1+s25+$0x0 ss:$0x1], $0xffff;
	[tilespmem:v0+s23+$0x3F0 ss:$0x1] =	vst.idx.msk $0xffff, v7;
	s23 =	smov.u32 s25  }
0x53: {  	v7 =	vld.idx.msk [tilespmem:v1+s23+$0x10 ss:$0x1], $0xffff;
	[tilespmem:v0+s23+$0x400 ss:$0x1] =	vst.idx.msk $0xffff, v8  }
0x54: {  	[tilespmem:v0+s23+$0xFFFFF790 ss:$0x1] =	vst.idx.msk $0xffff, v2;
	v2 =	vld.idx.msk [tilespmem:v1+s23+$0x20 ss:$0x1], $0xffff  }
0x55: {  	[tilespmem:v0+s23+$0xFFFFF7A0 ss:$0x1] =	vst.idx.msk $0xffff, v3;
	v3 =	vld.idx.msk [tilespmem:v1+s23+$0x30 ss:$0x1], $0xffff  }
0x56: {  	[tilespmem:v0+s23+$0xFFFFF7B0 ss:$0x1] =	vst.idx.msk $0xffff, v4;
	v4 =	vld.idx.msk [tilespmem:v1+s23+$0x3C0 ss:$0x1], $0xffff  }
0x57: {  	[tilespmem:v0+s23+$0xFFFFF7C0 ss:$0x1] =	vst.idx.msk $0xffff, v5;
	v5 =	vld.idx.msk [tilespmem:v1+s23+$0x3D0 ss:$0x1], $0xffff  }
0x58: {  	[tilespmem:v0+s23+$0xFFFFF7D0 ss:$0x1] =	vst.idx.msk $0xffff, v6;
	v6 =	vld.idx.msk [tilespmem:v1+s23+$0x3E0 ss:$0x1], $0xffff  }
0x59: {  	[tilespmem:v0+s23+$0xFFFFF7E0 ss:$0x1] =	vst.idx.msk $0xffff, v7;
	v7 =	vld.idx.msk [tilespmem:v1+s23+$0x3F0 ss:$0x1], $0xffff  }
0x5a: {  	[tilespmem:v0+s23+$0xFFFFF7F0 ss:$0x1] =	vst.idx.msk $0xffff, v2;
	v2 =	vld.idx.msk [tilespmem:v1+s23+$0x400 ss:$0x1], $0xffff  }
0x5b: {  	[tilespmem:v0+s23+$0xFFFFF800 ss:$0x1] =	vst.idx.msk $0xffff, v3;
	v3 =	vld.idx.msk [tilespmem:v1+s23+$0x410 ss:$0x1], $0xffff  }
0x5c: {  	[tilespmem:v0+s23+$0xFFFFFB90 ss:$0x1] =	vst.idx.msk $0xffff, v4;
	v4 =	vld.idx.msk [tilespmem:v1+s23+$0x420 ss:$0x1], $0xffff  }
0x5d: {  	[tilespmem:v0+s23+$0xFFFFFBA0 ss:$0x1] =	vst.idx.msk $0xffff, v5;
	v5 =	vld.idx.msk [tilespmem:v1+s23+$0x430 ss:$0x1], $0xffff  }
0x5e: {  	[tilespmem:v0+s23+$0xFFFFFBB0 ss:$0x1] =	vst.idx.msk $0xffff, v6;
	v6 =	vld.idx.msk [tilespmem:v1+s23+$0x7C0 ss:$0x1], $0xffff  }
0x5f: {  	[tilespmem:v0+s23+$0xFFFFFBC0 ss:$0x1] =	vst.idx.msk $0xffff, v7;
	v7 =	vld.idx.msk [tilespmem:v1+s23+$0x7D0 ss:$0x1], $0xffff  }
0x60: {  	[tilespmem:v0+s23+$0xFFFFFBD0 ss:$0x1] =	vst.idx.msk $0xffff, v2;
	v2 =	vld.idx.msk [tilespmem:v1+s23+$0x7E0 ss:$0x1], $0xffff  }
0x61: {  	[tilespmem:v0+s23+$0xFFFFFBE0 ss:$0x1] =	vst.idx.msk $0xffff, v3;
	v3 =	vld.idx.msk [tilespmem:v1+s23+$0x7F0 ss:$0x1], $0xffff  }
0x62: {  	[tilespmem:v0+s23+$0xFFFFFBF0 ss:$0x1] =	vst.idx.msk $0xffff, v4;
	v4 =	vld.idx.msk [tilespmem:v1+s23+$0x800 ss:$0x1], $0xffff  }
0x63: {  	[tilespmem:v0+s23+$0xFFFFFC00 ss:$0x1] =	vst.idx.msk $0xffff, v5;
	v5 =	vld.idx.msk [tilespmem:v1+s23+$0x810 ss:$0x1], $0xffff  }
0x64: {  	[tilespmem:v0+s23+$0xFFFFFF90 ss:$0x1] =	vst.idx.msk $0xffff, v6;
	v6 =	vld.idx.msk [tilespmem:v1+s23+$0x820 ss:$0x1], $0xffff  }
0x65: {  	[tilespmem:v0+s23+$0xFFFFFFA0 ss:$0x1] =	vst.idx.msk $0xffff, v7;
	v7 =	vld.idx.msk [tilespmem:v1+s23+$0x830 ss:$0x1], $0xffff  }
0x66: {  	[tilespmem:v0+s23+$0xFFFFFFB0 ss:$0x1] =	vst.idx.msk $0xffff, v2;
	v8 =	vld.idx.msk [tilespmem:v1+s23+$0xBC0 ss:$0x1], $0xffff  }
0x67: {  	[tilespmem:v0+s23+$0xFFFFFFC0 ss:$0x1] =	vst.idx.msk $0xffff, v3;
	v2 =	vld.idx.msk [tilespmem:v1+s23+$0xBD0 ss:$0x1], $0xffff  }
.Ltmp3:
0x68: {  	[tilespmem:v0+s23+$0xFFFFFFD0 ss:$0x1] =	vst.idx.msk $0xffff, v4;
	v3 =	vld.idx.msk [tilespmem:v1+s23+$0xBE0 ss:$0x1], $0xffff;
	(pc) =	sbr.rel @p0 .LBB1_4-.Ltmp3, $4  }
0x69: {  	[tilespmem:v0+s23+$0xFFFFFFE0 ss:$0x1] =	vst.idx.msk $0xffff, v5;
	v4 =	vld.idx.msk [tilespmem:v1+s23+$0xBF0 ss:$0x1], $0xffff  }
0x6a: {  	[tilespmem:v0+s23+$0xFFFFFFF0 ss:$0x1] =	vst.idx.msk $0xffff, v6;
	v5 =	vld.idx.msk [tilespmem:v1+s23+$0xC00 ss:$0x1], $0xffff  }
0x6b: {  	[tilespmem:v0+s23+$0x0 ss:$0x1] =	vst.idx.msk $0xffff, v7;
	v6 =	vld.idx.msk [tilespmem:v1+s23+$0xC10 ss:$0x1], $0xffff  }
0x6c: {  	s25 =	sshra.s32 s24, $0x2;
	s24 =	sadd.s32 $0x200, s24;
	[tilespmem:v0+s23+$0x390 ss:$0x1] =	vst.idx.msk $0xffff, v8;
	v7 =	vld.idx.msk [tilespmem:v1+s23+$0xC20 ss:$0x1], $0xffff  }
0x6d: {  	_ =	sdelay $0x3  }
0x6e: {  	[tilespmem:v0+s23+$0x3A0 ss:$0x1] =	vst.idx.msk $0xffff, v2  }
0x6f: {  	v32 =	vld.idx.msk [tilespmem:v1+s25+$0xC30 ss:$0x1], $0xffff;
	[tilespmem:v0+s23+$0x3B0 ss:$0x1] =	vst.idx.msk $0xffff, v3  }
0x70: {  	v33 =	vld.idx.msk [tilespmem:v1+s25+$0xFFFFFFC0 ss:$0x1], $0xffff;
	[tilespmem:v0+s23+$0x3C0 ss:$0x1] =	vst.idx.msk $0xffff, v4  }
0x71: {  	v34 =	vld.idx.msk [tilespmem:v1+s25+$0xFFFFFFD0 ss:$0x1], $0xffff;
	[tilespmem:v0+s23+$0x3D0 ss:$0x1] =	vst.idx.msk $0xffff, v5  }
0x72: {  	v35 =	vld.idx.msk [tilespmem:v1+s25+$0xFFFFFFE0 ss:$0x1], $0xffff;
	[tilespmem:v0+s23+$0x3E0 ss:$0x1] =	vst.idx.msk $0xffff, v6  }
0x73: {  	v36 =	vld.idx.msk [tilespmem:v1+s25+$0xFFFFFFF0 ss:$0x1], $0xffff;
	[tilespmem:v0+s23+$0x3F0 ss:$0x1] =	vst.idx.msk $0xffff, v7  }
0x74: {  	v37 =	vld.idx.msk [tilespmem:v1+s25+$0x0 ss:$0x1], $0xffff;
	[tilespmem:v0+s25+$0x400 ss:$0x1] =	vst.idx.msk $0xffff, v32  }
0x75: {  	v38 =	vld.idx.msk [tilespmem:v1+s25+$0x10 ss:$0x1], $0xffff;
	[tilespmem:v0+s25+$0xFFFFF790 ss:$0x1] =	vst.idx.msk $0xffff, v33  }
0x76: {  	v39 =	vld.idx.msk [tilespmem:v1+s25+$0x20 ss:$0x1], $0xffff;
	[tilespmem:v0+s25+$0xFFFFF7A0 ss:$0x1] =	vst.idx.msk $0xffff, v34  }
0x77: {  	v40 =	vld.idx.msk [tilespmem:v1+s25+$0x30 ss:$0x1], $0xffff;
	[tilespmem:v0+s25+$0xFFFFF7B0 ss:$0x1] =	vst.idx.msk $0xffff, v35  }
0x78: {  	v41 =	vld.idx.msk [tilespmem:v1+s25+$0x3C0 ss:$0x1], $0xffff;
	[tilespmem:v0+s25+$0xFFFFF7C0 ss:$0x1] =	vst.idx.msk $0xffff, v36  }
0x79: {  	v42 =	vld.idx.msk [tilespmem:v1+s25+$0x3D0 ss:$0x1], $0xffff;
	[tilespmem:v0+s25+$0xFFFFF7D0 ss:$0x1] =	vst.idx.msk $0xffff, v37  }
0x7a: {  	v43 =	vld.idx.msk [tilespmem:v1+s25+$0x3E0 ss:$0x1], $0xffff;
	[tilespmem:v0+s25+$0xFFFFF7E0 ss:$0x1] =	vst.idx.msk $0xffff, v38  }
0x7b: {  	v44 =	vld.idx.msk [tilespmem:v1+s25+$0x3F0 ss:$0x1], $0xffff;
	[tilespmem:v0+s25+$0xFFFFF7F0 ss:$0x1] =	vst.idx.msk $0xffff, v39  }
0x7c: {  	v45 =	vld.idx.msk [tilespmem:v1+s25+$0x400 ss:$0x1], $0xffff;
	[tilespmem:v0+s25+$0xFFFFF800 ss:$0x1] =	vst.idx.msk $0xffff, v40  }
0x7d: {  	v46 =	vld.idx.msk [tilespmem:v1+s25+$0x410 ss:$0x1], $0xffff;
	[tilespmem:v0+s25+$0xFFFFFB90 ss:$0x1] =	vst.idx.msk $0xffff, v41  }
0x7e: {  	v47 =	vld.idx.msk [tilespmem:v1+s25+$0x420 ss:$0x1], $0xffff;
	[tilespmem:v0+s25+$0xFFFFFBA0 ss:$0x1] =	vst.idx.msk $0xffff, v42  }
0x7f: {  	v48 =	vld.idx.msk [tilespmem:v1+s25+$0x430 ss:$0x1], $0xffff;
	[tilespmem:v0+s25+$0xFFFFFBB0 ss:$0x1] =	vst.idx.msk $0xffff, v43  }
0x80: {  	v49 =	vld.idx.msk [tilespmem:v1+s25+$0x7C0 ss:$0x1], $0xffff;
	[tilespmem:v0+s25+$0xFFFFFBC0 ss:$0x1] =	vst.idx.msk $0xffff, v44  }
0x81: {  	v50 =	vld.idx.msk [tilespmem:v1+s25+$0x7D0 ss:$0x1], $0xffff;
	[tilespmem:v0+s25+$0xFFFFFBD0 ss:$0x1] =	vst.idx.msk $0xffff, v45  }
0x82: {  	v51 =	vld.idx.msk [tilespmem:v1+s25+$0x7E0 ss:$0x1], $0xffff;
	[tilespmem:v0+s25+$0xFFFFFBE0 ss:$0x1] =	vst.idx.msk $0xffff, v46  }
0x83: {  	v52 =	vld.idx.msk [tilespmem:v1+s25+$0x7F0 ss:$0x1], $0xffff;
	[tilespmem:v0+s25+$0xFFFFFBF0 ss:$0x1] =	vst.idx.msk $0xffff, v47  }
0x84: {  	v53 =	vld.idx.msk [tilespmem:v1+s25+$0x800 ss:$0x1], $0xffff;
	[tilespmem:v0+s25+$0xFFFFFC00 ss:$0x1] =	vst.idx.msk $0xffff, v48  }
0x85: {  	v54 =	vld.idx.msk [tilespmem:v1+s25+$0x810 ss:$0x1], $0xffff;
	[tilespmem:v0+s25+$0xFFFFFF90 ss:$0x1] =	vst.idx.msk $0xffff, v49  }
0x86: {  	v55 =	vld.idx.msk [tilespmem:v1+s25+$0x820 ss:$0x1], $0xffff;
	[tilespmem:v0+s25+$0xFFFFFFA0 ss:$0x1] =	vst.idx.msk $0xffff, v50  }
0x87: {  	v56 =	vld.idx.msk [tilespmem:v1+s25+$0x830 ss:$0x1], $0xffff;
	[tilespmem:v0+s25+$0xFFFFFFB0 ss:$0x1] =	vst.idx.msk $0xffff, v51  }
0x88: {  	v57 =	vld.idx.msk [tilespmem:v1+s25+$0xBC0 ss:$0x1], $0xffff;
	[tilespmem:v0+s25+$0xFFFFFFC0 ss:$0x1] =	vst.idx.msk $0xffff, v52  }
0x89: {  	v58 =	vld.idx.msk [tilespmem:v1+s25+$0xBD0 ss:$0x1], $0xffff;
	[tilespmem:v0+s25+$0xFFFFFFD0 ss:$0x1] =	vst.idx.msk $0xffff, v53  }
0x8a: {  	v59 =	vld.idx.msk [tilespmem:v1+s25+$0xBE0 ss:$0x1], $0xffff;
	[tilespmem:v0+s25+$0xFFFFFFE0 ss:$0x1] =	vst.idx.msk $0xffff, v54  }
0x8b: {  	v60 =	vld.idx.msk [tilespmem:v1+s25+$0xBF0 ss:$0x1], $0xffff;
	[tilespmem:v0+s25+$0xFFFFFFF0 ss:$0x1] =	vst.idx.msk $0xffff, v55  }
0x8c: {  	v61 =	vld.idx.msk [tilespmem:v1+s25+$0xC00 ss:$0x1], $0xffff;
	[tilespmem:v0+s25+$0x0 ss:$0x1] =	vst.idx.msk $0xffff, v56  }
0x8d: {  	v62 =	vld.idx.msk [tilespmem:v1+s25+$0xC10 ss:$0x1], $0xffff;
	s22 =	sadd.s32 $0x1, s22;
	[tilespmem:v0+s25+$0x390 ss:$0x1] =	vst.idx.msk $0xffff, v57  }
0x8e: {  	v63 =	vld.idx.msk [tilespmem:v1+s25+$0xC20 ss:$0x1], $0xffff;
	p0 =	sne.s32 s22, $0x4;
	[tilespmem:v0+s25+$0x3A0 ss:$0x1] =	vst.idx.msk $0xffff, v58  }
.Ltmp4:
0x8f: {  	[tilespmem:v0+s25+$0x3B0 ss:$0x1] =	vst.idx.msk $0xffff, v59;
	(pc) =	sbr.rel @p0 .LBB1_3-.Ltmp4, $4  }
0x90: {  	[tilespmem:v0+s25+$0x3C0 ss:$0x1] =	vst.idx.msk $0xffff, v60  }
0x91: {  	[tilespmem:v0+s25+$0x3D0 ss:$0x1] =	vst.idx.msk $0xffff, v61  }
0x92: {  	[tilespmem:v0+s25+$0x3E0 ss:$0x1] =	vst.idx.msk $0xffff, v62  }
0x93: {  	s20 =	sadd.s32 $0x1000, s20;
	s21 =	sadd.s32 $0x1000, s21;
	[tilespmem:v0+s25+$0x3F0 ss:$0x1] =	vst.idx.msk $0xffff, v63  }
0x94: {  	s18 =	smul.u32 $0x300000, s18  }
.Ltmp5:
0x95: {  	_ = 	snop;
	(pc) =	sbr.rel .LBB1_7-.Ltmp5, $4  }
0x96: {  	s16 =	smul.u32 $0x1800, s16;
	s17 =	sshll.u32 s17, $0x9;
	s18 =	sadd.s32 s4, s18  }
0x97: {  	s17 =	sadd.s32 s17, s18  }
0x98: {  	s16 =	sadd.s32 s16, s17  }
0x99: {  	[hbm4b:s16+s9] =	stream.strided.scatter [tilespmem:s19], [sflag:$0x2], $0x4000, s10, s9, $0x38;
	[tilespmem:$0x10000] =	vst v63  }
.LBB1_8:
0x9a: {  	_ =	sfence.sel $0x180000  }
0x9b: {  	s1 =	simm.s32 $0x1;
	[bflag:$0x0] =	sbarrier.arrive $0xFFFF  }
0x9c: {  	s31 =	simm.s32 $0x2;
	[sflag:s1] =	ssyncpa.u1 $0x1  }
0x9d: {  	[sflag:s31] =	ssyncpa.u1 $0x1  }
0x9e: {  	p0 =	sne.s32 s0, $0x0;
	_ =	strace $0x90000056  }
0x9f: {  	s0 =	sadd.s32 @!p0 $0x100000, s3;
	[bflag:$0x2] =	sbarrier.arrive $0xFFFF  }
0xa0: {  	[sflag:s0] =	ssyncadd.tile.s32 @!p0 $0x1;
	_ =	shalt  }
.Lfunc_end1:
_tile_overlayer_lowered:
.L_overlay_start_2:
0xa1: {  	(tag) =	ssettag $0x2  }
0xa2: {  	s0 =	rddreg [dreg:$0x0];
	s2 =	stileid.u32  }
0xa3: {  	s1 =	rddreg [dreg:$0x1];
	p0 =	sne.s32 s2, $0x0  }
0xa4: {  	s3 =	rddreg [dreg:$0x2];
	[bflag:$0x3] =	sbarrier.arrive $0xFFFF;
	s2 =	simm.s32 @!p0 $0x1C01  }
0xa5: {  	[timem:s3], [sflag:s2] =	dma.local @!p0 [hbm:s0], s1  }
0xa6: {  	s0 =	simm.s32 @!p0 $0x1  }
0xa7: {  	_ =	swait.ge @!p0 [sflag:s0], s1  }
0xa8: {  	s1 =	ssub.s32 @!p0 $0x0, s1;
	[sflag:s0] =	ssyncset.done @!p0 $0x0  }
0xa9: {  	[sflag:s0] =	ssyncadd.s32 @!p0 s1  }
0xaa: {  	[bflag:$0x3] =	sbarrier.arrive $0xFFFF  }
0xab: {  	_ =	shalt  }

</sc_bundles>
